<compile_context>
chip_gen: v7x
topology: tpu7x:2x2x1
jax: 0.10.2.dev20260603
libtpu: 0.0.44.dev20260713+nightly
codegen_flags: <defaults>
</compile_context>

<pallas_src>
import functools

import jax
import jax.numpy as jnp
import numpy as np
from jax import lax
from jax.experimental import pallas as pl
from jax.experimental.pallas import tpu as pltpu
from jax.experimental.pallas import tpu_sc as plsc

N = 10000
E = 320000
DIM = 128
H = 8
HD = 16

NC = 2
NS = 16
HC = H // NC
CD = HC * HD
EPS = E // NS
CH = 80
NCHUNK = EPS // CH
NP = 10112
RPW = NP // NS
WBP = (128, 128, 128, 128, 120)


_BLK = 2000


def _qkv_body(x_ref, w_ref, bq_ref, bk_ref, bv_ref, q_ref, k_ref, v_ref):
    acc = jnp.dot(x_ref[...], w_ref[...], preferred_element_type=jnp.float32,
                  precision=lax.Precision.HIGHEST)
    q = acc[:, :DIM] + bq_ref[...]
    k = acc[:, DIM:2 * DIM] + bk_ref[...]
    v = acc[:, 2 * DIM:] + bv_ref[...]
    q_ref[0] = q[:, :CD]
    q_ref[1] = q[:, CD:]
    k_ref[0] = k[:, :CD]
    k_ref[1] = k[:, CD:]
    v_ref[0] = v[:, :CD]
    v_ref[1] = v[:, CD:]


def _qkv_project(x, w_perm, bq, bk, bv):
    grid = N // _BLK
    return pl.pallas_call(
        _qkv_body,
        grid=(grid,),
        in_specs=[
            pl.BlockSpec((_BLK, DIM), lambda i: (i, 0)),
            pl.BlockSpec((DIM, 3 * DIM), lambda i: (0, 0)),
            pl.BlockSpec((1, DIM), lambda i: (0, 0)),
            pl.BlockSpec((1, DIM), lambda i: (0, 0)),
            pl.BlockSpec((1, DIM), lambda i: (0, 0)),
        ],
        out_specs=[
            pl.BlockSpec((NC, _BLK, CD), lambda i: (0, i, 0)),
            pl.BlockSpec((NC, _BLK, CD), lambda i: (0, i, 0)),
            pl.BlockSpec((NC, _BLK, CD), lambda i: (0, i, 0)),
        ],
        out_shape=[jax.ShapeDtypeStruct((NC, N, CD), jnp.float32)] * 3,
    )(x, w_perm, bq, bk, bv)




def _edge_body(q_hbm, k_hbm, v_hbm, src_hbm, dst_hbm, zagg_hbm, zsum_hbm,
               agg_out, sum_out, src_all, dst_all, dst_s, dstq_s, krows,
               qrows, vrows, exb, gsem, ssem, stg, stg8, agg_sh, sum_sh):
    cid = lax.axis_index("c")
    sid = lax.axis_index("s")

    poff = 0
    for w in WBP:
        off = sid * RPW + poff
        pltpu.sync_copy(zagg_hbm.at[pl.ds(poff, w)], stg.at[pl.ds(0, w)])
        pltpu.sync_copy(stg.at[pl.ds(0, w)], agg_sh.at[pl.ds(off, w)])
        poff += w
    pltpu.sync_copy(zsum_hbm.at[pl.ds(0, RPW)], stg8)
    pltpu.sync_copy(stg8, sum_sh.at[pl.ds(sid * RPW, RPW)])
    plsc.subcore_barrier()

    lanes = lax.iota(jnp.int32, 16)
    scale = jnp.float32(1.0 / np.sqrt(HD))
    roff = jnp.broadcast_to(cid * N, (16,)).astype(jnp.int32)

    pltpu.sync_copy(src_hbm.at[pl.ds(sid * EPS, EPS)], src_all)
    pltpu.sync_copy(dst_hbm.at[pl.ds(sid * EPS, EPS)], dst_all)

    def adj_body(i, _):
        sl = pl.ds(i * 16, 16)
        src_all[sl] = src_all[sl] + roff
        return 0

    lax.fori_loop(0, EPS // 16, adj_body, 0)

    zero16 = jnp.zeros((16,), jnp.float32)
    for b in range(2):
        for g in range(CH // 16):
            e16 = g * 16 + lanes
            for h in range(HC, H):
                plsc.store_scatter(exb[b], [e16, jnp.full((16,), h, jnp.int32)],
                                   zero16)

    def prep_indices(c, b):
        for g in range(CH // 16):
            sl = pl.ds(g * 16, 16)
            d16 = dst_all[pl.ds(c * CH + g * 16, 16)]
            dst_s[b][sl] = d16
            dstq_s[b][sl] = d16 + roff

    def issue_gathers(c, b):
        base = pl.ds(c * CH, CH)
        pltpu.async_copy(k_hbm.at[src_all.at[base]], krows[b], gsem[b][0])
        pltpu.async_copy(q_hbm.at[dstq_s[b]], qrows[b], gsem[b][1])
        pltpu.async_copy(v_hbm.at[src_all.at[base]], vrows[b], gsem[b][2])

    def wait_gathers(c, b):
        base = pl.ds(c * CH, CH)
        pltpu.make_async_copy(k_hbm.at[src_all.at[base]], krows[b],
                              gsem[b][0]).wait()
        pltpu.make_async_copy(q_hbm.at[dstq_s[b]], qrows[b], gsem[b][1]).wait()
        pltpu.make_async_copy(v_hbm.at[src_all.at[base]], vrows[b],
                              gsem[b][2]).wait()

    def issue_scatters(b):
        pltpu.async_copy(exb[b], sum_sh.at[dst_s[b]], ssem[b][0], add=True)
        pltpu.async_copy(vrows[b], agg_sh.at[dst_s[b]], ssem[b][1], add=True)

    def wait_scatters(b):
        pltpu.make_async_copy(exb[b], sum_sh.at[dst_s[b]], ssem[b][0]).wait()
        pltpu.make_async_copy(vrows[b], agg_sh.at[dst_s[b]], ssem[b][1]).wait()

    def compute(b):
        def group_body(g, _):
            e16 = g * 16 + lanes
            for h in range(HC):
                acc = jnp.zeros((16,), jnp.float32)
                for d in range(HD):
                    col = jnp.full((16,), h * HD + d, jnp.int32)
                    kv = plsc.load_gather(krows[b], [e16, col])
                    qv = plsc.load_gather(qrows[b], [e16, col])
                    acc = acc + kv * qv
                ex = jnp.exp(acc * scale)
                plsc.store_scatter(exb[b], [e16, jnp.full((16,), h, jnp.int32)],
                                   ex)
                for d in range(HD):
                    col = jnp.full((16,), h * HD + d, jnp.int32)
                    vv = plsc.load_gather(vrows[b], [e16, col])
                    plsc.store_scatter(vrows[b], [e16, col], vv * ex)
            return 0

        lax.fori_loop(0, CH // 16, group_body, 0)

    prep_indices(0, 0)
    issue_gathers(0, 0)

    def half(c, b):
        nb = 1 - b
        wait_gathers(c, b)
        compute(b)

        @pl.when(c >= 1)
        def _():
            wait_scatters(nb)

        @pl.when(c + 1 < NCHUNK)
        def _():
            prep_indices(c + 1, nb)
            issue_gathers(c + 1, nb)

        issue_scatters(b)

    def pair_body(i, _):
        half(2 * i, 0)
        half(2 * i + 1, 1)
        return 0

    lax.fori_loop(0, NCHUNK // 2, pair_body, 0)
    wait_scatters(1)
    plsc.subcore_barrier()

    poff = 0
    for w in WBP:
        off = sid * RPW + poff
        pltpu.sync_copy(agg_sh.at[pl.ds(off, w)], stg.at[pl.ds(0, w)])
        pltpu.sync_copy(stg.at[pl.ds(0, w)], agg_out.at[cid, pl.ds(off, w)])
        poff += w
    pltpu.sync_copy(sum_sh.at[pl.ds(sid * RPW, RPW)], stg8)
    pltpu.sync_copy(stg8, sum_out.at[cid, pl.ds(sid * RPW, RPW)])


@functools.cache
def _edge_kernel_fn():
    return functools.partial(
        pl.kernel,
        out_type=[
            jax.ShapeDtypeStruct((NC, NP, CD), jnp.float32),
            jax.ShapeDtypeStruct((NC, NP, H), jnp.float32),
        ],
        mesh=plsc.VectorSubcoreMesh(core_axis_name="c", subcore_axis_name="s",
                                    num_cores=NC, num_subcores=NS),
        compiler_params=pltpu.CompilerParams(needs_layout_passes=False,
                                             use_tc_tiling_on_sc=False),
        scratch_types=[
            pltpu.VMEM((EPS,), jnp.int32),
            pltpu.VMEM((EPS,), jnp.int32),
            [pltpu.VMEM((CH,), jnp.int32)] * 2,
            [pltpu.VMEM((CH,), jnp.int32)] * 2,
            [pltpu.VMEM((CH, CD), jnp.float32)] * 2,
            [pltpu.VMEM((CH, CD), jnp.float32)] * 2,
            [pltpu.VMEM((CH, CD), jnp.float32)] * 2,
            [pltpu.VMEM((CH, H), jnp.float32)] * 2,
            [[pltpu.SemaphoreType.DMA] * 3] * 2,
            [[pltpu.SemaphoreType.DMA] * 2] * 2,
            pltpu.VMEM((128, CD), jnp.float32),
            pltpu.VMEM((RPW, H), jnp.float32),
            pltpu.VMEM_SHARED((NP, CD), jnp.float32),
            pltpu.VMEM_SHARED((NP, H), jnp.float32),
        ],
    )(_edge_body)




def _epi_body(x_ref, agg_ref, sum_ref, wo_ref, bo_ref, w1a_ref, w1b_ref,
              b1_ref, w2_ref, b2_ref, o_ref):
    ssum = jnp.concatenate([sum_ref[0], sum_ref[1]], axis=1)
    rec = jnp.where(ssum > 0, 1.0 / ssum, 0.0)
    rows = lax.broadcasted_iota(jnp.int32, (2 * H, DIM), 0)
    cols = lax.broadcasted_iota(jnp.int32, (2 * H, DIM), 1)
    hit = (rows // H == cols // CD) & (rows % H == (cols % CD) // HD)
    expand = jnp.where(hit, 1.0, 0.0).astype(jnp.float32)
    recx = jnp.dot(rec, expand, preferred_element_type=jnp.float32,
                   precision=lax.Precision.HIGHEST)
    agg = jnp.concatenate([agg_ref[0], agg_ref[1]], axis=1) * recx
    aggo = jnp.dot(agg, wo_ref[...], preferred_element_type=jnp.float32,
                   precision=lax.Precision.HIGHEST) + bo_ref[...]
    f = (jnp.dot(x_ref[...], w1a_ref[...], preferred_element_type=jnp.float32,
                 precision=lax.Precision.HIGHEST)
         + jnp.dot(aggo, w1b_ref[...], preferred_element_type=jnp.float32,
                   precision=lax.Precision.HIGHEST) + b1_ref[...])
    g = 0.5 * f * (1.0 + lax.erf(f * jnp.float32(1.0 / np.sqrt(2.0))))
    o_ref[...] = jnp.dot(g, w2_ref[...], preferred_element_type=jnp.float32,
                         precision=lax.Precision.HIGHEST) + b2_ref[...]


def _epilogue(x, agg_p, sum_p, W_o, b_o, W1a, W1b, b1, W2, b2):
    grid = N // _BLK
    return pl.pallas_call(
        _epi_body,
        grid=(grid,),
        in_specs=[
            pl.BlockSpec((_BLK, DIM), lambda i: (i, 0)),
            pl.BlockSpec((NC, _BLK, CD), lambda i: (0, i, 0)),
            pl.BlockSpec((NC, _BLK, H), lambda i: (0, i, 0)),
            pl.BlockSpec((DIM, DIM), lambda i: (0, 0)),
            pl.BlockSpec((1, DIM), lambda i: (0, 0)),
            pl.BlockSpec((DIM, DIM), lambda i: (0, 0)),
            pl.BlockSpec((DIM, DIM), lambda i: (0, 0)),
            pl.BlockSpec((1, DIM), lambda i: (0, 0)),
            pl.BlockSpec((DIM, DIM), lambda i: (0, 0)),
            pl.BlockSpec((1, DIM), lambda i: (0, 0)),
        ],
        out_specs=pl.BlockSpec((_BLK, DIM), lambda i: (i, 0)),
        out_shape=jax.ShapeDtypeStruct((N, DIM), jnp.float32),
    )(x, agg_p, sum_p, W_o, b_o, W1a, W1b, b1, W2, b2)



_PERM = np.concatenate([
    np.concatenate([np.arange(h * 3 * HD + j * HD, h * 3 * HD + (j + 1) * HD)
                    for h in range(H)])
    for j in range(3)
])


def kernel(x, edge_index, W_qkv, b_qkv, W_o, b_o, W1, b1, W2, b2):
    w_perm = W_qkv[:, _PERM]
    b_perm = b_qkv[_PERM]
    bq = b_perm[:DIM].reshape(1, DIM)
    bk = b_perm[DIM:2 * DIM].reshape(1, DIM)
    bv = b_perm[2 * DIM:].reshape(1, DIM)

    q, k, v = _qkv_project(x, w_perm, bq, bk, bv)

    src = edge_index[0]
    dst = edge_index[1]
    zagg = jnp.zeros((RPW, CD), jnp.float32)
    zsum = jnp.zeros((RPW, H), jnp.float32)
    agg_p, sum_p = _edge_kernel_fn()(
        q.reshape(NC * N, CD), k.reshape(NC * N, CD), v.reshape(NC * N, CD),
        src, dst, zagg, zsum)

    return _epilogue(x, agg_p, sum_p, W_o, b_o.reshape(1, DIM),
                     W1[:DIM], W1[DIM:], b1.reshape(1, DIM), W2,
                     b2.reshape(1, DIM))

# --- scband reference (transcript-rebuilt; emitter-appended) ---
"""Pipeline reference for scband-graph-attn-trf-aggregation-and-feed-forward-module-66331474920033 (READ-ONLY COPY).

The authoritative reference and input builder live on the scoring server;
editing this copy changes nothing except your own understanding.
"""

import jax, jax.numpy as jnp
import numpy as np

N = 10000
E = 320000
DIM = 128
H = 8
HD = DIM // H


def setup_inputs(seed: int = 0) -> dict:
    key = jax.random.key(seed)
    ks = jax.random.split(key, 12)
    x = jax.random.normal(ks[0], (N, DIM), dtype=jnp.float32)
    edge_index = jax.random.randint(ks[1], (2, E), 0, N, dtype=jnp.int32)
    s_qkv = 1.0 / np.sqrt(DIM)
    s_ff1 = 1.0 / np.sqrt(2 * DIM)
    W_qkv = jax.random.uniform(ks[2], (DIM, 3 * DIM), jnp.float32, -s_qkv, s_qkv)
    b_qkv = jax.random.uniform(ks[3], (3 * DIM,), jnp.float32, -s_qkv, s_qkv)
    W_o = jax.random.uniform(ks[4], (DIM, DIM), jnp.float32, -s_qkv, s_qkv)
    b_o = jax.random.uniform(ks[5], (DIM,), jnp.float32, -s_qkv, s_qkv)
    W1 = jax.random.uniform(ks[6], (2 * DIM, DIM), jnp.float32, -s_ff1, s_ff1)
    b1 = jax.random.uniform(ks[7], (DIM,), jnp.float32, -s_ff1, s_ff1)
    W2 = jax.random.uniform(ks[8], (DIM, DIM), jnp.float32, -s_qkv, s_qkv)
    b2 = jax.random.uniform(ks[9], (DIM,), jnp.float32, -s_qkv, s_qkv)
    return {"x": x, "edge_index": edge_index, "W_qkv": W_qkv, "b_qkv": b_qkv,
            "W_o": W_o, "b_o": b_o, "W1": W1, "b1": b1, "W2": W2, "b2": b2}


def reference(x, edge_index, W_qkv, b_qkv, W_o, b_o, W1, b1, W2, b2):
    src = edge_index[0]
    dst = edge_index[1]
    qkv = (x @ W_qkv + b_qkv).reshape(-1, H, 3 * HD)
    q = qkv[..., :HD]
    k = qkv[..., HD:2 * HD]
    v = qkv[..., 2 * HD:]
    scale = 1.0 / jnp.sqrt(jnp.float32(HD))
    # ops.u_dot_v: per-edge dot of src keys with dst queries -> [E, H]
    scores = jnp.sum(k[src] * q[dst], axis=-1) * scale
    # ops.edge_softmax: softmax over incoming edges of each dst node
    smax = jax.ops.segment_max(scores, dst, num_segments=N)
    smax = jnp.where(jnp.isfinite(smax), smax, 0.0)
    ex = jnp.exp(scores - smax[dst])
    ssum = jax.ops.segment_sum(ex, dst, num_segments=N)
    probs = ex / (ssum[dst] + 1e-9)
    # ops.u_mul_e_sum: values[src] * probs summed at dst
    msg = v[src] * probs[:, :, None]
    agg = jax.ops.segment_sum(msg, dst, num_segments=N).reshape(N, DIM)
    agg = agg @ W_o + b_o
    h = jnp.concatenate([x, agg], axis=1)
    h = h @ W1 + b1
    h = jax.nn.gelu(h, approximate=False)
    h = h @ W2 + b2
    return h

if __name__ == "__main__":
    import jax
    _d = setup_inputs()
    print(jax.jit(kernel)(*tuple(_d.values())))

</pallas_src>

<mosaic_0001>
#map = affine_map<(d0, d1) -> (0, 0)>
#map1 = affine_map<(d0, d1) -> (0)>
#map2 = affine_map<(d0, d1) -> (0, 0, 0)>
module attributes {stable_mosaic.version = 14 : i64} {
  func.func @_edge_body(%arg0: i32, %arg1: i32, %arg2: memref<20000x64xf32, #tpu.memory_space<hbm>>, %arg3: memref<20000x64xf32, #tpu.memory_space<hbm>>, %arg4: memref<20000x64xf32, #tpu.memory_space<hbm>>, %arg5: memref<320000xi32, #tpu.memory_space<hbm>>, %arg6: memref<320000xi32, #tpu.memory_space<hbm>>, %arg7: memref<632x64xf32, #tpu.memory_space<hbm>>, %arg8: memref<632x8xf32, #tpu.memory_space<hbm>>, %arg9: memref<2x10112x64xf32, #tpu.memory_space<hbm>>, %arg10: memref<2x10112x8xf32, #tpu.memory_space<hbm>>, %arg11: memref<20000xi32, #tpu.memory_space<vmem>>, %arg12: memref<20000xi32, #tpu.memory_space<vmem>>, %arg13: memref<80xi32, #tpu.memory_space<vmem>>, %arg14: memref<80xi32, #tpu.memory_space<vmem>>, %arg15: memref<80xi32, #tpu.memory_space<vmem>>, %arg16: memref<80xi32, #tpu.memory_space<vmem>>, %arg17: memref<80x64xf32, #tpu.memory_space<vmem>>, %arg18: memref<80x64xf32, #tpu.memory_space<vmem>>, %arg19: memref<80x64xf32, #tpu.memory_space<vmem>>, %arg20: memref<80x64xf32, #tpu.memory_space<vmem>>, %arg21: memref<80x64xf32, #tpu.memory_space<vmem>>, %arg22: memref<80x64xf32, #tpu.memory_space<vmem>>, %arg23: memref<80x8xf32, #tpu.memory_space<vmem>>, %arg24: memref<80x8xf32, #tpu.memory_space<vmem>>, %arg25: memref<!tpu.dma_semaphore, #tpu.memory_space<semaphore_mem>>, %arg26: memref<!tpu.dma_semaphore, #tpu.memory_space<semaphore_mem>>, %arg27: memref<!tpu.dma_semaphore, #tpu.memory_space<semaphore_mem>>, %arg28: memref<!tpu.dma_semaphore, #tpu.memory_space<semaphore_mem>>, %arg29: memref<!tpu.dma_semaphore, #tpu.memory_space<semaphore_mem>>, %arg30: memref<!tpu.dma_semaphore, #tpu.memory_space<semaphore_mem>>, %arg31: memref<!tpu.dma_semaphore, #tpu.memory_space<semaphore_mem>>, %arg32: memref<!tpu.dma_semaphore, #tpu.memory_space<semaphore_mem>>, %arg33: memref<!tpu.dma_semaphore, #tpu.memory_space<semaphore_mem>>, %arg34: memref<!tpu.dma_semaphore, #tpu.memory_space<semaphore_mem>>, %arg35: memref<128x64xf32, #tpu.memory_space<vmem>>, %arg36: memref<632x8xf32, #tpu.memory_space<vmem>>, %arg37: memref<10112x64xf32, #tpu.memory_space<vmem_shared>>, %arg38: memref<10112x8xf32, #tpu.memory_space<vmem_shared>>) attributes {dimension_semantics = [#tpu.dimension_semantics<core_parallel>, #tpu.dimension_semantics<subcore_parallel>], iteration_bounds = array<i64: 2, 16>, scalar_prefetch = 0 : i64, scratch_operands = 28 : i64, tpu.core_type = #tpu.core_type<sc_vector_subcore>, window_params = [{transform_indices = #map}, {transform_indices = #map}, {transform_indices = #map}, {transform_indices = #map1}, {transform_indices = #map1}, {transform_indices = #map}, {transform_indices = #map}, {transform_indices = #map2}, {transform_indices = #map2}]} {
    %mul3A = arith.constant 632 : i32
    %mul3A_0 = arith.muli %arg1, %mul3A : i32
    %add3A = arith.constant 0 : i32
    %add3A_1 = arith.addi %mul3A_0, %add3A : i32
    "tpu.region"() ({
      %run_scoped3A = tpu.sem_alloc : memref<!tpu.dma_semaphore, #tpu.memory_space<semaphore_mem>>
      %dma_start3A_227 = arith.constant 0 : i32
      %dma_start3A_228 = arith.constant 0 : i32
      %dma_start3A_229 = tpu.memref_slice %arg35[%dma_start3A_227, %dma_start3A_228] : memref<128x64xf32, #tpu.memory_space<vmem>> -> memref<128x64xf32, #tpu.memory_space<vmem>>
      %dma_start3A_230 = arith.constant 0 : i32
      %dma_start3A_231 = arith.constant 0 : i32
      %dma_start3A_232 = tpu.memref_slice %arg7[%dma_start3A_230, %dma_start3A_231] : memref<632x64xf32, #tpu.memory_space<hbm>> -> memref<128x64xf32, #tpu.memory_space<hbm>>
      %dma_start3A_233 = arith.constant 0 : i32
      %dma_start3A_234 = arith.constant 0 : i32
      %dma_start3A_235 = tpu.memref_slice %arg35[%dma_start3A_233, %dma_start3A_234] : memref<128x64xf32, #tpu.memory_space<vmem>> -> memref<128x64xf32, #tpu.memory_space<vmem>>
      %dma_start3A_236 = arith.constant 0 : i32
      %dma_start3A_237 = arith.constant 0 : i32
      %dma_start3A_238 = tpu.memref_slice %arg7[%dma_start3A_236, %dma_start3A_237] : memref<632x64xf32, #tpu.memory_space<hbm>> -> memref<128x64xf32, #tpu.memory_space<hbm>>
      tpu.enqueue_dma source(%dma_start3A_238 : memref<128x64xf32, #tpu.memory_space<hbm>>) target(%dma_start3A_235 : memref<128x64xf32, #tpu.memory_space<vmem>>) target_semaphore(%run_scoped3A : memref<!tpu.dma_semaphore, #tpu.memory_space<semaphore_mem>>)
      %dma_wait3A_239 = arith.constant 0 : i32
      %dma_wait3A_240 = arith.constant 0 : i32
      %dma_wait3A_241 = tpu.memref_slice %arg35[%dma_wait3A_239, %dma_wait3A_240] : memref<128x64xf32, #tpu.memory_space<vmem>> -> memref<128x64xf32, #tpu.memory_space<vmem>>
      %dma_wait3A_242 = arith.constant 0 : i32
      %dma_wait3A_243 = arith.constant 0 : i32
      %dma_wait3A_244 = tpu.memref_slice %arg7[%dma_wait3A_242, %dma_wait3A_243] : memref<632x64xf32, #tpu.memory_space<hbm>> -> memref<128x64xf32, #tpu.memory_space<hbm>>
      %dma_wait3A_245 = arith.constant 0 : i32
      %dma_wait3A_246 = arith.constant 0 : i32
      %dma_wait3A_247 = tpu.memref_slice %arg35[%dma_wait3A_245, %dma_wait3A_246] : memref<128x64xf32, #tpu.memory_space<vmem>> -> memref<128x64xf32, #tpu.memory_space<vmem>>
      %dma_wait3A_248 = arith.constant 0 : i32
      %dma_wait3A_249 = arith.constant 0 : i32
      %dma_wait3A_250 = tpu.memref_slice %arg7[%dma_wait3A_248, %dma_wait3A_249] : memref<632x64xf32, #tpu.memory_space<hbm>> -> memref<128x64xf32, #tpu.memory_space<hbm>>
      tpu.wait_dma2 semaphore(%run_scoped3A : memref<!tpu.dma_semaphore, #tpu.memory_space<semaphore_mem>>) src(%dma_wait3A_250 : memref<128x64xf32, #tpu.memory_space<hbm>>) dst(%dma_wait3A_247 : memref<128x64xf32, #tpu.memory_space<vmem>>)
      tpu.yield
    }) : () -> ()
    "tpu.region"() ({
      %run_scoped3A = tpu.sem_alloc : memref<!tpu.dma_semaphore, #tpu.memory_space<semaphore_mem>>
      %dma_start3A_227 = arith.constant 0 : i32
      %dma_start3A_228 = arith.constant 0 : i32
      %dma_start3A_229 = tpu.memref_slice %arg35[%dma_start3A_227, %dma_start3A_228] : memref<128x64xf32, #tpu.memory_space<vmem>> -> memref<128x64xf32, #tpu.memory_space<vmem>>
      %dma_start3A_230 = arith.constant 0 : i32
      %dma_start3A_231 = tpu.memref_slice %arg37[%add3A_1, %dma_start3A_230] : memref<10112x64xf32, #tpu.memory_space<vmem_shared>> -> memref<128x64xf32, #tpu.memory_space<vmem_shared>>
      %dma_start3A_232 = arith.constant 0 : i32
      %dma_start3A_233 = tpu.memref_slice %arg37[%add3A_1, %dma_start3A_232] : memref<10112x64xf32, #tpu.memory_space<vmem_shared>> -> memref<128x64xf32, #tpu.memory_space<vmem_shared>>
      %dma_start3A_234 = arith.constant 0 : i32
      %dma_start3A_235 = arith.constant 0 : i32
      %dma_start3A_236 = tpu.memref_slice %arg35[%dma_start3A_234, %dma_start3A_235] : memref<128x64xf32, #tpu.memory_space<vmem>> -> memref<128x64xf32, #tpu.memory_space<vmem>>
      tpu.enqueue_dma source(%dma_start3A_236 : memref<128x64xf32, #tpu.memory_space<vmem>>) target(%dma_start3A_233 : memref<128x64xf32, #tpu.memory_space<vmem_shared>>) target_semaphore(%run_scoped3A : memref<!tpu.dma_semaphore, #tpu.memory_space<semaphore_mem>>)
      %dma_wait3A_237 = arith.constant 0 : i32
      %dma_wait3A_238 = arith.constant 0 : i32
      %dma_wait3A_239 = tpu.memref_slice %arg35[%dma_wait3A_237, %dma_wait3A_238] : memref<128x64xf32, #tpu.memory_space<vmem>> -> memref<128x64xf32, #tpu.memory_space<vmem>>
      %dma_wait3A_240 = arith.constant 0 : i32
      %dma_wait3A_241 = tpu.memref_slice %arg37[%add3A_1, %dma_wait3A_240] : memref<10112x64xf32, #tpu.memory_space<vmem_shared>> -> memref<128x64xf32, #tpu.memory_space<vmem_shared>>
      %dma_wait3A_242 = arith.constant 0 : i32
      %dma_wait3A_243 = tpu.memref_slice %arg37[%add3A_1, %dma_wait3A_242] : memref<10112x64xf32, #tpu.memory_space<vmem_shared>> -> memref<128x64xf32, #tpu.memory_space<vmem_shared>>
      %dma_wait3A_244 = arith.constant 0 : i32
      %dma_wait3A_245 = arith.constant 0 : i32
      %dma_wait3A_246 = tpu.memref_slice %arg35[%dma_wait3A_244, %dma_wait3A_245] : memref<128x64xf32, #tpu.memory_space<vmem>> -> memref<128x64xf32, #tpu.memory_space<vmem>>
      tpu.wait_dma2 semaphore(%run_scoped3A : memref<!tpu.dma_semaphore, #tpu.memory_space<semaphore_mem>>) src(%dma_wait3A_246 : memref<128x64xf32, #tpu.memory_space<vmem>>) dst(%dma_wait3A_243 : memref<128x64xf32, #tpu.memory_space<vmem_shared>>)
      tpu.yield
    }) : () -> ()
    %mul3A_2 = arith.constant 632 : i32
    %mul3A_3 = arith.muli %arg1, %mul3A_2 : i32
    %add3A_4 = arith.constant 128 : i32
    %add3A_5 = arith.addi %mul3A_3, %add3A_4 : i32
    "tpu.region"() ({
      %run_scoped3A = tpu.sem_alloc : memref<!tpu.dma_semaphore, #tpu.memory_space<semaphore_mem>>
      %dma_start3A_227 = arith.constant 0 : i32
      %dma_start3A_228 = arith.constant 0 : i32
      %dma_start3A_229 = tpu.memref_slice %arg35[%dma_start3A_227, %dma_start3A_228] : memref<128x64xf32, #tpu.memory_space<vmem>> -> memref<128x64xf32, #tpu.memory_space<vmem>>
      %dma_start3A_230 = arith.constant 128 : i32
      %dma_start3A_231 = arith.constant 0 : i32
      %dma_start3A_232 = tpu.memref_slice %arg7[%dma_start3A_230, %dma_start3A_231] : memref<632x64xf32, #tpu.memory_space<hbm>> -> memref<128x64xf32, #tpu.memory_space<hbm>>
      %dma_start3A_233 = arith.constant 0 : i32
      %dma_start3A_234 = arith.constant 0 : i32
      %dma_start3A_235 = tpu.memref_slice %arg35[%dma_start3A_233, %dma_start3A_234] : memref<128x64xf32, #tpu.memory_space<vmem>> -> memref<128x64xf32, #tpu.memory_space<vmem>>
      %dma_start3A_236 = arith.constant 128 : i32
      %dma_start3A_237 = arith.constant 0 : i32
      %dma_start3A_238 = tpu.memref_slice %arg7[%dma_start3A_236, %dma_start3A_237] : memref<632x64xf32, #tpu.memory_space<hbm>> -> memref<128x64xf32, #tpu.memory_space<hbm>>
      tpu.enqueue_dma source(%dma_start3A_238 : memref<128x64xf32, #tpu.memory_space<hbm>>) target(%dma_start3A_235 : memref<128x64xf32, #tpu.memory_space<vmem>>) target_semaphore(%run_scoped3A : memref<!tpu.dma_semaphore, #tpu.memory_space<semaphore_mem>>)
      %dma_wait3A_239 = arith.constant 0 : i32
      %dma_wait3A_240 = arith.constant 0 : i32
      %dma_wait3A_241 = tpu.memref_slice %arg35[%dma_wait3A_239, %dma_wait3A_240] : memref<128x64xf32, #tpu.memory_space<vmem>> -> memref<128x64xf32, #tpu.memory_space<vmem>>
      %dma_wait3A_242 = arith.constant 128 : i32
      %dma_wait3A_243 = arith.constant 0 : i32
      %dma_wait3A_244 = tpu.memref_slice %arg7[%dma_wait3A_242, %dma_wait3A_243] : memref<632x64xf32, #tpu.memory_space<hbm>> -> memref<128x64xf32, #tpu.memory_space<hbm>>
      %dma_wait3A_245 = arith.constant 0 : i32
      %dma_wait3A_246 = arith.constant 0 : i32
      %dma_wait3A_247 = tpu.memref_slice %arg35[%dma_wait3A_245, %dma_wait3A_246] : memref<128x64xf32, #tpu.memory_space<vmem>> -> memref<128x64xf32, #tpu.memory_space<vmem>>
      %dma_wait3A_248 = arith.constant 128 : i32
      %dma_wait3A_249 = arith.constant 0 : i32
      %dma_wait3A_250 = tpu.memref_slice %arg7[%dma_wait3A_248, %dma_wait3A_249] : memref<632x64xf32, #tpu.memory_space<hbm>> -> memref<128x64xf32, #tpu.memory_space<hbm>>
      tpu.wait_dma2 semaphore(%run_scoped3A : memref<!tpu.dma_semaphore, #tpu.memory_space<semaphore_mem>>) src(%dma_wait3A_250 : memref<128x64xf32, #tpu.memory_space<hbm>>) dst(%dma_wait3A_247 : memref<128x64xf32, #tpu.memory_space<vmem>>)
      tpu.yield
    }) : () -> ()
    "tpu.region"() ({
      %run_scoped3A = tpu.sem_alloc : memref<!tpu.dma_semaphore, #tpu.memory_space<semaphore_mem>>
      %dma_start3A_227 = arith.constant 0 : i32
      %dma_start3A_228 = arith.constant 0 : i32
      %dma_start3A_229 = tpu.memref_slice %arg35[%dma_start3A_227, %dma_start3A_228] : memref<128x64xf32, #tpu.memory_space<vmem>> -> memref<128x64xf32, #tpu.memory_space<vmem>>
      %dma_start3A_230 = arith.constant 0 : i32
      %dma_start3A_231 = tpu.memref_slice %arg37[%add3A_5, %dma_start3A_230] : memref<10112x64xf32, #tpu.memory_space<vmem_shared>> -> memref<128x64xf32, #tpu.memory_space<vmem_shared>>
      %dma_start3A_232 = arith.constant 0 : i32
      %dma_start3A_233 = tpu.memref_slice %arg37[%add3A_5, %dma_start3A_232] : memref<10112x64xf32, #tpu.memory_space<vmem_shared>> -> memref<128x64xf32, #tpu.memory_space<vmem_shared>>
      %dma_start3A_234 = arith.constant 0 : i32
      %dma_start3A_235 = arith.constant 0 : i32
      %dma_start3A_236 = tpu.memref_slice %arg35[%dma_start3A_234, %dma_start3A_235] : memref<128x64xf32, #tpu.memory_space<vmem>> -> memref<128x64xf32, #tpu.memory_space<vmem>>
      tpu.enqueue_dma source(%dma_start3A_236 : memref<128x64xf32, #tpu.memory_space<vmem>>) target(%dma_start3A_233 : memref<128x64xf32, #tpu.memory_space<vmem_shared>>) target_semaphore(%run_scoped3A : memref<!tpu.dma_semaphore, #tpu.memory_space<semaphore_mem>>)
      %dma_wait3A_237 = arith.constant 0 : i32
      %dma_wait3A_238 = arith.constant 0 : i32
      %dma_wait3A_239 = tpu.memref_slice %arg35[%dma_wait3A_237, %dma_wait3A_238] : memref<128x64xf32, #tpu.memory_space<vmem>> -> memref<128x64xf32, #tpu.memory_space<vmem>>
      %dma_wait3A_240 = arith.constant 0 : i32
      %dma_wait3A_241 = tpu.memref_slice %arg37[%add3A_5, %dma_wait3A_240] : memref<10112x64xf32, #tpu.memory_space<vmem_shared>> -> memref<128x64xf32, #tpu.memory_space<vmem_shared>>
      %dma_wait3A_242 = arith.constant 0 : i32
      %dma_wait3A_243 = tpu.memref_slice %arg37[%add3A_5, %dma_wait3A_242] : memref<10112x64xf32, #tpu.memory_space<vmem_shared>> -> memref<128x64xf32, #tpu.memory_space<vmem_shared>>
      %dma_wait3A_244 = arith.constant 0 : i32
      %dma_wait3A_245 = arith.constant 0 : i32
      %dma_wait3A_246 = tpu.memref_slice %arg35[%dma_wait3A_244, %dma_wait3A_245] : memref<128x64xf32, #tpu.memory_space<vmem>> -> memref<128x64xf32, #tpu.memory_space<vmem>>
      tpu.wait_dma2 semaphore(%run_scoped3A : memref<!tpu.dma_semaphore, #tpu.memory_space<semaphore_mem>>) src(%dma_wait3A_246 : memref<128x64xf32, #tpu.memory_space<vmem>>) dst(%dma_wait3A_243 : memref<128x64xf32, #tpu.memory_space<vmem_shared>>)
      tpu.yield
    }) : () -> ()
    %mul3A_6 = arith.constant 632 : i32
    %mul3A_7 = arith.muli %arg1, %mul3A_6 : i32
    %add3A_8 = arith.constant 256 : i32
    %add3A_9 = arith.addi %mul3A_7, %add3A_8 : i32
    "tpu.region"() ({
      %run_scoped3A = tpu.sem_alloc : memref<!tpu.dma_semaphore, #tpu.memory_space<semaphore_mem>>
      %dma_start3A_227 = arith.constant 0 : i32
      %dma_start3A_228 = arith.constant 0 : i32
      %dma_start3A_229 = tpu.memref_slice %arg35[%dma_start3A_227, %dma_start3A_228] : memref<128x64xf32, #tpu.memory_space<vmem>> -> memref<128x64xf32, #tpu.memory_space<vmem>>
      %dma_start3A_230 = arith.constant 256 : i32
      %dma_start3A_231 = arith.constant 0 : i32
      %dma_start3A_232 = tpu.memref_slice %arg7[%dma_start3A_230, %dma_start3A_231] : memref<632x64xf32, #tpu.memory_space<hbm>> -> memref<128x64xf32, #tpu.memory_space<hbm>>
      %dma_start3A_233 = arith.constant 0 : i32
      %dma_start3A_234 = arith.constant 0 : i32
      %dma_start3A_235 = tpu.memref_slice %arg35[%dma_start3A_233, %dma_start3A_234] : memref<128x64xf32, #tpu.memory_space<vmem>> -> memref<128x64xf32, #tpu.memory_space<vmem>>
      %dma_start3A_236 = arith.constant 256 : i32
      %dma_start3A_237 = arith.constant 0 : i32
      %dma_start3A_238 = tpu.memref_slice %arg7[%dma_start3A_236, %dma_start3A_237] : memref<632x64xf32, #tpu.memory_space<hbm>> -> memref<128x64xf32, #tpu.memory_space<hbm>>
      tpu.enqueue_dma source(%dma_start3A_238 : memref<128x64xf32, #tpu.memory_space<hbm>>) target(%dma_start3A_235 : memref<128x64xf32, #tpu.memory_space<vmem>>) target_semaphore(%run_scoped3A : memref<!tpu.dma_semaphore, #tpu.memory_space<semaphore_mem>>)
      %dma_wait3A_239 = arith.constant 0 : i32
      %dma_wait3A_240 = arith.constant 0 : i32
      %dma_wait3A_241 = tpu.memref_slice %arg35[%dma_wait3A_239, %dma_wait3A_240] : memref<128x64xf32, #tpu.memory_space<vmem>> -> memref<128x64xf32, #tpu.memory_space<vmem>>
      %dma_wait3A_242 = arith.constant 256 : i32
      %dma_wait3A_243 = arith.constant 0 : i32
      %dma_wait3A_244 = tpu.memref_slice %arg7[%dma_wait3A_242, %dma_wait3A_243] : memref<632x64xf32, #tpu.memory_space<hbm>> -> memref<128x64xf32, #tpu.memory_space<hbm>>
      %dma_wait3A_245 = arith.constant 0 : i32
      %dma_wait3A_246 = arith.constant 0 : i32
      %dma_wait3A_247 = tpu.memref_slice %arg35[%dma_wait3A_245, %dma_wait3A_246] : memref<128x64xf32, #tpu.memory_space<vmem>> -> memref<128x64xf32, #tpu.memory_space<vmem>>
      %dma_wait3A_248 = arith.constant 256 : i32
      %dma_wait3A_249 = arith.constant 0 : i32
      %dma_wait3A_250 = tpu.memref_slice %arg7[%dma_wait3A_248, %dma_wait3A_249] : memref<632x64xf32, #tpu.memory_space<hbm>> -> memref<128x64xf32, #tpu.memory_space<hbm>>
      tpu.wait_dma2 semaphore(%run_scoped3A : memref<!tpu.dma_semaphore, #tpu.memory_space<semaphore_mem>>) src(%dma_wait3A_250 : memref<128x64xf32, #tpu.memory_space<hbm>>) dst(%dma_wait3A_247 : memref<128x64xf32, #tpu.memory_space<vmem>>)
      tpu.yield
    }) : () -> ()
    "tpu.region"() ({
      %run_scoped3A = tpu.sem_alloc : memref<!tpu.dma_semaphore, #tpu.memory_space<semaphore_mem>>
      %dma_start3A_227 = arith.constant 0 : i32
      %dma_start3A_228 = arith.constant 0 : i32
      %dma_start3A_229 = tpu.memref_slice %arg35[%dma_start3A_227, %dma_start3A_228] : memref<128x64xf32, #tpu.memory_space<vmem>> -> memref<128x64xf32, #tpu.memory_space<vmem>>
      %dma_start3A_230 = arith.constant 0 : i32
      %dma_start3A_231 = tpu.memref_slice %arg37[%add3A_9, %dma_start3A_230] : memref<10112x64xf32, #tpu.memory_space<vmem_shared>> -> memref<128x64xf32, #tpu.memory_space<vmem_shared>>
      %dma_start3A_232 = arith.constant 0 : i32
      %dma_start3A_233 = tpu.memref_slice %arg37[%add3A_9, %dma_start3A_232] : memref<10112x64xf32, #tpu.memory_space<vmem_shared>> -> memref<128x64xf32, #tpu.memory_space<vmem_shared>>
      %dma_start3A_234 = arith.constant 0 : i32
      %dma_start3A_235 = arith.constant 0 : i32
      %dma_start3A_236 = tpu.memref_slice %arg35[%dma_start3A_234, %dma_start3A_235] : memref<128x64xf32, #tpu.memory_space<vmem>> -> memref<128x64xf32, #tpu.memory_space<vmem>>
      tpu.enqueue_dma source(%dma_start3A_236 : memref<128x64xf32, #tpu.memory_space<vmem>>) target(%dma_start3A_233 : memref<128x64xf32, #tpu.memory_space<vmem_shared>>) target_semaphore(%run_scoped3A : memref<!tpu.dma_semaphore, #tpu.memory_space<semaphore_mem>>)
      %dma_wait3A_237 = arith.constant 0 : i32
      %dma_wait3A_238 = arith.constant 0 : i32
      %dma_wait3A_239 = tpu.memref_slice %arg35[%dma_wait3A_237, %dma_wait3A_238] : memref<128x64xf32, #tpu.memory_space<vmem>> -> memref<128x64xf32, #tpu.memory_space<vmem>>
      %dma_wait3A_240 = arith.constant 0 : i32
      %dma_wait3A_241 = tpu.memref_slice %arg37[%add3A_9, %dma_wait3A_240] : memref<10112x64xf32, #tpu.memory_space<vmem_shared>> -> memref<128x64xf32, #tpu.memory_space<vmem_shared>>
      %dma_wait3A_242 = arith.constant 0 : i32
      %dma_wait3A_243 = tpu.memref_slice %arg37[%add3A_9, %dma_wait3A_242] : memref<10112x64xf32, #tpu.memory_space<vmem_shared>> -> memref<128x64xf32, #tpu.memory_space<vmem_shared>>
      %dma_wait3A_244 = arith.constant 0 : i32
      %dma_wait3A_245 = arith.constant 0 : i32
      %dma_wait3A_246 = tpu.memref_slice %arg35[%dma_wait3A_244, %dma_wait3A_245] : memref<128x64xf32, #tpu.memory_space<vmem>> -> memref<128x64xf32, #tpu.memory_space<vmem>>
      tpu.wait_dma2 semaphore(%run_scoped3A : memref<!tpu.dma_semaphore, #tpu.memory_space<semaphore_mem>>) src(%dma_wait3A_246 : memref<128x64xf32, #tpu.memory_space<vmem>>) dst(%dma_wait3A_243 : memref<128x64xf32, #tpu.memory_space<vmem_shared>>)
      tpu.yield
    }) : () -> ()
    %mul3A_10 = arith.constant 632 : i32
    %mul3A_11 = arith.muli %arg1, %mul3A_10 : i32
    %add3A_12 = arith.constant 384 : i32
    %add3A_13 = arith.addi %mul3A_11, %add3A_12 : i32
    "tpu.region"() ({
      %run_scoped3A = tpu.sem_alloc : memref<!tpu.dma_semaphore, #tpu.memory_space<semaphore_mem>>
      %dma_start3A_227 = arith.constant 0 : i32
      %dma_start3A_228 = arith.constant 0 : i32
      %dma_start3A_229 = tpu.memref_slice %arg35[%dma_start3A_227, %dma_start3A_228] : memref<128x64xf32, #tpu.memory_space<vmem>> -> memref<128x64xf32, #tpu.memory_space<vmem>>
      %dma_start3A_230 = arith.constant 384 : i32
      %dma_start3A_231 = arith.constant 0 : i32
      %dma_start3A_232 = tpu.memref_slice %arg7[%dma_start3A_230, %dma_start3A_231] : memref<632x64xf32, #tpu.memory_space<hbm>> -> memref<128x64xf32, #tpu.memory_space<hbm>>
      %dma_start3A_233 = arith.constant 0 : i32
      %dma_start3A_234 = arith.constant 0 : i32
      %dma_start3A_235 = tpu.memref_slice %arg35[%dma_start3A_233, %dma_start3A_234] : memref<128x64xf32, #tpu.memory_space<vmem>> -> memref<128x64xf32, #tpu.memory_space<vmem>>
      %dma_start3A_236 = arith.constant 384 : i32
      %dma_start3A_237 = arith.constant 0 : i32
      %dma_start3A_238 = tpu.memref_slice %arg7[%dma_start3A_236, %dma_start3A_237] : memref<632x64xf32, #tpu.memory_space<hbm>> -> memref<128x64xf32, #tpu.memory_space<hbm>>
      tpu.enqueue_dma source(%dma_start3A_238 : memref<128x64xf32, #tpu.memory_space<hbm>>) target(%dma_start3A_235 : memref<128x64xf32, #tpu.memory_space<vmem>>) target_semaphore(%run_scoped3A : memref<!tpu.dma_semaphore, #tpu.memory_space<semaphore_mem>>)
      %dma_wait3A_239 = arith.constant 0 : i32
      %dma_wait3A_240 = arith.constant 0 : i32
      %dma_wait3A_241 = tpu.memref_slice %arg35[%dma_wait3A_239, %dma_wait3A_240] : memref<128x64xf32, #tpu.memory_space<vmem>> -> memref<128x64xf32, #tpu.memory_space<vmem>>
      %dma_wait3A_242 = arith.constant 384 : i32
      %dma_wait3A_243 = arith.constant 0 : i32
      %dma_wait3A_244 = tpu.memref_slice %arg7[%dma_wait3A_242, %dma_wait3A_243] : memref<632x64xf32, #tpu.memory_space<hbm>> -> memref<128x64xf32, #tpu.memory_space<hbm>>
      %dma_wait3A_245 = arith.constant 0 : i32
      %dma_wait3A_246 = arith.constant 0 : i32
      %dma_wait3A_247 = tpu.memref_slice %arg35[%dma_wait3A_245, %dma_wait3A_246] : memref<128x64xf32, #tpu.memory_space<vmem>> -> memref<128x64xf32, #tpu.memory_space<vmem>>
      %dma_wait3A_248 = arith.constant 384 : i32
      %dma_wait3A_249 = arith.constant 0 : i32
      %dma_wait3A_250 = tpu.memref_slice %arg7[%dma_wait3A_248, %dma_wait3A_249] : memref<632x64xf32, #tpu.memory_space<hbm>> -> memref<128x64xf32, #tpu.memory_space<hbm>>
      tpu.wait_dma2 semaphore(%run_scoped3A : memref<!tpu.dma_semaphore, #tpu.memory_space<semaphore_mem>>) src(%dma_wait3A_250 : memref<128x64xf32, #tpu.memory_space<hbm>>) dst(%dma_wait3A_247 : memref<128x64xf32, #tpu.memory_space<vmem>>)
      tpu.yield
    }) : () -> ()
    "tpu.region"() ({
      %run_scoped3A = tpu.sem_alloc : memref<!tpu.dma_semaphore, #tpu.memory_space<semaphore_mem>>
      %dma_start3A_227 = arith.constant 0 : i32
      %dma_start3A_228 = arith.constant 0 : i32
      %dma_start3A_229 = tpu.memref_slice %arg35[%dma_start3A_227, %dma_start3A_228] : memref<128x64xf32, #tpu.memory_space<vmem>> -> memref<128x64xf32, #tpu.memory_space<vmem>>
      %dma_start3A_230 = arith.constant 0 : i32
      %dma_start3A_231 = tpu.memref_slice %arg37[%add3A_13, %dma_start3A_230] : memref<10112x64xf32, #tpu.memory_space<vmem_shared>> -> memref<128x64xf32, #tpu.memory_space<vmem_shared>>
      %dma_start3A_232 = arith.constant 0 : i32
      %dma_start3A_233 = tpu.memref_slice %arg37[%add3A_13, %dma_start3A_232] : memref<10112x64xf32, #tpu.memory_space<vmem_shared>> -> memref<128x64xf32, #tpu.memory_space<vmem_shared>>
      %dma_start3A_234 = arith.constant 0 : i32
      %dma_start3A_235 = arith.constant 0 : i32
      %dma_start3A_236 = tpu.memref_slice %arg35[%dma_start3A_234, %dma_start3A_235] : memref<128x64xf32, #tpu.memory_space<vmem>> -> memref<128x64xf32, #tpu.memory_space<vmem>>
      tpu.enqueue_dma source(%dma_start3A_236 : memref<128x64xf32, #tpu.memory_space<vmem>>) target(%dma_start3A_233 : memref<128x64xf32, #tpu.memory_space<vmem_shared>>) target_semaphore(%run_scoped3A : memref<!tpu.dma_semaphore, #tpu.memory_space<semaphore_mem>>)
      %dma_wait3A_237 = arith.constant 0 : i32
      %dma_wait3A_238 = arith.constant 0 : i32
      %dma_wait3A_239 = tpu.memref_slice %arg35[%dma_wait3A_237, %dma_wait3A_238] : memref<128x64xf32, #tpu.memory_space<vmem>> -> memref<128x64xf32, #tpu.memory_space<vmem>>
      %dma_wait3A_240 = arith.constant 0 : i32
      %dma_wait3A_241 = tpu.memref_slice %arg37[%add3A_13, %dma_wait3A_240] : memref<10112x64xf32, #tpu.memory_space<vmem_shared>> -> memref<128x64xf32, #tpu.memory_space<vmem_shared>>
      %dma_wait3A_242 = arith.constant 0 : i32
      %dma_wait3A_243 = tpu.memref_slice %arg37[%add3A_13, %dma_wait3A_242] : memref<10112x64xf32, #tpu.memory_space<vmem_shared>> -> memref<128x64xf32, #tpu.memory_space<vmem_shared>>
      %dma_wait3A_244 = arith.constant 0 : i32
      %dma_wait3A_245 = arith.constant 0 : i32
      %dma_wait3A_246 = tpu.memref_slice %arg35[%dma_wait3A_244, %dma_wait3A_245] : memref<128x64xf32, #tpu.memory_space<vmem>> -> memref<128x64xf32, #tpu.memory_space<vmem>>
      tpu.wait_dma2 semaphore(%run_scoped3A : memref<!tpu.dma_semaphore, #tpu.memory_space<semaphore_mem>>) src(%dma_wait3A_246 : memref<128x64xf32, #tpu.memory_space<vmem>>) dst(%dma_wait3A_243 : memref<128x64xf32, #tpu.memory_space<vmem_shared>>)
      tpu.yield
    }) : () -> ()
    %mul3A_14 = arith.constant 632 : i32
    %mul3A_15 = arith.muli %arg1, %mul3A_14 : i32
    %add3A_16 = arith.constant 512 : i32
    %add3A_17 = arith.addi %mul3A_15, %add3A_16 : i32
    "tpu.region"() ({
      %run_scoped3A = tpu.sem_alloc : memref<!tpu.dma_semaphore, #tpu.memory_space<semaphore_mem>>
      %dma_start3A_227 = arith.constant 0 : i32
      %dma_start3A_228 = arith.constant 0 : i32
      %dma_start3A_229 = tpu.memref_slice %arg35[%dma_start3A_227, %dma_start3A_228] : memref<128x64xf32, #tpu.memory_space<vmem>> -> memref<120x64xf32, #tpu.memory_space<vmem>>
      %dma_start3A_230 = arith.constant 512 : i32
      %dma_start3A_231 = arith.constant 0 : i32
      %dma_start3A_232 = tpu.memref_slice %arg7[%dma_start3A_230, %dma_start3A_231] : memref<632x64xf32, #tpu.memory_space<hbm>> -> memref<120x64xf32, #tpu.memory_space<hbm>>
      %dma_start3A_233 = arith.constant 0 : i32
      %dma_start3A_234 = arith.constant 0 : i32
      %dma_start3A_235 = tpu.memref_slice %arg35[%dma_start3A_233, %dma_start3A_234] : memref<128x64xf32, #tpu.memory_space<vmem>> -> memref<120x64xf32, #tpu.memory_space<vmem>>
      %dma_start3A_236 = arith.constant 512 : i32
      %dma_start3A_237 = arith.constant 0 : i32
      %dma_start3A_238 = tpu.memref_slice %arg7[%dma_start3A_236, %dma_start3A_237] : memref<632x64xf32, #tpu.memory_space<hbm>> -> memref<120x64xf32, #tpu.memory_space<hbm>>
      tpu.enqueue_dma source(%dma_start3A_238 : memref<120x64xf32, #tpu.memory_space<hbm>>) target(%dma_start3A_235 : memref<120x64xf32, #tpu.memory_space<vmem>>) target_semaphore(%run_scoped3A : memref<!tpu.dma_semaphore, #tpu.memory_space<semaphore_mem>>)
      %dma_wait3A_239 = arith.constant 0 : i32
      %dma_wait3A_240 = arith.constant 0 : i32
      %dma_wait3A_241 = tpu.memref_slice %arg35[%dma_wait3A_239, %dma_wait3A_240] : memref<128x64xf32, #tpu.memory_space<vmem>> -> memref<120x64xf32, #tpu.memory_space<vmem>>
      %dma_wait3A_242 = arith.constant 512 : i32
      %dma_wait3A_243 = arith.constant 0 : i32
      %dma_wait3A_244 = tpu.memref_slice %arg7[%dma_wait3A_242, %dma_wait3A_243] : memref<632x64xf32, #tpu.memory_space<hbm>> -> memref<120x64xf32, #tpu.memory_space<hbm>>
      %dma_wait3A_245 = arith.constant 0 : i32
      %dma_wait3A_246 = arith.constant 0 : i32
      %dma_wait3A_247 = tpu.memref_slice %arg35[%dma_wait3A_245, %dma_wait3A_246] : memref<128x64xf32, #tpu.memory_space<vmem>> -> memref<120x64xf32, #tpu.memory_space<vmem>>
      %dma_wait3A_248 = arith.constant 512 : i32
      %dma_wait3A_249 = arith.constant 0 : i32
      %dma_wait3A_250 = tpu.memref_slice %arg7[%dma_wait3A_248, %dma_wait3A_249] : memref<632x64xf32, #tpu.memory_space<hbm>> -> memref<120x64xf32, #tpu.memory_space<hbm>>
      tpu.wait_dma2 semaphore(%run_scoped3A : memref<!tpu.dma_semaphore, #tpu.memory_space<semaphore_mem>>) src(%dma_wait3A_250 : memref<120x64xf32, #tpu.memory_space<hbm>>) dst(%dma_wait3A_247 : memref<120x64xf32, #tpu.memory_space<vmem>>)
      tpu.yield
    }) : () -> ()
    "tpu.region"() ({
      %run_scoped3A = tpu.sem_alloc : memref<!tpu.dma_semaphore, #tpu.memory_space<semaphore_mem>>
      %dma_start3A_227 = arith.constant 0 : i32
      %dma_start3A_228 = arith.constant 0 : i32
      %dma_start3A_229 = tpu.memref_slice %arg35[%dma_start3A_227, %dma_start3A_228] : memref<128x64xf32, #tpu.memory_space<vmem>> -> memref<120x64xf32, #tpu.memory_space<vmem>>
      %dma_start3A_230 = arith.constant 0 : i32
      %dma_start3A_231 = tpu.memref_slice %arg37[%add3A_17, %dma_start3A_230] : memref<10112x64xf32, #tpu.memory_space<vmem_shared>> -> memref<120x64xf32, #tpu.memory_space<vmem_shared>>
      %dma_start3A_232 = arith.constant 0 : i32
      %dma_start3A_233 = tpu.memref_slice %arg37[%add3A_17, %dma_start3A_232] : memref<10112x64xf32, #tpu.memory_space<vmem_shared>> -> memref<120x64xf32, #tpu.memory_space<vmem_shared>>
      %dma_start3A_234 = arith.constant 0 : i32
      %dma_start3A_235 = arith.constant 0 : i32
      %dma_start3A_236 = tpu.memref_slice %arg35[%dma_start3A_234, %dma_start3A_235] : memref<128x64xf32, #tpu.memory_space<vmem>> -> memref<120x64xf32, #tpu.memory_space<vmem>>
      tpu.enqueue_dma source(%dma_start3A_236 : memref<120x64xf32, #tpu.memory_space<vmem>>) target(%dma_start3A_233 : memref<120x64xf32, #tpu.memory_space<vmem_shared>>) target_semaphore(%run_scoped3A : memref<!tpu.dma_semaphore, #tpu.memory_space<semaphore_mem>>)
      %dma_wait3A_237 = arith.constant 0 : i32
      %dma_wait3A_238 = arith.constant 0 : i32
      %dma_wait3A_239 = tpu.memref_slice %arg35[%dma_wait3A_237, %dma_wait3A_238] : memref<128x64xf32, #tpu.memory_space<vmem>> -> memref<120x64xf32, #tpu.memory_space<vmem>>
      %dma_wait3A_240 = arith.constant 0 : i32
      %dma_wait3A_241 = tpu.memref_slice %arg37[%add3A_17, %dma_wait3A_240] : memref<10112x64xf32, #tpu.memory_space<vmem_shared>> -> memref<120x64xf32, #tpu.memory_space<vmem_shared>>
      %dma_wait3A_242 = arith.constant 0 : i32
      %dma_wait3A_243 = tpu.memref_slice %arg37[%add3A_17, %dma_wait3A_242] : memref<10112x64xf32, #tpu.memory_space<vmem_shared>> -> memref<120x64xf32, #tpu.memory_space<vmem_shared>>
      %dma_wait3A_244 = arith.constant 0 : i32
      %dma_wait3A_245 = arith.constant 0 : i32
      %dma_wait3A_246 = tpu.memref_slice %arg35[%dma_wait3A_244, %dma_wait3A_245] : memref<128x64xf32, #tpu.memory_space<vmem>> -> memref<120x64xf32, #tpu.memory_space<vmem>>
      tpu.wait_dma2 semaphore(%run_scoped3A : memref<!tpu.dma_semaphore, #tpu.memory_space<semaphore_mem>>) src(%dma_wait3A_246 : memref<120x64xf32, #tpu.memory_space<vmem>>) dst(%dma_wait3A_243 : memref<120x64xf32, #tpu.memory_space<vmem_shared>>)
      tpu.yield
    }) : () -> ()
    "tpu.region"() ({
      %run_scoped3A = tpu.sem_alloc : memref<!tpu.dma_semaphore, #tpu.memory_space<semaphore_mem>>
      %dma_start3A_227 = arith.constant 0 : i32
      %dma_start3A_228 = arith.constant 0 : i32
      %dma_start3A_229 = tpu.memref_slice %arg8[%dma_start3A_227, %dma_start3A_228] : memref<632x8xf32, #tpu.memory_space<hbm>> -> memref<632x8xf32, #tpu.memory_space<hbm>>
      %dma_start3A_230 = arith.constant 0 : i32
      %dma_start3A_231 = arith.constant 0 : i32
      %dma_start3A_232 = tpu.memref_slice %arg8[%dma_start3A_230, %dma_start3A_231] : memref<632x8xf32, #tpu.memory_space<hbm>> -> memref<632x8xf32, #tpu.memory_space<hbm>>
      tpu.enqueue_dma source(%dma_start3A_232 : memref<632x8xf32, #tpu.memory_space<hbm>>) target(%arg36 : memref<632x8xf32, #tpu.memory_space<vmem>>) target_semaphore(%run_scoped3A : memref<!tpu.dma_semaphore, #tpu.memory_space<semaphore_mem>>)
      %dma_wait3A_233 = arith.constant 0 : i32
      %dma_wait3A_234 = arith.constant 0 : i32
      %dma_wait3A_235 = tpu.memref_slice %arg8[%dma_wait3A_233, %dma_wait3A_234] : memref<632x8xf32, #tpu.memory_space<hbm>> -> memref<632x8xf32, #tpu.memory_space<hbm>>
      %dma_wait3A_236 = arith.constant 0 : i32
      %dma_wait3A_237 = arith.constant 0 : i32
      %dma_wait3A_238 = tpu.memref_slice %arg8[%dma_wait3A_236, %dma_wait3A_237] : memref<632x8xf32, #tpu.memory_space<hbm>> -> memref<632x8xf32, #tpu.memory_space<hbm>>
      tpu.wait_dma2 semaphore(%run_scoped3A : memref<!tpu.dma_semaphore, #tpu.memory_space<semaphore_mem>>) src(%dma_wait3A_238 : memref<632x8xf32, #tpu.memory_space<hbm>>) dst(%arg36 : memref<632x8xf32, #tpu.memory_space<vmem>>)
      tpu.yield
    }) : () -> ()
    %mul3A_18 = arith.constant 632 : i32
    %mul3A_19 = arith.muli %arg1, %mul3A_18 : i32
    "tpu.region"() ({
      %run_scoped3A = tpu.sem_alloc : memref<!tpu.dma_semaphore, #tpu.memory_space<semaphore_mem>>
      %dma_start3A_227 = arith.constant 0 : i32
      %dma_start3A_228 = tpu.memref_slice %arg38[%mul3A_19, %dma_start3A_227] : memref<10112x8xf32, #tpu.memory_space<vmem_shared>> -> memref<632x8xf32, #tpu.memory_space<vmem_shared>>
      %dma_start3A_229 = arith.constant 0 : i32
      %dma_start3A_230 = tpu.memref_slice %arg38[%mul3A_19, %dma_start3A_229] : memref<10112x8xf32, #tpu.memory_space<vmem_shared>> -> memref<632x8xf32, #tpu.memory_space<vmem_shared>>
      tpu.enqueue_dma source(%arg36 : memref<632x8xf32, #tpu.memory_space<vmem>>) target(%dma_start3A_230 : memref<632x8xf32, #tpu.memory_space<vmem_shared>>) target_semaphore(%run_scoped3A : memref<!tpu.dma_semaphore, #tpu.memory_space<semaphore_mem>>)
      %dma_wait3A_231 = arith.constant 0 : i32
      %dma_wait3A_232 = tpu.memref_slice %arg38[%mul3A_19, %dma_wait3A_231] : memref<10112x8xf32, #tpu.memory_space<vmem_shared>> -> memref<632x8xf32, #tpu.memory_space<vmem_shared>>
      %dma_wait3A_233 = arith.constant 0 : i32
      %dma_wait3A_234 = tpu.memref_slice %arg38[%mul3A_19, %dma_wait3A_233] : memref<10112x8xf32, #tpu.memory_space<vmem_shared>> -> memref<632x8xf32, #tpu.memory_space<vmem_shared>>
      tpu.wait_dma2 semaphore(%run_scoped3A : memref<!tpu.dma_semaphore, #tpu.memory_space<semaphore_mem>>) src(%arg36 : memref<632x8xf32, #tpu.memory_space<vmem>>) dst(%dma_wait3A_234 : memref<632x8xf32, #tpu.memory_space<vmem_shared>>)
      tpu.yield
    }) : () -> ()
    %barrier3A = arith.constant 0 : index
    tpu.barrier barrier_id(%barrier3A)
    %iota3A = tpu.iota {dimensions = array<i32: 0>} : vector<16xi32>
    %mul3A_20 = arith.constant 10000 : i32
    %mul3A_21 = arith.muli %arg0, %mul3A_20 : i32
    %broadcast_in_dim3A = vector.broadcast %mul3A_21 : i32 to vector<16xi32>
    %mul3A_22 = arith.constant 20000 : i32
    %mul3A_23 = arith.muli %arg1, %mul3A_22 : i32
    "tpu.region"() ({
      %run_scoped3A = tpu.sem_alloc : memref<!tpu.dma_semaphore, #tpu.memory_space<semaphore_mem>>
      %dma_start3A_227 = tpu.memref_slice %arg5[%mul3A_23] : memref<320000xi32, #tpu.memory_space<hbm>> -> memref<20000xi32, #tpu.memory_space<hbm>>
      %dma_start3A_228 = tpu.memref_slice %arg5[%mul3A_23] : memref<320000xi32, #tpu.memory_space<hbm>> -> memref<20000xi32, #tpu.memory_space<hbm>>
      tpu.enqueue_dma source(%dma_start3A_228 : memref<20000xi32, #tpu.memory_space<hbm>>) target(%arg11 : memref<20000xi32, #tpu.memory_space<vmem>>) target_semaphore(%run_scoped3A : memref<!tpu.dma_semaphore, #tpu.memory_space<semaphore_mem>>)
      %dma_wait3A_229 = tpu.memref_slice %arg5[%mul3A_23] : memref<320000xi32, #tpu.memory_space<hbm>> -> memref<20000xi32, #tpu.memory_space<hbm>>
      %dma_wait3A_230 = tpu.memref_slice %arg5[%mul3A_23] : memref<320000xi32, #tpu.memory_space<hbm>> -> memref<20000xi32, #tpu.memory_space<hbm>>
      tpu.wait_dma2 semaphore(%run_scoped3A : memref<!tpu.dma_semaphore, #tpu.memory_space<semaphore_mem>>) src(%dma_wait3A_230 : memref<20000xi32, #tpu.memory_space<hbm>>) dst(%arg11 : memref<20000xi32, #tpu.memory_space<vmem>>)
      tpu.yield
    }) : () -> ()
    %mul3A_24 = arith.constant 20000 : i32
    %mul3A_25 = arith.muli %arg1, %mul3A_24 : i32
    "tpu.region"() ({
      %run_scoped3A = tpu.sem_alloc : memref<!tpu.dma_semaphore, #tpu.memory_space<semaphore_mem>>
      %dma_start3A_227 = tpu.memref_slice %arg6[%mul3A_25] : memref<320000xi32, #tpu.memory_space<hbm>> -> memref<20000xi32, #tpu.memory_space<hbm>>
      %dma_start3A_228 = tpu.memref_slice %arg6[%mul3A_25] : memref<320000xi32, #tpu.memory_space<hbm>> -> memref<20000xi32, #tpu.memory_space<hbm>>
      tpu.enqueue_dma source(%dma_start3A_228 : memref<20000xi32, #tpu.memory_space<hbm>>) target(%arg12 : memref<20000xi32, #tpu.memory_space<vmem>>) target_semaphore(%run_scoped3A : memref<!tpu.dma_semaphore, #tpu.memory_space<semaphore_mem>>)
      %dma_wait3A_229 = tpu.memref_slice %arg6[%mul3A_25] : memref<320000xi32, #tpu.memory_space<hbm>> -> memref<20000xi32, #tpu.memory_space<hbm>>
      %dma_wait3A_230 = tpu.memref_slice %arg6[%mul3A_25] : memref<320000xi32, #tpu.memory_space<hbm>> -> memref<20000xi32, #tpu.memory_space<hbm>>
      tpu.wait_dma2 semaphore(%run_scoped3A : memref<!tpu.dma_semaphore, #tpu.memory_space<semaphore_mem>>) src(%dma_wait3A_230 : memref<20000xi32, #tpu.memory_space<hbm>>) dst(%arg12 : memref<20000xi32, #tpu.memory_space<vmem>>)
      tpu.yield
    }) : () -> ()
    %scan3A = arith.constant 0 : i32
    %scan3A_26 = arith.constant 0 : i32
    %scan3A_27 = arith.constant 1250 : i32
    %scan3A_28 = arith.addi %scan3A_26, %scan3A_27 : i32
    %scan3A_29 = arith.constant 1 : i32
    %scan3A_30 = scf.for %scan3A_227 = %scan3A_26 to %scan3A_28 step %scan3A_29 iter_args(%scan3A_228 = %scan3A) -> (i32)  : i32 {
      %mul3A_229 = arith.constant 16 : i32
      %mul3A_230 = arith.muli %scan3A_227, %mul3A_229 : i32
      %get3A_231 = arith.index_cast %mul3A_230 : i32 to index
      %get3A_232 = tpu.vector_load %arg11[%get3A_231] {strides = array<i32>} : memref<20000xi32, #tpu.memory_space<vmem>>, vector<16xi32>,
      %add3A_233 = arith.addi %get3A_232, %broadcast_in_dim3A : vector<16xi32>
      %swap3A_234 = arith.index_cast %mul3A_230 : i32 to index
      %swap3A_235 = tpu.vector_load %arg11[%swap3A_234] {strides = array<i32>} : memref<20000xi32, #tpu.memory_space<vmem>>, vector<16xi32>,
      tpu.vector_store %arg11[%swap3A_234], %add3A_233 {strides = array<i32>} : memref<20000xi32, #tpu.memory_space<vmem>>, vector<16xi32>,
      %scan3A_236 = arith.constant 0 : i32
      scf.yield %scan3A_236 : i32
    }
    %scan3A_31 = arith.constant 1250 : i32
    %broadcast_in_dim3A_32 = arith.constant 0.000000e+00 : f32
    %broadcast_in_dim3A_33 = vector.broadcast %broadcast_in_dim3A_32 : f32 to vector<16xf32>
    %add3A_34 = arith.constant 0 : i32
    %add3A_35 = vector.broadcast %add3A_34 : i32 to vector<16xi32>
    %add3A_36 = arith.addi %add3A_35, %iota3A : vector<16xi32>
    %broadcast_in_dim3A_37 = arith.constant 4 : i32
    %broadcast_in_dim3A_38 = vector.broadcast %broadcast_in_dim3A_37 : i32 to vector<16xi32>
    tpu.vector_store_idx %arg23[%add3A_36, %broadcast_in_dim3A_38], %broadcast_in_dim3A_33 : memref<80x8xf32, #tpu.memory_space<vmem>>[vector<16xi32>, vector<16xi32>], vector<16xf32>,
    %broadcast_in_dim3A_39 = arith.constant 5 : i32
    %broadcast_in_dim3A_40 = vector.broadcast %broadcast_in_dim3A_39 : i32 to vector<16xi32>
    tpu.vector_store_idx %arg23[%add3A_36, %broadcast_in_dim3A_40], %broadcast_in_dim3A_33 : memref<80x8xf32, #tpu.memory_space<vmem>>[vector<16xi32>, vector<16xi32>], vector<16xf32>,
    %broadcast_in_dim3A_41 = arith.constant 6 : i32
    %broadcast_in_dim3A_42 = vector.broadcast %broadcast_in_dim3A_41 : i32 to vector<16xi32>
    tpu.vector_store_idx %arg23[%add3A_36, %broadcast_in_dim3A_42], %broadcast_in_dim3A_33 : memref<80x8xf32, #tpu.memory_space<vmem>>[vector<16xi32>, vector<16xi32>], vector<16xf32>,
    %broadcast_in_dim3A_43 = arith.constant 7 : i32
    %broadcast_in_dim3A_44 = vector.broadcast %broadcast_in_dim3A_43 : i32 to vector<16xi32>
    tpu.vector_store_idx %arg23[%add3A_36, %broadcast_in_dim3A_44], %broadcast_in_dim3A_33 : memref<80x8xf32, #tpu.memory_space<vmem>>[vector<16xi32>, vector<16xi32>], vector<16xf32>,
    %add3A_45 = arith.constant 16 : i32
    %add3A_46 = vector.broadcast %add3A_45 : i32 to vector<16xi32>
    %add3A_47 = arith.addi %add3A_46, %iota3A : vector<16xi32>
    %broadcast_in_dim3A_48 = arith.constant 4 : i32
    %broadcast_in_dim3A_49 = vector.broadcast %broadcast_in_dim3A_48 : i32 to vector<16xi32>
    tpu.vector_store_idx %arg23[%add3A_47, %broadcast_in_dim3A_49], %broadcast_in_dim3A_33 : memref<80x8xf32, #tpu.memory_space<vmem>>[vector<16xi32>, vector<16xi32>], vector<16xf32>,
    %broadcast_in_dim3A_50 = arith.constant 5 : i32
    %broadcast_in_dim3A_51 = vector.broadcast %broadcast_in_dim3A_50 : i32 to vector<16xi32>
    tpu.vector_store_idx %arg23[%add3A_47, %broadcast_in_dim3A_51], %broadcast_in_dim3A_33 : memref<80x8xf32, #tpu.memory_space<vmem>>[vector<16xi32>, vector<16xi32>], vector<16xf32>,
    %broadcast_in_dim3A_52 = arith.constant 6 : i32
    %broadcast_in_dim3A_53 = vector.broadcast %broadcast_in_dim3A_52 : i32 to vector<16xi32>
    tpu.vector_store_idx %arg23[%add3A_47, %broadcast_in_dim3A_53], %broadcast_in_dim3A_33 : memref<80x8xf32, #tpu.memory_space<vmem>>[vector<16xi32>, vector<16xi32>], vector<16xf32>,
    %broadcast_in_dim3A_54 = arith.constant 7 : i32
    %broadcast_in_dim3A_55 = vector.broadcast %broadcast_in_dim3A_54 : i32 to vector<16xi32>
    tpu.vector_store_idx %arg23[%add3A_47, %broadcast_in_dim3A_55], %broadcast_in_dim3A_33 : memref<80x8xf32, #tpu.memory_space<vmem>>[vector<16xi32>, vector<16xi32>], vector<16xf32>,
    %add3A_56 = arith.constant 32 : i32
    %add3A_57 = vector.broadcast %add3A_56 : i32 to vector<16xi32>
    %add3A_58 = arith.addi %add3A_57, %iota3A : vector<16xi32>
    %broadcast_in_dim3A_59 = arith.constant 4 : i32
    %broadcast_in_dim3A_60 = vector.broadcast %broadcast_in_dim3A_59 : i32 to vector<16xi32>
    tpu.vector_store_idx %arg23[%add3A_58, %broadcast_in_dim3A_60], %broadcast_in_dim3A_33 : memref<80x8xf32, #tpu.memory_space<vmem>>[vector<16xi32>, vector<16xi32>], vector<16xf32>,
    %broadcast_in_dim3A_61 = arith.constant 5 : i32
    %broadcast_in_dim3A_62 = vector.broadcast %broadcast_in_dim3A_61 : i32 to vector<16xi32>
    tpu.vector_store_idx %arg23[%add3A_58, %broadcast_in_dim3A_62], %broadcast_in_dim3A_33 : memref<80x8xf32, #tpu.memory_space<vmem>>[vector<16xi32>, vector<16xi32>], vector<16xf32>,
    %broadcast_in_dim3A_63 = arith.constant 6 : i32
    %broadcast_in_dim3A_64 = vector.broadcast %broadcast_in_dim3A_63 : i32 to vector<16xi32>
    tpu.vector_store_idx %arg23[%add3A_58, %broadcast_in_dim3A_64], %broadcast_in_dim3A_33 : memref<80x8xf32, #tpu.memory_space<vmem>>[vector<16xi32>, vector<16xi32>], vector<16xf32>,
    %broadcast_in_dim3A_65 = arith.constant 7 : i32
    %broadcast_in_dim3A_66 = vector.broadcast %broadcast_in_dim3A_65 : i32 to vector<16xi32>
    tpu.vector_store_idx %arg23[%add3A_58, %broadcast_in_dim3A_66], %broadcast_in_dim3A_33 : memref<80x8xf32, #tpu.memory_space<vmem>>[vector<16xi32>, vector<16xi32>], vector<16xf32>,
    %add3A_67 = arith.constant 48 : i32
    %add3A_68 = vector.broadcast %add3A_67 : i32 to vector<16xi32>
    %add3A_69 = arith.addi %add3A_68, %iota3A : vector<16xi32>
    %broadcast_in_dim3A_70 = arith.constant 4 : i32
    %broadcast_in_dim3A_71 = vector.broadcast %broadcast_in_dim3A_70 : i32 to vector<16xi32>
    tpu.vector_store_idx %arg23[%add3A_69, %broadcast_in_dim3A_71], %broadcast_in_dim3A_33 : memref<80x8xf32, #tpu.memory_space<vmem>>[vector<16xi32>, vector<16xi32>], vector<16xf32>,
    %broadcast_in_dim3A_72 = arith.constant 5 : i32
    %broadcast_in_dim3A_73 = vector.broadcast %broadcast_in_dim3A_72 : i32 to vector<16xi32>
    tpu.vector_store_idx %arg23[%add3A_69, %broadcast_in_dim3A_73], %broadcast_in_dim3A_33 : memref<80x8xf32, #tpu.memory_space<vmem>>[vector<16xi32>, vector<16xi32>], vector<16xf32>,
    %broadcast_in_dim3A_74 = arith.constant 6 : i32
    %broadcast_in_dim3A_75 = vector.broadcast %broadcast_in_dim3A_74 : i32 to vector<16xi32>
    tpu.vector_store_idx %arg23[%add3A_69, %broadcast_in_dim3A_75], %broadcast_in_dim3A_33 : memref<80x8xf32, #tpu.memory_space<vmem>>[vector<16xi32>, vector<16xi32>], vector<16xf32>,
    %broadcast_in_dim3A_76 = arith.constant 7 : i32
    %broadcast_in_dim3A_77 = vector.broadcast %broadcast_in_dim3A_76 : i32 to vector<16xi32>
    tpu.vector_store_idx %arg23[%add3A_69, %broadcast_in_dim3A_77], %broadcast_in_dim3A_33 : memref<80x8xf32, #tpu.memory_space<vmem>>[vector<16xi32>, vector<16xi32>], vector<16xf32>,
    %add3A_78 = arith.constant 64 : i32
    %add3A_79 = vector.broadcast %add3A_78 : i32 to vector<16xi32>
    %add3A_80 = arith.addi %add3A_79, %iota3A : vector<16xi32>
    %broadcast_in_dim3A_81 = arith.constant 4 : i32
    %broadcast_in_dim3A_82 = vector.broadcast %broadcast_in_dim3A_81 : i32 to vector<16xi32>
    tpu.vector_store_idx %arg23[%add3A_80, %broadcast_in_dim3A_82], %broadcast_in_dim3A_33 : memref<80x8xf32, #tpu.memory_space<vmem>>[vector<16xi32>, vector<16xi32>], vector<16xf32>,
    %broadcast_in_dim3A_83 = arith.constant 5 : i32
    %broadcast_in_dim3A_84 = vector.broadcast %broadcast_in_dim3A_83 : i32 to vector<16xi32>
    tpu.vector_store_idx %arg23[%add3A_80, %broadcast_in_dim3A_84], %broadcast_in_dim3A_33 : memref<80x8xf32, #tpu.memory_space<vmem>>[vector<16xi32>, vector<16xi32>], vector<16xf32>,
    %broadcast_in_dim3A_85 = arith.constant 6 : i32
    %broadcast_in_dim3A_86 = vector.broadcast %broadcast_in_dim3A_85 : i32 to vector<16xi32>
    tpu.vector_store_idx %arg23[%add3A_80, %broadcast_in_dim3A_86], %broadcast_in_dim3A_33 : memref<80x8xf32, #tpu.memory_space<vmem>>[vector<16xi32>, vector<16xi32>], vector<16xf32>,
    %broadcast_in_dim3A_87 = arith.constant 7 : i32
    %broadcast_in_dim3A_88 = vector.broadcast %broadcast_in_dim3A_87 : i32 to vector<16xi32>
    tpu.vector_store_idx %arg23[%add3A_80, %broadcast_in_dim3A_88], %broadcast_in_dim3A_33 : memref<80x8xf32, #tpu.memory_space<vmem>>[vector<16xi32>, vector<16xi32>], vector<16xf32>,
    %add3A_89 = arith.constant 0 : i32
    %add3A_90 = vector.broadcast %add3A_89 : i32 to vector<16xi32>
    %add3A_91 = arith.addi %add3A_90, %iota3A : vector<16xi32>
    %broadcast_in_dim3A_92 = arith.constant 4 : i32
    %broadcast_in_dim3A_93 = vector.broadcast %broadcast_in_dim3A_92 : i32 to vector<16xi32>
    tpu.vector_store_idx %arg24[%add3A_91, %broadcast_in_dim3A_93], %broadcast_in_dim3A_33 : memref<80x8xf32, #tpu.memory_space<vmem>>[vector<16xi32>, vector<16xi32>], vector<16xf32>,
    %broadcast_in_dim3A_94 = arith.constant 5 : i32
    %broadcast_in_dim3A_95 = vector.broadcast %broadcast_in_dim3A_94 : i32 to vector<16xi32>
    tpu.vector_store_idx %arg24[%add3A_91, %broadcast_in_dim3A_95], %broadcast_in_dim3A_33 : memref<80x8xf32, #tpu.memory_space<vmem>>[vector<16xi32>, vector<16xi32>], vector<16xf32>,
    %broadcast_in_dim3A_96 = arith.constant 6 : i32
    %broadcast_in_dim3A_97 = vector.broadcast %broadcast_in_dim3A_96 : i32 to vector<16xi32>
    tpu.vector_store_idx %arg24[%add3A_91, %broadcast_in_dim3A_97], %broadcast_in_dim3A_33 : memref<80x8xf32, #tpu.memory_space<vmem>>[vector<16xi32>, vector<16xi32>], vector<16xf32>,
    %broadcast_in_dim3A_98 = arith.constant 7 : i32
    %broadcast_in_dim3A_99 = vector.broadcast %broadcast_in_dim3A_98 : i32 to vector<16xi32>
    tpu.vector_store_idx %arg24[%add3A_91, %broadcast_in_dim3A_99], %broadcast_in_dim3A_33 : memref<80x8xf32, #tpu.memory_space<vmem>>[vector<16xi32>, vector<16xi32>], vector<16xf32>,
    %add3A_100 = arith.constant 16 : i32
    %add3A_101 = vector.broadcast %add3A_100 : i32 to vector<16xi32>
    %add3A_102 = arith.addi %add3A_101, %iota3A : vector<16xi32>
    %broadcast_in_dim3A_103 = arith.constant 4 : i32
    %broadcast_in_dim3A_104 = vector.broadcast %broadcast_in_dim3A_103 : i32 to vector<16xi32>
    tpu.vector_store_idx %arg24[%add3A_102, %broadcast_in_dim3A_104], %broadcast_in_dim3A_33 : memref<80x8xf32, #tpu.memory_space<vmem>>[vector<16xi32>, vector<16xi32>], vector<16xf32>,
    %broadcast_in_dim3A_105 = arith.constant 5 : i32
    %broadcast_in_dim3A_106 = vector.broadcast %broadcast_in_dim3A_105 : i32 to vector<16xi32>
    tpu.vector_store_idx %arg24[%add3A_102, %broadcast_in_dim3A_106], %broadcast_in_dim3A_33 : memref<80x8xf32, #tpu.memory_space<vmem>>[vector<16xi32>, vector<16xi32>], vector<16xf32>,
    %broadcast_in_dim3A_107 = arith.constant 6 : i32
    %broadcast_in_dim3A_108 = vector.broadcast %broadcast_in_dim3A_107 : i32 to vector<16xi32>
    tpu.vector_store_idx %arg24[%add3A_102, %broadcast_in_dim3A_108], %broadcast_in_dim3A_33 : memref<80x8xf32, #tpu.memory_space<vmem>>[vector<16xi32>, vector<16xi32>], vector<16xf32>,
    %broadcast_in_dim3A_109 = arith.constant 7 : i32
    %broadcast_in_dim3A_110 = vector.broadcast %broadcast_in_dim3A_109 : i32 to vector<16xi32>
    tpu.vector_store_idx %arg24[%add3A_102, %broadcast_in_dim3A_110], %broadcast_in_dim3A_33 : memref<80x8xf32, #tpu.memory_space<vmem>>[vector<16xi32>, vector<16xi32>], vector<16xf32>,
    %add3A_111 = arith.constant 32 : i32
    %add3A_112 = vector.broadcast %add3A_111 : i32 to vector<16xi32>
    %add3A_113 = arith.addi %add3A_112, %iota3A : vector<16xi32>
    %broadcast_in_dim3A_114 = arith.constant 4 : i32
    %broadcast_in_dim3A_115 = vector.broadcast %broadcast_in_dim3A_114 : i32 to vector<16xi32>
    tpu.vector_store_idx %arg24[%add3A_113, %broadcast_in_dim3A_115], %broadcast_in_dim3A_33 : memref<80x8xf32, #tpu.memory_space<vmem>>[vector<16xi32>, vector<16xi32>], vector<16xf32>,
    %broadcast_in_dim3A_116 = arith.constant 5 : i32
    %broadcast_in_dim3A_117 = vector.broadcast %broadcast_in_dim3A_116 : i32 to vector<16xi32>
    tpu.vector_store_idx %arg24[%add3A_113, %broadcast_in_dim3A_117], %broadcast_in_dim3A_33 : memref<80x8xf32, #tpu.memory_space<vmem>>[vector<16xi32>, vector<16xi32>], vector<16xf32>,
    %broadcast_in_dim3A_118 = arith.constant 6 : i32
    %broadcast_in_dim3A_119 = vector.broadcast %broadcast_in_dim3A_118 : i32 to vector<16xi32>
    tpu.vector_store_idx %arg24[%add3A_113, %broadcast_in_dim3A_119], %broadcast_in_dim3A_33 : memref<80x8xf32, #tpu.memory_space<vmem>>[vector<16xi32>, vector<16xi32>], vector<16xf32>,
    %broadcast_in_dim3A_120 = arith.constant 7 : i32
    %broadcast_in_dim3A_121 = vector.broadcast %broadcast_in_dim3A_120 : i32 to vector<16xi32>
    tpu.vector_store_idx %arg24[%add3A_113, %broadcast_in_dim3A_121], %broadcast_in_dim3A_33 : memref<80x8xf32, #tpu.memory_space<vmem>>[vector<16xi32>, vector<16xi32>], vector<16xf32>,
    %add3A_122 = arith.constant 48 : i32
    %add3A_123 = vector.broadcast %add3A_122 : i32 to vector<16xi32>
    %add3A_124 = arith.addi %add3A_123, %iota3A : vector<16xi32>
    %broadcast_in_dim3A_125 = arith.constant 4 : i32
    %broadcast_in_dim3A_126 = vector.broadcast %broadcast_in_dim3A_125 : i32 to vector<16xi32>
    tpu.vector_store_idx %arg24[%add3A_124, %broadcast_in_dim3A_126], %broadcast_in_dim3A_33 : memref<80x8xf32, #tpu.memory_space<vmem>>[vector<16xi32>, vector<16xi32>], vector<16xf32>,
    %broadcast_in_dim3A_127 = arith.constant 5 : i32
    %broadcast_in_dim3A_128 = vector.broadcast %broadcast_in_dim3A_127 : i32 to vector<16xi32>
    tpu.vector_store_idx %arg24[%add3A_124, %broadcast_in_dim3A_128], %broadcast_in_dim3A_33 : memref<80x8xf32, #tpu.memory_space<vmem>>[vector<16xi32>, vector<16xi32>], vector<16xf32>,
    %broadcast_in_dim3A_129 = arith.constant 6 : i32
    %broadcast_in_dim3A_130 = vector.broadcast %broadcast_in_dim3A_129 : i32 to vector<16xi32>
    tpu.vector_store_idx %arg24[%add3A_124, %broadcast_in_dim3A_130], %broadcast_in_dim3A_33 : memref<80x8xf32, #tpu.memory_space<vmem>>[vector<16xi32>, vector<16xi32>], vector<16xf32>,
    %broadcast_in_dim3A_131 = arith.constant 7 : i32
    %broadcast_in_dim3A_132 = vector.broadcast %broadcast_in_dim3A_131 : i32 to vector<16xi32>
    tpu.vector_store_idx %arg24[%add3A_124, %broadcast_in_dim3A_132], %broadcast_in_dim3A_33 : memref<80x8xf32, #tpu.memory_space<vmem>>[vector<16xi32>, vector<16xi32>], vector<16xf32>,
    %add3A_133 = arith.constant 64 : i32
    %add3A_134 = vector.broadcast %add3A_133 : i32 to vector<16xi32>
    %add3A_135 = arith.addi %add3A_134, %iota3A : vector<16xi32>
    %broadcast_in_dim3A_136 = arith.constant 4 : i32
    %broadcast_in_dim3A_137 = vector.broadcast %broadcast_in_dim3A_136 : i32 to vector<16xi32>
    tpu.vector_store_idx %arg24[%add3A_135, %broadcast_in_dim3A_137], %broadcast_in_dim3A_33 : memref<80x8xf32, #tpu.memory_space<vmem>>[vector<16xi32>, vector<16xi32>], vector<16xf32>,
    %broadcast_in_dim3A_138 = arith.constant 5 : i32
    %broadcast_in_dim3A_139 = vector.broadcast %broadcast_in_dim3A_138 : i32 to vector<16xi32>
    tpu.vector_store_idx %arg24[%add3A_135, %broadcast_in_dim3A_139], %broadcast_in_dim3A_33 : memref<80x8xf32, #tpu.memory_space<vmem>>[vector<16xi32>, vector<16xi32>], vector<16xf32>,
    %broadcast_in_dim3A_140 = arith.constant 6 : i32
    %broadcast_in_dim3A_141 = vector.broadcast %broadcast_in_dim3A_140 : i32 to vector<16xi32>
    tpu.vector_store_idx %arg24[%add3A_135, %broadcast_in_dim3A_141], %broadcast_in_dim3A_33 : memref<80x8xf32, #tpu.memory_space<vmem>>[vector<16xi32>, vector<16xi32>], vector<16xf32>,
    %broadcast_in_dim3A_142 = arith.constant 7 : i32
    %broadcast_in_dim3A_143 = vector.broadcast %broadcast_in_dim3A_142 : i32 to vector<16xi32>
    tpu.vector_store_idx %arg24[%add3A_135, %broadcast_in_dim3A_143], %broadcast_in_dim3A_33 : memref<80x8xf32, #tpu.memory_space<vmem>>[vector<16xi32>, vector<16xi32>], vector<16xf32>,
    %get3A = arith.constant 0 : index
    %get3A_144 = tpu.vector_load %arg12[%get3A] {strides = array<i32>} : memref<20000xi32, #tpu.memory_space<vmem>>, vector<16xi32>,
    %swap3A = arith.constant 0 : index
    %swap3A_145 = tpu.vector_load %arg13[%swap3A] {strides = array<i32>} : memref<80xi32, #tpu.memory_space<vmem>>, vector<16xi32>,
    tpu.vector_store %arg13[%swap3A], %get3A_144 {strides = array<i32>} : memref<80xi32, #tpu.memory_space<vmem>>, vector<16xi32>,
    %add3A_146 = arith.addi %get3A_144, %broadcast_in_dim3A : vector<16xi32>
    %swap3A_147 = arith.constant 0 : index
    %swap3A_148 = tpu.vector_load %arg15[%swap3A_147] {strides = array<i32>} : memref<80xi32, #tpu.memory_space<vmem>>, vector<16xi32>,
    tpu.vector_store %arg15[%swap3A_147], %add3A_146 {strides = array<i32>} : memref<80xi32, #tpu.memory_space<vmem>>, vector<16xi32>,
    %get3A_149 = arith.constant 16 : index
    %get3A_150 = tpu.vector_load %arg12[%get3A_149] {strides = array<i32>} : memref<20000xi32, #tpu.memory_space<vmem>>, vector<16xi32>,
    %swap3A_151 = arith.constant 16 : index
    %swap3A_152 = tpu.vector_load %arg13[%swap3A_151] {strides = array<i32>} : memref<80xi32, #tpu.memory_space<vmem>>, vector<16xi32>,
    tpu.vector_store %arg13[%swap3A_151], %get3A_150 {strides = array<i32>} : memref<80xi32, #tpu.memory_space<vmem>>, vector<16xi32>,
    %add3A_153 = arith.addi %get3A_150, %broadcast_in_dim3A : vector<16xi32>
    %swap3A_154 = arith.constant 16 : index
    %swap3A_155 = tpu.vector_load %arg15[%swap3A_154] {strides = array<i32>} : memref<80xi32, #tpu.memory_space<vmem>>, vector<16xi32>,
    tpu.vector_store %arg15[%swap3A_154], %add3A_153 {strides = array<i32>} : memref<80xi32, #tpu.memory_space<vmem>>, vector<16xi32>,
    %get3A_156 = arith.constant 32 : index
    %get3A_157 = tpu.vector_load %arg12[%get3A_156] {strides = array<i32>} : memref<20000xi32, #tpu.memory_space<vmem>>, vector<16xi32>,
    %swap3A_158 = arith.constant 32 : index
    %swap3A_159 = tpu.vector_load %arg13[%swap3A_158] {strides = array<i32>} : memref<80xi32, #tpu.memory_space<vmem>>, vector<16xi32>,
    tpu.vector_store %arg13[%swap3A_158], %get3A_157 {strides = array<i32>} : memref<80xi32, #tpu.memory_space<vmem>>, vector<16xi32>,
    %add3A_160 = arith.addi %get3A_157, %broadcast_in_dim3A : vector<16xi32>
    %swap3A_161 = arith.constant 32 : index
    %swap3A_162 = tpu.vector_load %arg15[%swap3A_161] {strides = array<i32>} : memref<80xi32, #tpu.memory_space<vmem>>, vector<16xi32>,
    tpu.vector_store %arg15[%swap3A_161], %add3A_160 {strides = array<i32>} : memref<80xi32, #tpu.memory_space<vmem>>, vector<16xi32>,
    %get3A_163 = arith.constant 48 : index
    %get3A_164 = tpu.vector_load %arg12[%get3A_163] {strides = array<i32>} : memref<20000xi32, #tpu.memory_space<vmem>>, vector<16xi32>,
    %swap3A_165 = arith.constant 48 : index
    %swap3A_166 = tpu.vector_load %arg13[%swap3A_165] {strides = array<i32>} : memref<80xi32, #tpu.memory_space<vmem>>, vector<16xi32>,
    tpu.vector_store %arg13[%swap3A_165], %get3A_164 {strides = array<i32>} : memref<80xi32, #tpu.memory_space<vmem>>, vector<16xi32>,
    %add3A_167 = arith.addi %get3A_164, %broadcast_in_dim3A : vector<16xi32>
    %swap3A_168 = arith.constant 48 : index
    %swap3A_169 = tpu.vector_load %arg15[%swap3A_168] {strides = array<i32>} : memref<80xi32, #tpu.memory_space<vmem>>, vector<16xi32>,
    tpu.vector_store %arg15[%swap3A_168], %add3A_167 {strides = array<i32>} : memref<80xi32, #tpu.memory_space<vmem>>, vector<16xi32>,
    %get3A_170 = arith.constant 64 : index
    %get3A_171 = tpu.vector_load %arg12[%get3A_170] {strides = array<i32>} : memref<20000xi32, #tpu.memory_space<vmem>>, vector<16xi32>,
    %swap3A_172 = arith.constant 64 : index
    %swap3A_173 = tpu.vector_load %arg13[%swap3A_172] {strides = array<i32>} : memref<80xi32, #tpu.memory_space<vmem>>, vector<16xi32>,
    tpu.vector_store %arg13[%swap3A_172], %get3A_171 {strides = array<i32>} : memref<80xi32, #tpu.memory_space<vmem>>, vector<16xi32>,
    %add3A_174 = arith.addi %get3A_171, %broadcast_in_dim3A : vector<16xi32>
    %swap3A_175 = arith.constant 64 : index
    %swap3A_176 = tpu.vector_load %arg15[%swap3A_175] {strides = array<i32>} : memref<80xi32, #tpu.memory_space<vmem>>, vector<16xi32>,
    tpu.vector_store %arg15[%swap3A_175], %add3A_174 {strides = array<i32>} : memref<80xi32, #tpu.memory_space<vmem>>, vector<16xi32>,
    %dma_start3A = arith.constant 0 : i32
    %dma_start3A_177 = tpu.memref_slice %arg11[%dma_start3A] : memref<20000xi32, #tpu.memory_space<vmem>> -> memref<80xi32, #tpu.memory_space<vmem>>
    %dma_start3A_178 = arith.constant 0 : i32
    %dma_start3A_179 = arith.constant 0 : i32
    %dma_start3A_180 = tpu.memref_slice %arg3[%dma_start3A_178, %dma_start3A_179] : memref<20000x64xf32, #tpu.memory_space<hbm>> -> memref<20000x64xf32, #tpu.memory_space<hbm>>
    tpu.enqueue_indirect_dma source(%dma_start3A_180 : memref<20000x64xf32, #tpu.memory_space<hbm>>) target(%arg17 : memref<80x64xf32, #tpu.memory_space<vmem>>) offsets(%dma_start3A_177 : memref<80xi32, #tpu.memory_space<vmem>>) semaphore(%arg25 : memref<!tpu.dma_semaphore, #tpu.memory_space<semaphore_mem>>)
    %dma_start3A_181 = arith.constant 0 : i32
    %dma_start3A_182 = arith.constant 0 : i32
    %dma_start3A_183 = tpu.memref_slice %arg2[%dma_start3A_181, %dma_start3A_182] : memref<20000x64xf32, #tpu.memory_space<hbm>> -> memref<20000x64xf32, #tpu.memory_space<hbm>>
    tpu.enqueue_indirect_dma source(%dma_start3A_183 : memref<20000x64xf32, #tpu.memory_space<hbm>>) target(%arg19 : memref<80x64xf32, #tpu.memory_space<vmem>>) offsets(%arg15 : memref<80xi32, #tpu.memory_space<vmem>>) semaphore(%arg26 : memref<!tpu.dma_semaphore, #tpu.memory_space<semaphore_mem>>)
    %dma_start3A_184 = arith.constant 0 : i32
    %dma_start3A_185 = tpu.memref_slice %arg11[%dma_start3A_184] : memref<20000xi32, #tpu.memory_space<vmem>> -> memref<80xi32, #tpu.memory_space<vmem>>
    %dma_start3A_186 = arith.constant 0 : i32
    %dma_start3A_187 = arith.constant 0 : i32
    %dma_start3A_188 = tpu.memref_slice %arg4[%dma_start3A_186, %dma_start3A_187] : memref<20000x64xf32, #tpu.memory_space<hbm>> -> memref<20000x64xf32, #tpu.memory_space<hbm>>
    tpu.enqueue_indirect_dma source(%dma_start3A_188 : memref<20000x64xf32, #tpu.memory_space<hbm>>) target(%arg21 : memref<80x64xf32, #tpu.memory_space<vmem>>) offsets(%dma_start3A_185 : memref<80xi32, #tpu.memory_space<vmem>>) semaphore(%arg27 : memref<!tpu.dma_semaphore, #tpu.memory_space<semaphore_mem>>)
    %scan3A_189 = arith.constant 2.500000e-01 : f32
    %scan3A_190 = arith.constant 0 : i32
    %scan3A_191 = arith.constant 0 : i32
    %scan3A_192 = arith.constant 125 : i32
    %scan3A_193 = arith.addi %scan3A_191, %scan3A_192 : i32
    %scan3A_194 = arith.constant 1 : i32
    %scan3A_195 = scf.for %scan3A_227 = %scan3A_191 to %scan3A_193 step %scan3A_194 iter_args(%scan3A_228 = %scan3A_190) -> (i32)  : i32 {
      %mul3A_229 = arith.constant 2 : i32
      %mul3A_230 = arith.muli %mul3A_229, %scan3A_227 : i32
      %mul3A_231 = arith.constant 80 : i32
      %mul3A_232 = arith.muli %mul3A_230, %mul3A_231 : i32
      %dma_wait3A_233 = tpu.memref_slice %arg11[%mul3A_232] : memref<20000xi32, #tpu.memory_space<vmem>> -> memref<80xi32, #tpu.memory_space<vmem>>
      %dma_wait3A_234 = arith.constant 0 : i32
      %dma_wait3A_235 = arith.constant 0 : i32
      %dma_wait3A_236 = tpu.memref_slice %arg3[%dma_wait3A_234, %dma_wait3A_235] : memref<20000x64xf32, #tpu.memory_space<hbm>> -> memref<20000x64xf32, #tpu.memory_space<hbm>>
      tpu.wait_indirect_dma semaphore(%arg25 : memref<!tpu.dma_semaphore, #tpu.memory_space<semaphore_mem>>) src(%dma_wait3A_236 : memref<20000x64xf32, #tpu.memory_space<hbm>>) dst(%arg17 : memref<80x64xf32, #tpu.memory_space<vmem>>)
      %dma_wait3A_237 = arith.constant 0 : i32
      %dma_wait3A_238 = arith.constant 0 : i32
      %dma_wait3A_239 = tpu.memref_slice %arg2[%dma_wait3A_237, %dma_wait3A_238] : memref<20000x64xf32, #tpu.memory_space<hbm>> -> memref<20000x64xf32, #tpu.memory_space<hbm>>
      tpu.wait_indirect_dma semaphore(%arg26 : memref<!tpu.dma_semaphore, #tpu.memory_space<semaphore_mem>>) src(%dma_wait3A_239 : memref<20000x64xf32, #tpu.memory_space<hbm>>) dst(%arg19 : memref<80x64xf32, #tpu.memory_space<vmem>>)
      %dma_wait3A_240 = tpu.memref_slice %arg11[%mul3A_232] : memref<20000xi32, #tpu.memory_space<vmem>> -> memref<80xi32, #tpu.memory_space<vmem>>
      %dma_wait3A_241 = arith.constant 0 : i32
      %dma_wait3A_242 = arith.constant 0 : i32
      %dma_wait3A_243 = tpu.memref_slice %arg4[%dma_wait3A_241, %dma_wait3A_242] : memref<20000x64xf32, #tpu.memory_space<hbm>> -> memref<20000x64xf32, #tpu.memory_space<hbm>>
      tpu.wait_indirect_dma semaphore(%arg27 : memref<!tpu.dma_semaphore, #tpu.memory_space<semaphore_mem>>) src(%dma_wait3A_243 : memref<20000x64xf32, #tpu.memory_space<hbm>>) dst(%arg21 : memref<80x64xf32, #tpu.memory_space<vmem>>)
      %scan3A_244 = arith.constant 0 : i32
      %scan3A_245 = arith.constant 0 : i32
      %scan3A_246 = arith.constant 5 : i32
      %scan3A_247 = arith.addi %scan3A_245, %scan3A_246 : i32
      %scan3A_248 = arith.constant 1 : i32
      %scan3A_249 = scf.for %scan3A_308 = %scan3A_245 to %scan3A_247 step %scan3A_248 iter_args(%scan3A_309 = %scan3A_244) -> (i32)  : i32 {
        %mul3A_310 = arith.constant 16 : i32
        %mul3A_311 = arith.muli %scan3A_308, %mul3A_310 : i32
        %add3A_312 = vector.broadcast %mul3A_311 : i32 to vector<16xi32>
        %add3A_313 = arith.addi %add3A_312, %iota3A : vector<16xi32>
        %broadcast_in_dim3A_314 = arith.constant 0.000000e+00 : f32
        %broadcast_in_dim3A_315 = vector.broadcast %broadcast_in_dim3A_314 : f32 to vector<16xf32>
        %broadcast_in_dim3A_316 = arith.constant 0 : i32
        %broadcast_in_dim3A_317 = vector.broadcast %broadcast_in_dim3A_316 : i32 to vector<16xi32>
        %gather3A = tpu.vector_load_idx %arg17[%add3A_313, %broadcast_in_dim3A_317] : memref<80x64xf32, #tpu.memory_space<vmem>>[vector<16xi32>, vector<16xi32>], vector<16xf32>,
        %gather3A_318 = tpu.vector_load_idx %arg19[%add3A_313, %broadcast_in_dim3A_317] : memref<80x64xf32, #tpu.memory_space<vmem>>[vector<16xi32>, vector<16xi32>], vector<16xf32>,
        %mul3A_319 = arith.mulf %gather3A, %gather3A_318 : vector<16xf32>
        %add3A_320 = arith.addf %broadcast_in_dim3A_315, %mul3A_319 : vector<16xf32>
        %broadcast_in_dim3A_321 = arith.constant 1 : i32
        %broadcast_in_dim3A_322 = vector.broadcast %broadcast_in_dim3A_321 : i32 to vector<16xi32>
        %gather3A_323 = tpu.vector_load_idx %arg17[%add3A_313, %broadcast_in_dim3A_322] : memref<80x64xf32, #tpu.memory_space<vmem>>[vector<16xi32>, vector<16xi32>], vector<16xf32>,
        %gather3A_324 = tpu.vector_load_idx %arg19[%add3A_313, %broadcast_in_dim3A_322] : memref<80x64xf32, #tpu.memory_space<vmem>>[vector<16xi32>, vector<16xi32>], vector<16xf32>,
        %mul3A_325 = arith.mulf %gather3A_323, %gather3A_324 : vector<16xf32>
        %add3A_326 = arith.addf %add3A_320, %mul3A_325 : vector<16xf32>
        %broadcast_in_dim3A_327 = arith.constant 2 : i32
        %broadcast_in_dim3A_328 = vector.broadcast %broadcast_in_dim3A_327 : i32 to vector<16xi32>
        %gather3A_329 = tpu.vector_load_idx %arg17[%add3A_313, %broadcast_in_dim3A_328] : memref<80x64xf32, #tpu.memory_space<vmem>>[vector<16xi32>, vector<16xi32>], vector<16xf32>,
        %gather3A_330 = tpu.vector_load_idx %arg19[%add3A_313, %broadcast_in_dim3A_328] : memref<80x64xf32, #tpu.memory_space<vmem>>[vector<16xi32>, vector<16xi32>], vector<16xf32>,
        %mul3A_331 = arith.mulf %gather3A_329, %gather3A_330 : vector<16xf32>
        %add3A_332 = arith.addf %add3A_326, %mul3A_331 : vector<16xf32>
        %broadcast_in_dim3A_333 = arith.constant 3 : i32
        %broadcast_in_dim3A_334 = vector.broadcast %broadcast_in_dim3A_333 : i32 to vector<16xi32>
        %gather3A_335 = tpu.vector_load_idx %arg17[%add3A_313, %broadcast_in_dim3A_334] : memref<80x64xf32, #tpu.memory_space<vmem>>[vector<16xi32>, vector<16xi32>], vector<16xf32>,
        %gather3A_336 = tpu.vector_load_idx %arg19[%add3A_313, %broadcast_in_dim3A_334] : memref<80x64xf32, #tpu.memory_space<vmem>>[vector<16xi32>, vector<16xi32>], vector<16xf32>,
        %mul3A_337 = arith.mulf %gather3A_335, %gather3A_336 : vector<16xf32>
        %add3A_338 = arith.addf %add3A_332, %mul3A_337 : vector<16xf32>
        %broadcast_in_dim3A_339 = arith.constant 4 : i32
        %broadcast_in_dim3A_340 = vector.broadcast %broadcast_in_dim3A_339 : i32 to vector<16xi32>
        %gather3A_341 = tpu.vector_load_idx %arg17[%add3A_313, %broadcast_in_dim3A_340] : memref<80x64xf32, #tpu.memory_space<vmem>>[vector<16xi32>, vector<16xi32>], vector<16xf32>,
        %gather3A_342 = tpu.vector_load_idx %arg19[%add3A_313, %broadcast_in_dim3A_340] : memref<80x64xf32, #tpu.memory_space<vmem>>[vector<16xi32>, vector<16xi32>], vector<16xf32>,
        %mul3A_343 = arith.mulf %gather3A_341, %gather3A_342 : vector<16xf32>
        %add3A_344 = arith.addf %add3A_338, %mul3A_343 : vector<16xf32>
        %broadcast_in_dim3A_345 = arith.constant 5 : i32
        %broadcast_in_dim3A_346 = vector.broadcast %broadcast_in_dim3A_345 : i32 to vector<16xi32>
        %gather3A_347 = tpu.vector_load_idx %arg17[%add3A_313, %broadcast_in_dim3A_346] : memref<80x64xf32, #tpu.memory_space<vmem>>[vector<16xi32>, vector<16xi32>], vector<16xf32>,
        %gather3A_348 = tpu.vector_load_idx %arg19[%add3A_313, %broadcast_in_dim3A_346] : memref<80x64xf32, #tpu.memory_space<vmem>>[vector<16xi32>, vector<16xi32>], vector<16xf32>,
        %mul3A_349 = arith.mulf %gather3A_347, %gather3A_348 : vector<16xf32>
        %add3A_350 = arith.addf %add3A_344, %mul3A_349 : vector<16xf32>
        %broadcast_in_dim3A_351 = arith.constant 6 : i32
        %broadcast_in_dim3A_352 = vector.broadcast %broadcast_in_dim3A_351 : i32 to vector<16xi32>
        %gather3A_353 = tpu.vector_load_idx %arg17[%add3A_313, %broadcast_in_dim3A_352] : memref<80x64xf32, #tpu.memory_space<vmem>>[vector<16xi32>, vector<16xi32>], vector<16xf32>,
        %gather3A_354 = tpu.vector_load_idx %arg19[%add3A_313, %broadcast_in_dim3A_352] : memref<80x64xf32, #tpu.memory_space<vmem>>[vector<16xi32>, vector<16xi32>], vector<16xf32>,
        %mul3A_355 = arith.mulf %gather3A_353, %gather3A_354 : vector<16xf32>
        %add3A_356 = arith.addf %add3A_350, %mul3A_355 : vector<16xf32>
        %broadcast_in_dim3A_357 = arith.constant 7 : i32
        %broadcast_in_dim3A_358 = vector.broadcast %broadcast_in_dim3A_357 : i32 to vector<16xi32>
        %gather3A_359 = tpu.vector_load_idx %arg17[%add3A_313, %broadcast_in_dim3A_358] : memref<80x64xf32, #tpu.memory_space<vmem>>[vector<16xi32>, vector<16xi32>], vector<16xf32>,
        %gather3A_360 = tpu.vector_load_idx %arg19[%add3A_313, %broadcast_in_dim3A_358] : memref<80x64xf32, #tpu.memory_space<vmem>>[vector<16xi32>, vector<16xi32>], vector<16xf32>,
        %mul3A_361 = arith.mulf %gather3A_359, %gather3A_360 : vector<16xf32>
        %add3A_362 = arith.addf %add3A_356, %mul3A_361 : vector<16xf32>
        %broadcast_in_dim3A_363 = arith.constant 8 : i32
        %broadcast_in_dim3A_364 = vector.broadcast %broadcast_in_dim3A_363 : i32 to vector<16xi32>
        %gather3A_365 = tpu.vector_load_idx %arg17[%add3A_313, %broadcast_in_dim3A_364] : memref<80x64xf32, #tpu.memory_space<vmem>>[vector<16xi32>, vector<16xi32>], vector<16xf32>,
        %gather3A_366 = tpu.vector_load_idx %arg19[%add3A_313, %broadcast_in_dim3A_364] : memref<80x64xf32, #tpu.memory_space<vmem>>[vector<16xi32>, vector<16xi32>], vector<16xf32>,
        %mul3A_367 = arith.mulf %gather3A_365, %gather3A_366 : vector<16xf32>
        %add3A_368 = arith.addf %add3A_362, %mul3A_367 : vector<16xf32>
        %broadcast_in_dim3A_369 = arith.constant 9 : i32
        %broadcast_in_dim3A_370 = vector.broadcast %broadcast_in_dim3A_369 : i32 to vector<16xi32>
        %gather3A_371 = tpu.vector_load_idx %arg17[%add3A_313, %broadcast_in_dim3A_370] : memref<80x64xf32, #tpu.memory_space<vmem>>[vector<16xi32>, vector<16xi32>], vector<16xf32>,
        %gather3A_372 = tpu.vector_load_idx %arg19[%add3A_313, %broadcast_in_dim3A_370] : memref<80x64xf32, #tpu.memory_space<vmem>>[vector<16xi32>, vector<16xi32>], vector<16xf32>,
        %mul3A_373 = arith.mulf %gather3A_371, %gather3A_372 : vector<16xf32>
        %add3A_374 = arith.addf %add3A_368, %mul3A_373 : vector<16xf32>
        %broadcast_in_dim3A_375 = arith.constant 10 : i32
        %broadcast_in_dim3A_376 = vector.broadcast %broadcast_in_dim3A_375 : i32 to vector<16xi32>
        %gather3A_377 = tpu.vector_load_idx %arg17[%add3A_313, %broadcast_in_dim3A_376] : memref<80x64xf32, #tpu.memory_space<vmem>>[vector<16xi32>, vector<16xi32>], vector<16xf32>,
        %gather3A_378 = tpu.vector_load_idx %arg19[%add3A_313, %broadcast_in_dim3A_376] : memref<80x64xf32, #tpu.memory_space<vmem>>[vector<16xi32>, vector<16xi32>], vector<16xf32>,
        %mul3A_379 = arith.mulf %gather3A_377, %gather3A_378 : vector<16xf32>
        %add3A_380 = arith.addf %add3A_374, %mul3A_379 : vector<16xf32>
        %broadcast_in_dim3A_381 = arith.constant 11 : i32
        %broadcast_in_dim3A_382 = vector.broadcast %broadcast_in_dim3A_381 : i32 to vector<16xi32>
        %gather3A_383 = tpu.vector_load_idx %arg17[%add3A_313, %broadcast_in_dim3A_382] : memref<80x64xf32, #tpu.memory_space<vmem>>[vector<16xi32>, vector<16xi32>], vector<16xf32>,
        %gather3A_384 = tpu.vector_load_idx %arg19[%add3A_313, %broadcast_in_dim3A_382] : memref<80x64xf32, #tpu.memory_space<vmem>>[vector<16xi32>, vector<16xi32>], vector<16xf32>,
        %mul3A_385 = arith.mulf %gather3A_383, %gather3A_384 : vector<16xf32>
        %add3A_386 = arith.addf %add3A_380, %mul3A_385 : vector<16xf32>
        %broadcast_in_dim3A_387 = arith.constant 12 : i32
        %broadcast_in_dim3A_388 = vector.broadcast %broadcast_in_dim3A_387 : i32 to vector<16xi32>
        %gather3A_389 = tpu.vector_load_idx %arg17[%add3A_313, %broadcast_in_dim3A_388] : memref<80x64xf32, #tpu.memory_space<vmem>>[vector<16xi32>, vector<16xi32>], vector<16xf32>,
        %gather3A_390 = tpu.vector_load_idx %arg19[%add3A_313, %broadcast_in_dim3A_388] : memref<80x64xf32, #tpu.memory_space<vmem>>[vector<16xi32>, vector<16xi32>], vector<16xf32>,
        %mul3A_391 = arith.mulf %gather3A_389, %gather3A_390 : vector<16xf32>
        %add3A_392 = arith.addf %add3A_386, %mul3A_391 : vector<16xf32>
        %broadcast_in_dim3A_393 = arith.constant 13 : i32
        %broadcast_in_dim3A_394 = vector.broadcast %broadcast_in_dim3A_393 : i32 to vector<16xi32>
        %gather3A_395 = tpu.vector_load_idx %arg17[%add3A_313, %broadcast_in_dim3A_394] : memref<80x64xf32, #tpu.memory_space<vmem>>[vector<16xi32>, vector<16xi32>], vector<16xf32>,
        %gather3A_396 = tpu.vector_load_idx %arg19[%add3A_313, %broadcast_in_dim3A_394] : memref<80x64xf32, #tpu.memory_space<vmem>>[vector<16xi32>, vector<16xi32>], vector<16xf32>,
        %mul3A_397 = arith.mulf %gather3A_395, %gather3A_396 : vector<16xf32>
        %add3A_398 = arith.addf %add3A_392, %mul3A_397 : vector<16xf32>
        %broadcast_in_dim3A_399 = arith.constant 14 : i32
        %broadcast_in_dim3A_400 = vector.broadcast %broadcast_in_dim3A_399 : i32 to vector<16xi32>
        %gather3A_401 = tpu.vector_load_idx %arg17[%add3A_313, %broadcast_in_dim3A_400] : memref<80x64xf32, #tpu.memory_space<vmem>>[vector<16xi32>, vector<16xi32>], vector<16xf32>,
        %gather3A_402 = tpu.vector_load_idx %arg19[%add3A_313, %broadcast_in_dim3A_400] : memref<80x64xf32, #tpu.memory_space<vmem>>[vector<16xi32>, vector<16xi32>], vector<16xf32>,
        %mul3A_403 = arith.mulf %gather3A_401, %gather3A_402 : vector<16xf32>
        %add3A_404 = arith.addf %add3A_398, %mul3A_403 : vector<16xf32>
        %broadcast_in_dim3A_405 = arith.constant 15 : i32
        %broadcast_in_dim3A_406 = vector.broadcast %broadcast_in_dim3A_405 : i32 to vector<16xi32>
        %gather3A_407 = tpu.vector_load_idx %arg17[%add3A_313, %broadcast_in_dim3A_406] : memref<80x64xf32, #tpu.memory_space<vmem>>[vector<16xi32>, vector<16xi32>], vector<16xf32>,
        %gather3A_408 = tpu.vector_load_idx %arg19[%add3A_313, %broadcast_in_dim3A_406] : memref<80x64xf32, #tpu.memory_space<vmem>>[vector<16xi32>, vector<16xi32>], vector<16xf32>,
        %mul3A_409 = arith.mulf %gather3A_407, %gather3A_408 : vector<16xf32>
        %add3A_410 = arith.addf %add3A_404, %mul3A_409 : vector<16xf32>
        %mul3A_411 = vector.broadcast %scan3A_189 : f32 to vector<16xf32>
        %mul3A_412 = arith.mulf %add3A_410, %mul3A_411 : vector<16xf32>
        %exp3A = math.exp %mul3A_412 : vector<16xf32>
        %broadcast_in_dim3A_413 = arith.constant 0 : i32
        %broadcast_in_dim3A_414 = vector.broadcast %broadcast_in_dim3A_413 : i32 to vector<16xi32>
        tpu.vector_store_idx %arg23[%add3A_313, %broadcast_in_dim3A_414], %exp3A : memref<80x8xf32, #tpu.memory_space<vmem>>[vector<16xi32>, vector<16xi32>], vector<16xf32>,
        %broadcast_in_dim3A_415 = arith.constant 0 : i32
        %broadcast_in_dim3A_416 = vector.broadcast %broadcast_in_dim3A_415 : i32 to vector<16xi32>
        %gather3A_417 = tpu.vector_load_idx %arg21[%add3A_313, %broadcast_in_dim3A_416] : memref<80x64xf32, #tpu.memory_space<vmem>>[vector<16xi32>, vector<16xi32>], vector<16xf32>,
        %mul3A_418 = arith.mulf %gather3A_417, %exp3A : vector<16xf32>
        tpu.vector_store_idx %arg21[%add3A_313, %broadcast_in_dim3A_416], %mul3A_418 : memref<80x64xf32, #tpu.memory_space<vmem>>[vector<16xi32>, vector<16xi32>], vector<16xf32>,
        %broadcast_in_dim3A_419 = arith.constant 1 : i32
        %broadcast_in_dim3A_420 = vector.broadcast %broadcast_in_dim3A_419 : i32 to vector<16xi32>
        %gather3A_421 = tpu.vector_load_idx %arg21[%add3A_313, %broadcast_in_dim3A_420] : memref<80x64xf32, #tpu.memory_space<vmem>>[vector<16xi32>, vector<16xi32>], vector<16xf32>,
        %mul3A_422 = arith.mulf %gather3A_421, %exp3A : vector<16xf32>
        tpu.vector_store_idx %arg21[%add3A_313, %broadcast_in_dim3A_420], %mul3A_422 : memref<80x64xf32, #tpu.memory_space<vmem>>[vector<16xi32>, vector<16xi32>], vector<16xf32>,
        %broadcast_in_dim3A_423 = arith.constant 2 : i32
        %broadcast_in_dim3A_424 = vector.broadcast %broadcast_in_dim3A_423 : i32 to vector<16xi32>
        %gather3A_425 = tpu.vector_load_idx %arg21[%add3A_313, %broadcast_in_dim3A_424] : memref<80x64xf32, #tpu.memory_space<vmem>>[vector<16xi32>, vector<16xi32>], vector<16xf32>,
        %mul3A_426 = arith.mulf %gather3A_425, %exp3A : vector<16xf32>
        tpu.vector_store_idx %arg21[%add3A_313, %broadcast_in_dim3A_424], %mul3A_426 : memref<80x64xf32, #tpu.memory_space<vmem>>[vector<16xi32>, vector<16xi32>], vector<16xf32>,
        %broadcast_in_dim3A_427 = arith.constant 3 : i32
        %broadcast_in_dim3A_428 = vector.broadcast %broadcast_in_dim3A_427 : i32 to vector<16xi32>
        %gather3A_429 = tpu.vector_load_idx %arg21[%add3A_313, %broadcast_in_dim3A_428] : memref<80x64xf32, #tpu.memory_space<vmem>>[vector<16xi32>, vector<16xi32>], vector<16xf32>,
        %mul3A_430 = arith.mulf %gather3A_429, %exp3A : vector<16xf32>
        tpu.vector_store_idx %arg21[%add3A_313, %broadcast_in_dim3A_428], %mul3A_430 : memref<80x64xf32, #tpu.memory_space<vmem>>[vector<16xi32>, vector<16xi32>], vector<16xf32>,
        %broadcast_in_dim3A_431 = arith.constant 4 : i32
        %broadcast_in_dim3A_432 = vector.broadcast %broadcast_in_dim3A_431 : i32 to vector<16xi32>
        %gather3A_433 = tpu.vector_load_idx %arg21[%add3A_313, %broadcast_in_dim3A_432] : memref<80x64xf32, #tpu.memory_space<vmem>>[vector<16xi32>, vector<16xi32>], vector<16xf32>,
        %mul3A_434 = arith.mulf %gather3A_433, %exp3A : vector<16xf32>
        tpu.vector_store_idx %arg21[%add3A_313, %broadcast_in_dim3A_432], %mul3A_434 : memref<80x64xf32, #tpu.memory_space<vmem>>[vector<16xi32>, vector<16xi32>], vector<16xf32>,
        %broadcast_in_dim3A_435 = arith.constant 5 : i32
        %broadcast_in_dim3A_436 = vector.broadcast %broadcast_in_dim3A_435 : i32 to vector<16xi32>
        %gather3A_437 = tpu.vector_load_idx %arg21[%add3A_313, %broadcast_in_dim3A_436] : memref<80x64xf32, #tpu.memory_space<vmem>>[vector<16xi32>, vector<16xi32>], vector<16xf32>,
        %mul3A_438 = arith.mulf %gather3A_437, %exp3A : vector<16xf32>
        tpu.vector_store_idx %arg21[%add3A_313, %broadcast_in_dim3A_436], %mul3A_438 : memref<80x64xf32, #tpu.memory_space<vmem>>[vector<16xi32>, vector<16xi32>], vector<16xf32>,
        %broadcast_in_dim3A_439 = arith.constant 6 : i32
        %broadcast_in_dim3A_440 = vector.broadcast %broadcast_in_dim3A_439 : i32 to vector<16xi32>
        %gather3A_441 = tpu.vector_load_idx %arg21[%add3A_313, %broadcast_in_dim3A_440] : memref<80x64xf32, #tpu.memory_space<vmem>>[vector<16xi32>, vector<16xi32>], vector<16xf32>,
        %mul3A_442 = arith.mulf %gather3A_441, %exp3A : vector<16xf32>
        tpu.vector_store_idx %arg21[%add3A_313, %broadcast_in_dim3A_440], %mul3A_442 : memref<80x64xf32, #tpu.memory_space<vmem>>[vector<16xi32>, vector<16xi32>], vector<16xf32>,
        %broadcast_in_dim3A_443 = arith.constant 7 : i32
        %broadcast_in_dim3A_444 = vector.broadcast %broadcast_in_dim3A_443 : i32 to vector<16xi32>
        %gather3A_445 = tpu.vector_load_idx %arg21[%add3A_313, %broadcast_in_dim3A_444] : memref<80x64xf32, #tpu.memory_space<vmem>>[vector<16xi32>, vector<16xi32>], vector<16xf32>,
        %mul3A_446 = arith.mulf %gather3A_445, %exp3A : vector<16xf32>
        tpu.vector_store_idx %arg21[%add3A_313, %broadcast_in_dim3A_444], %mul3A_446 : memref<80x64xf32, #tpu.memory_space<vmem>>[vector<16xi32>, vector<16xi32>], vector<16xf32>,
        %broadcast_in_dim3A_447 = arith.constant 8 : i32
        %broadcast_in_dim3A_448 = vector.broadcast %broadcast_in_dim3A_447 : i32 to vector<16xi32>
        %gather3A_449 = tpu.vector_load_idx %arg21[%add3A_313, %broadcast_in_dim3A_448] : memref<80x64xf32, #tpu.memory_space<vmem>>[vector<16xi32>, vector<16xi32>], vector<16xf32>,
        %mul3A_450 = arith.mulf %gather3A_449, %exp3A : vector<16xf32>
        tpu.vector_store_idx %arg21[%add3A_313, %broadcast_in_dim3A_448], %mul3A_450 : memref<80x64xf32, #tpu.memory_space<vmem>>[vector<16xi32>, vector<16xi32>], vector<16xf32>,
        %broadcast_in_dim3A_451 = arith.constant 9 : i32
        %broadcast_in_dim3A_452 = vector.broadcast %broadcast_in_dim3A_451 : i32 to vector<16xi32>
        %gather3A_453 = tpu.vector_load_idx %arg21[%add3A_313, %broadcast_in_dim3A_452] : memref<80x64xf32, #tpu.memory_space<vmem>>[vector<16xi32>, vector<16xi32>], vector<16xf32>,
        %mul3A_454 = arith.mulf %gather3A_453, %exp3A : vector<16xf32>
        tpu.vector_store_idx %arg21[%add3A_313, %broadcast_in_dim3A_452], %mul3A_454 : memref<80x64xf32, #tpu.memory_space<vmem>>[vector<16xi32>, vector<16xi32>], vector<16xf32>,
        %broadcast_in_dim3A_455 = arith.constant 10 : i32
        %broadcast_in_dim3A_456 = vector.broadcast %broadcast_in_dim3A_455 : i32 to vector<16xi32>
        %gather3A_457 = tpu.vector_load_idx %arg21[%add3A_313, %broadcast_in_dim3A_456] : memref<80x64xf32, #tpu.memory_space<vmem>>[vector<16xi32>, vector<16xi32>], vector<16xf32>,
        %mul3A_458 = arith.mulf %gather3A_457, %exp3A : vector<16xf32>
        tpu.vector_store_idx %arg21[%add3A_313, %broadcast_in_dim3A_456], %mul3A_458 : memref<80x64xf32, #tpu.memory_space<vmem>>[vector<16xi32>, vector<16xi32>], vector<16xf32>,
        %broadcast_in_dim3A_459 = arith.constant 11 : i32
        %broadcast_in_dim3A_460 = vector.broadcast %broadcast_in_dim3A_459 : i32 to vector<16xi32>
        %gather3A_461 = tpu.vector_load_idx %arg21[%add3A_313, %broadcast_in_dim3A_460] : memref<80x64xf32, #tpu.memory_space<vmem>>[vector<16xi32>, vector<16xi32>], vector<16xf32>,
        %mul3A_462 = arith.mulf %gather3A_461, %exp3A : vector<16xf32>
        tpu.vector_store_idx %arg21[%add3A_313, %broadcast_in_dim3A_460], %mul3A_462 : memref<80x64xf32, #tpu.memory_space<vmem>>[vector<16xi32>, vector<16xi32>], vector<16xf32>,
        %broadcast_in_dim3A_463 = arith.constant 12 : i32
        %broadcast_in_dim3A_464 = vector.broadcast %broadcast_in_dim3A_463 : i32 to vector<16xi32>
        %gather3A_465 = tpu.vector_load_idx %arg21[%add3A_313, %broadcast_in_dim3A_464] : memref<80x64xf32, #tpu.memory_space<vmem>>[vector<16xi32>, vector<16xi32>], vector<16xf32>,
        %mul3A_466 = arith.mulf %gather3A_465, %exp3A : vector<16xf32>
        tpu.vector_store_idx %arg21[%add3A_313, %broadcast_in_dim3A_464], %mul3A_466 : memref<80x64xf32, #tpu.memory_space<vmem>>[vector<16xi32>, vector<16xi32>], vector<16xf32>,
        %broadcast_in_dim3A_467 = arith.constant 13 : i32
        %broadcast_in_dim3A_468 = vector.broadcast %broadcast_in_dim3A_467 : i32 to vector<16xi32>
        %gather3A_469 = tpu.vector_load_idx %arg21[%add3A_313, %broadcast_in_dim3A_468] : memref<80x64xf32, #tpu.memory_space<vmem>>[vector<16xi32>, vector<16xi32>], vector<16xf32>,
        %mul3A_470 = arith.mulf %gather3A_469, %exp3A : vector<16xf32>
        tpu.vector_store_idx %arg21[%add3A_313, %broadcast_in_dim3A_468], %mul3A_470 : memref<80x64xf32, #tpu.memory_space<vmem>>[vector<16xi32>, vector<16xi32>], vector<16xf32>,
        %broadcast_in_dim3A_471 = arith.constant 14 : i32
        %broadcast_in_dim3A_472 = vector.broadcast %broadcast_in_dim3A_471 : i32 to vector<16xi32>
        %gather3A_473 = tpu.vector_load_idx %arg21[%add3A_313, %broadcast_in_dim3A_472] : memref<80x64xf32, #tpu.memory_space<vmem>>[vector<16xi32>, vector<16xi32>], vector<16xf32>,
        %mul3A_474 = arith.mulf %gather3A_473, %exp3A : vector<16xf32>
        tpu.vector_store_idx %arg21[%add3A_313, %broadcast_in_dim3A_472], %mul3A_474 : memref<80x64xf32, #tpu.memory_space<vmem>>[vector<16xi32>, vector<16xi32>], vector<16xf32>,
        %broadcast_in_dim3A_475 = arith.constant 15 : i32
        %broadcast_in_dim3A_476 = vector.broadcast %broadcast_in_dim3A_475 : i32 to vector<16xi32>
        %gather3A_477 = tpu.vector_load_idx %arg21[%add3A_313, %broadcast_in_dim3A_476] : memref<80x64xf32, #tpu.memory_space<vmem>>[vector<16xi32>, vector<16xi32>], vector<16xf32>,
        %mul3A_478 = arith.mulf %gather3A_477, %exp3A : vector<16xf32>
        tpu.vector_store_idx %arg21[%add3A_313, %broadcast_in_dim3A_476], %mul3A_478 : memref<80x64xf32, #tpu.memory_space<vmem>>[vector<16xi32>, vector<16xi32>], vector<16xf32>,
        %broadcast_in_dim3A_479 = arith.constant 0.000000e+00 : f32
        %broadcast_in_dim3A_480 = vector.broadcast %broadcast_in_dim3A_479 : f32 to vector<16xf32>
        %broadcast_in_dim3A_481 = arith.constant 16 : i32
        %broadcast_in_dim3A_482 = vector.broadcast %broadcast_in_dim3A_481 : i32 to vector<16xi32>
        %gather3A_483 = tpu.vector_load_idx %arg17[%add3A_313, %broadcast_in_dim3A_482] : memref<80x64xf32, #tpu.memory_space<vmem>>[vector<16xi32>, vector<16xi32>], vector<16xf32>,
        %gather3A_484 = tpu.vector_load_idx %arg19[%add3A_313, %broadcast_in_dim3A_482] : memref<80x64xf32, #tpu.memory_space<vmem>>[vector<16xi32>, vector<16xi32>], vector<16xf32>,
        %mul3A_485 = arith.mulf %gather3A_483, %gather3A_484 : vector<16xf32>
        %add3A_486 = arith.addf %broadcast_in_dim3A_480, %mul3A_485 : vector<16xf32>
        %broadcast_in_dim3A_487 = arith.constant 17 : i32
        %broadcast_in_dim3A_488 = vector.broadcast %broadcast_in_dim3A_487 : i32 to vector<16xi32>
        %gather3A_489 = tpu.vector_load_idx %arg17[%add3A_313, %broadcast_in_dim3A_488] : memref<80x64xf32, #tpu.memory_space<vmem>>[vector<16xi32>, vector<16xi32>], vector<16xf32>,
        %gather3A_490 = tpu.vector_load_idx %arg19[%add3A_313, %broadcast_in_dim3A_488] : memref<80x64xf32, #tpu.memory_space<vmem>>[vector<16xi32>, vector<16xi32>], vector<16xf32>,
        %mul3A_491 = arith.mulf %gather3A_489, %gather3A_490 : vector<16xf32>
        %add3A_492 = arith.addf %add3A_486, %mul3A_491 : vector<16xf32>
        %broadcast_in_dim3A_493 = arith.constant 18 : i32
        %broadcast_in_dim3A_494 = vector.broadcast %broadcast_in_dim3A_493 : i32 to vector<16xi32>
        %gather3A_495 = tpu.vector_load_idx %arg17[%add3A_313, %broadcast_in_dim3A_494] : memref<80x64xf32, #tpu.memory_space<vmem>>[vector<16xi32>, vector<16xi32>], vector<16xf32>,
        %gather3A_496 = tpu.vector_load_idx %arg19[%add3A_313, %broadcast_in_dim3A_494] : memref<80x64xf32, #tpu.memory_space<vmem>>[vector<16xi32>, vector<16xi32>], vector<16xf32>,
        %mul3A_497 = arith.mulf %gather3A_495, %gather3A_496 : vector<16xf32>
        %add3A_498 = arith.addf %add3A_492, %mul3A_497 : vector<16xf32>
        %broadcast_in_dim3A_499 = arith.constant 19 : i32
        %broadcast_in_dim3A_500 = vector.broadcast %broadcast_in_dim3A_499 : i32 to vector<16xi32>
        %gather3A_501 = tpu.vector_load_idx %arg17[%add3A_313, %broadcast_in_dim3A_500] : memref<80x64xf32, #tpu.memory_space<vmem>>[vector<16xi32>, vector<16xi32>], vector<16xf32>,
        %gather3A_502 = tpu.vector_load_idx %arg19[%add3A_313, %broadcast_in_dim3A_500] : memref<80x64xf32, #tpu.memory_space<vmem>>[vector<16xi32>, vector<16xi32>], vector<16xf32>,
        %mul3A_503 = arith.mulf %gather3A_501, %gather3A_502 : vector<16xf32>
        %add3A_504 = arith.addf %add3A_498, %mul3A_503 : vector<16xf32>
        %broadcast_in_dim3A_505 = arith.constant 20 : i32
        %broadcast_in_dim3A_506 = vector.broadcast %broadcast_in_dim3A_505 : i32 to vector<16xi32>
        %gather3A_507 = tpu.vector_load_idx %arg17[%add3A_313, %broadcast_in_dim3A_506] : memref<80x64xf32, #tpu.memory_space<vmem>>[vector<16xi32>, vector<16xi32>], vector<16xf32>,
        %gather3A_508 = tpu.vector_load_idx %arg19[%add3A_313, %broadcast_in_dim3A_506] : memref<80x64xf32, #tpu.memory_space<vmem>>[vector<16xi32>, vector<16xi32>], vector<16xf32>,
        %mul3A_509 = arith.mulf %gather3A_507, %gather3A_508 : vector<16xf32>
        %add3A_510 = arith.addf %add3A_504, %mul3A_509 : vector<16xf32>
        %broadcast_in_dim3A_511 = arith.constant 21 : i32
        %broadcast_in_dim3A_512 = vector.broadcast %broadcast_in_dim3A_511 : i32 to vector<16xi32>
        %gather3A_513 = tpu.vector_load_idx %arg17[%add3A_313, %broadcast_in_dim3A_512] : memref<80x64xf32, #tpu.memory_space<vmem>>[vector<16xi32>, vector<16xi32>], vector<16xf32>,
        %gather3A_514 = tpu.vector_load_idx %arg19[%add3A_313, %broadcast_in_dim3A_512] : memref<80x64xf32, #tpu.memory_space<vmem>>[vector<16xi32>, vector<16xi32>], vector<16xf32>,
        %mul3A_515 = arith.mulf %gather3A_513, %gather3A_514 : vector<16xf32>
        %add3A_516 = arith.addf %add3A_510, %mul3A_515 : vector<16xf32>
        %broadcast_in_dim3A_517 = arith.constant 22 : i32
        %broadcast_in_dim3A_518 = vector.broadcast %broadcast_in_dim3A_517 : i32 to vector<16xi32>
        %gather3A_519 = tpu.vector_load_idx %arg17[%add3A_313, %broadcast_in_dim3A_518] : memref<80x64xf32, #tpu.memory_space<vmem>>[vector<16xi32>, vector<16xi32>], vector<16xf32>,
        %gather3A_520 = tpu.vector_load_idx %arg19[%add3A_313, %broadcast_in_dim3A_518] : memref<80x64xf32, #tpu.memory_space<vmem>>[vector<16xi32>, vector<16xi32>], vector<16xf32>,
        %mul3A_521 = arith.mulf %gather3A_519, %gather3A_520 : vector<16xf32>
        %add3A_522 = arith.addf %add3A_516, %mul3A_521 : vector<16xf32>
        %broadcast_in_dim3A_523 = arith.constant 23 : i32
        %broadcast_in_dim3A_524 = vector.broadcast %broadcast_in_dim3A_523 : i32 to vector<16xi32>
        %gather3A_525 = tpu.vector_load_idx %arg17[%add3A_313, %broadcast_in_dim3A_524] : memref<80x64xf32, #tpu.memory_space<vmem>>[vector<16xi32>, vector<16xi32>], vector<16xf32>,
        %gather3A_526 = tpu.vector_load_idx %arg19[%add3A_313, %broadcast_in_dim3A_524] : memref<80x64xf32, #tpu.memory_space<vmem>>[vector<16xi32>, vector<16xi32>], vector<16xf32>,
        %mul3A_527 = arith.mulf %gather3A_525, %gather3A_526 : vector<16xf32>
        %add3A_528 = arith.addf %add3A_522, %mul3A_527 : vector<16xf32>
        %broadcast_in_dim3A_529 = arith.constant 24 : i32
        %broadcast_in_dim3A_530 = vector.broadcast %broadcast_in_dim3A_529 : i32 to vector<16xi32>
        %gather3A_531 = tpu.vector_load_idx %arg17[%add3A_313, %broadcast_in_dim3A_530] : memref<80x64xf32, #tpu.memory_space<vmem>>[vector<16xi32>, vector<16xi32>], vector<16xf32>,
        %gather3A_532 = tpu.vector_load_idx %arg19[%add3A_313, %broadcast_in_dim3A_530] : memref<80x64xf32, #tpu.memory_space<vmem>>[vector<16xi32>, vector<16xi32>], vector<16xf32>,
        %mul3A_533 = arith.mulf %gather3A_531, %gather3A_532 : vector<16xf32>
        %add3A_534 = arith.addf %add3A_528, %mul3A_533 : vector<16xf32>
        %broadcast_in_dim3A_535 = arith.constant 25 : i32
        %broadcast_in_dim3A_536 = vector.broadcast %broadcast_in_dim3A_535 : i32 to vector<16xi32>
        %gather3A_537 = tpu.vector_load_idx %arg17[%add3A_313, %broadcast_in_dim3A_536] : memref<80x64xf32, #tpu.memory_space<vmem>>[vector<16xi32>, vector<16xi32>], vector<16xf32>,
        %gather3A_538 = tpu.vector_load_idx %arg19[%add3A_313, %broadcast_in_dim3A_536] : memref<80x64xf32, #tpu.memory_space<vmem>>[vector<16xi32>, vector<16xi32>], vector<16xf32>,
        %mul3A_539 = arith.mulf %gather3A_537, %gather3A_538 : vector<16xf32>
        %add3A_540 = arith.addf %add3A_534, %mul3A_539 : vector<16xf32>
        %broadcast_in_dim3A_541 = arith.constant 26 : i32
        %broadcast_in_dim3A_542 = vector.broadcast %broadcast_in_dim3A_541 : i32 to vector<16xi32>
        %gather3A_543 = tpu.vector_load_idx %arg17[%add3A_313, %broadcast_in_dim3A_542] : memref<80x64xf32, #tpu.memory_space<vmem>>[vector<16xi32>, vector<16xi32>], vector<16xf32>,
        %gather3A_544 = tpu.vector_load_idx %arg19[%add3A_313, %broadcast_in_dim3A_542] : memref<80x64xf32, #tpu.memory_space<vmem>>[vector<16xi32>, vector<16xi32>], vector<16xf32>,
        %mul3A_545 = arith.mulf %gather3A_543, %gather3A_544 : vector<16xf32>
        %add3A_546 = arith.addf %add3A_540, %mul3A_545 : vector<16xf32>
        %broadcast_in_dim3A_547 = arith.constant 27 : i32
        %broadcast_in_dim3A_548 = vector.broadcast %broadcast_in_dim3A_547 : i32 to vector<16xi32>
        %gather3A_549 = tpu.vector_load_idx %arg17[%add3A_313, %broadcast_in_dim3A_548] : memref<80x64xf32, #tpu.memory_space<vmem>>[vector<16xi32>, vector<16xi32>], vector<16xf32>,
        %gather3A_550 = tpu.vector_load_idx %arg19[%add3A_313, %broadcast_in_dim3A_548] : memref<80x64xf32, #tpu.memory_space<vmem>>[vector<16xi32>, vector<16xi32>], vector<16xf32>,
        %mul3A_551 = arith.mulf %gather3A_549, %gather3A_550 : vector<16xf32>
        %add3A_552 = arith.addf %add3A_546, %mul3A_551 : vector<16xf32>
        %broadcast_in_dim3A_553 = arith.constant 28 : i32
        %broadcast_in_dim3A_554 = vector.broadcast %broadcast_in_dim3A_553 : i32 to vector<16xi32>
        %gather3A_555 = tpu.vector_load_idx %arg17[%add3A_313, %broadcast_in_dim3A_554] : memref<80x64xf32, #tpu.memory_space<vmem>>[vector<16xi32>, vector<16xi32>], vector<16xf32>,
        %gather3A_556 = tpu.vector_load_idx %arg19[%add3A_313, %broadcast_in_dim3A_554] : memref<80x64xf32, #tpu.memory_space<vmem>>[vector<16xi32>, vector<16xi32>], vector<16xf32>,
        %mul3A_557 = arith.mulf %gather3A_555, %gather3A_556 : vector<16xf32>
        %add3A_558 = arith.addf %add3A_552, %mul3A_557 : vector<16xf32>
        %broadcast_in_dim3A_559 = arith.constant 29 : i32
        %broadcast_in_dim3A_560 = vector.broadcast %broadcast_in_dim3A_559 : i32 to vector<16xi32>
        %gather3A_561 = tpu.vector_load_idx %arg17[%add3A_313, %broadcast_in_dim3A_560] : memref<80x64xf32, #tpu.memory_space<vmem>>[vector<16xi32>, vector<16xi32>], vector<16xf32>,
        %gather3A_562 = tpu.vector_load_idx %arg19[%add3A_313, %broadcast_in_dim3A_560] : memref<80x64xf32, #tpu.memory_space<vmem>>[vector<16xi32>, vector<16xi32>], vector<16xf32>,
        %mul3A_563 = arith.mulf %gather3A_561, %gather3A_562 : vector<16xf32>
        %add3A_564 = arith.addf %add3A_558, %mul3A_563 : vector<16xf32>
        %broadcast_in_dim3A_565 = arith.constant 30 : i32
        %broadcast_in_dim3A_566 = vector.broadcast %broadcast_in_dim3A_565 : i32 to vector<16xi32>
        %gather3A_567 = tpu.vector_load_idx %arg17[%add3A_313, %broadcast_in_dim3A_566] : memref<80x64xf32, #tpu.memory_space<vmem>>[vector<16xi32>, vector<16xi32>], vector<16xf32>,
        %gather3A_568 = tpu.vector_load_idx %arg19[%add3A_313, %broadcast_in_dim3A_566] : memref<80x64xf32, #tpu.memory_space<vmem>>[vector<16xi32>, vector<16xi32>], vector<16xf32>,
        %mul3A_569 = arith.mulf %gather3A_567, %gather3A_568 : vector<16xf32>
        %add3A_570 = arith.addf %add3A_564, %mul3A_569 : vector<16xf32>
        %broadcast_in_dim3A_571 = arith.constant 31 : i32
        %broadcast_in_dim3A_572 = vector.broadcast %broadcast_in_dim3A_571 : i32 to vector<16xi32>
        %gather3A_573 = tpu.vector_load_idx %arg17[%add3A_313, %broadcast_in_dim3A_572] : memref<80x64xf32, #tpu.memory_space<vmem>>[vector<16xi32>, vector<16xi32>], vector<16xf32>,
        %gather3A_574 = tpu.vector_load_idx %arg19[%add3A_313, %broadcast_in_dim3A_572] : memref<80x64xf32, #tpu.memory_space<vmem>>[vector<16xi32>, vector<16xi32>], vector<16xf32>,
        %mul3A_575 = arith.mulf %gather3A_573, %gather3A_574 : vector<16xf32>
        %add3A_576 = arith.addf %add3A_570, %mul3A_575 : vector<16xf32>
        %mul3A_577 = vector.broadcast %scan3A_189 : f32 to vector<16xf32>
        %mul3A_578 = arith.mulf %add3A_576, %mul3A_577 : vector<16xf32>
        %exp3A_579 = math.exp %mul3A_578 : vector<16xf32>
        %broadcast_in_dim3A_580 = arith.constant 1 : i32
        %broadcast_in_dim3A_581 = vector.broadcast %broadcast_in_dim3A_580 : i32 to vector<16xi32>
        tpu.vector_store_idx %arg23[%add3A_313, %broadcast_in_dim3A_581], %exp3A_579 : memref<80x8xf32, #tpu.memory_space<vmem>>[vector<16xi32>, vector<16xi32>], vector<16xf32>,
        %broadcast_in_dim3A_582 = arith.constant 16 : i32
        %broadcast_in_dim3A_583 = vector.broadcast %broadcast_in_dim3A_582 : i32 to vector<16xi32>
        %gather3A_584 = tpu.vector_load_idx %arg21[%add3A_313, %broadcast_in_dim3A_583] : memref<80x64xf32, #tpu.memory_space<vmem>>[vector<16xi32>, vector<16xi32>], vector<16xf32>,
        %mul3A_585 = arith.mulf %gather3A_584, %exp3A_579 : vector<16xf32>
        tpu.vector_store_idx %arg21[%add3A_313, %broadcast_in_dim3A_583], %mul3A_585 : memref<80x64xf32, #tpu.memory_space<vmem>>[vector<16xi32>, vector<16xi32>], vector<16xf32>,
        %broadcast_in_dim3A_586 = arith.constant 17 : i32
        %broadcast_in_dim3A_587 = vector.broadcast %broadcast_in_dim3A_586 : i32 to vector<16xi32>
        %gather3A_588 = tpu.vector_load_idx %arg21[%add3A_313, %broadcast_in_dim3A_587] : memref<80x64xf32, #tpu.memory_space<vmem>>[vector<16xi32>, vector<16xi32>], vector<16xf32>,
        %mul3A_589 = arith.mulf %gather3A_588, %exp3A_579 : vector<16xf32>
        tpu.vector_store_idx %arg21[%add3A_313, %broadcast_in_dim3A_587], %mul3A_589 : memref<80x64xf32, #tpu.memory_space<vmem>>[vector<16xi32>, vector<16xi32>], vector<16xf32>,
        %broadcast_in_dim3A_590 = arith.constant 18 : i32
        %broadcast_in_dim3A_591 = vector.broadcast %broadcast_in_dim3A_590 : i32 to vector<16xi32>
        %gather3A_592 = tpu.vector_load_idx %arg21[%add3A_313, %broadcast_in_dim3A_591] : memref<80x64xf32, #tpu.memory_space<vmem>>[vector<16xi32>, vector<16xi32>], vector<16xf32>,
        %mul3A_593 = arith.mulf %gather3A_592, %exp3A_579 : vector<16xf32>
        tpu.vector_store_idx %arg21[%add3A_313, %broadcast_in_dim3A_591], %mul3A_593 : memref<80x64xf32, #tpu.memory_space<vmem>>[vector<16xi32>, vector<16xi32>], vector<16xf32>,
        %broadcast_in_dim3A_594 = arith.constant 19 : i32
        %broadcast_in_dim3A_595 = vector.broadcast %broadcast_in_dim3A_594 : i32 to vector<16xi32>
        %gather3A_596 = tpu.vector_load_idx %arg21[%add3A_313, %broadcast_in_dim3A_595] : memref<80x64xf32, #tpu.memory_space<vmem>>[vector<16xi32>, vector<16xi32>], vector<16xf32>,
        %mul3A_597 = arith.mulf %gather3A_596, %exp3A_579 : vector<16xf32>
        tpu.vector_store_idx %arg21[%add3A_313, %broadcast_in_dim3A_595], %mul3A_597 : memref<80x64xf32, #tpu.memory_space<vmem>>[vector<16xi32>, vector<16xi32>], vector<16xf32>,
        %broadcast_in_dim3A_598 = arith.constant 20 : i32
        %broadcast_in_dim3A_599 = vector.broadcast %broadcast_in_dim3A_598 : i32 to vector<16xi32>
        %gather3A_600 = tpu.vector_load_idx %arg21[%add3A_313, %broadcast_in_dim3A_599] : memref<80x64xf32, #tpu.memory_space<vmem>>[vector<16xi32>, vector<16xi32>], vector<16xf32>,
        %mul3A_601 = arith.mulf %gather3A_600, %exp3A_579 : vector<16xf32>
        tpu.vector_store_idx %arg21[%add3A_313, %broadcast_in_dim3A_599], %mul3A_601 : memref<80x64xf32, #tpu.memory_space<vmem>>[vector<16xi32>, vector<16xi32>], vector<16xf32>,
        %broadcast_in_dim3A_602 = arith.constant 21 : i32
        %broadcast_in_dim3A_603 = vector.broadcast %broadcast_in_dim3A_602 : i32 to vector<16xi32>
        %gather3A_604 = tpu.vector_load_idx %arg21[%add3A_313, %broadcast_in_dim3A_603] : memref<80x64xf32, #tpu.memory_space<vmem>>[vector<16xi32>, vector<16xi32>], vector<16xf32>,
        %mul3A_605 = arith.mulf %gather3A_604, %exp3A_579 : vector<16xf32>
        tpu.vector_store_idx %arg21[%add3A_313, %broadcast_in_dim3A_603], %mul3A_605 : memref<80x64xf32, #tpu.memory_space<vmem>>[vector<16xi32>, vector<16xi32>], vector<16xf32>,
        %broadcast_in_dim3A_606 = arith.constant 22 : i32
        %broadcast_in_dim3A_607 = vector.broadcast %broadcast_in_dim3A_606 : i32 to vector<16xi32>
        %gather3A_608 = tpu.vector_load_idx %arg21[%add3A_313, %broadcast_in_dim3A_607] : memref<80x64xf32, #tpu.memory_space<vmem>>[vector<16xi32>, vector<16xi32>], vector<16xf32>,
        %mul3A_609 = arith.mulf %gather3A_608, %exp3A_579 : vector<16xf32>
        tpu.vector_store_idx %arg21[%add3A_313, %broadcast_in_dim3A_607], %mul3A_609 : memref<80x64xf32, #tpu.memory_space<vmem>>[vector<16xi32>, vector<16xi32>], vector<16xf32>,
        %broadcast_in_dim3A_610 = arith.constant 23 : i32
        %broadcast_in_dim3A_611 = vector.broadcast %broadcast_in_dim3A_610 : i32 to vector<16xi32>
        %gather3A_612 = tpu.vector_load_idx %arg21[%add3A_313, %broadcast_in_dim3A_611] : memref<80x64xf32, #tpu.memory_space<vmem>>[vector<16xi32>, vector<16xi32>], vector<16xf32>,
        %mul3A_613 = arith.mulf %gather3A_612, %exp3A_579 : vector<16xf32>
        tpu.vector_store_idx %arg21[%add3A_313, %broadcast_in_dim3A_611], %mul3A_613 : memref<80x64xf32, #tpu.memory_space<vmem>>[vector<16xi32>, vector<16xi32>], vector<16xf32>,
        %broadcast_in_dim3A_614 = arith.constant 24 : i32
        %broadcast_in_dim3A_615 = vector.broadcast %broadcast_in_dim3A_614 : i32 to vector<16xi32>
        %gather3A_616 = tpu.vector_load_idx %arg21[%add3A_313, %broadcast_in_dim3A_615] : memref<80x64xf32, #tpu.memory_space<vmem>>[vector<16xi32>, vector<16xi32>], vector<16xf32>,
        %mul3A_617 = arith.mulf %gather3A_616, %exp3A_579 : vector<16xf32>
        tpu.vector_store_idx %arg21[%add3A_313, %broadcast_in_dim3A_615], %mul3A_617 : memref<80x64xf32, #tpu.memory_space<vmem>>[vector<16xi32>, vector<16xi32>], vector<16xf32>,
        %broadcast_in_dim3A_618 = arith.constant 25 : i32
        %broadcast_in_dim3A_619 = vector.broadcast %broadcast_in_dim3A_618 : i32 to vector<16xi32>
        %gather3A_620 = tpu.vector_load_idx %arg21[%add3A_313, %broadcast_in_dim3A_619] : memref<80x64xf32, #tpu.memory_space<vmem>>[vector<16xi32>, vector<16xi32>], vector<16xf32>,
        %mul3A_621 = arith.mulf %gather3A_620, %exp3A_579 : vector<16xf32>
        tpu.vector_store_idx %arg21[%add3A_313, %broadcast_in_dim3A_619], %mul3A_621 : memref<80x64xf32, #tpu.memory_space<vmem>>[vector<16xi32>, vector<16xi32>], vector<16xf32>,
        %broadcast_in_dim3A_622 = arith.constant 26 : i32
        %broadcast_in_dim3A_623 = vector.broadcast %broadcast_in_dim3A_622 : i32 to vector<16xi32>
        %gather3A_624 = tpu.vector_load_idx %arg21[%add3A_313, %broadcast_in_dim3A_623] : memref<80x64xf32, #tpu.memory_space<vmem>>[vector<16xi32>, vector<16xi32>], vector<16xf32>,
        %mul3A_625 = arith.mulf %gather3A_624, %exp3A_579 : vector<16xf32>
        tpu.vector_store_idx %arg21[%add3A_313, %broadcast_in_dim3A_623], %mul3A_625 : memref<80x64xf32, #tpu.memory_space<vmem>>[vector<16xi32>, vector<16xi32>], vector<16xf32>,
        %broadcast_in_dim3A_626 = arith.constant 27 : i32
        %broadcast_in_dim3A_627 = vector.broadcast %broadcast_in_dim3A_626 : i32 to vector<16xi32>
        %gather3A_628 = tpu.vector_load_idx %arg21[%add3A_313, %broadcast_in_dim3A_627] : memref<80x64xf32, #tpu.memory_space<vmem>>[vector<16xi32>, vector<16xi32>], vector<16xf32>,
        %mul3A_629 = arith.mulf %gather3A_628, %exp3A_579 : vector<16xf32>
        tpu.vector_store_idx %arg21[%add3A_313, %broadcast_in_dim3A_627], %mul3A_629 : memref<80x64xf32, #tpu.memory_space<vmem>>[vector<16xi32>, vector<16xi32>], vector<16xf32>,
        %broadcast_in_dim3A_630 = arith.constant 28 : i32
        %broadcast_in_dim3A_631 = vector.broadcast %broadcast_in_dim3A_630 : i32 to vector<16xi32>
        %gather3A_632 = tpu.vector_load_idx %arg21[%add3A_313, %broadcast_in_dim3A_631] : memref<80x64xf32, #tpu.memory_space<vmem>>[vector<16xi32>, vector<16xi32>], vector<16xf32>,
        %mul3A_633 = arith.mulf %gather3A_632, %exp3A_579 : vector<16xf32>
        tpu.vector_store_idx %arg21[%add3A_313, %broadcast_in_dim3A_631], %mul3A_633 : memref<80x64xf32, #tpu.memory_space<vmem>>[vector<16xi32>, vector<16xi32>], vector<16xf32>,
        %broadcast_in_dim3A_634 = arith.constant 29 : i32
        %broadcast_in_dim3A_635 = vector.broadcast %broadcast_in_dim3A_634 : i32 to vector<16xi32>
        %gather3A_636 = tpu.vector_load_idx %arg21[%add3A_313, %broadcast_in_dim3A_635] : memref<80x64xf32, #tpu.memory_space<vmem>>[vector<16xi32>, vector<16xi32>], vector<16xf32>,
        %mul3A_637 = arith.mulf %gather3A_636, %exp3A_579 : vector<16xf32>
        tpu.vector_store_idx %arg21[%add3A_313, %broadcast_in_dim3A_635], %mul3A_637 : memref<80x64xf32, #tpu.memory_space<vmem>>[vector<16xi32>, vector<16xi32>], vector<16xf32>,
        %broadcast_in_dim3A_638 = arith.constant 30 : i32
        %broadcast_in_dim3A_639 = vector.broadcast %broadcast_in_dim3A_638 : i32 to vector<16xi32>
        %gather3A_640 = tpu.vector_load_idx %arg21[%add3A_313, %broadcast_in_dim3A_639] : memref<80x64xf32, #tpu.memory_space<vmem>>[vector<16xi32>, vector<16xi32>], vector<16xf32>,
        %mul3A_641 = arith.mulf %gather3A_640, %exp3A_579 : vector<16xf32>
        tpu.vector_store_idx %arg21[%add3A_313, %broadcast_in_dim3A_639], %mul3A_641 : memref<80x64xf32, #tpu.memory_space<vmem>>[vector<16xi32>, vector<16xi32>], vector<16xf32>,
        %broadcast_in_dim3A_642 = arith.constant 31 : i32
        %broadcast_in_dim3A_643 = vector.broadcast %broadcast_in_dim3A_642 : i32 to vector<16xi32>
        %gather3A_644 = tpu.vector_load_idx %arg21[%add3A_313, %broadcast_in_dim3A_643] : memref<80x64xf32, #tpu.memory_space<vmem>>[vector<16xi32>, vector<16xi32>], vector<16xf32>,
        %mul3A_645 = arith.mulf %gather3A_644, %exp3A_579 : vector<16xf32>
        tpu.vector_store_idx %arg21[%add3A_313, %broadcast_in_dim3A_643], %mul3A_645 : memref<80x64xf32, #tpu.memory_space<vmem>>[vector<16xi32>, vector<16xi32>], vector<16xf32>,
        %broadcast_in_dim3A_646 = arith.constant 0.000000e+00 : f32
        %broadcast_in_dim3A_647 = vector.broadcast %broadcast_in_dim3A_646 : f32 to vector<16xf32>
        %broadcast_in_dim3A_648 = arith.constant 32 : i32
        %broadcast_in_dim3A_649 = vector.broadcast %broadcast_in_dim3A_648 : i32 to vector<16xi32>
        %gather3A_650 = tpu.vector_load_idx %arg17[%add3A_313, %broadcast_in_dim3A_649] : memref<80x64xf32, #tpu.memory_space<vmem>>[vector<16xi32>, vector<16xi32>], vector<16xf32>,
        %gather3A_651 = tpu.vector_load_idx %arg19[%add3A_313, %broadcast_in_dim3A_649] : memref<80x64xf32, #tpu.memory_space<vmem>>[vector<16xi32>, vector<16xi32>], vector<16xf32>,
        %mul3A_652 = arith.mulf %gather3A_650, %gather3A_651 : vector<16xf32>
        %add3A_653 = arith.addf %broadcast_in_dim3A_647, %mul3A_652 : vector<16xf32>
        %broadcast_in_dim3A_654 = arith.constant 33 : i32
        %broadcast_in_dim3A_655 = vector.broadcast %broadcast_in_dim3A_654 : i32 to vector<16xi32>
        %gather3A_656 = tpu.vector_load_idx %arg17[%add3A_313, %broadcast_in_dim3A_655] : memref<80x64xf32, #tpu.memory_space<vmem>>[vector<16xi32>, vector<16xi32>], vector<16xf32>,
        %gather3A_657 = tpu.vector_load_idx %arg19[%add3A_313, %broadcast_in_dim3A_655] : memref<80x64xf32, #tpu.memory_space<vmem>>[vector<16xi32>, vector<16xi32>], vector<16xf32>,
        %mul3A_658 = arith.mulf %gather3A_656, %gather3A_657 : vector<16xf32>
        %add3A_659 = arith.addf %add3A_653, %mul3A_658 : vector<16xf32>
        %broadcast_in_dim3A_660 = arith.constant 34 : i32
        %broadcast_in_dim3A_661 = vector.broadcast %broadcast_in_dim3A_660 : i32 to vector<16xi32>
        %gather3A_662 = tpu.vector_load_idx %arg17[%add3A_313, %broadcast_in_dim3A_661] : memref<80x64xf32, #tpu.memory_space<vmem>>[vector<16xi32>, vector<16xi32>], vector<16xf32>,
        %gather3A_663 = tpu.vector_load_idx %arg19[%add3A_313, %broadcast_in_dim3A_661] : memref<80x64xf32, #tpu.memory_space<vmem>>[vector<16xi32>, vector<16xi32>], vector<16xf32>,
        %mul3A_664 = arith.mulf %gather3A_662, %gather3A_663 : vector<16xf32>
        %add3A_665 = arith.addf %add3A_659, %mul3A_664 : vector<16xf32>
        %broadcast_in_dim3A_666 = arith.constant 35 : i32
        %broadcast_in_dim3A_667 = vector.broadcast %broadcast_in_dim3A_666 : i32 to vector<16xi32>
        %gather3A_668 = tpu.vector_load_idx %arg17[%add3A_313, %broadcast_in_dim3A_667] : memref<80x64xf32, #tpu.memory_space<vmem>>[vector<16xi32>, vector<16xi32>], vector<16xf32>,
        %gather3A_669 = tpu.vector_load_idx %arg19[%add3A_313, %broadcast_in_dim3A_667] : memref<80x64xf32, #tpu.memory_space<vmem>>[vector<16xi32>, vector<16xi32>], vector<16xf32>,
        %mul3A_670 = arith.mulf %gather3A_668, %gather3A_669 : vector<16xf32>
        %add3A_671 = arith.addf %add3A_665, %mul3A_670 : vector<16xf32>
        %broadcast_in_dim3A_672 = arith.constant 36 : i32
        %broadcast_in_dim3A_673 = vector.broadcast %broadcast_in_dim3A_672 : i32 to vector<16xi32>
        %gather3A_674 = tpu.vector_load_idx %arg17[%add3A_313, %broadcast_in_dim3A_673] : memref<80x64xf32, #tpu.memory_space<vmem>>[vector<16xi32>, vector<16xi32>], vector<16xf32>,
        %gather3A_675 = tpu.vector_load_idx %arg19[%add3A_313, %broadcast_in_dim3A_673] : memref<80x64xf32, #tpu.memory_space<vmem>>[vector<16xi32>, vector<16xi32>], vector<16xf32>,
        %mul3A_676 = arith.mulf %gather3A_674, %gather3A_675 : vector<16xf32>
        %add3A_677 = arith.addf %add3A_671, %mul3A_676 : vector<16xf32>
        %broadcast_in_dim3A_678 = arith.constant 37 : i32
        %broadcast_in_dim3A_679 = vector.broadcast %broadcast_in_dim3A_678 : i32 to vector<16xi32>
        %gather3A_680 = tpu.vector_load_idx %arg17[%add3A_313, %broadcast_in_dim3A_679] : memref<80x64xf32, #tpu.memory_space<vmem>>[vector<16xi32>, vector<16xi32>], vector<16xf32>,
        %gather3A_681 = tpu.vector_load_idx %arg19[%add3A_313, %broadcast_in_dim3A_679] : memref<80x64xf32, #tpu.memory_space<vmem>>[vector<16xi32>, vector<16xi32>], vector<16xf32>,
        %mul3A_682 = arith.mulf %gather3A_680, %gather3A_681 : vector<16xf32>
        %add3A_683 = arith.addf %add3A_677, %mul3A_682 : vector<16xf32>
        %broadcast_in_dim3A_684 = arith.constant 38 : i32
        %broadcast_in_dim3A_685 = vector.broadcast %broadcast_in_dim3A_684 : i32 to vector<16xi32>
        %gather3A_686 = tpu.vector_load_idx %arg17[%add3A_313, %broadcast_in_dim3A_685] : memref<80x64xf32, #tpu.memory_space<vmem>>[vector<16xi32>, vector<16xi32>], vector<16xf32>,
        %gather3A_687 = tpu.vector_load_idx %arg19[%add3A_313, %broadcast_in_dim3A_685] : memref<80x64xf32, #tpu.memory_space<vmem>>[vector<16xi32>, vector<16xi32>], vector<16xf32>,
        %mul3A_688 = arith.mulf %gather3A_686, %gather3A_687 : vector<16xf32>
        %add3A_689 = arith.addf %add3A_683, %mul3A_688 : vector<16xf32>
        %broadcast_in_dim3A_690 = arith.constant 39 : i32
        %broadcast_in_dim3A_691 = vector.broadcast %broadcast_in_dim3A_690 : i32 to vector<16xi32>
        %gather3A_692 = tpu.vector_load_idx %arg17[%add3A_313, %broadcast_in_dim3A_691] : memref<80x64xf32, #tpu.memory_space<vmem>>[vector<16xi32>, vector<16xi32>], vector<16xf32>,
        %gather3A_693 = tpu.vector_load_idx %arg19[%add3A_313, %broadcast_in_dim3A_691] : memref<80x64xf32, #tpu.memory_space<vmem>>[vector<16xi32>, vector<16xi32>], vector<16xf32>,
        %mul3A_694 = arith.mulf %gather3A_692, %gather3A_693 : vector<16xf32>
        %add3A_695 = arith.addf %add3A_689, %mul3A_694 : vector<16xf32>
        %broadcast_in_dim3A_696 = arith.constant 40 : i32
        %broadcast_in_dim3A_697 = vector.broadcast %broadcast_in_dim3A_696 : i32 to vector<16xi32>
        %gather3A_698 = tpu.vector_load_idx %arg17[%add3A_313, %broadcast_in_dim3A_697] : memref<80x64xf32, #tpu.memory_space<vmem>>[vector<16xi32>, vector<16xi32>], vector<16xf32>,
        %gather3A_699 = tpu.vector_load_idx %arg19[%add3A_313, %broadcast_in_dim3A_697] : memref<80x64xf32, #tpu.memory_space<vmem>>[vector<16xi32>, vector<16xi32>], vector<16xf32>,
        %mul3A_700 = arith.mulf %gather3A_698, %gather3A_699 : vector<16xf32>
        %add3A_701 = arith.addf %add3A_695, %mul3A_700 : vector<16xf32>
        %broadcast_in_dim3A_702 = arith.constant 41 : i32
        %broadcast_in_dim3A_703 = vector.broadcast %broadcast_in_dim3A_702 : i32 to vector<16xi32>
        %gather3A_704 = tpu.vector_load_idx %arg17[%add3A_313, %broadcast_in_dim3A_703] : memref<80x64xf32, #tpu.memory_space<vmem>>[vector<16xi32>, vector<16xi32>], vector<16xf32>,
        %gather3A_705 = tpu.vector_load_idx %arg19[%add3A_313, %broadcast_in_dim3A_703] : memref<80x64xf32, #tpu.memory_space<vmem>>[vector<16xi32>, vector<16xi32>], vector<16xf32>,
        %mul3A_706 = arith.mulf %gather3A_704, %gather3A_705 : vector<16xf32>
        %add3A_707 = arith.addf %add3A_701, %mul3A_706 : vector<16xf32>
        %broadcast_in_dim3A_708 = arith.constant 42 : i32
        %broadcast_in_dim3A_709 = vector.broadcast %broadcast_in_dim3A_708 : i32 to vector<16xi32>
        %gather3A_710 = tpu.vector_load_idx %arg17[%add3A_313, %broadcast_in_dim3A_709] : memref<80x64xf32, #tpu.memory_space<vmem>>[vector<16xi32>, vector<16xi32>], vector<16xf32>,
        %gather3A_711 = tpu.vector_load_idx %arg19[%add3A_313, %broadcast_in_dim3A_709] : memref<80x64xf32, #tpu.memory_space<vmem>>[vector<16xi32>, vector<16xi32>], vector<16xf32>,
        %mul3A_712 = arith.mulf %gather3A_710, %gather3A_711 : vector<16xf32>
        %add3A_713 = arith.addf %add3A_707, %mul3A_712 : vector<16xf32>
        %broadcast_in_dim3A_714 = arith.constant 43 : i32
        %broadcast_in_dim3A_715 = vector.broadcast %broadcast_in_dim3A_714 : i32 to vector<16xi32>
        %gather3A_716 = tpu.vector_load_idx %arg17[%add3A_313, %broadcast_in_dim3A_715] : memref<80x64xf32, #tpu.memory_space<vmem>>[vector<16xi32>, vector<16xi32>], vector<16xf32>,
        %gather3A_717 = tpu.vector_load_idx %arg19[%add3A_313, %broadcast_in_dim3A_715] : memref<80x64xf32, #tpu.memory_space<vmem>>[vector<16xi32>, vector<16xi32>], vector<16xf32>,
        %mul3A_718 = arith.mulf %gather3A_716, %gather3A_717 : vector<16xf32>
        %add3A_719 = arith.addf %add3A_713, %mul3A_718 : vector<16xf32>
        %broadcast_in_dim3A_720 = arith.constant 44 : i32
        %broadcast_in_dim3A_721 = vector.broadcast %broadcast_in_dim3A_720 : i32 to vector<16xi32>
        %gather3A_722 = tpu.vector_load_idx %arg17[%add3A_313, %broadcast_in_dim3A_721] : memref<80x64xf32, #tpu.memory_space<vmem>>[vector<16xi32>, vector<16xi32>], vector<16xf32>,
        %gather3A_723 = tpu.vector_load_idx %arg19[%add3A_313, %broadcast_in_dim3A_721] : memref<80x64xf32, #tpu.memory_space<vmem>>[vector<16xi32>, vector<16xi32>], vector<16xf32>,
        %mul3A_724 = arith.mulf %gather3A_722, %gather3A_723 : vector<16xf32>
        %add3A_725 = arith.addf %add3A_719, %mul3A_724 : vector<16xf32>
        %broadcast_in_dim3A_726 = arith.constant 45 : i32
        %broadcast_in_dim3A_727 = vector.broadcast %broadcast_in_dim3A_726 : i32 to vector<16xi32>
        %gather3A_728 = tpu.vector_load_idx %arg17[%add3A_313, %broadcast_in_dim3A_727] : memref<80x64xf32, #tpu.memory_space<vmem>>[vector<16xi32>, vector<16xi32>], vector<16xf32>,
        %gather3A_729 = tpu.vector_load_idx %arg19[%add3A_313, %broadcast_in_dim3A_727] : memref<80x64xf32, #tpu.memory_space<vmem>>[vector<16xi32>, vector<16xi32>], vector<16xf32>,
        %mul3A_730 = arith.mulf %gather3A_728, %gather3A_729 : vector<16xf32>
        %add3A_731 = arith.addf %add3A_725, %mul3A_730 : vector<16xf32>
        %broadcast_in_dim3A_732 = arith.constant 46 : i32
        %broadcast_in_dim3A_733 = vector.broadcast %broadcast_in_dim3A_732 : i32 to vector<16xi32>
        %gather3A_734 = tpu.vector_load_idx %arg17[%add3A_313, %broadcast_in_dim3A_733] : memref<80x64xf32, #tpu.memory_space<vmem>>[vector<16xi32>, vector<16xi32>], vector<16xf32>,
        %gather3A_735 = tpu.vector_load_idx %arg19[%add3A_313, %broadcast_in_dim3A_733] : memref<80x64xf32, #tpu.memory_space<vmem>>[vector<16xi32>, vector<16xi32>], vector<16xf32>,
        %mul3A_736 = arith.mulf %gather3A_734, %gather3A_735 : vector<16xf32>
        %add3A_737 = arith.addf %add3A_731, %mul3A_736 : vector<16xf32>
        %broadcast_in_dim3A_738 = arith.constant 47 : i32
        %broadcast_in_dim3A_739 = vector.broadcast %broadcast_in_dim3A_738 : i32 to vector<16xi32>
        %gather3A_740 = tpu.vector_load_idx %arg17[%add3A_313, %broadcast_in_dim3A_739] : memref<80x64xf32, #tpu.memory_space<vmem>>[vector<16xi32>, vector<16xi32>], vector<16xf32>,
        %gather3A_741 = tpu.vector_load_idx %arg19[%add3A_313, %broadcast_in_dim3A_739] : memref<80x64xf32, #tpu.memory_space<vmem>>[vector<16xi32>, vector<16xi32>], vector<16xf32>,
        %mul3A_742 = arith.mulf %gather3A_740, %gather3A_741 : vector<16xf32>
        %add3A_743 = arith.addf %add3A_737, %mul3A_742 : vector<16xf32>
        %mul3A_744 = vector.broadcast %scan3A_189 : f32 to vector<16xf32>
        %mul3A_745 = arith.mulf %add3A_743, %mul3A_744 : vector<16xf32>
        %exp3A_746 = math.exp %mul3A_745 : vector<16xf32>
        %broadcast_in_dim3A_747 = arith.constant 2 : i32
        %broadcast_in_dim3A_748 = vector.broadcast %broadcast_in_dim3A_747 : i32 to vector<16xi32>
        tpu.vector_store_idx %arg23[%add3A_313, %broadcast_in_dim3A_748], %exp3A_746 : memref<80x8xf32, #tpu.memory_space<vmem>>[vector<16xi32>, vector<16xi32>], vector<16xf32>,
        %broadcast_in_dim3A_749 = arith.constant 32 : i32
        %broadcast_in_dim3A_750 = vector.broadcast %broadcast_in_dim3A_749 : i32 to vector<16xi32>
        %gather3A_751 = tpu.vector_load_idx %arg21[%add3A_313, %broadcast_in_dim3A_750] : memref<80x64xf32, #tpu.memory_space<vmem>>[vector<16xi32>, vector<16xi32>], vector<16xf32>,
        %mul3A_752 = arith.mulf %gather3A_751, %exp3A_746 : vector<16xf32>
        tpu.vector_store_idx %arg21[%add3A_313, %broadcast_in_dim3A_750], %mul3A_752 : memref<80x64xf32, #tpu.memory_space<vmem>>[vector<16xi32>, vector<16xi32>], vector<16xf32>,
        %broadcast_in_dim3A_753 = arith.constant 33 : i32
        %broadcast_in_dim3A_754 = vector.broadcast %broadcast_in_dim3A_753 : i32 to vector<16xi32>
        %gather3A_755 = tpu.vector_load_idx %arg21[%add3A_313, %broadcast_in_dim3A_754] : memref<80x64xf32, #tpu.memory_space<vmem>>[vector<16xi32>, vector<16xi32>], vector<16xf32>,
        %mul3A_756 = arith.mulf %gather3A_755, %exp3A_746 : vector<16xf32>
        tpu.vector_store_idx %arg21[%add3A_313, %broadcast_in_dim3A_754], %mul3A_756 : memref<80x64xf32, #tpu.memory_space<vmem>>[vector<16xi32>, vector<16xi32>], vector<16xf32>,
        %broadcast_in_dim3A_757 = arith.constant 34 : i32
        %broadcast_in_dim3A_758 = vector.broadcast %broadcast_in_dim3A_757 : i32 to vector<16xi32>
        %gather3A_759 = tpu.vector_load_idx %arg21[%add3A_313, %broadcast_in_dim3A_758] : memref<80x64xf32, #tpu.memory_space<vmem>>[vector<16xi32>, vector<16xi32>], vector<16xf32>,
        %mul3A_760 = arith.mulf %gather3A_759, %exp3A_746 : vector<16xf32>
        tpu.vector_store_idx %arg21[%add3A_313, %broadcast_in_dim3A_758], %mul3A_760 : memref<80x64xf32, #tpu.memory_space<vmem>>[vector<16xi32>, vector<16xi32>], vector<16xf32>,
        %broadcast_in_dim3A_761 = arith.constant 35 : i32
        %broadcast_in_dim3A_762 = vector.broadcast %broadcast_in_dim3A_761 : i32 to vector<16xi32>
        %gather3A_763 = tpu.vector_load_idx %arg21[%add3A_313, %broadcast_in_dim3A_762] : memref<80x64xf32, #tpu.memory_space<vmem>>[vector<16xi32>, vector<16xi32>], vector<16xf32>,
        %mul3A_764 = arith.mulf %gather3A_763, %exp3A_746 : vector<16xf32>
        tpu.vector_store_idx %arg21[%add3A_313, %broadcast_in_dim3A_762], %mul3A_764 : memref<80x64xf32, #tpu.memory_space<vmem>>[vector<16xi32>, vector<16xi32>], vector<16xf32>,
        %broadcast_in_dim3A_765 = arith.constant 36 : i32
        %broadcast_in_dim3A_766 = vector.broadcast %broadcast_in_dim3A_765 : i32 to vector<16xi32>
        %gather3A_767 = tpu.vector_load_idx %arg21[%add3A_313, %broadcast_in_dim3A_766] : memref<80x64xf32, #tpu.memory_space<vmem>>[vector<16xi32>, vector<16xi32>], vector<16xf32>,
        %mul3A_768 = arith.mulf %gather3A_767, %exp3A_746 : vector<16xf32>
        tpu.vector_store_idx %arg21[%add3A_313, %broadcast_in_dim3A_766], %mul3A_768 : memref<80x64xf32, #tpu.memory_space<vmem>>[vector<16xi32>, vector<16xi32>], vector<16xf32>,
        %broadcast_in_dim3A_769 = arith.constant 37 : i32
        %broadcast_in_dim3A_770 = vector.broadcast %broadcast_in_dim3A_769 : i32 to vector<16xi32>
        %gather3A_771 = tpu.vector_load_idx %arg21[%add3A_313, %broadcast_in_dim3A_770] : memref<80x64xf32, #tpu.memory_space<vmem>>[vector<16xi32>, vector<16xi32>], vector<16xf32>,
        %mul3A_772 = arith.mulf %gather3A_771, %exp3A_746 : vector<16xf32>
        tpu.vector_store_idx %arg21[%add3A_313, %broadcast_in_dim3A_770], %mul3A_772 : memref<80x64xf32, #tpu.memory_space<vmem>>[vector<16xi32>, vector<16xi32>], vector<16xf32>,
        %broadcast_in_dim3A_773 = arith.constant 38 : i32
        %broadcast_in_dim3A_774 = vector.broadcast %broadcast_in_dim3A_773 : i32 to vector<16xi32>
        %gather3A_775 = tpu.vector_load_idx %arg21[%add3A_313, %broadcast_in_dim3A_774] : memref<80x64xf32, #tpu.memory_space<vmem>>[vector<16xi32>, vector<16xi32>], vector<16xf32>,
        %mul3A_776 = arith.mulf %gather3A_775, %exp3A_746 : vector<16xf32>
        tpu.vector_store_idx %arg21[%add3A_313, %broadcast_in_dim3A_774], %mul3A_776 : memref<80x64xf32, #tpu.memory_space<vmem>>[vector<16xi32>, vector<16xi32>], vector<16xf32>,
        %broadcast_in_dim3A_777 = arith.constant 39 : i32
        %broadcast_in_dim3A_778 = vector.broadcast %broadcast_in_dim3A_777 : i32 to vector<16xi32>
        %gather3A_779 = tpu.vector_load_idx %arg21[%add3A_313, %broadcast_in_dim3A_778] : memref<80x64xf32, #tpu.memory_space<vmem>>[vector<16xi32>, vector<16xi32>], vector<16xf32>,
        %mul3A_780 = arith.mulf %gather3A_779, %exp3A_746 : vector<16xf32>
        tpu.vector_store_idx %arg21[%add3A_313, %broadcast_in_dim3A_778], %mul3A_780 : memref<80x64xf32, #tpu.memory_space<vmem>>[vector<16xi32>, vector<16xi32>], vector<16xf32>,
        %broadcast_in_dim3A_781 = arith.constant 40 : i32
        %broadcast_in_dim3A_782 = vector.broadcast %broadcast_in_dim3A_781 : i32 to vector<16xi32>
        %gather3A_783 = tpu.vector_load_idx %arg21[%add3A_313, %broadcast_in_dim3A_782] : memref<80x64xf32, #tpu.memory_space<vmem>>[vector<16xi32>, vector<16xi32>], vector<16xf32>,
        %mul3A_784 = arith.mulf %gather3A_783, %exp3A_746 : vector<16xf32>
        tpu.vector_store_idx %arg21[%add3A_313, %broadcast_in_dim3A_782], %mul3A_784 : memref<80x64xf32, #tpu.memory_space<vmem>>[vector<16xi32>, vector<16xi32>], vector<16xf32>,
        %broadcast_in_dim3A_785 = arith.constant 41 : i32
        %broadcast_in_dim3A_786 = vector.broadcast %broadcast_in_dim3A_785 : i32 to vector<16xi32>
        %gather3A_787 = tpu.vector_load_idx %arg21[%add3A_313, %broadcast_in_dim3A_786] : memref<80x64xf32, #tpu.memory_space<vmem>>[vector<16xi32>, vector<16xi32>], vector<16xf32>,
        %mul3A_788 = arith.mulf %gather3A_787, %exp3A_746 : vector<16xf32>
        tpu.vector_store_idx %arg21[%add3A_313, %broadcast_in_dim3A_786], %mul3A_788 : memref<80x64xf32, #tpu.memory_space<vmem>>[vector<16xi32>, vector<16xi32>], vector<16xf32>,
        %broadcast_in_dim3A_789 = arith.constant 42 : i32
        %broadcast_in_dim3A_790 = vector.broadcast %broadcast_in_dim3A_789 : i32 to vector<16xi32>
        %gather3A_791 = tpu.vector_load_idx %arg21[%add3A_313, %broadcast_in_dim3A_790] : memref<80x64xf32, #tpu.memory_space<vmem>>[vector<16xi32>, vector<16xi32>], vector<16xf32>,
        %mul3A_792 = arith.mulf %gather3A_791, %exp3A_746 : vector<16xf32>
        tpu.vector_store_idx %arg21[%add3A_313, %broadcast_in_dim3A_790], %mul3A_792 : memref<80x64xf32, #tpu.memory_space<vmem>>[vector<16xi32>, vector<16xi32>], vector<16xf32>,
        %broadcast_in_dim3A_793 = arith.constant 43 : i32
        %broadcast_in_dim3A_794 = vector.broadcast %broadcast_in_dim3A_793 : i32 to vector<16xi32>
        %gather3A_795 = tpu.vector_load_idx %arg21[%add3A_313, %broadcast_in_dim3A_794] : memref<80x64xf32, #tpu.memory_space<vmem>>[vector<16xi32>, vector<16xi32>], vector<16xf32>,
        %mul3A_796 = arith.mulf %gather3A_795, %exp3A_746 : vector<16xf32>
        tpu.vector_store_idx %arg21[%add3A_313, %broadcast_in_dim3A_794], %mul3A_796 : memref<80x64xf32, #tpu.memory_space<vmem>>[vector<16xi32>, vector<16xi32>], vector<16xf32>,
        %broadcast_in_dim3A_797 = arith.constant 44 : i32
        %broadcast_in_dim3A_798 = vector.broadcast %broadcast_in_dim3A_797 : i32 to vector<16xi32>
        %gather3A_799 = tpu.vector_load_idx %arg21[%add3A_313, %broadcast_in_dim3A_798] : memref<80x64xf32, #tpu.memory_space<vmem>>[vector<16xi32>, vector<16xi32>], vector<16xf32>,
        %mul3A_800 = arith.mulf %gather3A_799, %exp3A_746 : vector<16xf32>
        tpu.vector_store_idx %arg21[%add3A_313, %broadcast_in_dim3A_798], %mul3A_800 : memref<80x64xf32, #tpu.memory_space<vmem>>[vector<16xi32>, vector<16xi32>], vector<16xf32>,
        %broadcast_in_dim3A_801 = arith.constant 45 : i32
        %broadcast_in_dim3A_802 = vector.broadcast %broadcast_in_dim3A_801 : i32 to vector<16xi32>
        %gather3A_803 = tpu.vector_load_idx %arg21[%add3A_313, %broadcast_in_dim3A_802] : memref<80x64xf32, #tpu.memory_space<vmem>>[vector<16xi32>, vector<16xi32>], vector<16xf32>,
        %mul3A_804 = arith.mulf %gather3A_803, %exp3A_746 : vector<16xf32>
        tpu.vector_store_idx %arg21[%add3A_313, %broadcast_in_dim3A_802], %mul3A_804 : memref<80x64xf32, #tpu.memory_space<vmem>>[vector<16xi32>, vector<16xi32>], vector<16xf32>,
        %broadcast_in_dim3A_805 = arith.constant 46 : i32
        %broadcast_in_dim3A_806 = vector.broadcast %broadcast_in_dim3A_805 : i32 to vector<16xi32>
        %gather3A_807 = tpu.vector_load_idx %arg21[%add3A_313, %broadcast_in_dim3A_806] : memref<80x64xf32, #tpu.memory_space<vmem>>[vector<16xi32>, vector<16xi32>], vector<16xf32>,
        %mul3A_808 = arith.mulf %gather3A_807, %exp3A_746 : vector<16xf32>
        tpu.vector_store_idx %arg21[%add3A_313, %broadcast_in_dim3A_806], %mul3A_808 : memref<80x64xf32, #tpu.memory_space<vmem>>[vector<16xi32>, vector<16xi32>], vector<16xf32>,
        %broadcast_in_dim3A_809 = arith.constant 47 : i32
        %broadcast_in_dim3A_810 = vector.broadcast %broadcast_in_dim3A_809 : i32 to vector<16xi32>
        %gather3A_811 = tpu.vector_load_idx %arg21[%add3A_313, %broadcast_in_dim3A_810] : memref<80x64xf32, #tpu.memory_space<vmem>>[vector<16xi32>, vector<16xi32>], vector<16xf32>,
        %mul3A_812 = arith.mulf %gather3A_811, %exp3A_746 : vector<16xf32>
        tpu.vector_store_idx %arg21[%add3A_313, %broadcast_in_dim3A_810], %mul3A_812 : memref<80x64xf32, #tpu.memory_space<vmem>>[vector<16xi32>, vector<16xi32>], vector<16xf32>,
        %broadcast_in_dim3A_813 = arith.constant 0.000000e+00 : f32
        %broadcast_in_dim3A_814 = vector.broadcast %broadcast_in_dim3A_813 : f32 to vector<16xf32>
        %broadcast_in_dim3A_815 = arith.constant 48 : i32
        %broadcast_in_dim3A_816 = vector.broadcast %broadcast_in_dim3A_815 : i32 to vector<16xi32>
        %gather3A_817 = tpu.vector_load_idx %arg17[%add3A_313, %broadcast_in_dim3A_816] : memref<80x64xf32, #tpu.memory_space<vmem>>[vector<16xi32>, vector<16xi32>], vector<16xf32>,
        %gather3A_818 = tpu.vector_load_idx %arg19[%add3A_313, %broadcast_in_dim3A_816] : memref<80x64xf32, #tpu.memory_space<vmem>>[vector<16xi32>, vector<16xi32>], vector<16xf32>,
        %mul3A_819 = arith.mulf %gather3A_817, %gather3A_818 : vector<16xf32>
        %add3A_820 = arith.addf %broadcast_in_dim3A_814, %mul3A_819 : vector<16xf32>
        %broadcast_in_dim3A_821 = arith.constant 49 : i32
        %broadcast_in_dim3A_822 = vector.broadcast %broadcast_in_dim3A_821 : i32 to vector<16xi32>
        %gather3A_823 = tpu.vector_load_idx %arg17[%add3A_313, %broadcast_in_dim3A_822] : memref<80x64xf32, #tpu.memory_space<vmem>>[vector<16xi32>, vector<16xi32>], vector<16xf32>,
        %gather3A_824 = tpu.vector_load_idx %arg19[%add3A_313, %broadcast_in_dim3A_822] : memref<80x64xf32, #tpu.memory_space<vmem>>[vector<16xi32>, vector<16xi32>], vector<16xf32>,
        %mul3A_825 = arith.mulf %gather3A_823, %gather3A_824 : vector<16xf32>
        %add3A_826 = arith.addf %add3A_820, %mul3A_825 : vector<16xf32>
        %broadcast_in_dim3A_827 = arith.constant 50 : i32
        %broadcast_in_dim3A_828 = vector.broadcast %broadcast_in_dim3A_827 : i32 to vector<16xi32>
        %gather3A_829 = tpu.vector_load_idx %arg17[%add3A_313, %broadcast_in_dim3A_828] : memref<80x64xf32, #tpu.memory_space<vmem>>[vector<16xi32>, vector<16xi32>], vector<16xf32>,
        %gather3A_830 = tpu.vector_load_idx %arg19[%add3A_313, %broadcast_in_dim3A_828] : memref<80x64xf32, #tpu.memory_space<vmem>>[vector<16xi32>, vector<16xi32>], vector<16xf32>,
        %mul3A_831 = arith.mulf %gather3A_829, %gather3A_830 : vector<16xf32>
        %add3A_832 = arith.addf %add3A_826, %mul3A_831 : vector<16xf32>
        %broadcast_in_dim3A_833 = arith.constant 51 : i32
        %broadcast_in_dim3A_834 = vector.broadcast %broadcast_in_dim3A_833 : i32 to vector<16xi32>
        %gather3A_835 = tpu.vector_load_idx %arg17[%add3A_313, %broadcast_in_dim3A_834] : memref<80x64xf32, #tpu.memory_space<vmem>>[vector<16xi32>, vector<16xi32>], vector<16xf32>,
        %gather3A_836 = tpu.vector_load_idx %arg19[%add3A_313, %broadcast_in_dim3A_834] : memref<80x64xf32, #tpu.memory_space<vmem>>[vector<16xi32>, vector<16xi32>], vector<16xf32>,
        %mul3A_837 = arith.mulf %gather3A_835, %gather3A_836 : vector<16xf32>
        %add3A_838 = arith.addf %add3A_832, %mul3A_837 : vector<16xf32>
        %broadcast_in_dim3A_839 = arith.constant 52 : i32
        %broadcast_in_dim3A_840 = vector.broadcast %broadcast_in_dim3A_839 : i32 to vector<16xi32>
        %gather3A_841 = tpu.vector_load_idx %arg17[%add3A_313, %broadcast_in_dim3A_840] : memref<80x64xf32, #tpu.memory_space<vmem>>[vector<16xi32>, vector<16xi32>], vector<16xf32>,
        %gather3A_842 = tpu.vector_load_idx %arg19[%add3A_313, %broadcast_in_dim3A_840] : memref<80x64xf32, #tpu.memory_space<vmem>>[vector<16xi32>, vector<16xi32>], vector<16xf32>,
        %mul3A_843 = arith.mulf %gather3A_841, %gather3A_842 : vector<16xf32>
        %add3A_844 = arith.addf %add3A_838, %mul3A_843 : vector<16xf32>
        %broadcast_in_dim3A_845 = arith.constant 53 : i32
        %broadcast_in_dim3A_846 = vector.broadcast %broadcast_in_dim3A_845 : i32 to vector<16xi32>
        %gather3A_847 = tpu.vector_load_idx %arg17[%add3A_313, %broadcast_in_dim3A_846] : memref<80x64xf32, #tpu.memory_space<vmem>>[vector<16xi32>, vector<16xi32>], vector<16xf32>,
        %gather3A_848 = tpu.vector_load_idx %arg19[%add3A_313, %broadcast_in_dim3A_846] : memref<80x64xf32, #tpu.memory_space<vmem>>[vector<16xi32>, vector<16xi32>], vector<16xf32>,
        %mul3A_849 = arith.mulf %gather3A_847, %gather3A_848 : vector<16xf32>
        %add3A_850 = arith.addf %add3A_844, %mul3A_849 : vector<16xf32>
        %broadcast_in_dim3A_851 = arith.constant 54 : i32
        %broadcast_in_dim3A_852 = vector.broadcast %broadcast_in_dim3A_851 : i32 to vector<16xi32>
        %gather3A_853 = tpu.vector_load_idx %arg17[%add3A_313, %broadcast_in_dim3A_852] : memref<80x64xf32, #tpu.memory_space<vmem>>[vector<16xi32>, vector<16xi32>], vector<16xf32>,
        %gather3A_854 = tpu.vector_load_idx %arg19[%add3A_313, %broadcast_in_dim3A_852] : memref<80x64xf32, #tpu.memory_space<vmem>>[vector<16xi32>, vector<16xi32>], vector<16xf32>,
        %mul3A_855 = arith.mulf %gather3A_853, %gather3A_854 : vector<16xf32>
        %add3A_856 = arith.addf %add3A_850, %mul3A_855 : vector<16xf32>
        %broadcast_in_dim3A_857 = arith.constant 55 : i32
        %broadcast_in_dim3A_858 = vector.broadcast %broadcast_in_dim3A_857 : i32 to vector<16xi32>
        %gather3A_859 = tpu.vector_load_idx %arg17[%add3A_313, %broadcast_in_dim3A_858] : memref<80x64xf32, #tpu.memory_space<vmem>>[vector<16xi32>, vector<16xi32>], vector<16xf32>,
        %gather3A_860 = tpu.vector_load_idx %arg19[%add3A_313, %broadcast_in_dim3A_858] : memref<80x64xf32, #tpu.memory_space<vmem>>[vector<16xi32>, vector<16xi32>], vector<16xf32>,
        %mul3A_861 = arith.mulf %gather3A_859, %gather3A_860 : vector<16xf32>
        %add3A_862 = arith.addf %add3A_856, %mul3A_861 : vector<16xf32>
        %broadcast_in_dim3A_863 = arith.constant 56 : i32
        %broadcast_in_dim3A_864 = vector.broadcast %broadcast_in_dim3A_863 : i32 to vector<16xi32>
        %gather3A_865 = tpu.vector_load_idx %arg17[%add3A_313, %broadcast_in_dim3A_864] : memref<80x64xf32, #tpu.memory_space<vmem>>[vector<16xi32>, vector<16xi32>], vector<16xf32>,
        %gather3A_866 = tpu.vector_load_idx %arg19[%add3A_313, %broadcast_in_dim3A_864] : memref<80x64xf32, #tpu.memory_space<vmem>>[vector<16xi32>, vector<16xi32>], vector<16xf32>,
        %mul3A_867 = arith.mulf %gather3A_865, %gather3A_866 : vector<16xf32>
        %add3A_868 = arith.addf %add3A_862, %mul3A_867 : vector<16xf32>
        %broadcast_in_dim3A_869 = arith.constant 57 : i32
        %broadcast_in_dim3A_870 = vector.broadcast %broadcast_in_dim3A_869 : i32 to vector<16xi32>
        %gather3A_871 = tpu.vector_load_idx %arg17[%add3A_313, %broadcast_in_dim3A_870] : memref<80x64xf32, #tpu.memory_space<vmem>>[vector<16xi32>, vector<16xi32>], vector<16xf32>,
        %gather3A_872 = tpu.vector_load_idx %arg19[%add3A_313, %broadcast_in_dim3A_870] : memref<80x64xf32, #tpu.memory_space<vmem>>[vector<16xi32>, vector<16xi32>], vector<16xf32>,
        %mul3A_873 = arith.mulf %gather3A_871, %gather3A_872 : vector<16xf32>
        %add3A_874 = arith.addf %add3A_868, %mul3A_873 : vector<16xf32>
        %broadcast_in_dim3A_875 = arith.constant 58 : i32
        %broadcast_in_dim3A_876 = vector.broadcast %broadcast_in_dim3A_875 : i32 to vector<16xi32>
        %gather3A_877 = tpu.vector_load_idx %arg17[%add3A_313, %broadcast_in_dim3A_876] : memref<80x64xf32, #tpu.memory_space<vmem>>[vector<16xi32>, vector<16xi32>], vector<16xf32>,
        %gather3A_878 = tpu.vector_load_idx %arg19[%add3A_313, %broadcast_in_dim3A_876] : memref<80x64xf32, #tpu.memory_space<vmem>>[vector<16xi32>, vector<16xi32>], vector<16xf32>,
        %mul3A_879 = arith.mulf %gather3A_877, %gather3A_878 : vector<16xf32>
        %add3A_880 = arith.addf %add3A_874, %mul3A_879 : vector<16xf32>
        %broadcast_in_dim3A_881 = arith.constant 59 : i32
        %broadcast_in_dim3A_882 = vector.broadcast %broadcast_in_dim3A_881 : i32 to vector<16xi32>
        %gather3A_883 = tpu.vector_load_idx %arg17[%add3A_313, %broadcast_in_dim3A_882] : memref<80x64xf32, #tpu.memory_space<vmem>>[vector<16xi32>, vector<16xi32>], vector<16xf32>,
        %gather3A_884 = tpu.vector_load_idx %arg19[%add3A_313, %broadcast_in_dim3A_882] : memref<80x64xf32, #tpu.memory_space<vmem>>[vector<16xi32>, vector<16xi32>], vector<16xf32>,
        %mul3A_885 = arith.mulf %gather3A_883, %gather3A_884 : vector<16xf32>
        %add3A_886 = arith.addf %add3A_880, %mul3A_885 : vector<16xf32>
        %broadcast_in_dim3A_887 = arith.constant 60 : i32
        %broadcast_in_dim3A_888 = vector.broadcast %broadcast_in_dim3A_887 : i32 to vector<16xi32>
        %gather3A_889 = tpu.vector_load_idx %arg17[%add3A_313, %broadcast_in_dim3A_888] : memref<80x64xf32, #tpu.memory_space<vmem>>[vector<16xi32>, vector<16xi32>], vector<16xf32>,
        %gather3A_890 = tpu.vector_load_idx %arg19[%add3A_313, %broadcast_in_dim3A_888] : memref<80x64xf32, #tpu.memory_space<vmem>>[vector<16xi32>, vector<16xi32>], vector<16xf32>,
        %mul3A_891 = arith.mulf %gather3A_889, %gather3A_890 : vector<16xf32>
        %add3A_892 = arith.addf %add3A_886, %mul3A_891 : vector<16xf32>
        %broadcast_in_dim3A_893 = arith.constant 61 : i32
        %broadcast_in_dim3A_894 = vector.broadcast %broadcast_in_dim3A_893 : i32 to vector<16xi32>
        %gather3A_895 = tpu.vector_load_idx %arg17[%add3A_313, %broadcast_in_dim3A_894] : memref<80x64xf32, #tpu.memory_space<vmem>>[vector<16xi32>, vector<16xi32>], vector<16xf32>,
        %gather3A_896 = tpu.vector_load_idx %arg19[%add3A_313, %broadcast_in_dim3A_894] : memref<80x64xf32, #tpu.memory_space<vmem>>[vector<16xi32>, vector<16xi32>], vector<16xf32>,
        %mul3A_897 = arith.mulf %gather3A_895, %gather3A_896 : vector<16xf32>
        %add3A_898 = arith.addf %add3A_892, %mul3A_897 : vector<16xf32>
        %broadcast_in_dim3A_899 = arith.constant 62 : i32
        %broadcast_in_dim3A_900 = vector.broadcast %broadcast_in_dim3A_899 : i32 to vector<16xi32>
        %gather3A_901 = tpu.vector_load_idx %arg17[%add3A_313, %broadcast_in_dim3A_900] : memref<80x64xf32, #tpu.memory_space<vmem>>[vector<16xi32>, vector<16xi32>], vector<16xf32>,
        %gather3A_902 = tpu.vector_load_idx %arg19[%add3A_313, %broadcast_in_dim3A_900] : memref<80x64xf32, #tpu.memory_space<vmem>>[vector<16xi32>, vector<16xi32>], vector<16xf32>,
        %mul3A_903 = arith.mulf %gather3A_901, %gather3A_902 : vector<16xf32>
        %add3A_904 = arith.addf %add3A_898, %mul3A_903 : vector<16xf32>
        %broadcast_in_dim3A_905 = arith.constant 63 : i32
        %broadcast_in_dim3A_906 = vector.broadcast %broadcast_in_dim3A_905 : i32 to vector<16xi32>
        %gather3A_907 = tpu.vector_load_idx %arg17[%add3A_313, %broadcast_in_dim3A_906] : memref<80x64xf32, #tpu.memory_space<vmem>>[vector<16xi32>, vector<16xi32>], vector<16xf32>,
        %gather3A_908 = tpu.vector_load_idx %arg19[%add3A_313, %broadcast_in_dim3A_906] : memref<80x64xf32, #tpu.memory_space<vmem>>[vector<16xi32>, vector<16xi32>], vector<16xf32>,
        %mul3A_909 = arith.mulf %gather3A_907, %gather3A_908 : vector<16xf32>
        %add3A_910 = arith.addf %add3A_904, %mul3A_909 : vector<16xf32>
        %mul3A_911 = vector.broadcast %scan3A_189 : f32 to vector<16xf32>
        %mul3A_912 = arith.mulf %add3A_910, %mul3A_911 : vector<16xf32>
        %exp3A_913 = math.exp %mul3A_912 : vector<16xf32>
        %broadcast_in_dim3A_914 = arith.constant 3 : i32
        %broadcast_in_dim3A_915 = vector.broadcast %broadcast_in_dim3A_914 : i32 to vector<16xi32>
        tpu.vector_store_idx %arg23[%add3A_313, %broadcast_in_dim3A_915], %exp3A_913 : memref<80x8xf32, #tpu.memory_space<vmem>>[vector<16xi32>, vector<16xi32>], vector<16xf32>,
        %broadcast_in_dim3A_916 = arith.constant 48 : i32
        %broadcast_in_dim3A_917 = vector.broadcast %broadcast_in_dim3A_916 : i32 to vector<16xi32>
        %gather3A_918 = tpu.vector_load_idx %arg21[%add3A_313, %broadcast_in_dim3A_917] : memref<80x64xf32, #tpu.memory_space<vmem>>[vector<16xi32>, vector<16xi32>], vector<16xf32>,
        %mul3A_919 = arith.mulf %gather3A_918, %exp3A_913 : vector<16xf32>
        tpu.vector_store_idx %arg21[%add3A_313, %broadcast_in_dim3A_917], %mul3A_919 : memref<80x64xf32, #tpu.memory_space<vmem>>[vector<16xi32>, vector<16xi32>], vector<16xf32>,
        %broadcast_in_dim3A_920 = arith.constant 49 : i32
        %broadcast_in_dim3A_921 = vector.broadcast %broadcast_in_dim3A_920 : i32 to vector<16xi32>
        %gather3A_922 = tpu.vector_load_idx %arg21[%add3A_313, %broadcast_in_dim3A_921] : memref<80x64xf32, #tpu.memory_space<vmem>>[vector<16xi32>, vector<16xi32>], vector<16xf32>,
        %mul3A_923 = arith.mulf %gather3A_922, %exp3A_913 : vector<16xf32>
        tpu.vector_store_idx %arg21[%add3A_313, %broadcast_in_dim3A_921], %mul3A_923 : memref<80x64xf32, #tpu.memory_space<vmem>>[vector<16xi32>, vector<16xi32>], vector<16xf32>,
        %broadcast_in_dim3A_924 = arith.constant 50 : i32
        %broadcast_in_dim3A_925 = vector.broadcast %broadcast_in_dim3A_924 : i32 to vector<16xi32>
        %gather3A_926 = tpu.vector_load_idx %arg21[%add3A_313, %broadcast_in_dim3A_925] : memref<80x64xf32, #tpu.memory_space<vmem>>[vector<16xi32>, vector<16xi32>], vector<16xf32>,
        %mul3A_927 = arith.mulf %gather3A_926, %exp3A_913 : vector<16xf32>
        tpu.vector_store_idx %arg21[%add3A_313, %broadcast_in_dim3A_925], %mul3A_927 : memref<80x64xf32, #tpu.memory_space<vmem>>[vector<16xi32>, vector<16xi32>], vector<16xf32>,
        %broadcast_in_dim3A_928 = arith.constant 51 : i32
        %broadcast_in_dim3A_929 = vector.broadcast %broadcast_in_dim3A_928 : i32 to vector<16xi32>
        %gather3A_930 = tpu.vector_load_idx %arg21[%add3A_313, %broadcast_in_dim3A_929] : memref<80x64xf32, #tpu.memory_space<vmem>>[vector<16xi32>, vector<16xi32>], vector<16xf32>,
        %mul3A_931 = arith.mulf %gather3A_930, %exp3A_913 : vector<16xf32>
        tpu.vector_store_idx %arg21[%add3A_313, %broadcast_in_dim3A_929], %mul3A_931 : memref<80x64xf32, #tpu.memory_space<vmem>>[vector<16xi32>, vector<16xi32>], vector<16xf32>,
        %broadcast_in_dim3A_932 = arith.constant 52 : i32
        %broadcast_in_dim3A_933 = vector.broadcast %broadcast_in_dim3A_932 : i32 to vector<16xi32>
        %gather3A_934 = tpu.vector_load_idx %arg21[%add3A_313, %broadcast_in_dim3A_933] : memref<80x64xf32, #tpu.memory_space<vmem>>[vector<16xi32>, vector<16xi32>], vector<16xf32>,
        %mul3A_935 = arith.mulf %gather3A_934, %exp3A_913 : vector<16xf32>
        tpu.vector_store_idx %arg21[%add3A_313, %broadcast_in_dim3A_933], %mul3A_935 : memref<80x64xf32, #tpu.memory_space<vmem>>[vector<16xi32>, vector<16xi32>], vector<16xf32>,
        %broadcast_in_dim3A_936 = arith.constant 53 : i32
        %broadcast_in_dim3A_937 = vector.broadcast %broadcast_in_dim3A_936 : i32 to vector<16xi32>
        %gather3A_938 = tpu.vector_load_idx %arg21[%add3A_313, %broadcast_in_dim3A_937] : memref<80x64xf32, #tpu.memory_space<vmem>>[vector<16xi32>, vector<16xi32>], vector<16xf32>,
        %mul3A_939 = arith.mulf %gather3A_938, %exp3A_913 : vector<16xf32>
        tpu.vector_store_idx %arg21[%add3A_313, %broadcast_in_dim3A_937], %mul3A_939 : memref<80x64xf32, #tpu.memory_space<vmem>>[vector<16xi32>, vector<16xi32>], vector<16xf32>,
        %broadcast_in_dim3A_940 = arith.constant 54 : i32
        %broadcast_in_dim3A_941 = vector.broadcast %broadcast_in_dim3A_940 : i32 to vector<16xi32>
        %gather3A_942 = tpu.vector_load_idx %arg21[%add3A_313, %broadcast_in_dim3A_941] : memref<80x64xf32, #tpu.memory_space<vmem>>[vector<16xi32>, vector<16xi32>], vector<16xf32>,
        %mul3A_943 = arith.mulf %gather3A_942, %exp3A_913 : vector<16xf32>
        tpu.vector_store_idx %arg21[%add3A_313, %broadcast_in_dim3A_941], %mul3A_943 : memref<80x64xf32, #tpu.memory_space<vmem>>[vector<16xi32>, vector<16xi32>], vector<16xf32>,
        %broadcast_in_dim3A_944 = arith.constant 55 : i32
        %broadcast_in_dim3A_945 = vector.broadcast %broadcast_in_dim3A_944 : i32 to vector<16xi32>
        %gather3A_946 = tpu.vector_load_idx %arg21[%add3A_313, %broadcast_in_dim3A_945] : memref<80x64xf32, #tpu.memory_space<vmem>>[vector<16xi32>, vector<16xi32>], vector<16xf32>,
        %mul3A_947 = arith.mulf %gather3A_946, %exp3A_913 : vector<16xf32>
        tpu.vector_store_idx %arg21[%add3A_313, %broadcast_in_dim3A_945], %mul3A_947 : memref<80x64xf32, #tpu.memory_space<vmem>>[vector<16xi32>, vector<16xi32>], vector<16xf32>,
        %broadcast_in_dim3A_948 = arith.constant 56 : i32
        %broadcast_in_dim3A_949 = vector.broadcast %broadcast_in_dim3A_948 : i32 to vector<16xi32>
        %gather3A_950 = tpu.vector_load_idx %arg21[%add3A_313, %broadcast_in_dim3A_949] : memref<80x64xf32, #tpu.memory_space<vmem>>[vector<16xi32>, vector<16xi32>], vector<16xf32>,
        %mul3A_951 = arith.mulf %gather3A_950, %exp3A_913 : vector<16xf32>
        tpu.vector_store_idx %arg21[%add3A_313, %broadcast_in_dim3A_949], %mul3A_951 : memref<80x64xf32, #tpu.memory_space<vmem>>[vector<16xi32>, vector<16xi32>], vector<16xf32>,
        %broadcast_in_dim3A_952 = arith.constant 57 : i32
        %broadcast_in_dim3A_953 = vector.broadcast %broadcast_in_dim3A_952 : i32 to vector<16xi32>
        %gather3A_954 = tpu.vector_load_idx %arg21[%add3A_313, %broadcast_in_dim3A_953] : memref<80x64xf32, #tpu.memory_space<vmem>>[vector<16xi32>, vector<16xi32>], vector<16xf32>,
        %mul3A_955 = arith.mulf %gather3A_954, %exp3A_913 : vector<16xf32>
        tpu.vector_store_idx %arg21[%add3A_313, %broadcast_in_dim3A_953], %mul3A_955 : memref<80x64xf32, #tpu.memory_space<vmem>>[vector<16xi32>, vector<16xi32>], vector<16xf32>,
        %broadcast_in_dim3A_956 = arith.constant 58 : i32
        %broadcast_in_dim3A_957 = vector.broadcast %broadcast_in_dim3A_956 : i32 to vector<16xi32>
        %gather3A_958 = tpu.vector_load_idx %arg21[%add3A_313, %broadcast_in_dim3A_957] : memref<80x64xf32, #tpu.memory_space<vmem>>[vector<16xi32>, vector<16xi32>], vector<16xf32>,
        %mul3A_959 = arith.mulf %gather3A_958, %exp3A_913 : vector<16xf32>
        tpu.vector_store_idx %arg21[%add3A_313, %broadcast_in_dim3A_957], %mul3A_959 : memref<80x64xf32, #tpu.memory_space<vmem>>[vector<16xi32>, vector<16xi32>], vector<16xf32>,
        %broadcast_in_dim3A_960 = arith.constant 59 : i32
        %broadcast_in_dim3A_961 = vector.broadcast %broadcast_in_dim3A_960 : i32 to vector<16xi32>
        %gather3A_962 = tpu.vector_load_idx %arg21[%add3A_313, %broadcast_in_dim3A_961] : memref<80x64xf32, #tpu.memory_space<vmem>>[vector<16xi32>, vector<16xi32>], vector<16xf32>,
        %mul3A_963 = arith.mulf %gather3A_962, %exp3A_913 : vector<16xf32>
        tpu.vector_store_idx %arg21[%add3A_313, %broadcast_in_dim3A_961], %mul3A_963 : memref<80x64xf32, #tpu.memory_space<vmem>>[vector<16xi32>, vector<16xi32>], vector<16xf32>,
        %broadcast_in_dim3A_964 = arith.constant 60 : i32
        %broadcast_in_dim3A_965 = vector.broadcast %broadcast_in_dim3A_964 : i32 to vector<16xi32>
        %gather3A_966 = tpu.vector_load_idx %arg21[%add3A_313, %broadcast_in_dim3A_965] : memref<80x64xf32, #tpu.memory_space<vmem>>[vector<16xi32>, vector<16xi32>], vector<16xf32>,
        %mul3A_967 = arith.mulf %gather3A_966, %exp3A_913 : vector<16xf32>
        tpu.vector_store_idx %arg21[%add3A_313, %broadcast_in_dim3A_965], %mul3A_967 : memref<80x64xf32, #tpu.memory_space<vmem>>[vector<16xi32>, vector<16xi32>], vector<16xf32>,
        %broadcast_in_dim3A_968 = arith.constant 61 : i32
        %broadcast_in_dim3A_969 = vector.broadcast %broadcast_in_dim3A_968 : i32 to vector<16xi32>
        %gather3A_970 = tpu.vector_load_idx %arg21[%add3A_313, %broadcast_in_dim3A_969] : memref<80x64xf32, #tpu.memory_space<vmem>>[vector<16xi32>, vector<16xi32>], vector<16xf32>,
        %mul3A_971 = arith.mulf %gather3A_970, %exp3A_913 : vector<16xf32>
        tpu.vector_store_idx %arg21[%add3A_313, %broadcast_in_dim3A_969], %mul3A_971 : memref<80x64xf32, #tpu.memory_space<vmem>>[vector<16xi32>, vector<16xi32>], vector<16xf32>,
        %broadcast_in_dim3A_972 = arith.constant 62 : i32
        %broadcast_in_dim3A_973 = vector.broadcast %broadcast_in_dim3A_972 : i32 to vector<16xi32>
        %gather3A_974 = tpu.vector_load_idx %arg21[%add3A_313, %broadcast_in_dim3A_973] : memref<80x64xf32, #tpu.memory_space<vmem>>[vector<16xi32>, vector<16xi32>], vector<16xf32>,
        %mul3A_975 = arith.mulf %gather3A_974, %exp3A_913 : vector<16xf32>
        tpu.vector_store_idx %arg21[%add3A_313, %broadcast_in_dim3A_973], %mul3A_975 : memref<80x64xf32, #tpu.memory_space<vmem>>[vector<16xi32>, vector<16xi32>], vector<16xf32>,
        %broadcast_in_dim3A_976 = arith.constant 63 : i32
        %broadcast_in_dim3A_977 = vector.broadcast %broadcast_in_dim3A_976 : i32 to vector<16xi32>
        %gather3A_978 = tpu.vector_load_idx %arg21[%add3A_313, %broadcast_in_dim3A_977] : memref<80x64xf32, #tpu.memory_space<vmem>>[vector<16xi32>, vector<16xi32>], vector<16xf32>,
        %mul3A_979 = arith.mulf %gather3A_978, %exp3A_913 : vector<16xf32>
        tpu.vector_store_idx %arg21[%add3A_313, %broadcast_in_dim3A_977], %mul3A_979 : memref<80x64xf32, #tpu.memory_space<vmem>>[vector<16xi32>, vector<16xi32>], vector<16xf32>,
        %scan3A_980 = arith.constant 0 : i32
        scf.yield %scan3A_980 : i32
      }
      %scan3A_250 = arith.constant 5 : i32
      %ge3A = arith.constant 1 : i32
      %ge3A_251 = arith.cmpi sge, %mul3A_230, %ge3A : i32
      %convert_element_type3A = arith.extui %ge3A_251 : i1 to i32
      %cond3A = arith.constant 0 : i32
      %cond3A_252 = arith.cmpi ne, %convert_element_type3A, %cond3A : i32
      scf.if %cond3A_252 {
        %dma_wait3A_308 = arith.constant 0 : i32
        %dma_wait3A_309 = arith.constant 0 : i32
        %dma_wait3A_310 = tpu.memref_slice %arg38[%dma_wait3A_308, %dma_wait3A_309] : memref<10112x8xf32, #tpu.memory_space<vmem_shared>> -> memref<10112x8xf32, #tpu.memory_space<vmem_shared>>
        tpu.wait_indirect_dma semaphore(%arg33 : memref<!tpu.dma_semaphore, #tpu.memory_space<semaphore_mem>>) src(%arg24 : memref<80x8xf32, #tpu.memory_space<vmem>>) dst(%dma_wait3A_310 : memref<10112x8xf32, #tpu.memory_space<vmem_shared>>)
        %dma_wait3A_311 = arith.constant 0 : i32
        %dma_wait3A_312 = arith.constant 0 : i32
        %dma_wait3A_313 = tpu.memref_slice %arg37[%dma_wait3A_311, %dma_wait3A_312] : memref<10112x64xf32, #tpu.memory_space<vmem_shared>> -> memref<10112x64xf32, #tpu.memory_space<vmem_shared>>
        tpu.wait_indirect_dma semaphore(%arg34 : memref<!tpu.dma_semaphore, #tpu.memory_space<semaphore_mem>>) src(%arg22 : memref<80x64xf32, #tpu.memory_space<vmem>>) dst(%dma_wait3A_313 : memref<10112x64xf32, #tpu.memory_space<vmem_shared>>)
      } else {
      }
      %add3A_253 = arith.constant 1 : i32
      %add3A_254 = arith.addi %mul3A_230, %add3A_253 : i32
      %lt3A = arith.constant 250 : i32
      %lt3A_255 = arith.cmpi slt, %add3A_254, %lt3A : i32
      %convert_element_type3A_256 = arith.extui %lt3A_255 : i1 to i32
      %cond3A_257 = arith.constant 0 : i32
      %cond3A_258 = arith.cmpi ne, %convert_element_type3A_256, %cond3A_257 : i32
      scf.if %cond3A_258 {
        %add3A_308 = arith.constant 1 : i32
        %add3A_309 = arith.addi %mul3A_230, %add3A_308 : i32
        %mul3A_310 = arith.constant 80 : i32
        %mul3A_311 = arith.muli %add3A_309, %mul3A_310 : i32
        %add3A_312 = arith.constant 0 : i32
        %add3A_313 = arith.addi %mul3A_311, %add3A_312 : i32
        %get3A_314 = arith.index_cast %add3A_313 : i32 to index
        %get3A_315 = tpu.vector_load %arg12[%get3A_314] {strides = array<i32>} : memref<20000xi32, #tpu.memory_space<vmem>>, vector<16xi32>,
        %swap3A_316 = arith.constant 0 : index
        %swap3A_317 = tpu.vector_load %arg14[%swap3A_316] {strides = array<i32>} : memref<80xi32, #tpu.memory_space<vmem>>, vector<16xi32>,
        tpu.vector_store %arg14[%swap3A_316], %get3A_315 {strides = array<i32>} : memref<80xi32, #tpu.memory_space<vmem>>, vector<16xi32>,
        %add3A_318 = arith.addi %get3A_315, %broadcast_in_dim3A : vector<16xi32>
        %swap3A_319 = arith.constant 0 : index
        %swap3A_320 = tpu.vector_load %arg16[%swap3A_319] {strides = array<i32>} : memref<80xi32, #tpu.memory_space<vmem>>, vector<16xi32>,
        tpu.vector_store %arg16[%swap3A_319], %add3A_318 {strides = array<i32>} : memref<80xi32, #tpu.memory_space<vmem>>, vector<16xi32>,
        %mul3A_321 = arith.constant 80 : i32
        %mul3A_322 = arith.muli %add3A_309, %mul3A_321 : i32
        %add3A_323 = arith.constant 16 : i32
        %add3A_324 = arith.addi %mul3A_322, %add3A_323 : i32
        %get3A_325 = arith.index_cast %add3A_324 : i32 to index
        %get3A_326 = tpu.vector_load %arg12[%get3A_325] {strides = array<i32>} : memref<20000xi32, #tpu.memory_space<vmem>>, vector<16xi32>,
        %swap3A_327 = arith.constant 16 : index
        %swap3A_328 = tpu.vector_load %arg14[%swap3A_327] {strides = array<i32>} : memref<80xi32, #tpu.memory_space<vmem>>, vector<16xi32>,
        tpu.vector_store %arg14[%swap3A_327], %get3A_326 {strides = array<i32>} : memref<80xi32, #tpu.memory_space<vmem>>, vector<16xi32>,
        %add3A_329 = arith.addi %get3A_326, %broadcast_in_dim3A : vector<16xi32>
        %swap3A_330 = arith.constant 16 : index
        %swap3A_331 = tpu.vector_load %arg16[%swap3A_330] {strides = array<i32>} : memref<80xi32, #tpu.memory_space<vmem>>, vector<16xi32>,
        tpu.vector_store %arg16[%swap3A_330], %add3A_329 {strides = array<i32>} : memref<80xi32, #tpu.memory_space<vmem>>, vector<16xi32>,
        %mul3A_332 = arith.constant 80 : i32
        %mul3A_333 = arith.muli %add3A_309, %mul3A_332 : i32
        %add3A_334 = arith.constant 32 : i32
        %add3A_335 = arith.addi %mul3A_333, %add3A_334 : i32
        %get3A_336 = arith.index_cast %add3A_335 : i32 to index
        %get3A_337 = tpu.vector_load %arg12[%get3A_336] {strides = array<i32>} : memref<20000xi32, #tpu.memory_space<vmem>>, vector<16xi32>,
        %swap3A_338 = arith.constant 32 : index
        %swap3A_339 = tpu.vector_load %arg14[%swap3A_338] {strides = array<i32>} : memref<80xi32, #tpu.memory_space<vmem>>, vector<16xi32>,
        tpu.vector_store %arg14[%swap3A_338], %get3A_337 {strides = array<i32>} : memref<80xi32, #tpu.memory_space<vmem>>, vector<16xi32>,
        %add3A_340 = arith.addi %get3A_337, %broadcast_in_dim3A : vector<16xi32>
        %swap3A_341 = arith.constant 32 : index
        %swap3A_342 = tpu.vector_load %arg16[%swap3A_341] {strides = array<i32>} : memref<80xi32, #tpu.memory_space<vmem>>, vector<16xi32>,
        tpu.vector_store %arg16[%swap3A_341], %add3A_340 {strides = array<i32>} : memref<80xi32, #tpu.memory_space<vmem>>, vector<16xi32>,
        %mul3A_343 = arith.constant 80 : i32
        %mul3A_344 = arith.muli %add3A_309, %mul3A_343 : i32
        %add3A_345 = arith.constant 48 : i32
        %add3A_346 = arith.addi %mul3A_344, %add3A_345 : i32
        %get3A_347 = arith.index_cast %add3A_346 : i32 to index
        %get3A_348 = tpu.vector_load %arg12[%get3A_347] {strides = array<i32>} : memref<20000xi32, #tpu.memory_space<vmem>>, vector<16xi32>,
        %swap3A_349 = arith.constant 48 : index
        %swap3A_350 = tpu.vector_load %arg14[%swap3A_349] {strides = array<i32>} : memref<80xi32, #tpu.memory_space<vmem>>, vector<16xi32>,
        tpu.vector_store %arg14[%swap3A_349], %get3A_348 {strides = array<i32>} : memref<80xi32, #tpu.memory_space<vmem>>, vector<16xi32>,
        %add3A_351 = arith.addi %get3A_348, %broadcast_in_dim3A : vector<16xi32>
        %swap3A_352 = arith.constant 48 : index
        %swap3A_353 = tpu.vector_load %arg16[%swap3A_352] {strides = array<i32>} : memref<80xi32, #tpu.memory_space<vmem>>, vector<16xi32>,
        tpu.vector_store %arg16[%swap3A_352], %add3A_351 {strides = array<i32>} : memref<80xi32, #tpu.memory_space<vmem>>, vector<16xi32>,
        %mul3A_354 = arith.constant 80 : i32
        %mul3A_355 = arith.muli %add3A_309, %mul3A_354 : i32
        %add3A_356 = arith.constant 64 : i32
        %add3A_357 = arith.addi %mul3A_355, %add3A_356 : i32
        %get3A_358 = arith.index_cast %add3A_357 : i32 to index
        %get3A_359 = tpu.vector_load %arg12[%get3A_358] {strides = array<i32>} : memref<20000xi32, #tpu.memory_space<vmem>>, vector<16xi32>,
        %swap3A_360 = arith.constant 64 : index
        %swap3A_361 = tpu.vector_load %arg14[%swap3A_360] {strides = array<i32>} : memref<80xi32, #tpu.memory_space<vmem>>, vector<16xi32>,
        tpu.vector_store %arg14[%swap3A_360], %get3A_359 {strides = array<i32>} : memref<80xi32, #tpu.memory_space<vmem>>, vector<16xi32>,
        %add3A_362 = arith.addi %get3A_359, %broadcast_in_dim3A : vector<16xi32>
        %swap3A_363 = arith.constant 64 : index
        %swap3A_364 = tpu.vector_load %arg16[%swap3A_363] {strides = array<i32>} : memref<80xi32, #tpu.memory_space<vmem>>, vector<16xi32>,
        tpu.vector_store %arg16[%swap3A_363], %add3A_362 {strides = array<i32>} : memref<80xi32, #tpu.memory_space<vmem>>, vector<16xi32>,
        %add3A_365 = arith.constant 1 : i32
        %add3A_366 = arith.addi %mul3A_230, %add3A_365 : i32
        %mul3A_367 = arith.constant 80 : i32
        %mul3A_368 = arith.muli %add3A_366, %mul3A_367 : i32
        %dma_start3A_369 = tpu.memref_slice %arg11[%mul3A_368] : memref<20000xi32, #tpu.memory_space<vmem>> -> memref<80xi32, #tpu.memory_space<vmem>>
        %dma_start3A_370 = arith.constant 0 : i32
        %dma_start3A_371 = arith.constant 0 : i32
        %dma_start3A_372 = tpu.memref_slice %arg3[%dma_start3A_370, %dma_start3A_371] : memref<20000x64xf32, #tpu.memory_space<hbm>> -> memref<20000x64xf32, #tpu.memory_space<hbm>>
        tpu.enqueue_indirect_dma source(%dma_start3A_372 : memref<20000x64xf32, #tpu.memory_space<hbm>>) target(%arg18 : memref<80x64xf32, #tpu.memory_space<vmem>>) offsets(%dma_start3A_369 : memref<80xi32, #tpu.memory_space<vmem>>) semaphore(%arg28 : memref<!tpu.dma_semaphore, #tpu.memory_space<semaphore_mem>>)
        %dma_start3A_373 = arith.constant 0 : i32
        %dma_start3A_374 = arith.constant 0 : i32
        %dma_start3A_375 = tpu.memref_slice %arg2[%dma_start3A_373, %dma_start3A_374] : memref<20000x64xf32, #tpu.memory_space<hbm>> -> memref<20000x64xf32, #tpu.memory_space<hbm>>
        tpu.enqueue_indirect_dma source(%dma_start3A_375 : memref<20000x64xf32, #tpu.memory_space<hbm>>) target(%arg20 : memref<80x64xf32, #tpu.memory_space<vmem>>) offsets(%arg16 : memref<80xi32, #tpu.memory_space<vmem>>) semaphore(%arg29 : memref<!tpu.dma_semaphore, #tpu.memory_space<semaphore_mem>>)
        %dma_start3A_376 = tpu.memref_slice %arg11[%mul3A_368] : memref<20000xi32, #tpu.memory_space<vmem>> -> memref<80xi32, #tpu.memory_space<vmem>>
        %dma_start3A_377 = arith.constant 0 : i32
        %dma_start3A_378 = arith.constant 0 : i32
        %dma_start3A_379 = tpu.memref_slice %arg4[%dma_start3A_377, %dma_start3A_378] : memref<20000x64xf32, #tpu.memory_space<hbm>> -> memref<20000x64xf32, #tpu.memory_space<hbm>>
        tpu.enqueue_indirect_dma source(%dma_start3A_379 : memref<20000x64xf32, #tpu.memory_space<hbm>>) target(%arg22 : memref<80x64xf32, #tpu.memory_space<vmem>>) offsets(%dma_start3A_376 : memref<80xi32, #tpu.memory_space<vmem>>) semaphore(%arg30 : memref<!tpu.dma_semaphore, #tpu.memory_space<semaphore_mem>>)
      } else {
      }
      %dma_start3A_259 = arith.constant 0 : i32
      %dma_start3A_260 = arith.constant 0 : i32
      %dma_start3A_261 = tpu.memref_slice %arg38[%dma_start3A_259, %dma_start3A_260] : memref<10112x8xf32, #tpu.memory_space<vmem_shared>> -> memref<10112x8xf32, #tpu.memory_space<vmem_shared>>
      tpu.enqueue_indirect_dma source(%arg23 : memref<80x8xf32, #tpu.memory_space<vmem>>) target(%dma_start3A_261 : memref<10112x8xf32, #tpu.memory_space<vmem_shared>>) offsets(%arg13 : memref<80xi32, #tpu.memory_space<vmem>>) semaphore(%arg31 : memref<!tpu.dma_semaphore, #tpu.memory_space<semaphore_mem>>) {add = true}
      %dma_start3A_262 = arith.constant 0 : i32
      %dma_start3A_263 = arith.constant 0 : i32
      %dma_start3A_264 = tpu.memref_slice %arg37[%dma_start3A_262, %dma_start3A_263] : memref<10112x64xf32, #tpu.memory_space<vmem_shared>> -> memref<10112x64xf32, #tpu.memory_space<vmem_shared>>
      tpu.enqueue_indirect_dma source(%arg21 : memref<80x64xf32, #tpu.memory_space<vmem>>) target(%dma_start3A_264 : memref<10112x64xf32, #tpu.memory_space<vmem_shared>>) offsets(%arg13 : memref<80xi32, #tpu.memory_space<vmem>>) semaphore(%arg32 : memref<!tpu.dma_semaphore, #tpu.memory_space<semaphore_mem>>) {add = true}
      %mul3A_265 = arith.constant 2 : i32
      %mul3A_266 = arith.muli %mul3A_265, %scan3A_227 : i32
      %add3A_267 = arith.constant 1 : i32
      %add3A_268 = arith.addi %mul3A_266, %add3A_267 : i32
      %mul3A_269 = arith.constant 80 : i32
      %mul3A_270 = arith.muli %add3A_268, %mul3A_269 : i32
      %dma_wait3A_271 = tpu.memref_slice %arg11[%mul3A_270] : memref<20000xi32, #tpu.memory_space<vmem>> -> memref<80xi32, #tpu.memory_space<vmem>>
      %dma_wait3A_272 = arith.constant 0 : i32
      %dma_wait3A_273 = arith.constant 0 : i32
      %dma_wait3A_274 = tpu.memref_slice %arg3[%dma_wait3A_272, %dma_wait3A_273] : memref<20000x64xf32, #tpu.memory_space<hbm>> -> memref<20000x64xf32, #tpu.memory_space<hbm>>
      tpu.wait_indirect_dma semaphore(%arg28 : memref<!tpu.dma_semaphore, #tpu.memory_space<semaphore_mem>>) src(%dma_wait3A_274 : memref<20000x64xf32, #tpu.memory_space<hbm>>) dst(%arg18 : memref<80x64xf32, #tpu.memory_space<vmem>>)
      %dma_wait3A_275 = arith.constant 0 : i32
      %dma_wait3A_276 = arith.constant 0 : i32
      %dma_wait3A_277 = tpu.memref_slice %arg2[%dma_wait3A_275, %dma_wait3A_276] : memref<20000x64xf32, #tpu.memory_space<hbm>> -> memref<20000x64xf32, #tpu.memory_space<hbm>>
      tpu.wait_indirect_dma semaphore(%arg29 : memref<!tpu.dma_semaphore, #tpu.memory_space<semaphore_mem>>) src(%dma_wait3A_277 : memref<20000x64xf32, #tpu.memory_space<hbm>>) dst(%arg20 : memref<80x64xf32, #tpu.memory_space<vmem>>)
      %dma_wait3A_278 = tpu.memref_slice %arg11[%mul3A_270] : memref<20000xi32, #tpu.memory_space<vmem>> -> memref<80xi32, #tpu.memory_space<vmem>>
      %dma_wait3A_279 = arith.constant 0 : i32
      %dma_wait3A_280 = arith.constant 0 : i32
      %dma_wait3A_281 = tpu.memref_slice %arg4[%dma_wait3A_279, %dma_wait3A_280] : memref<20000x64xf32, #tpu.memory_space<hbm>> -> memref<20000x64xf32, #tpu.memory_space<hbm>>
      tpu.wait_indirect_dma semaphore(%arg30 : memref<!tpu.dma_semaphore, #tpu.memory_space<semaphore_mem>>) src(%dma_wait3A_281 : memref<20000x64xf32, #tpu.memory_space<hbm>>) dst(%arg22 : memref<80x64xf32, #tpu.memory_space<vmem>>)
      %scan3A_282 = arith.constant 0 : i32
      %scan3A_283 = arith.constant 0 : i32
      %scan3A_284 = arith.constant 5 : i32
      %scan3A_285 = arith.addi %scan3A_283, %scan3A_284 : i32
      %scan3A_286 = arith.constant 1 : i32
      %scan3A_287 = scf.for %scan3A_308 = %scan3A_283 to %scan3A_285 step %scan3A_286 iter_args(%scan3A_309 = %scan3A_282) -> (i32)  : i32 {
        %mul3A_310 = arith.constant 16 : i32
        %mul3A_311 = arith.muli %scan3A_308, %mul3A_310 : i32
        %add3A_312 = vector.broadcast %mul3A_311 : i32 to vector<16xi32>
        %add3A_313 = arith.addi %add3A_312, %iota3A : vector<16xi32>
        %broadcast_in_dim3A_314 = arith.constant 0.000000e+00 : f32
        %broadcast_in_dim3A_315 = vector.broadcast %broadcast_in_dim3A_314 : f32 to vector<16xf32>
        %broadcast_in_dim3A_316 = arith.constant 0 : i32
        %broadcast_in_dim3A_317 = vector.broadcast %broadcast_in_dim3A_316 : i32 to vector<16xi32>
        %gather3A = tpu.vector_load_idx %arg18[%add3A_313, %broadcast_in_dim3A_317] : memref<80x64xf32, #tpu.memory_space<vmem>>[vector<16xi32>, vector<16xi32>], vector<16xf32>,
        %gather3A_318 = tpu.vector_load_idx %arg20[%add3A_313, %broadcast_in_dim3A_317] : memref<80x64xf32, #tpu.memory_space<vmem>>[vector<16xi32>, vector<16xi32>], vector<16xf32>,
        %mul3A_319 = arith.mulf %gather3A, %gather3A_318 : vector<16xf32>
        %add3A_320 = arith.addf %broadcast_in_dim3A_315, %mul3A_319 : vector<16xf32>
        %broadcast_in_dim3A_321 = arith.constant 1 : i32
        %broadcast_in_dim3A_322 = vector.broadcast %broadcast_in_dim3A_321 : i32 to vector<16xi32>
        %gather3A_323 = tpu.vector_load_idx %arg18[%add3A_313, %broadcast_in_dim3A_322] : memref<80x64xf32, #tpu.memory_space<vmem>>[vector<16xi32>, vector<16xi32>], vector<16xf32>,
        %gather3A_324 = tpu.vector_load_idx %arg20[%add3A_313, %broadcast_in_dim3A_322] : memref<80x64xf32, #tpu.memory_space<vmem>>[vector<16xi32>, vector<16xi32>], vector<16xf32>,
        %mul3A_325 = arith.mulf %gather3A_323, %gather3A_324 : vector<16xf32>
        %add3A_326 = arith.addf %add3A_320, %mul3A_325 : vector<16xf32>
        %broadcast_in_dim3A_327 = arith.constant 2 : i32
        %broadcast_in_dim3A_328 = vector.broadcast %broadcast_in_dim3A_327 : i32 to vector<16xi32>
        %gather3A_329 = tpu.vector_load_idx %arg18[%add3A_313, %broadcast_in_dim3A_328] : memref<80x64xf32, #tpu.memory_space<vmem>>[vector<16xi32>, vector<16xi32>], vector<16xf32>,
        %gather3A_330 = tpu.vector_load_idx %arg20[%add3A_313, %broadcast_in_dim3A_328] : memref<80x64xf32, #tpu.memory_space<vmem>>[vector<16xi32>, vector<16xi32>], vector<16xf32>,
        %mul3A_331 = arith.mulf %gather3A_329, %gather3A_330 : vector<16xf32>
        %add3A_332 = arith.addf %add3A_326, %mul3A_331 : vector<16xf32>
        %broadcast_in_dim3A_333 = arith.constant 3 : i32
        %broadcast_in_dim3A_334 = vector.broadcast %broadcast_in_dim3A_333 : i32 to vector<16xi32>
        %gather3A_335 = tpu.vector_load_idx %arg18[%add3A_313, %broadcast_in_dim3A_334] : memref<80x64xf32, #tpu.memory_space<vmem>>[vector<16xi32>, vector<16xi32>], vector<16xf32>,
        %gather3A_336 = tpu.vector_load_idx %arg20[%add3A_313, %broadcast_in_dim3A_334] : memref<80x64xf32, #tpu.memory_space<vmem>>[vector<16xi32>, vector<16xi32>], vector<16xf32>,
        %mul3A_337 = arith.mulf %gather3A_335, %gather3A_336 : vector<16xf32>
        %add3A_338 = arith.addf %add3A_332, %mul3A_337 : vector<16xf32>
        %broadcast_in_dim3A_339 = arith.constant 4 : i32
        %broadcast_in_dim3A_340 = vector.broadcast %broadcast_in_dim3A_339 : i32 to vector<16xi32>
        %gather3A_341 = tpu.vector_load_idx %arg18[%add3A_313, %broadcast_in_dim3A_340] : memref<80x64xf32, #tpu.memory_space<vmem>>[vector<16xi32>, vector<16xi32>], vector<16xf32>,
        %gather3A_342 = tpu.vector_load_idx %arg20[%add3A_313, %broadcast_in_dim3A_340] : memref<80x64xf32, #tpu.memory_space<vmem>>[vector<16xi32>, vector<16xi32>], vector<16xf32>,
        %mul3A_343 = arith.mulf %gather3A_341, %gather3A_342 : vector<16xf32>
        %add3A_344 = arith.addf %add3A_338, %mul3A_343 : vector<16xf32>
        %broadcast_in_dim3A_345 = arith.constant 5 : i32
        %broadcast_in_dim3A_346 = vector.broadcast %broadcast_in_dim3A_345 : i32 to vector<16xi32>
        %gather3A_347 = tpu.vector_load_idx %arg18[%add3A_313, %broadcast_in_dim3A_346] : memref<80x64xf32, #tpu.memory_space<vmem>>[vector<16xi32>, vector<16xi32>], vector<16xf32>,
        %gather3A_348 = tpu.vector_load_idx %arg20[%add3A_313, %broadcast_in_dim3A_346] : memref<80x64xf32, #tpu.memory_space<vmem>>[vector<16xi32>, vector<16xi32>], vector<16xf32>,
        %mul3A_349 = arith.mulf %gather3A_347, %gather3A_348 : vector<16xf32>
        %add3A_350 = arith.addf %add3A_344, %mul3A_349 : vector<16xf32>
        %broadcast_in_dim3A_351 = arith.constant 6 : i32
        %broadcast_in_dim3A_352 = vector.broadcast %broadcast_in_dim3A_351 : i32 to vector<16xi32>
        %gather3A_353 = tpu.vector_load_idx %arg18[%add3A_313, %broadcast_in_dim3A_352] : memref<80x64xf32, #tpu.memory_space<vmem>>[vector<16xi32>, vector<16xi32>], vector<16xf32>,
        %gather3A_354 = tpu.vector_load_idx %arg20[%add3A_313, %broadcast_in_dim3A_352] : memref<80x64xf32, #tpu.memory_space<vmem>>[vector<16xi32>, vector<16xi32>], vector<16xf32>,
        %mul3A_355 = arith.mulf %gather3A_353, %gather3A_354 : vector<16xf32>
        %add3A_356 = arith.addf %add3A_350, %mul3A_355 : vector<16xf32>
        %broadcast_in_dim3A_357 = arith.constant 7 : i32
        %broadcast_in_dim3A_358 = vector.broadcast %broadcast_in_dim3A_357 : i32 to vector<16xi32>
        %gather3A_359 = tpu.vector_load_idx %arg18[%add3A_313, %broadcast_in_dim3A_358] : memref<80x64xf32, #tpu.memory_space<vmem>>[vector<16xi32>, vector<16xi32>], vector<16xf32>,
        %gather3A_360 = tpu.vector_load_idx %arg20[%add3A_313, %broadcast_in_dim3A_358] : memref<80x64xf32, #tpu.memory_space<vmem>>[vector<16xi32>, vector<16xi32>], vector<16xf32>,
        %mul3A_361 = arith.mulf %gather3A_359, %gather3A_360 : vector<16xf32>
        %add3A_362 = arith.addf %add3A_356, %mul3A_361 : vector<16xf32>
        %broadcast_in_dim3A_363 = arith.constant 8 : i32
        %broadcast_in_dim3A_364 = vector.broadcast %broadcast_in_dim3A_363 : i32 to vector<16xi32>
        %gather3A_365 = tpu.vector_load_idx %arg18[%add3A_313, %broadcast_in_dim3A_364] : memref<80x64xf32, #tpu.memory_space<vmem>>[vector<16xi32>, vector<16xi32>], vector<16xf32>,
        %gather3A_366 = tpu.vector_load_idx %arg20[%add3A_313, %broadcast_in_dim3A_364] : memref<80x64xf32, #tpu.memory_space<vmem>>[vector<16xi32>, vector<16xi32>], vector<16xf32>,
        %mul3A_367 = arith.mulf %gather3A_365, %gather3A_366 : vector<16xf32>
        %add3A_368 = arith.addf %add3A_362, %mul3A_367 : vector<16xf32>
        %broadcast_in_dim3A_369 = arith.constant 9 : i32
        %broadcast_in_dim3A_370 = vector.broadcast %broadcast_in_dim3A_369 : i32 to vector<16xi32>
        %gather3A_371 = tpu.vector_load_idx %arg18[%add3A_313, %broadcast_in_dim3A_370] : memref<80x64xf32, #tpu.memory_space<vmem>>[vector<16xi32>, vector<16xi32>], vector<16xf32>,
        %gather3A_372 = tpu.vector_load_idx %arg20[%add3A_313, %broadcast_in_dim3A_370] : memref<80x64xf32, #tpu.memory_space<vmem>>[vector<16xi32>, vector<16xi32>], vector<16xf32>,
        %mul3A_373 = arith.mulf %gather3A_371, %gather3A_372 : vector<16xf32>
        %add3A_374 = arith.addf %add3A_368, %mul3A_373 : vector<16xf32>
        %broadcast_in_dim3A_375 = arith.constant 10 : i32
        %broadcast_in_dim3A_376 = vector.broadcast %broadcast_in_dim3A_375 : i32 to vector<16xi32>
        %gather3A_377 = tpu.vector_load_idx %arg18[%add3A_313, %broadcast_in_dim3A_376] : memref<80x64xf32, #tpu.memory_space<vmem>>[vector<16xi32>, vector<16xi32>], vector<16xf32>,
        %gather3A_378 = tpu.vector_load_idx %arg20[%add3A_313, %broadcast_in_dim3A_376] : memref<80x64xf32, #tpu.memory_space<vmem>>[vector<16xi32>, vector<16xi32>], vector<16xf32>,
        %mul3A_379 = arith.mulf %gather3A_377, %gather3A_378 : vector<16xf32>
        %add3A_380 = arith.addf %add3A_374, %mul3A_379 : vector<16xf32>
        %broadcast_in_dim3A_381 = arith.constant 11 : i32
        %broadcast_in_dim3A_382 = vector.broadcast %broadcast_in_dim3A_381 : i32 to vector<16xi32>
        %gather3A_383 = tpu.vector_load_idx %arg18[%add3A_313, %broadcast_in_dim3A_382] : memref<80x64xf32, #tpu.memory_space<vmem>>[vector<16xi32>, vector<16xi32>], vector<16xf32>,
        %gather3A_384 = tpu.vector_load_idx %arg20[%add3A_313, %broadcast_in_dim3A_382] : memref<80x64xf32, #tpu.memory_space<vmem>>[vector<16xi32>, vector<16xi32>], vector<16xf32>,
        %mul3A_385 = arith.mulf %gather3A_383, %gather3A_384 : vector<16xf32>
        %add3A_386 = arith.addf %add3A_380, %mul3A_385 : vector<16xf32>
        %broadcast_in_dim3A_387 = arith.constant 12 : i32
        %broadcast_in_dim3A_388 = vector.broadcast %broadcast_in_dim3A_387 : i32 to vector<16xi32>
        %gather3A_389 = tpu.vector_load_idx %arg18[%add3A_313, %broadcast_in_dim3A_388] : memref<80x64xf32, #tpu.memory_space<vmem>>[vector<16xi32>, vector<16xi32>], vector<16xf32>,
        %gather3A_390 = tpu.vector_load_idx %arg20[%add3A_313, %broadcast_in_dim3A_388] : memref<80x64xf32, #tpu.memory_space<vmem>>[vector<16xi32>, vector<16xi32>], vector<16xf32>,
        %mul3A_391 = arith.mulf %gather3A_389, %gather3A_390 : vector<16xf32>
        %add3A_392 = arith.addf %add3A_386, %mul3A_391 : vector<16xf32>
        %broadcast_in_dim3A_393 = arith.constant 13 : i32
        %broadcast_in_dim3A_394 = vector.broadcast %broadcast_in_dim3A_393 : i32 to vector<16xi32>
        %gather3A_395 = tpu.vector_load_idx %arg18[%add3A_313, %broadcast_in_dim3A_394] : memref<80x64xf32, #tpu.memory_space<vmem>>[vector<16xi32>, vector<16xi32>], vector<16xf32>,
        %gather3A_396 = tpu.vector_load_idx %arg20[%add3A_313, %broadcast_in_dim3A_394] : memref<80x64xf32, #tpu.memory_space<vmem>>[vector<16xi32>, vector<16xi32>], vector<16xf32>,
        %mul3A_397 = arith.mulf %gather3A_395, %gather3A_396 : vector<16xf32>
        %add3A_398 = arith.addf %add3A_392, %mul3A_397 : vector<16xf32>
        %broadcast_in_dim3A_399 = arith.constant 14 : i32
        %broadcast_in_dim3A_400 = vector.broadcast %broadcast_in_dim3A_399 : i32 to vector<16xi32>
        %gather3A_401 = tpu.vector_load_idx %arg18[%add3A_313, %broadcast_in_dim3A_400] : memref<80x64xf32, #tpu.memory_space<vmem>>[vector<16xi32>, vector<16xi32>], vector<16xf32>,
        %gather3A_402 = tpu.vector_load_idx %arg20[%add3A_313, %broadcast_in_dim3A_400] : memref<80x64xf32, #tpu.memory_space<vmem>>[vector<16xi32>, vector<16xi32>], vector<16xf32>,
        %mul3A_403 = arith.mulf %gather3A_401, %gather3A_402 : vector<16xf32>
        %add3A_404 = arith.addf %add3A_398, %mul3A_403 : vector<16xf32>
        %broadcast_in_dim3A_405 = arith.constant 15 : i32
        %broadcast_in_dim3A_406 = vector.broadcast %broadcast_in_dim3A_405 : i32 to vector<16xi32>
        %gather3A_407 = tpu.vector_load_idx %arg18[%add3A_313, %broadcast_in_dim3A_406] : memref<80x64xf32, #tpu.memory_space<vmem>>[vector<16xi32>, vector<16xi32>], vector<16xf32>,
        %gather3A_408 = tpu.vector_load_idx %arg20[%add3A_313, %broadcast_in_dim3A_406] : memref<80x64xf32, #tpu.memory_space<vmem>>[vector<16xi32>, vector<16xi32>], vector<16xf32>,
        %mul3A_409 = arith.mulf %gather3A_407, %gather3A_408 : vector<16xf32>
        %add3A_410 = arith.addf %add3A_404, %mul3A_409 : vector<16xf32>
        %mul3A_411 = vector.broadcast %scan3A_189 : f32 to vector<16xf32>
        %mul3A_412 = arith.mulf %add3A_410, %mul3A_411 : vector<16xf32>
        %exp3A = math.exp %mul3A_412 : vector<16xf32>
        %broadcast_in_dim3A_413 = arith.constant 0 : i32
        %broadcast_in_dim3A_414 = vector.broadcast %broadcast_in_dim3A_413 : i32 to vector<16xi32>
        tpu.vector_store_idx %arg24[%add3A_313, %broadcast_in_dim3A_414], %exp3A : memref<80x8xf32, #tpu.memory_space<vmem>>[vector<16xi32>, vector<16xi32>], vector<16xf32>,
        %broadcast_in_dim3A_415 = arith.constant 0 : i32
        %broadcast_in_dim3A_416 = vector.broadcast %broadcast_in_dim3A_415 : i32 to vector<16xi32>
        %gather3A_417 = tpu.vector_load_idx %arg22[%add3A_313, %broadcast_in_dim3A_416] : memref<80x64xf32, #tpu.memory_space<vmem>>[vector<16xi32>, vector<16xi32>], vector<16xf32>,
        %mul3A_418 = arith.mulf %gather3A_417, %exp3A : vector<16xf32>
        tpu.vector_store_idx %arg22[%add3A_313, %broadcast_in_dim3A_416], %mul3A_418 : memref<80x64xf32, #tpu.memory_space<vmem>>[vector<16xi32>, vector<16xi32>], vector<16xf32>,
        %broadcast_in_dim3A_419 = arith.constant 1 : i32
        %broadcast_in_dim3A_420 = vector.broadcast %broadcast_in_dim3A_419 : i32 to vector<16xi32>
        %gather3A_421 = tpu.vector_load_idx %arg22[%add3A_313, %broadcast_in_dim3A_420] : memref<80x64xf32, #tpu.memory_space<vmem>>[vector<16xi32>, vector<16xi32>], vector<16xf32>,
        %mul3A_422 = arith.mulf %gather3A_421, %exp3A : vector<16xf32>
        tpu.vector_store_idx %arg22[%add3A_313, %broadcast_in_dim3A_420], %mul3A_422 : memref<80x64xf32, #tpu.memory_space<vmem>>[vector<16xi32>, vector<16xi32>], vector<16xf32>,
        %broadcast_in_dim3A_423 = arith.constant 2 : i32
        %broadcast_in_dim3A_424 = vector.broadcast %broadcast_in_dim3A_423 : i32 to vector<16xi32>
        %gather3A_425 = tpu.vector_load_idx %arg22[%add3A_313, %broadcast_in_dim3A_424] : memref<80x64xf32, #tpu.memory_space<vmem>>[vector<16xi32>, vector<16xi32>], vector<16xf32>,
        %mul3A_426 = arith.mulf %gather3A_425, %exp3A : vector<16xf32>
        tpu.vector_store_idx %arg22[%add3A_313, %broadcast_in_dim3A_424], %mul3A_426 : memref<80x64xf32, #tpu.memory_space<vmem>>[vector<16xi32>, vector<16xi32>], vector<16xf32>,
        %broadcast_in_dim3A_427 = arith.constant 3 : i32
        %broadcast_in_dim3A_428 = vector.broadcast %broadcast_in_dim3A_427 : i32 to vector<16xi32>
        %gather3A_429 = tpu.vector_load_idx %arg22[%add3A_313, %broadcast_in_dim3A_428] : memref<80x64xf32, #tpu.memory_space<vmem>>[vector<16xi32>, vector<16xi32>], vector<16xf32>,
        %mul3A_430 = arith.mulf %gather3A_429, %exp3A : vector<16xf32>
        tpu.vector_store_idx %arg22[%add3A_313, %broadcast_in_dim3A_428], %mul3A_430 : memref<80x64xf32, #tpu.memory_space<vmem>>[vector<16xi32>, vector<16xi32>], vector<16xf32>,
        %broadcast_in_dim3A_431 = arith.constant 4 : i32
        %broadcast_in_dim3A_432 = vector.broadcast %broadcast_in_dim3A_431 : i32 to vector<16xi32>
        %gather3A_433 = tpu.vector_load_idx %arg22[%add3A_313, %broadcast_in_dim3A_432] : memref<80x64xf32, #tpu.memory_space<vmem>>[vector<16xi32>, vector<16xi32>], vector<16xf32>,
        %mul3A_434 = arith.mulf %gather3A_433, %exp3A : vector<16xf32>
        tpu.vector_store_idx %arg22[%add3A_313, %broadcast_in_dim3A_432], %mul3A_434 : memref<80x64xf32, #tpu.memory_space<vmem>>[vector<16xi32>, vector<16xi32>], vector<16xf32>,
        %broadcast_in_dim3A_435 = arith.constant 5 : i32
        %broadcast_in_dim3A_436 = vector.broadcast %broadcast_in_dim3A_435 : i32 to vector<16xi32>
        %gather3A_437 = tpu.vector_load_idx %arg22[%add3A_313, %broadcast_in_dim3A_436] : memref<80x64xf32, #tpu.memory_space<vmem>>[vector<16xi32>, vector<16xi32>], vector<16xf32>,
        %mul3A_438 = arith.mulf %gather3A_437, %exp3A : vector<16xf32>
        tpu.vector_store_idx %arg22[%add3A_313, %broadcast_in_dim3A_436], %mul3A_438 : memref<80x64xf32, #tpu.memory_space<vmem>>[vector<16xi32>, vector<16xi32>], vector<16xf32>,
        %broadcast_in_dim3A_439 = arith.constant 6 : i32
        %broadcast_in_dim3A_440 = vector.broadcast %broadcast_in_dim3A_439 : i32 to vector<16xi32>
        %gather3A_441 = tpu.vector_load_idx %arg22[%add3A_313, %broadcast_in_dim3A_440] : memref<80x64xf32, #tpu.memory_space<vmem>>[vector<16xi32>, vector<16xi32>], vector<16xf32>,
        %mul3A_442 = arith.mulf %gather3A_441, %exp3A : vector<16xf32>
        tpu.vector_store_idx %arg22[%add3A_313, %broadcast_in_dim3A_440], %mul3A_442 : memref<80x64xf32, #tpu.memory_space<vmem>>[vector<16xi32>, vector<16xi32>], vector<16xf32>,
        %broadcast_in_dim3A_443 = arith.constant 7 : i32
        %broadcast_in_dim3A_444 = vector.broadcast %broadcast_in_dim3A_443 : i32 to vector<16xi32>
        %gather3A_445 = tpu.vector_load_idx %arg22[%add3A_313, %broadcast_in_dim3A_444] : memref<80x64xf32, #tpu.memory_space<vmem>>[vector<16xi32>, vector<16xi32>], vector<16xf32>,
        %mul3A_446 = arith.mulf %gather3A_445, %exp3A : vector<16xf32>
        tpu.vector_store_idx %arg22[%add3A_313, %broadcast_in_dim3A_444], %mul3A_446 : memref<80x64xf32, #tpu.memory_space<vmem>>[vector<16xi32>, vector<16xi32>], vector<16xf32>,
        %broadcast_in_dim3A_447 = arith.constant 8 : i32
        %broadcast_in_dim3A_448 = vector.broadcast %broadcast_in_dim3A_447 : i32 to vector<16xi32>
        %gather3A_449 = tpu.vector_load_idx %arg22[%add3A_313, %broadcast_in_dim3A_448] : memref<80x64xf32, #tpu.memory_space<vmem>>[vector<16xi32>, vector<16xi32>], vector<16xf32>,
        %mul3A_450 = arith.mulf %gather3A_449, %exp3A : vector<16xf32>
        tpu.vector_store_idx %arg22[%add3A_313, %broadcast_in_dim3A_448], %mul3A_450 : memref<80x64xf32, #tpu.memory_space<vmem>>[vector<16xi32>, vector<16xi32>], vector<16xf32>,
        %broadcast_in_dim3A_451 = arith.constant 9 : i32
        %broadcast_in_dim3A_452 = vector.broadcast %broadcast_in_dim3A_451 : i32 to vector<16xi32>
        %gather3A_453 = tpu.vector_load_idx %arg22[%add3A_313, %broadcast_in_dim3A_452] : memref<80x64xf32, #tpu.memory_space<vmem>>[vector<16xi32>, vector<16xi32>], vector<16xf32>,
        %mul3A_454 = arith.mulf %gather3A_453, %exp3A : vector<16xf32>
        tpu.vector_store_idx %arg22[%add3A_313, %broadcast_in_dim3A_452], %mul3A_454 : memref<80x64xf32, #tpu.memory_space<vmem>>[vector<16xi32>, vector<16xi32>], vector<16xf32>,
        %broadcast_in_dim3A_455 = arith.constant 10 : i32
        %broadcast_in_dim3A_456 = vector.broadcast %broadcast_in_dim3A_455 : i32 to vector<16xi32>
        %gather3A_457 = tpu.vector_load_idx %arg22[%add3A_313, %broadcast_in_dim3A_456] : memref<80x64xf32, #tpu.memory_space<vmem>>[vector<16xi32>, vector<16xi32>], vector<16xf32>,
        %mul3A_458 = arith.mulf %gather3A_457, %exp3A : vector<16xf32>
        tpu.vector_store_idx %arg22[%add3A_313, %broadcast_in_dim3A_456], %mul3A_458 : memref<80x64xf32, #tpu.memory_space<vmem>>[vector<16xi32>, vector<16xi32>], vector<16xf32>,
        %broadcast_in_dim3A_459 = arith.constant 11 : i32
        %broadcast_in_dim3A_460 = vector.broadcast %broadcast_in_dim3A_459 : i32 to vector<16xi32>
        %gather3A_461 = tpu.vector_load_idx %arg22[%add3A_313, %broadcast_in_dim3A_460] : memref<80x64xf32, #tpu.memory_space<vmem>>[vector<16xi32>, vector<16xi32>], vector<16xf32>,
        %mul3A_462 = arith.mulf %gather3A_461, %exp3A : vector<16xf32>
        tpu.vector_store_idx %arg22[%add3A_313, %broadcast_in_dim3A_460], %mul3A_462 : memref<80x64xf32, #tpu.memory_space<vmem>>[vector<16xi32>, vector<16xi32>], vector<16xf32>,
        %broadcast_in_dim3A_463 = arith.constant 12 : i32
        %broadcast_in_dim3A_464 = vector.broadcast %broadcast_in_dim3A_463 : i32 to vector<16xi32>
        %gather3A_465 = tpu.vector_load_idx %arg22[%add3A_313, %broadcast_in_dim3A_464] : memref<80x64xf32, #tpu.memory_space<vmem>>[vector<16xi32>, vector<16xi32>], vector<16xf32>,
        %mul3A_466 = arith.mulf %gather3A_465, %exp3A : vector<16xf32>
        tpu.vector_store_idx %arg22[%add3A_313, %broadcast_in_dim3A_464], %mul3A_466 : memref<80x64xf32, #tpu.memory_space<vmem>>[vector<16xi32>, vector<16xi32>], vector<16xf32>,
        %broadcast_in_dim3A_467 = arith.constant 13 : i32
        %broadcast_in_dim3A_468 = vector.broadcast %broadcast_in_dim3A_467 : i32 to vector<16xi32>
        %gather3A_469 = tpu.vector_load_idx %arg22[%add3A_313, %broadcast_in_dim3A_468] : memref<80x64xf32, #tpu.memory_space<vmem>>[vector<16xi32>, vector<16xi32>], vector<16xf32>,
        %mul3A_470 = arith.mulf %gather3A_469, %exp3A : vector<16xf32>
        tpu.vector_store_idx %arg22[%add3A_313, %broadcast_in_dim3A_468], %mul3A_470 : memref<80x64xf32, #tpu.memory_space<vmem>>[vector<16xi32>, vector<16xi32>], vector<16xf32>,
        %broadcast_in_dim3A_471 = arith.constant 14 : i32
        %broadcast_in_dim3A_472 = vector.broadcast %broadcast_in_dim3A_471 : i32 to vector<16xi32>
        %gather3A_473 = tpu.vector_load_idx %arg22[%add3A_313, %broadcast_in_dim3A_472] : memref<80x64xf32, #tpu.memory_space<vmem>>[vector<16xi32>, vector<16xi32>], vector<16xf32>,
        %mul3A_474 = arith.mulf %gather3A_473, %exp3A : vector<16xf32>
        tpu.vector_store_idx %arg22[%add3A_313, %broadcast_in_dim3A_472], %mul3A_474 : memref<80x64xf32, #tpu.memory_space<vmem>>[vector<16xi32>, vector<16xi32>], vector<16xf32>,
        %broadcast_in_dim3A_475 = arith.constant 15 : i32
        %broadcast_in_dim3A_476 = vector.broadcast %broadcast_in_dim3A_475 : i32 to vector<16xi32>
        %gather3A_477 = tpu.vector_load_idx %arg22[%add3A_313, %broadcast_in_dim3A_476] : memref<80x64xf32, #tpu.memory_space<vmem>>[vector<16xi32>, vector<16xi32>], vector<16xf32>,
        %mul3A_478 = arith.mulf %gather3A_477, %exp3A : vector<16xf32>
        tpu.vector_store_idx %arg22[%add3A_313, %broadcast_in_dim3A_476], %mul3A_478 : memref<80x64xf32, #tpu.memory_space<vmem>>[vector<16xi32>, vector<16xi32>], vector<16xf32>,
        %broadcast_in_dim3A_479 = arith.constant 0.000000e+00 : f32
        %broadcast_in_dim3A_480 = vector.broadcast %broadcast_in_dim3A_479 : f32 to vector<16xf32>
        %broadcast_in_dim3A_481 = arith.constant 16 : i32
        %broadcast_in_dim3A_482 = vector.broadcast %broadcast_in_dim3A_481 : i32 to vector<16xi32>
        %gather3A_483 = tpu.vector_load_idx %arg18[%add3A_313, %broadcast_in_dim3A_482] : memref<80x64xf32, #tpu.memory_space<vmem>>[vector<16xi32>, vector<16xi32>], vector<16xf32>,
        %gather3A_484 = tpu.vector_load_idx %arg20[%add3A_313, %broadcast_in_dim3A_482] : memref<80x64xf32, #tpu.memory_space<vmem>>[vector<16xi32>, vector<16xi32>], vector<16xf32>,
        %mul3A_485 = arith.mulf %gather3A_483, %gather3A_484 : vector<16xf32>
        %add3A_486 = arith.addf %broadcast_in_dim3A_480, %mul3A_485 : vector<16xf32>
        %broadcast_in_dim3A_487 = arith.constant 17 : i32
        %broadcast_in_dim3A_488 = vector.broadcast %broadcast_in_dim3A_487 : i32 to vector<16xi32>
        %gather3A_489 = tpu.vector_load_idx %arg18[%add3A_313, %broadcast_in_dim3A_488] : memref<80x64xf32, #tpu.memory_space<vmem>>[vector<16xi32>, vector<16xi32>], vector<16xf32>,
        %gather3A_490 = tpu.vector_load_idx %arg20[%add3A_313, %broadcast_in_dim3A_488] : memref<80x64xf32, #tpu.memory_space<vmem>>[vector<16xi32>, vector<16xi32>], vector<16xf32>,
        %mul3A_491 = arith.mulf %gather3A_489, %gather3A_490 : vector<16xf32>
        %add3A_492 = arith.addf %add3A_486, %mul3A_491 : vector<16xf32>
        %broadcast_in_dim3A_493 = arith.constant 18 : i32
        %broadcast_in_dim3A_494 = vector.broadcast %broadcast_in_dim3A_493 : i32 to vector<16xi32>
        %gather3A_495 = tpu.vector_load_idx %arg18[%add3A_313, %broadcast_in_dim3A_494] : memref<80x64xf32, #tpu.memory_space<vmem>>[vector<16xi32>, vector<16xi32>], vector<16xf32>,
        %gather3A_496 = tpu.vector_load_idx %arg20[%add3A_313, %broadcast_in_dim3A_494] : memref<80x64xf32, #tpu.memory_space<vmem>>[vector<16xi32>, vector<16xi32>], vector<16xf32>,
        %mul3A_497 = arith.mulf %gather3A_495, %gather3A_496 : vector<16xf32>
        %add3A_498 = arith.addf %add3A_492, %mul3A_497 : vector<16xf32>
        %broadcast_in_dim3A_499 = arith.constant 19 : i32
        %broadcast_in_dim3A_500 = vector.broadcast %broadcast_in_dim3A_499 : i32 to vector<16xi32>
        %gather3A_501 = tpu.vector_load_idx %arg18[%add3A_313, %broadcast_in_dim3A_500] : memref<80x64xf32, #tpu.memory_space<vmem>>[vector<16xi32>, vector<16xi32>], vector<16xf32>,
        %gather3A_502 = tpu.vector_load_idx %arg20[%add3A_313, %broadcast_in_dim3A_500] : memref<80x64xf32, #tpu.memory_space<vmem>>[vector<16xi32>, vector<16xi32>], vector<16xf32>,
        %mul3A_503 = arith.mulf %gather3A_501, %gather3A_502 : vector<16xf32>
        %add3A_504 = arith.addf %add3A_498, %mul3A_503 : vector<16xf32>
        %broadcast_in_dim3A_505 = arith.constant 20 : i32
        %broadcast_in_dim3A_506 = vector.broadcast %broadcast_in_dim3A_505 : i32 to vector<16xi32>
        %gather3A_507 = tpu.vector_load_idx %arg18[%add3A_313, %broadcast_in_dim3A_506] : memref<80x64xf32, #tpu.memory_space<vmem>>[vector<16xi32>, vector<16xi32>], vector<16xf32>,
        %gather3A_508 = tpu.vector_load_idx %arg20[%add3A_313, %broadcast_in_dim3A_506] : memref<80x64xf32, #tpu.memory_space<vmem>>[vector<16xi32>, vector<16xi32>], vector<16xf32>,
        %mul3A_509 = arith.mulf %gather3A_507, %gather3A_508 : vector<16xf32>
        %add3A_510 = arith.addf %add3A_504, %mul3A_509 : vector<16xf32>
        %broadcast_in_dim3A_511 = arith.constant 21 : i32
        %broadcast_in_dim3A_512 = vector.broadcast %broadcast_in_dim3A_511 : i32 to vector<16xi32>
        %gather3A_513 = tpu.vector_load_idx %arg18[%add3A_313, %broadcast_in_dim3A_512] : memref<80x64xf32, #tpu.memory_space<vmem>>[vector<16xi32>, vector<16xi32>], vector<16xf32>,
        %gather3A_514 = tpu.vector_load_idx %arg20[%add3A_313, %broadcast_in_dim3A_512] : memref<80x64xf32, #tpu.memory_space<vmem>>[vector<16xi32>, vector<16xi32>], vector<16xf32>,
        %mul3A_515 = arith.mulf %gather3A_513, %gather3A_514 : vector<16xf32>
        %add3A_516 = arith.addf %add3A_510, %mul3A_515 : vector<16xf32>
        %broadcast_in_dim3A_517 = arith.constant 22 : i32
        %broadcast_in_dim3A_518 = vector.broadcast %broadcast_in_dim3A_517 : i32 to vector<16xi32>
        %gather3A_519 = tpu.vector_load_idx %arg18[%add3A_313, %broadcast_in_dim3A_518] : memref<80x64xf32, #tpu.memory_space<vmem>>[vector<16xi32>, vector<16xi32>], vector<16xf32>,
        %gather3A_520 = tpu.vector_load_idx %arg20[%add3A_313, %broadcast_in_dim3A_518] : memref<80x64xf32, #tpu.memory_space<vmem>>[vector<16xi32>, vector<16xi32>], vector<16xf32>,
        %mul3A_521 = arith.mulf %gather3A_519, %gather3A_520 : vector<16xf32>
        %add3A_522 = arith.addf %add3A_516, %mul3A_521 : vector<16xf32>
        %broadcast_in_dim3A_523 = arith.constant 23 : i32
        %broadcast_in_dim3A_524 = vector.broadcast %broadcast_in_dim3A_523 : i32 to vector<16xi32>
        %gather3A_525 = tpu.vector_load_idx %arg18[%add3A_313, %broadcast_in_dim3A_524] : memref<80x64xf32, #tpu.memory_space<vmem>>[vector<16xi32>, vector<16xi32>], vector<16xf32>,
        %gather3A_526 = tpu.vector_load_idx %arg20[%add3A_313, %broadcast_in_dim3A_524] : memref<80x64xf32, #tpu.memory_space<vmem>>[vector<16xi32>, vector<16xi32>], vector<16xf32>,
        %mul3A_527 = arith.mulf %gather3A_525, %gather3A_526 : vector<16xf32>
        %add3A_528 = arith.addf %add3A_522, %mul3A_527 : vector<16xf32>
        %broadcast_in_dim3A_529 = arith.constant 24 : i32
        %broadcast_in_dim3A_530 = vector.broadcast %broadcast_in_dim3A_529 : i32 to vector<16xi32>
        %gather3A_531 = tpu.vector_load_idx %arg18[%add3A_313, %broadcast_in_dim3A_530] : memref<80x64xf32, #tpu.memory_space<vmem>>[vector<16xi32>, vector<16xi32>], vector<16xf32>,
        %gather3A_532 = tpu.vector_load_idx %arg20[%add3A_313, %broadcast_in_dim3A_530] : memref<80x64xf32, #tpu.memory_space<vmem>>[vector<16xi32>, vector<16xi32>], vector<16xf32>,
        %mul3A_533 = arith.mulf %gather3A_531, %gather3A_532 : vector<16xf32>
        %add3A_534 = arith.addf %add3A_528, %mul3A_533 : vector<16xf32>
        %broadcast_in_dim3A_535 = arith.constant 25 : i32
        %broadcast_in_dim3A_536 = vector.broadcast %broadcast_in_dim3A_535 : i32 to vector<16xi32>
        %gather3A_537 = tpu.vector_load_idx %arg18[%add3A_313, %broadcast_in_dim3A_536] : memref<80x64xf32, #tpu.memory_space<vmem>>[vector<16xi32>, vector<16xi32>], vector<16xf32>,
        %gather3A_538 = tpu.vector_load_idx %arg20[%add3A_313, %broadcast_in_dim3A_536] : memref<80x64xf32, #tpu.memory_space<vmem>>[vector<16xi32>, vector<16xi32>], vector<16xf32>,
        %mul3A_539 = arith.mulf %gather3A_537, %gather3A_538 : vector<16xf32>
        %add3A_540 = arith.addf %add3A_534, %mul3A_539 : vector<16xf32>
        %broadcast_in_dim3A_541 = arith.constant 26 : i32
        %broadcast_in_dim3A_542 = vector.broadcast %broadcast_in_dim3A_541 : i32 to vector<16xi32>
        %gather3A_543 = tpu.vector_load_idx %arg18[%add3A_313, %broadcast_in_dim3A_542] : memref<80x64xf32, #tpu.memory_space<vmem>>[vector<16xi32>, vector<16xi32>], vector<16xf32>,
        %gather3A_544 = tpu.vector_load_idx %arg20[%add3A_313, %broadcast_in_dim3A_542] : memref<80x64xf32, #tpu.memory_space<vmem>>[vector<16xi32>, vector<16xi32>], vector<16xf32>,
        %mul3A_545 = arith.mulf %gather3A_543, %gather3A_544 : vector<16xf32>
        %add3A_546 = arith.addf %add3A_540, %mul3A_545 : vector<16xf32>
        %broadcast_in_dim3A_547 = arith.constant 27 : i32
        %broadcast_in_dim3A_548 = vector.broadcast %broadcast_in_dim3A_547 : i32 to vector<16xi32>
        %gather3A_549 = tpu.vector_load_idx %arg18[%add3A_313, %broadcast_in_dim3A_548] : memref<80x64xf32, #tpu.memory_space<vmem>>[vector<16xi32>, vector<16xi32>], vector<16xf32>,
        %gather3A_550 = tpu.vector_load_idx %arg20[%add3A_313, %broadcast_in_dim3A_548] : memref<80x64xf32, #tpu.memory_space<vmem>>[vector<16xi32>, vector<16xi32>], vector<16xf32>,
        %mul3A_551 = arith.mulf %gather3A_549, %gather3A_550 : vector<16xf32>
        %add3A_552 = arith.addf %add3A_546, %mul3A_551 : vector<16xf32>
        %broadcast_in_dim3A_553 = arith.constant 28 : i32
        %broadcast_in_dim3A_554 = vector.broadcast %broadcast_in_dim3A_553 : i32 to vector<16xi32>
        %gather3A_555 = tpu.vector_load_idx %arg18[%add3A_313, %broadcast_in_dim3A_554] : memref<80x64xf32, #tpu.memory_space<vmem>>[vector<16xi32>, vector<16xi32>], vector<16xf32>,
        %gather3A_556 = tpu.vector_load_idx %arg20[%add3A_313, %broadcast_in_dim3A_554] : memref<80x64xf32, #tpu.memory_space<vmem>>[vector<16xi32>, vector<16xi32>], vector<16xf32>,
        %mul3A_557 = arith.mulf %gather3A_555, %gather3A_556 : vector<16xf32>
        %add3A_558 = arith.addf %add3A_552, %mul3A_557 : vector<16xf32>
        %broadcast_in_dim3A_559 = arith.constant 29 : i32
        %broadcast_in_dim3A_560 = vector.broadcast %broadcast_in_dim3A_559 : i32 to vector<16xi32>
        %gather3A_561 = tpu.vector_load_idx %arg18[%add3A_313, %broadcast_in_dim3A_560] : memref<80x64xf32, #tpu.memory_space<vmem>>[vector<16xi32>, vector<16xi32>], vector<16xf32>,
        %gather3A_562 = tpu.vector_load_idx %arg20[%add3A_313, %broadcast_in_dim3A_560] : memref<80x64xf32, #tpu.memory_space<vmem>>[vector<16xi32>, vector<16xi32>], vector<16xf32>,
        %mul3A_563 = arith.mulf %gather3A_561, %gather3A_562 : vector<16xf32>
        %add3A_564 = arith.addf %add3A_558, %mul3A_563 : vector<16xf32>
        %broadcast_in_dim3A_565 = arith.constant 30 : i32
        %broadcast_in_dim3A_566 = vector.broadcast %broadcast_in_dim3A_565 : i32 to vector<16xi32>
        %gather3A_567 = tpu.vector_load_idx %arg18[%add3A_313, %broadcast_in_dim3A_566] : memref<80x64xf32, #tpu.memory_space<vmem>>[vector<16xi32>, vector<16xi32>], vector<16xf32>,
        %gather3A_568 = tpu.vector_load_idx %arg20[%add3A_313, %broadcast_in_dim3A_566] : memref<80x64xf32, #tpu.memory_space<vmem>>[vector<16xi32>, vector<16xi32>], vector<16xf32>,
        %mul3A_569 = arith.mulf %gather3A_567, %gather3A_568 : vector<16xf32>
        %add3A_570 = arith.addf %add3A_564, %mul3A_569 : vector<16xf32>
        %broadcast_in_dim3A_571 = arith.constant 31 : i32
        %broadcast_in_dim3A_572 = vector.broadcast %broadcast_in_dim3A_571 : i32 to vector<16xi32>
        %gather3A_573 = tpu.vector_load_idx %arg18[%add3A_313, %broadcast_in_dim3A_572] : memref<80x64xf32, #tpu.memory_space<vmem>>[vector<16xi32>, vector<16xi32>], vector<16xf32>,
        %gather3A_574 = tpu.vector_load_idx %arg20[%add3A_313, %broadcast_in_dim3A_572] : memref<80x64xf32, #tpu.memory_space<vmem>>[vector<16xi32>, vector<16xi32>], vector<16xf32>,
        %mul3A_575 = arith.mulf %gather3A_573, %gather3A_574 : vector<16xf32>
        %add3A_576 = arith.addf %add3A_570, %mul3A_575 : vector<16xf32>
        %mul3A_577 = vector.broadcast %scan3A_189 : f32 to vector<16xf32>
        %mul3A_578 = arith.mulf %add3A_576, %mul3A_577 : vector<16xf32>
        %exp3A_579 = math.exp %mul3A_578 : vector<16xf32>
        %broadcast_in_dim3A_580 = arith.constant 1 : i32
        %broadcast_in_dim3A_581 = vector.broadcast %broadcast_in_dim3A_580 : i32 to vector<16xi32>
        tpu.vector_store_idx %arg24[%add3A_313, %broadcast_in_dim3A_581], %exp3A_579 : memref<80x8xf32, #tpu.memory_space<vmem>>[vector<16xi32>, vector<16xi32>], vector<16xf32>,
        %broadcast_in_dim3A_582 = arith.constant 16 : i32
        %broadcast_in_dim3A_583 = vector.broadcast %broadcast_in_dim3A_582 : i32 to vector<16xi32>
        %gather3A_584 = tpu.vector_load_idx %arg22[%add3A_313, %broadcast_in_dim3A_583] : memref<80x64xf32, #tpu.memory_space<vmem>>[vector<16xi32>, vector<16xi32>], vector<16xf32>,
        %mul3A_585 = arith.mulf %gather3A_584, %exp3A_579 : vector<16xf32>
        tpu.vector_store_idx %arg22[%add3A_313, %broadcast_in_dim3A_583], %mul3A_585 : memref<80x64xf32, #tpu.memory_space<vmem>>[vector<16xi32>, vector<16xi32>], vector<16xf32>,
        %broadcast_in_dim3A_586 = arith.constant 17 : i32
        %broadcast_in_dim3A_587 = vector.broadcast %broadcast_in_dim3A_586 : i32 to vector<16xi32>
        %gather3A_588 = tpu.vector_load_idx %arg22[%add3A_313, %broadcast_in_dim3A_587] : memref<80x64xf32, #tpu.memory_space<vmem>>[vector<16xi32>, vector<16xi32>], vector<16xf32>,
        %mul3A_589 = arith.mulf %gather3A_588, %exp3A_579 : vector<16xf32>
        tpu.vector_store_idx %arg22[%add3A_313, %broadcast_in_dim3A_587], %mul3A_589 : memref<80x64xf32, #tpu.memory_space<vmem>>[vector<16xi32>, vector<16xi32>], vector<16xf32>,
        %broadcast_in_dim3A_590 = arith.constant 18 : i32
        %broadcast_in_dim3A_591 = vector.broadcast %broadcast_in_dim3A_590 : i32 to vector<16xi32>
        %gather3A_592 = tpu.vector_load_idx %arg22[%add3A_313, %broadcast_in_dim3A_591] : memref<80x64xf32, #tpu.memory_space<vmem>>[vector<16xi32>, vector<16xi32>], vector<16xf32>,
        %mul3A_593 = arith.mulf %gather3A_592, %exp3A_579 : vector<16xf32>
        tpu.vector_store_idx %arg22[%add3A_313, %broadcast_in_dim3A_591], %mul3A_593 : memref<80x64xf32, #tpu.memory_space<vmem>>[vector<16xi32>, vector<16xi32>], vector<16xf32>,
        %broadcast_in_dim3A_594 = arith.constant 19 : i32
        %broadcast_in_dim3A_595 = vector.broadcast %broadcast_in_dim3A_594 : i32 to vector<16xi32>
        %gather3A_596 = tpu.vector_load_idx %arg22[%add3A_313, %broadcast_in_dim3A_595] : memref<80x64xf32, #tpu.memory_space<vmem>>[vector<16xi32>, vector<16xi32>], vector<16xf32>,
        %mul3A_597 = arith.mulf %gather3A_596, %exp3A_579 : vector<16xf32>
        tpu.vector_store_idx %arg22[%add3A_313, %broadcast_in_dim3A_595], %mul3A_597 : memref<80x64xf32, #tpu.memory_space<vmem>>[vector<16xi32>, vector<16xi32>], vector<16xf32>,
        %broadcast_in_dim3A_598 = arith.constant 20 : i32
        %broadcast_in_dim3A_599 = vector.broadcast %broadcast_in_dim3A_598 : i32 to vector<16xi32>
        %gather3A_600 = tpu.vector_load_idx %arg22[%add3A_313, %broadcast_in_dim3A_599] : memref<80x64xf32, #tpu.memory_space<vmem>>[vector<16xi32>, vector<16xi32>], vector<16xf32>,
        %mul3A_601 = arith.mulf %gather3A_600, %exp3A_579 : vector<16xf32>
        tpu.vector_store_idx %arg22[%add3A_313, %broadcast_in_dim3A_599], %mul3A_601 : memref<80x64xf32, #tpu.memory_space<vmem>>[vector<16xi32>, vector<16xi32>], vector<16xf32>,
        %broadcast_in_dim3A_602 = arith.constant 21 : i32
        %broadcast_in_dim3A_603 = vector.broadcast %broadcast_in_dim3A_602 : i32 to vector<16xi32>
        %gather3A_604 = tpu.vector_load_idx %arg22[%add3A_313, %broadcast_in_dim3A_603] : memref<80x64xf32, #tpu.memory_space<vmem>>[vector<16xi32>, vector<16xi32>], vector<16xf32>,
        %mul3A_605 = arith.mulf %gather3A_604, %exp3A_579 : vector<16xf32>
        tpu.vector_store_idx %arg22[%add3A_313, %broadcast_in_dim3A_603], %mul3A_605 : memref<80x64xf32, #tpu.memory_space<vmem>>[vector<16xi32>, vector<16xi32>], vector<16xf32>,
        %broadcast_in_dim3A_606 = arith.constant 22 : i32
        %broadcast_in_dim3A_607 = vector.broadcast %broadcast_in_dim3A_606 : i32 to vector<16xi32>
        %gather3A_608 = tpu.vector_load_idx %arg22[%add3A_313, %broadcast_in_dim3A_607] : memref<80x64xf32, #tpu.memory_space<vmem>>[vector<16xi32>, vector<16xi32>], vector<16xf32>,
        %mul3A_609 = arith.mulf %gather3A_608, %exp3A_579 : vector<16xf32>
        tpu.vector_store_idx %arg22[%add3A_313, %broadcast_in_dim3A_607], %mul3A_609 : memref<80x64xf32, #tpu.memory_space<vmem>>[vector<16xi32>, vector<16xi32>], vector<16xf32>,
        %broadcast_in_dim3A_610 = arith.constant 23 : i32
        %broadcast_in_dim3A_611 = vector.broadcast %broadcast_in_dim3A_610 : i32 to vector<16xi32>
        %gather3A_612 = tpu.vector_load_idx %arg22[%add3A_313, %broadcast_in_dim3A_611] : memref<80x64xf32, #tpu.memory_space<vmem>>[vector<16xi32>, vector<16xi32>], vector<16xf32>,
        %mul3A_613 = arith.mulf %gather3A_612, %exp3A_579 : vector<16xf32>
        tpu.vector_store_idx %arg22[%add3A_313, %broadcast_in_dim3A_611], %mul3A_613 : memref<80x64xf32, #tpu.memory_space<vmem>>[vector<16xi32>, vector<16xi32>], vector<16xf32>,
        %broadcast_in_dim3A_614 = arith.constant 24 : i32
        %broadcast_in_dim3A_615 = vector.broadcast %broadcast_in_dim3A_614 : i32 to vector<16xi32>
        %gather3A_616 = tpu.vector_load_idx %arg22[%add3A_313, %broadcast_in_dim3A_615] : memref<80x64xf32, #tpu.memory_space<vmem>>[vector<16xi32>, vector<16xi32>], vector<16xf32>,
        %mul3A_617 = arith.mulf %gather3A_616, %exp3A_579 : vector<16xf32>
        tpu.vector_store_idx %arg22[%add3A_313, %broadcast_in_dim3A_615], %mul3A_617 : memref<80x64xf32, #tpu.memory_space<vmem>>[vector<16xi32>, vector<16xi32>], vector<16xf32>,
        %broadcast_in_dim3A_618 = arith.constant 25 : i32
        %broadcast_in_dim3A_619 = vector.broadcast %broadcast_in_dim3A_618 : i32 to vector<16xi32>
        %gather3A_620 = tpu.vector_load_idx %arg22[%add3A_313, %broadcast_in_dim3A_619] : memref<80x64xf32, #tpu.memory_space<vmem>>[vector<16xi32>, vector<16xi32>], vector<16xf32>,
        %mul3A_621 = arith.mulf %gather3A_620, %exp3A_579 : vector<16xf32>
        tpu.vector_store_idx %arg22[%add3A_313, %broadcast_in_dim3A_619], %mul3A_621 : memref<80x64xf32, #tpu.memory_space<vmem>>[vector<16xi32>, vector<16xi32>], vector<16xf32>,
        %broadcast_in_dim3A_622 = arith.constant 26 : i32
        %broadcast_in_dim3A_623 = vector.broadcast %broadcast_in_dim3A_622 : i32 to vector<16xi32>
        %gather3A_624 = tpu.vector_load_idx %arg22[%add3A_313, %broadcast_in_dim3A_623] : memref<80x64xf32, #tpu.memory_space<vmem>>[vector<16xi32>, vector<16xi32>], vector<16xf32>,
        %mul3A_625 = arith.mulf %gather3A_624, %exp3A_579 : vector<16xf32>
        tpu.vector_store_idx %arg22[%add3A_313, %broadcast_in_dim3A_623], %mul3A_625 : memref<80x64xf32, #tpu.memory_space<vmem>>[vector<16xi32>, vector<16xi32>], vector<16xf32>,
        %broadcast_in_dim3A_626 = arith.constant 27 : i32
        %broadcast_in_dim3A_627 = vector.broadcast %broadcast_in_dim3A_626 : i32 to vector<16xi32>
        %gather3A_628 = tpu.vector_load_idx %arg22[%add3A_313, %broadcast_in_dim3A_627] : memref<80x64xf32, #tpu.memory_space<vmem>>[vector<16xi32>, vector<16xi32>], vector<16xf32>,
        %mul3A_629 = arith.mulf %gather3A_628, %exp3A_579 : vector<16xf32>
        tpu.vector_store_idx %arg22[%add3A_313, %broadcast_in_dim3A_627], %mul3A_629 : memref<80x64xf32, #tpu.memory_space<vmem>>[vector<16xi32>, vector<16xi32>], vector<16xf32>,
        %broadcast_in_dim3A_630 = arith.constant 28 : i32
        %broadcast_in_dim3A_631 = vector.broadcast %broadcast_in_dim3A_630 : i32 to vector<16xi32>
        %gather3A_632 = tpu.vector_load_idx %arg22[%add3A_313, %broadcast_in_dim3A_631] : memref<80x64xf32, #tpu.memory_space<vmem>>[vector<16xi32>, vector<16xi32>], vector<16xf32>,
        %mul3A_633 = arith.mulf %gather3A_632, %exp3A_579 : vector<16xf32>
        tpu.vector_store_idx %arg22[%add3A_313, %broadcast_in_dim3A_631], %mul3A_633 : memref<80x64xf32, #tpu.memory_space<vmem>>[vector<16xi32>, vector<16xi32>], vector<16xf32>,
        %broadcast_in_dim3A_634 = arith.constant 29 : i32
        %broadcast_in_dim3A_635 = vector.broadcast %broadcast_in_dim3A_634 : i32 to vector<16xi32>
        %gather3A_636 = tpu.vector_load_idx %arg22[%add3A_313, %broadcast_in_dim3A_635] : memref<80x64xf32, #tpu.memory_space<vmem>>[vector<16xi32>, vector<16xi32>], vector<16xf32>,
        %mul3A_637 = arith.mulf %gather3A_636, %exp3A_579 : vector<16xf32>
        tpu.vector_store_idx %arg22[%add3A_313, %broadcast_in_dim3A_635], %mul3A_637 : memref<80x64xf32, #tpu.memory_space<vmem>>[vector<16xi32>, vector<16xi32>], vector<16xf32>,
        %broadcast_in_dim3A_638 = arith.constant 30 : i32
        %broadcast_in_dim3A_639 = vector.broadcast %broadcast_in_dim3A_638 : i32 to vector<16xi32>
        %gather3A_640 = tpu.vector_load_idx %arg22[%add3A_313, %broadcast_in_dim3A_639] : memref<80x64xf32, #tpu.memory_space<vmem>>[vector<16xi32>, vector<16xi32>], vector<16xf32>,
        %mul3A_641 = arith.mulf %gather3A_640, %exp3A_579 : vector<16xf32>
        tpu.vector_store_idx %arg22[%add3A_313, %broadcast_in_dim3A_639], %mul3A_641 : memref<80x64xf32, #tpu.memory_space<vmem>>[vector<16xi32>, vector<16xi32>], vector<16xf32>,
        %broadcast_in_dim3A_642 = arith.constant 31 : i32
        %broadcast_in_dim3A_643 = vector.broadcast %broadcast_in_dim3A_642 : i32 to vector<16xi32>
        %gather3A_644 = tpu.vector_load_idx %arg22[%add3A_313, %broadcast_in_dim3A_643] : memref<80x64xf32, #tpu.memory_space<vmem>>[vector<16xi32>, vector<16xi32>], vector<16xf32>,
        %mul3A_645 = arith.mulf %gather3A_644, %exp3A_579 : vector<16xf32>
        tpu.vector_store_idx %arg22[%add3A_313, %broadcast_in_dim3A_643], %mul3A_645 : memref<80x64xf32, #tpu.memory_space<vmem>>[vector<16xi32>, vector<16xi32>], vector<16xf32>,
        %broadcast_in_dim3A_646 = arith.constant 0.000000e+00 : f32
        %broadcast_in_dim3A_647 = vector.broadcast %broadcast_in_dim3A_646 : f32 to vector<16xf32>
        %broadcast_in_dim3A_648 = arith.constant 32 : i32
        %broadcast_in_dim3A_649 = vector.broadcast %broadcast_in_dim3A_648 : i32 to vector<16xi32>
        %gather3A_650 = tpu.vector_load_idx %arg18[%add3A_313, %broadcast_in_dim3A_649] : memref<80x64xf32, #tpu.memory_space<vmem>>[vector<16xi32>, vector<16xi32>], vector<16xf32>,
        %gather3A_651 = tpu.vector_load_idx %arg20[%add3A_313, %broadcast_in_dim3A_649] : memref<80x64xf32, #tpu.memory_space<vmem>>[vector<16xi32>, vector<16xi32>], vector<16xf32>,
        %mul3A_652 = arith.mulf %gather3A_650, %gather3A_651 : vector<16xf32>
        %add3A_653 = arith.addf %broadcast_in_dim3A_647, %mul3A_652 : vector<16xf32>
        %broadcast_in_dim3A_654 = arith.constant 33 : i32
        %broadcast_in_dim3A_655 = vector.broadcast %broadcast_in_dim3A_654 : i32 to vector<16xi32>
        %gather3A_656 = tpu.vector_load_idx %arg18[%add3A_313, %broadcast_in_dim3A_655] : memref<80x64xf32, #tpu.memory_space<vmem>>[vector<16xi32>, vector<16xi32>], vector<16xf32>,
        %gather3A_657 = tpu.vector_load_idx %arg20[%add3A_313, %broadcast_in_dim3A_655] : memref<80x64xf32, #tpu.memory_space<vmem>>[vector<16xi32>, vector<16xi32>], vector<16xf32>,
        %mul3A_658 = arith.mulf %gather3A_656, %gather3A_657 : vector<16xf32>
        %add3A_659 = arith.addf %add3A_653, %mul3A_658 : vector<16xf32>
        %broadcast_in_dim3A_660 = arith.constant 34 : i32
        %broadcast_in_dim3A_661 = vector.broadcast %broadcast_in_dim3A_660 : i32 to vector<16xi32>
        %gather3A_662 = tpu.vector_load_idx %arg18[%add3A_313, %broadcast_in_dim3A_661] : memref<80x64xf32, #tpu.memory_space<vmem>>[vector<16xi32>, vector<16xi32>], vector<16xf32>,
        %gather3A_663 = tpu.vector_load_idx %arg20[%add3A_313, %broadcast_in_dim3A_661] : memref<80x64xf32, #tpu.memory_space<vmem>>[vector<16xi32>, vector<16xi32>], vector<16xf32>,
        %mul3A_664 = arith.mulf %gather3A_662, %gather3A_663 : vector<16xf32>
        %add3A_665 = arith.addf %add3A_659, %mul3A_664 : vector<16xf32>
        %broadcast_in_dim3A_666 = arith.constant 35 : i32
        %broadcast_in_dim3A_667 = vector.broadcast %broadcast_in_dim3A_666 : i32 to vector<16xi32>
        %gather3A_668 = tpu.vector_load_idx %arg18[%add3A_313, %broadcast_in_dim3A_667] : memref<80x64xf32, #tpu.memory_space<vmem>>[vector<16xi32>, vector<16xi32>], vector<16xf32>,
        %gather3A_669 = tpu.vector_load_idx %arg20[%add3A_313, %broadcast_in_dim3A_667] : memref<80x64xf32, #tpu.memory_space<vmem>>[vector<16xi32>, vector<16xi32>], vector<16xf32>,
        %mul3A_670 = arith.mulf %gather3A_668, %gather3A_669 : vector<16xf32>
        %add3A_671 = arith.addf %add3A_665, %mul3A_670 : vector<16xf32>
        %broadcast_in_dim3A_672 = arith.constant 36 : i32
        %broadcast_in_dim3A_673 = vector.broadcast %broadcast_in_dim3A_672 : i32 to vector<16xi32>
        %gather3A_674 = tpu.vector_load_idx %arg18[%add3A_313, %broadcast_in_dim3A_673] : memref<80x64xf32, #tpu.memory_space<vmem>>[vector<16xi32>, vector<16xi32>], vector<16xf32>,
        %gather3A_675 = tpu.vector_load_idx %arg20[%add3A_313, %broadcast_in_dim3A_673] : memref<80x64xf32, #tpu.memory_space<vmem>>[vector<16xi32>, vector<16xi32>], vector<16xf32>,
        %mul3A_676 = arith.mulf %gather3A_674, %gather3A_675 : vector<16xf32>
        %add3A_677 = arith.addf %add3A_671, %mul3A_676 : vector<16xf32>
        %broadcast_in_dim3A_678 = arith.constant 37 : i32
        %broadcast_in_dim3A_679 = vector.broadcast %broadcast_in_dim3A_678 : i32 to vector<16xi32>
        %gather3A_680 = tpu.vector_load_idx %arg18[%add3A_313, %broadcast_in_dim3A_679] : memref<80x64xf32, #tpu.memory_space<vmem>>[vector<16xi32>, vector<16xi32>], vector<16xf32>,
        %gather3A_681 = tpu.vector_load_idx %arg20[%add3A_313, %broadcast_in_dim3A_679] : memref<80x64xf32, #tpu.memory_space<vmem>>[vector<16xi32>, vector<16xi32>], vector<16xf32>,
        %mul3A_682 = arith.mulf %gather3A_680, %gather3A_681 : vector<16xf32>
        %add3A_683 = arith.addf %add3A_677, %mul3A_682 : vector<16xf32>
        %broadcast_in_dim3A_684 = arith.constant 38 : i32
        %broadcast_in_dim3A_685 = vector.broadcast %broadcast_in_dim3A_684 : i32 to vector<16xi32>
        %gather3A_686 = tpu.vector_load_idx %arg18[%add3A_313, %broadcast_in_dim3A_685] : memref<80x64xf32, #tpu.memory_space<vmem>>[vector<16xi32>, vector<16xi32>], vector<16xf32>,
        %gather3A_687 = tpu.vector_load_idx %arg20[%add3A_313, %broadcast_in_dim3A_685] : memref<80x64xf32, #tpu.memory_space<vmem>>[vector<16xi32>, vector<16xi32>], vector<16xf32>,
        %mul3A_688 = arith.mulf %gather3A_686, %gather3A_687 : vector<16xf32>
        %add3A_689 = arith.addf %add3A_683, %mul3A_688 : vector<16xf32>
        %broadcast_in_dim3A_690 = arith.constant 39 : i32
        %broadcast_in_dim3A_691 = vector.broadcast %broadcast_in_dim3A_690 : i32 to vector<16xi32>
        %gather3A_692 = tpu.vector_load_idx %arg18[%add3A_313, %broadcast_in_dim3A_691] : memref<80x64xf32, #tpu.memory_space<vmem>>[vector<16xi32>, vector<16xi32>], vector<16xf32>,
        %gather3A_693 = tpu.vector_load_idx %arg20[%add3A_313, %broadcast_in_dim3A_691] : memref<80x64xf32, #tpu.memory_space<vmem>>[vector<16xi32>, vector<16xi32>], vector<16xf32>,
        %mul3A_694 = arith.mulf %gather3A_692, %gather3A_693 : vector<16xf32>
        %add3A_695 = arith.addf %add3A_689, %mul3A_694 : vector<16xf32>
        %broadcast_in_dim3A_696 = arith.constant 40 : i32
        %broadcast_in_dim3A_697 = vector.broadcast %broadcast_in_dim3A_696 : i32 to vector<16xi32>
        %gather3A_698 = tpu.vector_load_idx %arg18[%add3A_313, %broadcast_in_dim3A_697] : memref<80x64xf32, #tpu.memory_space<vmem>>[vector<16xi32>, vector<16xi32>], vector<16xf32>,
        %gather3A_699 = tpu.vector_load_idx %arg20[%add3A_313, %broadcast_in_dim3A_697] : memref<80x64xf32, #tpu.memory_space<vmem>>[vector<16xi32>, vector<16xi32>], vector<16xf32>,
        %mul3A_700 = arith.mulf %gather3A_698, %gather3A_699 : vector<16xf32>
        %add3A_701 = arith.addf %add3A_695, %mul3A_700 : vector<16xf32>
        %broadcast_in_dim3A_702 = arith.constant 41 : i32
        %broadcast_in_dim3A_703 = vector.broadcast %broadcast_in_dim3A_702 : i32 to vector<16xi32>
        %gather3A_704 = tpu.vector_load_idx %arg18[%add3A_313, %broadcast_in_dim3A_703] : memref<80x64xf32, #tpu.memory_space<vmem>>[vector<16xi32>, vector<16xi32>], vector<16xf32>,
        %gather3A_705 = tpu.vector_load_idx %arg20[%add3A_313, %broadcast_in_dim3A_703] : memref<80x64xf32, #tpu.memory_space<vmem>>[vector<16xi32>, vector<16xi32>], vector<16xf32>,
        %mul3A_706 = arith.mulf %gather3A_704, %gather3A_705 : vector<16xf32>
        %add3A_707 = arith.addf %add3A_701, %mul3A_706 : vector<16xf32>
        %broadcast_in_dim3A_708 = arith.constant 42 : i32
        %broadcast_in_dim3A_709 = vector.broadcast %broadcast_in_dim3A_708 : i32 to vector<16xi32>
        %gather3A_710 = tpu.vector_load_idx %arg18[%add3A_313, %broadcast_in_dim3A_709] : memref<80x64xf32, #tpu.memory_space<vmem>>[vector<16xi32>, vector<16xi32>], vector<16xf32>,
        %gather3A_711 = tpu.vector_load_idx %arg20[%add3A_313, %broadcast_in_dim3A_709] : memref<80x64xf32, #tpu.memory_space<vmem>>[vector<16xi32>, vector<16xi32>], vector<16xf32>,
        %mul3A_712 = arith.mulf %gather3A_710, %gather3A_711 : vector<16xf32>
        %add3A_713 = arith.addf %add3A_707, %mul3A_712 : vector<16xf32>
        %broadcast_in_dim3A_714 = arith.constant 43 : i32
        %broadcast_in_dim3A_715 = vector.broadcast %broadcast_in_dim3A_714 : i32 to vector<16xi32>
        %gather3A_716 = tpu.vector_load_idx %arg18[%add3A_313, %broadcast_in_dim3A_715] : memref<80x64xf32, #tpu.memory_space<vmem>>[vector<16xi32>, vector<16xi32>], vector<16xf32>,
        %gather3A_717 = tpu.vector_load_idx %arg20[%add3A_313, %broadcast_in_dim3A_715] : memref<80x64xf32, #tpu.memory_space<vmem>>[vector<16xi32>, vector<16xi32>], vector<16xf32>,
        %mul3A_718 = arith.mulf %gather3A_716, %gather3A_717 : vector<16xf32>
        %add3A_719 = arith.addf %add3A_713, %mul3A_718 : vector<16xf32>
        %broadcast_in_dim3A_720 = arith.constant 44 : i32
        %broadcast_in_dim3A_721 = vector.broadcast %broadcast_in_dim3A_720 : i32 to vector<16xi32>
        %gather3A_722 = tpu.vector_load_idx %arg18[%add3A_313, %broadcast_in_dim3A_721] : memref<80x64xf32, #tpu.memory_space<vmem>>[vector<16xi32>, vector<16xi32>], vector<16xf32>,
        %gather3A_723 = tpu.vector_load_idx %arg20[%add3A_313, %broadcast_in_dim3A_721] : memref<80x64xf32, #tpu.memory_space<vmem>>[vector<16xi32>, vector<16xi32>], vector<16xf32>,
        %mul3A_724 = arith.mulf %gather3A_722, %gather3A_723 : vector<16xf32>
        %add3A_725 = arith.addf %add3A_719, %mul3A_724 : vector<16xf32>
        %broadcast_in_dim3A_726 = arith.constant 45 : i32
        %broadcast_in_dim3A_727 = vector.broadcast %broadcast_in_dim3A_726 : i32 to vector<16xi32>
        %gather3A_728 = tpu.vector_load_idx %arg18[%add3A_313, %broadcast_in_dim3A_727] : memref<80x64xf32, #tpu.memory_space<vmem>>[vector<16xi32>, vector<16xi32>], vector<16xf32>,
        %gather3A_729 = tpu.vector_load_idx %arg20[%add3A_313, %broadcast_in_dim3A_727] : memref<80x64xf32, #tpu.memory_space<vmem>>[vector<16xi32>, vector<16xi32>], vector<16xf32>,
        %mul3A_730 = arith.mulf %gather3A_728, %gather3A_729 : vector<16xf32>
        %add3A_731 = arith.addf %add3A_725, %mul3A_730 : vector<16xf32>
        %broadcast_in_dim3A_732 = arith.constant 46 : i32
        %broadcast_in_dim3A_733 = vector.broadcast %broadcast_in_dim3A_732 : i32 to vector<16xi32>
        %gather3A_734 = tpu.vector_load_idx %arg18[%add3A_313, %broadcast_in_dim3A_733] : memref<80x64xf32, #tpu.memory_space<vmem>>[vector<16xi32>, vector<16xi32>], vector<16xf32>,
        %gather3A_735 = tpu.vector_load_idx %arg20[%add3A_313, %broadcast_in_dim3A_733] : memref<80x64xf32, #tpu.memory_space<vmem>>[vector<16xi32>, vector<16xi32>], vector<16xf32>,
        %mul3A_736 = arith.mulf %gather3A_734, %gather3A_735 : vector<16xf32>
        %add3A_737 = arith.addf %add3A_731, %mul3A_736 : vector<16xf32>
        %broadcast_in_dim3A_738 = arith.constant 47 : i32
        %broadcast_in_dim3A_739 = vector.broadcast %broadcast_in_dim3A_738 : i32 to vector<16xi32>
        %gather3A_740 = tpu.vector_load_idx %arg18[%add3A_313, %broadcast_in_dim3A_739] : memref<80x64xf32, #tpu.memory_space<vmem>>[vector<16xi32>, vector<16xi32>], vector<16xf32>,
        %gather3A_741 = tpu.vector_load_idx %arg20[%add3A_313, %broadcast_in_dim3A_739] : memref<80x64xf32, #tpu.memory_space<vmem>>[vector<16xi32>, vector<16xi32>], vector<16xf32>,
        %mul3A_742 = arith.mulf %gather3A_740, %gather3A_741 : vector<16xf32>
        %add3A_743 = arith.addf %add3A_737, %mul3A_742 : vector<16xf32>
        %mul3A_744 = vector.broadcast %scan3A_189 : f32 to vector<16xf32>
        %mul3A_745 = arith.mulf %add3A_743, %mul3A_744 : vector<16xf32>
        %exp3A_746 = math.exp %mul3A_745 : vector<16xf32>
        %broadcast_in_dim3A_747 = arith.constant 2 : i32
        %broadcast_in_dim3A_748 = vector.broadcast %broadcast_in_dim3A_747 : i32 to vector<16xi32>
        tpu.vector_store_idx %arg24[%add3A_313, %broadcast_in_dim3A_748], %exp3A_746 : memref<80x8xf32, #tpu.memory_space<vmem>>[vector<16xi32>, vector<16xi32>], vector<16xf32>,
        %broadcast_in_dim3A_749 = arith.constant 32 : i32
        %broadcast_in_dim3A_750 = vector.broadcast %broadcast_in_dim3A_749 : i32 to vector<16xi32>
        %gather3A_751 = tpu.vector_load_idx %arg22[%add3A_313, %broadcast_in_dim3A_750] : memref<80x64xf32, #tpu.memory_space<vmem>>[vector<16xi32>, vector<16xi32>], vector<16xf32>,
        %mul3A_752 = arith.mulf %gather3A_751, %exp3A_746 : vector<16xf32>
        tpu.vector_store_idx %arg22[%add3A_313, %broadcast_in_dim3A_750], %mul3A_752 : memref<80x64xf32, #tpu.memory_space<vmem>>[vector<16xi32>, vector<16xi32>], vector<16xf32>,
        %broadcast_in_dim3A_753 = arith.constant 33 : i32
        %broadcast_in_dim3A_754 = vector.broadcast %broadcast_in_dim3A_753 : i32 to vector<16xi32>
        %gather3A_755 = tpu.vector_load_idx %arg22[%add3A_313, %broadcast_in_dim3A_754] : memref<80x64xf32, #tpu.memory_space<vmem>>[vector<16xi32>, vector<16xi32>], vector<16xf32>,
        %mul3A_756 = arith.mulf %gather3A_755, %exp3A_746 : vector<16xf32>
        tpu.vector_store_idx %arg22[%add3A_313, %broadcast_in_dim3A_754], %mul3A_756 : memref<80x64xf32, #tpu.memory_space<vmem>>[vector<16xi32>, vector<16xi32>], vector<16xf32>,
        %broadcast_in_dim3A_757 = arith.constant 34 : i32
        %broadcast_in_dim3A_758 = vector.broadcast %broadcast_in_dim3A_757 : i32 to vector<16xi32>
        %gather3A_759 = tpu.vector_load_idx %arg22[%add3A_313, %broadcast_in_dim3A_758] : memref<80x64xf32, #tpu.memory_space<vmem>>[vector<16xi32>, vector<16xi32>], vector<16xf32>,
        %mul3A_760 = arith.mulf %gather3A_759, %exp3A_746 : vector<16xf32>
        tpu.vector_store_idx %arg22[%add3A_313, %broadcast_in_dim3A_758], %mul3A_760 : memref<80x64xf32, #tpu.memory_space<vmem>>[vector<16xi32>, vector<16xi32>], vector<16xf32>,
        %broadcast_in_dim3A_761 = arith.constant 35 : i32
        %broadcast_in_dim3A_762 = vector.broadcast %broadcast_in_dim3A_761 : i32 to vector<16xi32>
        %gather3A_763 = tpu.vector_load_idx %arg22[%add3A_313, %broadcast_in_dim3A_762] : memref<80x64xf32, #tpu.memory_space<vmem>>[vector<16xi32>, vector<16xi32>], vector<16xf32>,
        %mul3A_764 = arith.mulf %gather3A_763, %exp3A_746 : vector<16xf32>
        tpu.vector_store_idx %arg22[%add3A_313, %broadcast_in_dim3A_762], %mul3A_764 : memref<80x64xf32, #tpu.memory_space<vmem>>[vector<16xi32>, vector<16xi32>], vector<16xf32>,
        %broadcast_in_dim3A_765 = arith.constant 36 : i32
        %broadcast_in_dim3A_766 = vector.broadcast %broadcast_in_dim3A_765 : i32 to vector<16xi32>
        %gather3A_767 = tpu.vector_load_idx %arg22[%add3A_313, %broadcast_in_dim3A_766] : memref<80x64xf32, #tpu.memory_space<vmem>>[vector<16xi32>, vector<16xi32>], vector<16xf32>,
        %mul3A_768 = arith.mulf %gather3A_767, %exp3A_746 : vector<16xf32>
        tpu.vector_store_idx %arg22[%add3A_313, %broadcast_in_dim3A_766], %mul3A_768 : memref<80x64xf32, #tpu.memory_space<vmem>>[vector<16xi32>, vector<16xi32>], vector<16xf32>,
        %broadcast_in_dim3A_769 = arith.constant 37 : i32
        %broadcast_in_dim3A_770 = vector.broadcast %broadcast_in_dim3A_769 : i32 to vector<16xi32>
        %gather3A_771 = tpu.vector_load_idx %arg22[%add3A_313, %broadcast_in_dim3A_770] : memref<80x64xf32, #tpu.memory_space<vmem>>[vector<16xi32>, vector<16xi32>], vector<16xf32>,
        %mul3A_772 = arith.mulf %gather3A_771, %exp3A_746 : vector<16xf32>
        tpu.vector_store_idx %arg22[%add3A_313, %broadcast_in_dim3A_770], %mul3A_772 : memref<80x64xf32, #tpu.memory_space<vmem>>[vector<16xi32>, vector<16xi32>], vector<16xf32>,
        %broadcast_in_dim3A_773 = arith.constant 38 : i32
        %broadcast_in_dim3A_774 = vector.broadcast %broadcast_in_dim3A_773 : i32 to vector<16xi32>
        %gather3A_775 = tpu.vector_load_idx %arg22[%add3A_313, %broadcast_in_dim3A_774] : memref<80x64xf32, #tpu.memory_space<vmem>>[vector<16xi32>, vector<16xi32>], vector<16xf32>,
        %mul3A_776 = arith.mulf %gather3A_775, %exp3A_746 : vector<16xf32>
        tpu.vector_store_idx %arg22[%add3A_313, %broadcast_in_dim3A_774], %mul3A_776 : memref<80x64xf32, #tpu.memory_space<vmem>>[vector<16xi32>, vector<16xi32>], vector<16xf32>,
        %broadcast_in_dim3A_777 = arith.constant 39 : i32
        %broadcast_in_dim3A_778 = vector.broadcast %broadcast_in_dim3A_777 : i32 to vector<16xi32>
        %gather3A_779 = tpu.vector_load_idx %arg22[%add3A_313, %broadcast_in_dim3A_778] : memref<80x64xf32, #tpu.memory_space<vmem>>[vector<16xi32>, vector<16xi32>], vector<16xf32>,
        %mul3A_780 = arith.mulf %gather3A_779, %exp3A_746 : vector<16xf32>
        tpu.vector_store_idx %arg22[%add3A_313, %broadcast_in_dim3A_778], %mul3A_780 : memref<80x64xf32, #tpu.memory_space<vmem>>[vector<16xi32>, vector<16xi32>], vector<16xf32>,
        %broadcast_in_dim3A_781 = arith.constant 40 : i32
        %broadcast_in_dim3A_782 = vector.broadcast %broadcast_in_dim3A_781 : i32 to vector<16xi32>
        %gather3A_783 = tpu.vector_load_idx %arg22[%add3A_313, %broadcast_in_dim3A_782] : memref<80x64xf32, #tpu.memory_space<vmem>>[vector<16xi32>, vector<16xi32>], vector<16xf32>,
        %mul3A_784 = arith.mulf %gather3A_783, %exp3A_746 : vector<16xf32>
        tpu.vector_store_idx %arg22[%add3A_313, %broadcast_in_dim3A_782], %mul3A_784 : memref<80x64xf32, #tpu.memory_space<vmem>>[vector<16xi32>, vector<16xi32>], vector<16xf32>,
        %broadcast_in_dim3A_785 = arith.constant 41 : i32
        %broadcast_in_dim3A_786 = vector.broadcast %broadcast_in_dim3A_785 : i32 to vector<16xi32>
        %gather3A_787 = tpu.vector_load_idx %arg22[%add3A_313, %broadcast_in_dim3A_786] : memref<80x64xf32, #tpu.memory_space<vmem>>[vector<16xi32>, vector<16xi32>], vector<16xf32>,
        %mul3A_788 = arith.mulf %gather3A_787, %exp3A_746 : vector<16xf32>
        tpu.vector_store_idx %arg22[%add3A_313, %broadcast_in_dim3A_786], %mul3A_788 : memref<80x64xf32, #tpu.memory_space<vmem>>[vector<16xi32>, vector<16xi32>], vector<16xf32>,
        %broadcast_in_dim3A_789 = arith.constant 42 : i32
        %broadcast_in_dim3A_790 = vector.broadcast %broadcast_in_dim3A_789 : i32 to vector<16xi32>
        %gather3A_791 = tpu.vector_load_idx %arg22[%add3A_313, %broadcast_in_dim3A_790] : memref<80x64xf32, #tpu.memory_space<vmem>>[vector<16xi32>, vector<16xi32>], vector<16xf32>,
        %mul3A_792 = arith.mulf %gather3A_791, %exp3A_746 : vector<16xf32>
        tpu.vector_store_idx %arg22[%add3A_313, %broadcast_in_dim3A_790], %mul3A_792 : memref<80x64xf32, #tpu.memory_space<vmem>>[vector<16xi32>, vector<16xi32>], vector<16xf32>,
        %broadcast_in_dim3A_793 = arith.constant 43 : i32
        %broadcast_in_dim3A_794 = vector.broadcast %broadcast_in_dim3A_793 : i32 to vector<16xi32>
        %gather3A_795 = tpu.vector_load_idx %arg22[%add3A_313, %broadcast_in_dim3A_794] : memref<80x64xf32, #tpu.memory_space<vmem>>[vector<16xi32>, vector<16xi32>], vector<16xf32>,
        %mul3A_796 = arith.mulf %gather3A_795, %exp3A_746 : vector<16xf32>
        tpu.vector_store_idx %arg22[%add3A_313, %broadcast_in_dim3A_794], %mul3A_796 : memref<80x64xf32, #tpu.memory_space<vmem>>[vector<16xi32>, vector<16xi32>], vector<16xf32>,
        %broadcast_in_dim3A_797 = arith.constant 44 : i32
        %broadcast_in_dim3A_798 = vector.broadcast %broadcast_in_dim3A_797 : i32 to vector<16xi32>
        %gather3A_799 = tpu.vector_load_idx %arg22[%add3A_313, %broadcast_in_dim3A_798] : memref<80x64xf32, #tpu.memory_space<vmem>>[vector<16xi32>, vector<16xi32>], vector<16xf32>,
        %mul3A_800 = arith.mulf %gather3A_799, %exp3A_746 : vector<16xf32>
        tpu.vector_store_idx %arg22[%add3A_313, %broadcast_in_dim3A_798], %mul3A_800 : memref<80x64xf32, #tpu.memory_space<vmem>>[vector<16xi32>, vector<16xi32>], vector<16xf32>,
        %broadcast_in_dim3A_801 = arith.constant 45 : i32
        %broadcast_in_dim3A_802 = vector.broadcast %broadcast_in_dim3A_801 : i32 to vector<16xi32>
        %gather3A_803 = tpu.vector_load_idx %arg22[%add3A_313, %broadcast_in_dim3A_802] : memref<80x64xf32, #tpu.memory_space<vmem>>[vector<16xi32>, vector<16xi32>], vector<16xf32>,
        %mul3A_804 = arith.mulf %gather3A_803, %exp3A_746 : vector<16xf32>
        tpu.vector_store_idx %arg22[%add3A_313, %broadcast_in_dim3A_802], %mul3A_804 : memref<80x64xf32, #tpu.memory_space<vmem>>[vector<16xi32>, vector<16xi32>], vector<16xf32>,
        %broadcast_in_dim3A_805 = arith.constant 46 : i32
        %broadcast_in_dim3A_806 = vector.broadcast %broadcast_in_dim3A_805 : i32 to vector<16xi32>
        %gather3A_807 = tpu.vector_load_idx %arg22[%add3A_313, %broadcast_in_dim3A_806] : memref<80x64xf32, #tpu.memory_space<vmem>>[vector<16xi32>, vector<16xi32>], vector<16xf32>,
        %mul3A_808 = arith.mulf %gather3A_807, %exp3A_746 : vector<16xf32>
        tpu.vector_store_idx %arg22[%add3A_313, %broadcast_in_dim3A_806], %mul3A_808 : memref<80x64xf32, #tpu.memory_space<vmem>>[vector<16xi32>, vector<16xi32>], vector<16xf32>,
        %broadcast_in_dim3A_809 = arith.constant 47 : i32
        %broadcast_in_dim3A_810 = vector.broadcast %broadcast_in_dim3A_809 : i32 to vector<16xi32>
        %gather3A_811 = tpu.vector_load_idx %arg22[%add3A_313, %broadcast_in_dim3A_810] : memref<80x64xf32, #tpu.memory_space<vmem>>[vector<16xi32>, vector<16xi32>], vector<16xf32>,
        %mul3A_812 = arith.mulf %gather3A_811, %exp3A_746 : vector<16xf32>
        tpu.vector_store_idx %arg22[%add3A_313, %broadcast_in_dim3A_810], %mul3A_812 : memref<80x64xf32, #tpu.memory_space<vmem>>[vector<16xi32>, vector<16xi32>], vector<16xf32>,
        %broadcast_in_dim3A_813 = arith.constant 0.000000e+00 : f32
        %broadcast_in_dim3A_814 = vector.broadcast %broadcast_in_dim3A_813 : f32 to vector<16xf32>
        %broadcast_in_dim3A_815 = arith.constant 48 : i32
        %broadcast_in_dim3A_816 = vector.broadcast %broadcast_in_dim3A_815 : i32 to vector<16xi32>
        %gather3A_817 = tpu.vector_load_idx %arg18[%add3A_313, %broadcast_in_dim3A_816] : memref<80x64xf32, #tpu.memory_space<vmem>>[vector<16xi32>, vector<16xi32>], vector<16xf32>,
        %gather3A_818 = tpu.vector_load_idx %arg20[%add3A_313, %broadcast_in_dim3A_816] : memref<80x64xf32, #tpu.memory_space<vmem>>[vector<16xi32>, vector<16xi32>], vector<16xf32>,
        %mul3A_819 = arith.mulf %gather3A_817, %gather3A_818 : vector<16xf32>
        %add3A_820 = arith.addf %broadcast_in_dim3A_814, %mul3A_819 : vector<16xf32>
        %broadcast_in_dim3A_821 = arith.constant 49 : i32
        %broadcast_in_dim3A_822 = vector.broadcast %broadcast_in_dim3A_821 : i32 to vector<16xi32>
        %gather3A_823 = tpu.vector_load_idx %arg18[%add3A_313, %broadcast_in_dim3A_822] : memref<80x64xf32, #tpu.memory_space<vmem>>[vector<16xi32>, vector<16xi32>], vector<16xf32>,
        %gather3A_824 = tpu.vector_load_idx %arg20[%add3A_313, %broadcast_in_dim3A_822] : memref<80x64xf32, #tpu.memory_space<vmem>>[vector<16xi32>, vector<16xi32>], vector<16xf32>,
        %mul3A_825 = arith.mulf %gather3A_823, %gather3A_824 : vector<16xf32>
        %add3A_826 = arith.addf %add3A_820, %mul3A_825 : vector<16xf32>
        %broadcast_in_dim3A_827 = arith.constant 50 : i32
        %broadcast_in_dim3A_828 = vector.broadcast %broadcast_in_dim3A_827 : i32 to vector<16xi32>
        %gather3A_829 = tpu.vector_load_idx %arg18[%add3A_313, %broadcast_in_dim3A_828] : memref<80x64xf32, #tpu.memory_space<vmem>>[vector<16xi32>, vector<16xi32>], vector<16xf32>,
        %gather3A_830 = tpu.vector_load_idx %arg20[%add3A_313, %broadcast_in_dim3A_828] : memref<80x64xf32, #tpu.memory_space<vmem>>[vector<16xi32>, vector<16xi32>], vector<16xf32>,
        %mul3A_831 = arith.mulf %gather3A_829, %gather3A_830 : vector<16xf32>
        %add3A_832 = arith.addf %add3A_826, %mul3A_831 : vector<16xf32>
        %broadcast_in_dim3A_833 = arith.constant 51 : i32
        %broadcast_in_dim3A_834 = vector.broadcast %broadcast_in_dim3A_833 : i32 to vector<16xi32>
        %gather3A_835 = tpu.vector_load_idx %arg18[%add3A_313, %broadcast_in_dim3A_834] : memref<80x64xf32, #tpu.memory_space<vmem>>[vector<16xi32>, vector<16xi32>], vector<16xf32>,
        %gather3A_836 = tpu.vector_load_idx %arg20[%add3A_313, %broadcast_in_dim3A_834] : memref<80x64xf32, #tpu.memory_space<vmem>>[vector<16xi32>, vector<16xi32>], vector<16xf32>,
        %mul3A_837 = arith.mulf %gather3A_835, %gather3A_836 : vector<16xf32>
        %add3A_838 = arith.addf %add3A_832, %mul3A_837 : vector<16xf32>
        %broadcast_in_dim3A_839 = arith.constant 52 : i32
        %broadcast_in_dim3A_840 = vector.broadcast %broadcast_in_dim3A_839 : i32 to vector<16xi32>
        %gather3A_841 = tpu.vector_load_idx %arg18[%add3A_313, %broadcast_in_dim3A_840] : memref<80x64xf32, #tpu.memory_space<vmem>>[vector<16xi32>, vector<16xi32>], vector<16xf32>,
        %gather3A_842 = tpu.vector_load_idx %arg20[%add3A_313, %broadcast_in_dim3A_840] : memref<80x64xf32, #tpu.memory_space<vmem>>[vector<16xi32>, vector<16xi32>], vector<16xf32>,
        %mul3A_843 = arith.mulf %gather3A_841, %gather3A_842 : vector<16xf32>
        %add3A_844 = arith.addf %add3A_838, %mul3A_843 : vector<16xf32>
        %broadcast_in_dim3A_845 = arith.constant 53 : i32
        %broadcast_in_dim3A_846 = vector.broadcast %broadcast_in_dim3A_845 : i32 to vector<16xi32>
        %gather3A_847 = tpu.vector_load_idx %arg18[%add3A_313, %broadcast_in_dim3A_846] : memref<80x64xf32, #tpu.memory_space<vmem>>[vector<16xi32>, vector<16xi32>], vector<16xf32>,
        %gather3A_848 = tpu.vector_load_idx %arg20[%add3A_313, %broadcast_in_dim3A_846] : memref<80x64xf32, #tpu.memory_space<vmem>>[vector<16xi32>, vector<16xi32>], vector<16xf32>,
        %mul3A_849 = arith.mulf %gather3A_847, %gather3A_848 : vector<16xf32>
        %add3A_850 = arith.addf %add3A_844, %mul3A_849 : vector<16xf32>
        %broadcast_in_dim3A_851 = arith.constant 54 : i32
        %broadcast_in_dim3A_852 = vector.broadcast %broadcast_in_dim3A_851 : i32 to vector<16xi32>
        %gather3A_853 = tpu.vector_load_idx %arg18[%add3A_313, %broadcast_in_dim3A_852] : memref<80x64xf32, #tpu.memory_space<vmem>>[vector<16xi32>, vector<16xi32>], vector<16xf32>,
        %gather3A_854 = tpu.vector_load_idx %arg20[%add3A_313, %broadcast_in_dim3A_852] : memref<80x64xf32, #tpu.memory_space<vmem>>[vector<16xi32>, vector<16xi32>], vector<16xf32>,
        %mul3A_855 = arith.mulf %gather3A_853, %gather3A_854 : vector<16xf32>
        %add3A_856 = arith.addf %add3A_850, %mul3A_855 : vector<16xf32>
        %broadcast_in_dim3A_857 = arith.constant 55 : i32
        %broadcast_in_dim3A_858 = vector.broadcast %broadcast_in_dim3A_857 : i32 to vector<16xi32>
        %gather3A_859 = tpu.vector_load_idx %arg18[%add3A_313, %broadcast_in_dim3A_858] : memref<80x64xf32, #tpu.memory_space<vmem>>[vector<16xi32>, vector<16xi32>], vector<16xf32>,
        %gather3A_860 = tpu.vector_load_idx %arg20[%add3A_313, %broadcast_in_dim3A_858] : memref<80x64xf32, #tpu.memory_space<vmem>>[vector<16xi32>, vector<16xi32>], vector<16xf32>,
        %mul3A_861 = arith.mulf %gather3A_859, %gather3A_860 : vector<16xf32>
        %add3A_862 = arith.addf %add3A_856, %mul3A_861 : vector<16xf32>
        %broadcast_in_dim3A_863 = arith.constant 56 : i32
        %broadcast_in_dim3A_864 = vector.broadcast %broadcast_in_dim3A_863 : i32 to vector<16xi32>
        %gather3A_865 = tpu.vector_load_idx %arg18[%add3A_313, %broadcast_in_dim3A_864] : memref<80x64xf32, #tpu.memory_space<vmem>>[vector<16xi32>, vector<16xi32>], vector<16xf32>,
        %gather3A_866 = tpu.vector_load_idx %arg20[%add3A_313, %broadcast_in_dim3A_864] : memref<80x64xf32, #tpu.memory_space<vmem>>[vector<16xi32>, vector<16xi32>], vector<16xf32>,
        %mul3A_867 = arith.mulf %gather3A_865, %gather3A_866 : vector<16xf32>
        %add3A_868 = arith.addf %add3A_862, %mul3A_867 : vector<16xf32>
        %broadcast_in_dim3A_869 = arith.constant 57 : i32
        %broadcast_in_dim3A_870 = vector.broadcast %broadcast_in_dim3A_869 : i32 to vector<16xi32>
        %gather3A_871 = tpu.vector_load_idx %arg18[%add3A_313, %broadcast_in_dim3A_870] : memref<80x64xf32, #tpu.memory_space<vmem>>[vector<16xi32>, vector<16xi32>], vector<16xf32>,
        %gather3A_872 = tpu.vector_load_idx %arg20[%add3A_313, %broadcast_in_dim3A_870] : memref<80x64xf32, #tpu.memory_space<vmem>>[vector<16xi32>, vector<16xi32>], vector<16xf32>,
        %mul3A_873 = arith.mulf %gather3A_871, %gather3A_872 : vector<16xf32>
        %add3A_874 = arith.addf %add3A_868, %mul3A_873 : vector<16xf32>
        %broadcast_in_dim3A_875 = arith.constant 58 : i32
        %broadcast_in_dim3A_876 = vector.broadcast %broadcast_in_dim3A_875 : i32 to vector<16xi32>
        %gather3A_877 = tpu.vector_load_idx %arg18[%add3A_313, %broadcast_in_dim3A_876] : memref<80x64xf32, #tpu.memory_space<vmem>>[vector<16xi32>, vector<16xi32>], vector<16xf32>,
        %gather3A_878 = tpu.vector_load_idx %arg20[%add3A_313, %broadcast_in_dim3A_876] : memref<80x64xf32, #tpu.memory_space<vmem>>[vector<16xi32>, vector<16xi32>], vector<16xf32>,
        %mul3A_879 = arith.mulf %gather3A_877, %gather3A_878 : vector<16xf32>
        %add3A_880 = arith.addf %add3A_874, %mul3A_879 : vector<16xf32>
        %broadcast_in_dim3A_881 = arith.constant 59 : i32
        %broadcast_in_dim3A_882 = vector.broadcast %broadcast_in_dim3A_881 : i32 to vector<16xi32>
        %gather3A_883 = tpu.vector_load_idx %arg18[%add3A_313, %broadcast_in_dim3A_882] : memref<80x64xf32, #tpu.memory_space<vmem>>[vector<16xi32>, vector<16xi32>], vector<16xf32>,
        %gather3A_884 = tpu.vector_load_idx %arg20[%add3A_313, %broadcast_in_dim3A_882] : memref<80x64xf32, #tpu.memory_space<vmem>>[vector<16xi32>, vector<16xi32>], vector<16xf32>,
        %mul3A_885 = arith.mulf %gather3A_883, %gather3A_884 : vector<16xf32>
        %add3A_886 = arith.addf %add3A_880, %mul3A_885 : vector<16xf32>
        %broadcast_in_dim3A_887 = arith.constant 60 : i32
        %broadcast_in_dim3A_888 = vector.broadcast %broadcast_in_dim3A_887 : i32 to vector<16xi32>
        %gather3A_889 = tpu.vector_load_idx %arg18[%add3A_313, %broadcast_in_dim3A_888] : memref<80x64xf32, #tpu.memory_space<vmem>>[vector<16xi32>, vector<16xi32>], vector<16xf32>,
        %gather3A_890 = tpu.vector_load_idx %arg20[%add3A_313, %broadcast_in_dim3A_888] : memref<80x64xf32, #tpu.memory_space<vmem>>[vector<16xi32>, vector<16xi32>], vector<16xf32>,
        %mul3A_891 = arith.mulf %gather3A_889, %gather3A_890 : vector<16xf32>
        %add3A_892 = arith.addf %add3A_886, %mul3A_891 : vector<16xf32>
        %broadcast_in_dim3A_893 = arith.constant 61 : i32
        %broadcast_in_dim3A_894 = vector.broadcast %broadcast_in_dim3A_893 : i32 to vector<16xi32>
        %gather3A_895 = tpu.vector_load_idx %arg18[%add3A_313, %broadcast_in_dim3A_894] : memref<80x64xf32, #tpu.memory_space<vmem>>[vector<16xi32>, vector<16xi32>], vector<16xf32>,
        %gather3A_896 = tpu.vector_load_idx %arg20[%add3A_313, %broadcast_in_dim3A_894] : memref<80x64xf32, #tpu.memory_space<vmem>>[vector<16xi32>, vector<16xi32>], vector<16xf32>,
        %mul3A_897 = arith.mulf %gather3A_895, %gather3A_896 : vector<16xf32>
        %add3A_898 = arith.addf %add3A_892, %mul3A_897 : vector<16xf32>
        %broadcast_in_dim3A_899 = arith.constant 62 : i32
        %broadcast_in_dim3A_900 = vector.broadcast %broadcast_in_dim3A_899 : i32 to vector<16xi32>
        %gather3A_901 = tpu.vector_load_idx %arg18[%add3A_313, %broadcast_in_dim3A_900] : memref<80x64xf32, #tpu.memory_space<vmem>>[vector<16xi32>, vector<16xi32>], vector<16xf32>,
        %gather3A_902 = tpu.vector_load_idx %arg20[%add3A_313, %broadcast_in_dim3A_900] : memref<80x64xf32, #tpu.memory_space<vmem>>[vector<16xi32>, vector<16xi32>], vector<16xf32>,
        %mul3A_903 = arith.mulf %gather3A_901, %gather3A_902 : vector<16xf32>
        %add3A_904 = arith.addf %add3A_898, %mul3A_903 : vector<16xf32>
        %broadcast_in_dim3A_905 = arith.constant 63 : i32
        %broadcast_in_dim3A_906 = vector.broadcast %broadcast_in_dim3A_905 : i32 to vector<16xi32>
        %gather3A_907 = tpu.vector_load_idx %arg18[%add3A_313, %broadcast_in_dim3A_906] : memref<80x64xf32, #tpu.memory_space<vmem>>[vector<16xi32>, vector<16xi32>], vector<16xf32>,
        %gather3A_908 = tpu.vector_load_idx %arg20[%add3A_313, %broadcast_in_dim3A_906] : memref<80x64xf32, #tpu.memory_space<vmem>>[vector<16xi32>, vector<16xi32>], vector<16xf32>,
        %mul3A_909 = arith.mulf %gather3A_907, %gather3A_908 : vector<16xf32>
        %add3A_910 = arith.addf %add3A_904, %mul3A_909 : vector<16xf32>
        %mul3A_911 = vector.broadcast %scan3A_189 : f32 to vector<16xf32>
        %mul3A_912 = arith.mulf %add3A_910, %mul3A_911 : vector<16xf32>
        %exp3A_913 = math.exp %mul3A_912 : vector<16xf32>
        %broadcast_in_dim3A_914 = arith.constant 3 : i32
        %broadcast_in_dim3A_915 = vector.broadcast %broadcast_in_dim3A_914 : i32 to vector<16xi32>
        tpu.vector_store_idx %arg24[%add3A_313, %broadcast_in_dim3A_915], %exp3A_913 : memref<80x8xf32, #tpu.memory_space<vmem>>[vector<16xi32>, vector<16xi32>], vector<16xf32>,
        %broadcast_in_dim3A_916 = arith.constant 48 : i32
        %broadcast_in_dim3A_917 = vector.broadcast %broadcast_in_dim3A_916 : i32 to vector<16xi32>
        %gather3A_918 = tpu.vector_load_idx %arg22[%add3A_313, %broadcast_in_dim3A_917] : memref<80x64xf32, #tpu.memory_space<vmem>>[vector<16xi32>, vector<16xi32>], vector<16xf32>,
        %mul3A_919 = arith.mulf %gather3A_918, %exp3A_913 : vector<16xf32>
        tpu.vector_store_idx %arg22[%add3A_313, %broadcast_in_dim3A_917], %mul3A_919 : memref<80x64xf32, #tpu.memory_space<vmem>>[vector<16xi32>, vector<16xi32>], vector<16xf32>,
        %broadcast_in_dim3A_920 = arith.constant 49 : i32
        %broadcast_in_dim3A_921 = vector.broadcast %broadcast_in_dim3A_920 : i32 to vector<16xi32>
        %gather3A_922 = tpu.vector_load_idx %arg22[%add3A_313, %broadcast_in_dim3A_921] : memref<80x64xf32, #tpu.memory_space<vmem>>[vector<16xi32>, vector<16xi32>], vector<16xf32>,
        %mul3A_923 = arith.mulf %gather3A_922, %exp3A_913 : vector<16xf32>
        tpu.vector_store_idx %arg22[%add3A_313, %broadcast_in_dim3A_921], %mul3A_923 : memref<80x64xf32, #tpu.memory_space<vmem>>[vector<16xi32>, vector<16xi32>], vector<16xf32>,
        %broadcast_in_dim3A_924 = arith.constant 50 : i32
        %broadcast_in_dim3A_925 = vector.broadcast %broadcast_in_dim3A_924 : i32 to vector<16xi32>
        %gather3A_926 = tpu.vector_load_idx %arg22[%add3A_313, %broadcast_in_dim3A_925] : memref<80x64xf32, #tpu.memory_space<vmem>>[vector<16xi32>, vector<16xi32>], vector<16xf32>,
        %mul3A_927 = arith.mulf %gather3A_926, %exp3A_913 : vector<16xf32>
        tpu.vector_store_idx %arg22[%add3A_313, %broadcast_in_dim3A_925], %mul3A_927 : memref<80x64xf32, #tpu.memory_space<vmem>>[vector<16xi32>, vector<16xi32>], vector<16xf32>,
        %broadcast_in_dim3A_928 = arith.constant 51 : i32
        %broadcast_in_dim3A_929 = vector.broadcast %broadcast_in_dim3A_928 : i32 to vector<16xi32>
        %gather3A_930 = tpu.vector_load_idx %arg22[%add3A_313, %broadcast_in_dim3A_929] : memref<80x64xf32, #tpu.memory_space<vmem>>[vector<16xi32>, vector<16xi32>], vector<16xf32>,
        %mul3A_931 = arith.mulf %gather3A_930, %exp3A_913 : vector<16xf32>
        tpu.vector_store_idx %arg22[%add3A_313, %broadcast_in_dim3A_929], %mul3A_931 : memref<80x64xf32, #tpu.memory_space<vmem>>[vector<16xi32>, vector<16xi32>], vector<16xf32>,
        %broadcast_in_dim3A_932 = arith.constant 52 : i32
        %broadcast_in_dim3A_933 = vector.broadcast %broadcast_in_dim3A_932 : i32 to vector<16xi32>
        %gather3A_934 = tpu.vector_load_idx %arg22[%add3A_313, %broadcast_in_dim3A_933] : memref<80x64xf32, #tpu.memory_space<vmem>>[vector<16xi32>, vector<16xi32>], vector<16xf32>,
        %mul3A_935 = arith.mulf %gather3A_934, %exp3A_913 : vector<16xf32>
        tpu.vector_store_idx %arg22[%add3A_313, %broadcast_in_dim3A_933], %mul3A_935 : memref<80x64xf32, #tpu.memory_space<vmem>>[vector<16xi32>, vector<16xi32>], vector<16xf32>,
        %broadcast_in_dim3A_936 = arith.constant 53 : i32
        %broadcast_in_dim3A_937 = vector.broadcast %broadcast_in_dim3A_936 : i32 to vector<16xi32>
        %gather3A_938 = tpu.vector_load_idx %arg22[%add3A_313, %broadcast_in_dim3A_937] : memref<80x64xf32, #tpu.memory_space<vmem>>[vector<16xi32>, vector<16xi32>], vector<16xf32>,
        %mul3A_939 = arith.mulf %gather3A_938, %exp3A_913 : vector<16xf32>
        tpu.vector_store_idx %arg22[%add3A_313, %broadcast_in_dim3A_937], %mul3A_939 : memref<80x64xf32, #tpu.memory_space<vmem>>[vector<16xi32>, vector<16xi32>], vector<16xf32>,
        %broadcast_in_dim3A_940 = arith.constant 54 : i32
        %broadcast_in_dim3A_941 = vector.broadcast %broadcast_in_dim3A_940 : i32 to vector<16xi32>
        %gather3A_942 = tpu.vector_load_idx %arg22[%add3A_313, %broadcast_in_dim3A_941] : memref<80x64xf32, #tpu.memory_space<vmem>>[vector<16xi32>, vector<16xi32>], vector<16xf32>,
        %mul3A_943 = arith.mulf %gather3A_942, %exp3A_913 : vector<16xf32>
        tpu.vector_store_idx %arg22[%add3A_313, %broadcast_in_dim3A_941], %mul3A_943 : memref<80x64xf32, #tpu.memory_space<vmem>>[vector<16xi32>, vector<16xi32>], vector<16xf32>,
        %broadcast_in_dim3A_944 = arith.constant 55 : i32
        %broadcast_in_dim3A_945 = vector.broadcast %broadcast_in_dim3A_944 : i32 to vector<16xi32>
        %gather3A_946 = tpu.vector_load_idx %arg22[%add3A_313, %broadcast_in_dim3A_945] : memref<80x64xf32, #tpu.memory_space<vmem>>[vector<16xi32>, vector<16xi32>], vector<16xf32>,
        %mul3A_947 = arith.mulf %gather3A_946, %exp3A_913 : vector<16xf32>
        tpu.vector_store_idx %arg22[%add3A_313, %broadcast_in_dim3A_945], %mul3A_947 : memref<80x64xf32, #tpu.memory_space<vmem>>[vector<16xi32>, vector<16xi32>], vector<16xf32>,
        %broadcast_in_dim3A_948 = arith.constant 56 : i32
        %broadcast_in_dim3A_949 = vector.broadcast %broadcast_in_dim3A_948 : i32 to vector<16xi32>
        %gather3A_950 = tpu.vector_load_idx %arg22[%add3A_313, %broadcast_in_dim3A_949] : memref<80x64xf32, #tpu.memory_space<vmem>>[vector<16xi32>, vector<16xi32>], vector<16xf32>,
        %mul3A_951 = arith.mulf %gather3A_950, %exp3A_913 : vector<16xf32>
        tpu.vector_store_idx %arg22[%add3A_313, %broadcast_in_dim3A_949], %mul3A_951 : memref<80x64xf32, #tpu.memory_space<vmem>>[vector<16xi32>, vector<16xi32>], vector<16xf32>,
        %broadcast_in_dim3A_952 = arith.constant 57 : i32
        %broadcast_in_dim3A_953 = vector.broadcast %broadcast_in_dim3A_952 : i32 to vector<16xi32>
        %gather3A_954 = tpu.vector_load_idx %arg22[%add3A_313, %broadcast_in_dim3A_953] : memref<80x64xf32, #tpu.memory_space<vmem>>[vector<16xi32>, vector<16xi32>], vector<16xf32>,
        %mul3A_955 = arith.mulf %gather3A_954, %exp3A_913 : vector<16xf32>
        tpu.vector_store_idx %arg22[%add3A_313, %broadcast_in_dim3A_953], %mul3A_955 : memref<80x64xf32, #tpu.memory_space<vmem>>[vector<16xi32>, vector<16xi32>], vector<16xf32>,
        %broadcast_in_dim3A_956 = arith.constant 58 : i32
        %broadcast_in_dim3A_957 = vector.broadcast %broadcast_in_dim3A_956 : i32 to vector<16xi32>
        %gather3A_958 = tpu.vector_load_idx %arg22[%add3A_313, %broadcast_in_dim3A_957] : memref<80x64xf32, #tpu.memory_space<vmem>>[vector<16xi32>, vector<16xi32>], vector<16xf32>,
        %mul3A_959 = arith.mulf %gather3A_958, %exp3A_913 : vector<16xf32>
        tpu.vector_store_idx %arg22[%add3A_313, %broadcast_in_dim3A_957], %mul3A_959 : memref<80x64xf32, #tpu.memory_space<vmem>>[vector<16xi32>, vector<16xi32>], vector<16xf32>,
        %broadcast_in_dim3A_960 = arith.constant 59 : i32
        %broadcast_in_dim3A_961 = vector.broadcast %broadcast_in_dim3A_960 : i32 to vector<16xi32>
        %gather3A_962 = tpu.vector_load_idx %arg22[%add3A_313, %broadcast_in_dim3A_961] : memref<80x64xf32, #tpu.memory_space<vmem>>[vector<16xi32>, vector<16xi32>], vector<16xf32>,
        %mul3A_963 = arith.mulf %gather3A_962, %exp3A_913 : vector<16xf32>
        tpu.vector_store_idx %arg22[%add3A_313, %broadcast_in_dim3A_961], %mul3A_963 : memref<80x64xf32, #tpu.memory_space<vmem>>[vector<16xi32>, vector<16xi32>], vector<16xf32>,
        %broadcast_in_dim3A_964 = arith.constant 60 : i32
        %broadcast_in_dim3A_965 = vector.broadcast %broadcast_in_dim3A_964 : i32 to vector<16xi32>
        %gather3A_966 = tpu.vector_load_idx %arg22[%add3A_313, %broadcast_in_dim3A_965] : memref<80x64xf32, #tpu.memory_space<vmem>>[vector<16xi32>, vector<16xi32>], vector<16xf32>,
        %mul3A_967 = arith.mulf %gather3A_966, %exp3A_913 : vector<16xf32>
        tpu.vector_store_idx %arg22[%add3A_313, %broadcast_in_dim3A_965], %mul3A_967 : memref<80x64xf32, #tpu.memory_space<vmem>>[vector<16xi32>, vector<16xi32>], vector<16xf32>,
        %broadcast_in_dim3A_968 = arith.constant 61 : i32
        %broadcast_in_dim3A_969 = vector.broadcast %broadcast_in_dim3A_968 : i32 to vector<16xi32>
        %gather3A_970 = tpu.vector_load_idx %arg22[%add3A_313, %broadcast_in_dim3A_969] : memref<80x64xf32, #tpu.memory_space<vmem>>[vector<16xi32>, vector<16xi32>], vector<16xf32>,
        %mul3A_971 = arith.mulf %gather3A_970, %exp3A_913 : vector<16xf32>
        tpu.vector_store_idx %arg22[%add3A_313, %broadcast_in_dim3A_969], %mul3A_971 : memref<80x64xf32, #tpu.memory_space<vmem>>[vector<16xi32>, vector<16xi32>], vector<16xf32>,
        %broadcast_in_dim3A_972 = arith.constant 62 : i32
        %broadcast_in_dim3A_973 = vector.broadcast %broadcast_in_dim3A_972 : i32 to vector<16xi32>
        %gather3A_974 = tpu.vector_load_idx %arg22[%add3A_313, %broadcast_in_dim3A_973] : memref<80x64xf32, #tpu.memory_space<vmem>>[vector<16xi32>, vector<16xi32>], vector<16xf32>,
        %mul3A_975 = arith.mulf %gather3A_974, %exp3A_913 : vector<16xf32>
        tpu.vector_store_idx %arg22[%add3A_313, %broadcast_in_dim3A_973], %mul3A_975 : memref<80x64xf32, #tpu.memory_space<vmem>>[vector<16xi32>, vector<16xi32>], vector<16xf32>,
        %broadcast_in_dim3A_976 = arith.constant 63 : i32
        %broadcast_in_dim3A_977 = vector.broadcast %broadcast_in_dim3A_976 : i32 to vector<16xi32>
        %gather3A_978 = tpu.vector_load_idx %arg22[%add3A_313, %broadcast_in_dim3A_977] : memref<80x64xf32, #tpu.memory_space<vmem>>[vector<16xi32>, vector<16xi32>], vector<16xf32>,
        %mul3A_979 = arith.mulf %gather3A_978, %exp3A_913 : vector<16xf32>
        tpu.vector_store_idx %arg22[%add3A_313, %broadcast_in_dim3A_977], %mul3A_979 : memref<80x64xf32, #tpu.memory_space<vmem>>[vector<16xi32>, vector<16xi32>], vector<16xf32>,
        %scan3A_980 = arith.constant 0 : i32
        scf.yield %scan3A_980 : i32
      }
      %scan3A_288 = arith.constant 5 : i32
      %ge3A_289 = arith.constant 1 : i32
      %ge3A_290 = arith.cmpi sge, %add3A_268, %ge3A_289 : i32
      %convert_element_type3A_291 = arith.extui %ge3A_290 : i1 to i32
      %cond3A_292 = arith.constant 0 : i32
      %cond3A_293 = arith.cmpi ne, %convert_element_type3A_291, %cond3A_292 : i32
      scf.if %cond3A_293 {
        %dma_wait3A_308 = arith.constant 0 : i32
        %dma_wait3A_309 = arith.constant 0 : i32
        %dma_wait3A_310 = tpu.memref_slice %arg38[%dma_wait3A_308, %dma_wait3A_309] : memref<10112x8xf32, #tpu.memory_space<vmem_shared>> -> memref<10112x8xf32, #tpu.memory_space<vmem_shared>>
        tpu.wait_indirect_dma semaphore(%arg31 : memref<!tpu.dma_semaphore, #tpu.memory_space<semaphore_mem>>) src(%arg23 : memref<80x8xf32, #tpu.memory_space<vmem>>) dst(%dma_wait3A_310 : memref<10112x8xf32, #tpu.memory_space<vmem_shared>>)
        %dma_wait3A_311 = arith.constant 0 : i32
        %dma_wait3A_312 = arith.constant 0 : i32
        %dma_wait3A_313 = tpu.memref_slice %arg37[%dma_wait3A_311, %dma_wait3A_312] : memref<10112x64xf32, #tpu.memory_space<vmem_shared>> -> memref<10112x64xf32, #tpu.memory_space<vmem_shared>>
        tpu.wait_indirect_dma semaphore(%arg32 : memref<!tpu.dma_semaphore, #tpu.memory_space<semaphore_mem>>) src(%arg21 : memref<80x64xf32, #tpu.memory_space<vmem>>) dst(%dma_wait3A_313 : memref<10112x64xf32, #tpu.memory_space<vmem_shared>>)
      } else {
      }
      %add3A_294 = arith.constant 1 : i32
      %add3A_295 = arith.addi %add3A_268, %add3A_294 : i32
      %lt3A_296 = arith.constant 250 : i32
      %lt3A_297 = arith.cmpi slt, %add3A_295, %lt3A_296 : i32
      %convert_element_type3A_298 = arith.extui %lt3A_297 : i1 to i32
      %cond3A_299 = arith.constant 0 : i32
      %cond3A_300 = arith.cmpi ne, %convert_element_type3A_298, %cond3A_299 : i32
      scf.if %cond3A_300 {
        %add3A_308 = arith.constant 1 : i32
        %add3A_309 = arith.addi %add3A_268, %add3A_308 : i32
        %mul3A_310 = arith.constant 80 : i32
        %mul3A_311 = arith.muli %add3A_309, %mul3A_310 : i32
        %add3A_312 = arith.constant 0 : i32
        %add3A_313 = arith.addi %mul3A_311, %add3A_312 : i32
        %get3A_314 = arith.index_cast %add3A_313 : i32 to index
        %get3A_315 = tpu.vector_load %arg12[%get3A_314] {strides = array<i32>} : memref<20000xi32, #tpu.memory_space<vmem>>, vector<16xi32>,
        %swap3A_316 = arith.constant 0 : index
        %swap3A_317 = tpu.vector_load %arg13[%swap3A_316] {strides = array<i32>} : memref<80xi32, #tpu.memory_space<vmem>>, vector<16xi32>,
        tpu.vector_store %arg13[%swap3A_316], %get3A_315 {strides = array<i32>} : memref<80xi32, #tpu.memory_space<vmem>>, vector<16xi32>,
        %add3A_318 = arith.addi %get3A_315, %broadcast_in_dim3A : vector<16xi32>
        %swap3A_319 = arith.constant 0 : index
        %swap3A_320 = tpu.vector_load %arg15[%swap3A_319] {strides = array<i32>} : memref<80xi32, #tpu.memory_space<vmem>>, vector<16xi32>,
        tpu.vector_store %arg15[%swap3A_319], %add3A_318 {strides = array<i32>} : memref<80xi32, #tpu.memory_space<vmem>>, vector<16xi32>,
        %mul3A_321 = arith.constant 80 : i32
        %mul3A_322 = arith.muli %add3A_309, %mul3A_321 : i32
        %add3A_323 = arith.constant 16 : i32
        %add3A_324 = arith.addi %mul3A_322, %add3A_323 : i32
        %get3A_325 = arith.index_cast %add3A_324 : i32 to index
        %get3A_326 = tpu.vector_load %arg12[%get3A_325] {strides = array<i32>} : memref<20000xi32, #tpu.memory_space<vmem>>, vector<16xi32>,
        %swap3A_327 = arith.constant 16 : index
        %swap3A_328 = tpu.vector_load %arg13[%swap3A_327] {strides = array<i32>} : memref<80xi32, #tpu.memory_space<vmem>>, vector<16xi32>,
        tpu.vector_store %arg13[%swap3A_327], %get3A_326 {strides = array<i32>} : memref<80xi32, #tpu.memory_space<vmem>>, vector<16xi32>,
        %add3A_329 = arith.addi %get3A_326, %broadcast_in_dim3A : vector<16xi32>
        %swap3A_330 = arith.constant 16 : index
        %swap3A_331 = tpu.vector_load %arg15[%swap3A_330] {strides = array<i32>} : memref<80xi32, #tpu.memory_space<vmem>>, vector<16xi32>,
        tpu.vector_store %arg15[%swap3A_330], %add3A_329 {strides = array<i32>} : memref<80xi32, #tpu.memory_space<vmem>>, vector<16xi32>,
        %mul3A_332 = arith.constant 80 : i32
        %mul3A_333 = arith.muli %add3A_309, %mul3A_332 : i32
        %add3A_334 = arith.constant 32 : i32
        %add3A_335 = arith.addi %mul3A_333, %add3A_334 : i32
        %get3A_336 = arith.index_cast %add3A_335 : i32 to index
        %get3A_337 = tpu.vector_load %arg12[%get3A_336] {strides = array<i32>} : memref<20000xi32, #tpu.memory_space<vmem>>, vector<16xi32>,
        %swap3A_338 = arith.constant 32 : index
        %swap3A_339 = tpu.vector_load %arg13[%swap3A_338] {strides = array<i32>} : memref<80xi32, #tpu.memory_space<vmem>>, vector<16xi32>,
        tpu.vector_store %arg13[%swap3A_338], %get3A_337 {strides = array<i32>} : memref<80xi32, #tpu.memory_space<vmem>>, vector<16xi32>,
        %add3A_340 = arith.addi %get3A_337, %broadcast_in_dim3A : vector<16xi32>
        %swap3A_341 = arith.constant 32 : index
        %swap3A_342 = tpu.vector_load %arg15[%swap3A_341] {strides = array<i32>} : memref<80xi32, #tpu.memory_space<vmem>>, vector<16xi32>,
        tpu.vector_store %arg15[%swap3A_341], %add3A_340 {strides = array<i32>} : memref<80xi32, #tpu.memory_space<vmem>>, vector<16xi32>,
        %mul3A_343 = arith.constant 80 : i32
        %mul3A_344 = arith.muli %add3A_309, %mul3A_343 : i32
        %add3A_345 = arith.constant 48 : i32
        %add3A_346 = arith.addi %mul3A_344, %add3A_345 : i32
        %get3A_347 = arith.index_cast %add3A_346 : i32 to index
        %get3A_348 = tpu.vector_load %arg12[%get3A_347] {strides = array<i32>} : memref<20000xi32, #tpu.memory_space<vmem>>, vector<16xi32>,
        %swap3A_349 = arith.constant 48 : index
        %swap3A_350 = tpu.vector_load %arg13[%swap3A_349] {strides = array<i32>} : memref<80xi32, #tpu.memory_space<vmem>>, vector<16xi32>,
        tpu.vector_store %arg13[%swap3A_349], %get3A_348 {strides = array<i32>} : memref<80xi32, #tpu.memory_space<vmem>>, vector<16xi32>,
        %add3A_351 = arith.addi %get3A_348, %broadcast_in_dim3A : vector<16xi32>
        %swap3A_352 = arith.constant 48 : index
        %swap3A_353 = tpu.vector_load %arg15[%swap3A_352] {strides = array<i32>} : memref<80xi32, #tpu.memory_space<vmem>>, vector<16xi32>,
        tpu.vector_store %arg15[%swap3A_352], %add3A_351 {strides = array<i32>} : memref<80xi32, #tpu.memory_space<vmem>>, vector<16xi32>,
        %mul3A_354 = arith.constant 80 : i32
        %mul3A_355 = arith.muli %add3A_309, %mul3A_354 : i32
        %add3A_356 = arith.constant 64 : i32
        %add3A_357 = arith.addi %mul3A_355, %add3A_356 : i32
        %get3A_358 = arith.index_cast %add3A_357 : i32 to index
        %get3A_359 = tpu.vector_load %arg12[%get3A_358] {strides = array<i32>} : memref<20000xi32, #tpu.memory_space<vmem>>, vector<16xi32>,
        %swap3A_360 = arith.constant 64 : index
        %swap3A_361 = tpu.vector_load %arg13[%swap3A_360] {strides = array<i32>} : memref<80xi32, #tpu.memory_space<vmem>>, vector<16xi32>,
        tpu.vector_store %arg13[%swap3A_360], %get3A_359 {strides = array<i32>} : memref<80xi32, #tpu.memory_space<vmem>>, vector<16xi32>,
        %add3A_362 = arith.addi %get3A_359, %broadcast_in_dim3A : vector<16xi32>
        %swap3A_363 = arith.constant 64 : index
        %swap3A_364 = tpu.vector_load %arg15[%swap3A_363] {strides = array<i32>} : memref<80xi32, #tpu.memory_space<vmem>>, vector<16xi32>,
        tpu.vector_store %arg15[%swap3A_363], %add3A_362 {strides = array<i32>} : memref<80xi32, #tpu.memory_space<vmem>>, vector<16xi32>,
        %add3A_365 = arith.constant 1 : i32
        %add3A_366 = arith.addi %add3A_268, %add3A_365 : i32
        %mul3A_367 = arith.constant 80 : i32
        %mul3A_368 = arith.muli %add3A_366, %mul3A_367 : i32
        %dma_start3A_369 = tpu.memref_slice %arg11[%mul3A_368] : memref<20000xi32, #tpu.memory_space<vmem>> -> memref<80xi32, #tpu.memory_space<vmem>>
        %dma_start3A_370 = arith.constant 0 : i32
        %dma_start3A_371 = arith.constant 0 : i32
        %dma_start3A_372 = tpu.memref_slice %arg3[%dma_start3A_370, %dma_start3A_371] : memref<20000x64xf32, #tpu.memory_space<hbm>> -> memref<20000x64xf32, #tpu.memory_space<hbm>>
        tpu.enqueue_indirect_dma source(%dma_start3A_372 : memref<20000x64xf32, #tpu.memory_space<hbm>>) target(%arg17 : memref<80x64xf32, #tpu.memory_space<vmem>>) offsets(%dma_start3A_369 : memref<80xi32, #tpu.memory_space<vmem>>) semaphore(%arg25 : memref<!tpu.dma_semaphore, #tpu.memory_space<semaphore_mem>>)
        %dma_start3A_373 = arith.constant 0 : i32
        %dma_start3A_374 = arith.constant 0 : i32
        %dma_start3A_375 = tpu.memref_slice %arg2[%dma_start3A_373, %dma_start3A_374] : memref<20000x64xf32, #tpu.memory_space<hbm>> -> memref<20000x64xf32, #tpu.memory_space<hbm>>
        tpu.enqueue_indirect_dma source(%dma_start3A_375 : memref<20000x64xf32, #tpu.memory_space<hbm>>) target(%arg19 : memref<80x64xf32, #tpu.memory_space<vmem>>) offsets(%arg15 : memref<80xi32, #tpu.memory_space<vmem>>) semaphore(%arg26 : memref<!tpu.dma_semaphore, #tpu.memory_space<semaphore_mem>>)
        %dma_start3A_376 = tpu.memref_slice %arg11[%mul3A_368] : memref<20000xi32, #tpu.memory_space<vmem>> -> memref<80xi32, #tpu.memory_space<vmem>>
        %dma_start3A_377 = arith.constant 0 : i32
        %dma_start3A_378 = arith.constant 0 : i32
        %dma_start3A_379 = tpu.memref_slice %arg4[%dma_start3A_377, %dma_start3A_378] : memref<20000x64xf32, #tpu.memory_space<hbm>> -> memref<20000x64xf32, #tpu.memory_space<hbm>>
        tpu.enqueue_indirect_dma source(%dma_start3A_379 : memref<20000x64xf32, #tpu.memory_space<hbm>>) target(%arg21 : memref<80x64xf32, #tpu.memory_space<vmem>>) offsets(%dma_start3A_376 : memref<80xi32, #tpu.memory_space<vmem>>) semaphore(%arg27 : memref<!tpu.dma_semaphore, #tpu.memory_space<semaphore_mem>>)
      } else {
      }
      %dma_start3A_301 = arith.constant 0 : i32
      %dma_start3A_302 = arith.constant 0 : i32
      %dma_start3A_303 = tpu.memref_slice %arg38[%dma_start3A_301, %dma_start3A_302] : memref<10112x8xf32, #tpu.memory_space<vmem_shared>> -> memref<10112x8xf32, #tpu.memory_space<vmem_shared>>
      tpu.enqueue_indirect_dma source(%arg24 : memref<80x8xf32, #tpu.memory_space<vmem>>) target(%dma_start3A_303 : memref<10112x8xf32, #tpu.memory_space<vmem_shared>>) offsets(%arg14 : memref<80xi32, #tpu.memory_space<vmem>>) semaphore(%arg33 : memref<!tpu.dma_semaphore, #tpu.memory_space<semaphore_mem>>) {add = true}
      %dma_start3A_304 = arith.constant 0 : i32
      %dma_start3A_305 = arith.constant 0 : i32
      %dma_start3A_306 = tpu.memref_slice %arg37[%dma_start3A_304, %dma_start3A_305] : memref<10112x64xf32, #tpu.memory_space<vmem_shared>> -> memref<10112x64xf32, #tpu.memory_space<vmem_shared>>
      tpu.enqueue_indirect_dma source(%arg22 : memref<80x64xf32, #tpu.memory_space<vmem>>) target(%dma_start3A_306 : memref<10112x64xf32, #tpu.memory_space<vmem_shared>>) offsets(%arg14 : memref<80xi32, #tpu.memory_space<vmem>>) semaphore(%arg34 : memref<!tpu.dma_semaphore, #tpu.memory_space<semaphore_mem>>) {add = true}
      %scan3A_307 = arith.constant 0 : i32
      scf.yield %scan3A_307 : i32
    }
    %scan3A_196 = arith.constant 125 : i32
    %dma_wait3A = arith.constant 0 : i32
    %dma_wait3A_197 = arith.constant 0 : i32
    %dma_wait3A_198 = tpu.memref_slice %arg38[%dma_wait3A, %dma_wait3A_197] : memref<10112x8xf32, #tpu.memory_space<vmem_shared>> -> memref<10112x8xf32, #tpu.memory_space<vmem_shared>>
    tpu.wait_indirect_dma semaphore(%arg33 : memref<!tpu.dma_semaphore, #tpu.memory_space<semaphore_mem>>) src(%arg24 : memref<80x8xf32, #tpu.memory_space<vmem>>) dst(%dma_wait3A_198 : memref<10112x8xf32, #tpu.memory_space<vmem_shared>>)
    %dma_wait3A_199 = arith.constant 0 : i32
    %dma_wait3A_200 = arith.constant 0 : i32
    %dma_wait3A_201 = tpu.memref_slice %arg37[%dma_wait3A_199, %dma_wait3A_200] : memref<10112x64xf32, #tpu.memory_space<vmem_shared>> -> memref<10112x64xf32, #tpu.memory_space<vmem_shared>>
    tpu.wait_indirect_dma semaphore(%arg34 : memref<!tpu.dma_semaphore, #tpu.memory_space<semaphore_mem>>) src(%arg22 : memref<80x64xf32, #tpu.memory_space<vmem>>) dst(%dma_wait3A_201 : memref<10112x64xf32, #tpu.memory_space<vmem_shared>>)
    %barrier3A_202 = arith.constant 0 : index
    tpu.barrier barrier_id(%barrier3A_202)
    %mul3A_203 = arith.constant 632 : i32
    %mul3A_204 = arith.muli %arg1, %mul3A_203 : i32
    %add3A_205 = arith.constant 0 : i32
    %add3A_206 = arith.addi %mul3A_204, %add3A_205 : i32
    "tpu.region"() ({
      %run_scoped3A = tpu.sem_alloc : memref<!tpu.dma_semaphore, #tpu.memory_space<semaphore_mem>>
      %dma_start3A_227 = arith.constant 0 : i32
      %dma_start3A_228 = arith.constant 0 : i32
      %dma_start3A_229 = tpu.memref_slice %arg35[%dma_start3A_227, %dma_start3A_228] : memref<128x64xf32, #tpu.memory_space<vmem>> -> memref<128x64xf32, #tpu.memory_space<vmem>>
      %dma_start3A_230 = arith.constant 0 : i32
      %dma_start3A_231 = tpu.memref_slice %arg37[%add3A_206, %dma_start3A_230] : memref<10112x64xf32, #tpu.memory_space<vmem_shared>> -> memref<128x64xf32, #tpu.memory_space<vmem_shared>>
      %dma_start3A_232 = arith.constant 0 : i32
      %dma_start3A_233 = arith.constant 0 : i32
      %dma_start3A_234 = tpu.memref_slice %arg35[%dma_start3A_232, %dma_start3A_233] : memref<128x64xf32, #tpu.memory_space<vmem>> -> memref<128x64xf32, #tpu.memory_space<vmem>>
      %dma_start3A_235 = arith.constant 0 : i32
      %dma_start3A_236 = tpu.memref_slice %arg37[%add3A_206, %dma_start3A_235] : memref<10112x64xf32, #tpu.memory_space<vmem_shared>> -> memref<128x64xf32, #tpu.memory_space<vmem_shared>>
      tpu.enqueue_dma source(%dma_start3A_236 : memref<128x64xf32, #tpu.memory_space<vmem_shared>>) target(%dma_start3A_234 : memref<128x64xf32, #tpu.memory_space<vmem>>) target_semaphore(%run_scoped3A : memref<!tpu.dma_semaphore, #tpu.memory_space<semaphore_mem>>)
      %dma_wait3A_237 = arith.constant 0 : i32
      %dma_wait3A_238 = arith.constant 0 : i32
      %dma_wait3A_239 = tpu.memref_slice %arg35[%dma_wait3A_237, %dma_wait3A_238] : memref<128x64xf32, #tpu.memory_space<vmem>> -> memref<128x64xf32, #tpu.memory_space<vmem>>
      %dma_wait3A_240 = arith.constant 0 : i32
      %dma_wait3A_241 = tpu.memref_slice %arg37[%add3A_206, %dma_wait3A_240] : memref<10112x64xf32, #tpu.memory_space<vmem_shared>> -> memref<128x64xf32, #tpu.memory_space<vmem_shared>>
      %dma_wait3A_242 = arith.constant 0 : i32
      %dma_wait3A_243 = arith.constant 0 : i32
      %dma_wait3A_244 = tpu.memref_slice %arg35[%dma_wait3A_242, %dma_wait3A_243] : memref<128x64xf32, #tpu.memory_space<vmem>> -> memref<128x64xf32, #tpu.memory_space<vmem>>
      %dma_wait3A_245 = arith.constant 0 : i32
      %dma_wait3A_246 = tpu.memref_slice %arg37[%add3A_206, %dma_wait3A_245] : memref<10112x64xf32, #tpu.memory_space<vmem_shared>> -> memref<128x64xf32, #tpu.memory_space<vmem_shared>>
      tpu.wait_dma2 semaphore(%run_scoped3A : memref<!tpu.dma_semaphore, #tpu.memory_space<semaphore_mem>>) src(%dma_wait3A_246 : memref<128x64xf32, #tpu.memory_space<vmem_shared>>) dst(%dma_wait3A_244 : memref<128x64xf32, #tpu.memory_space<vmem>>)
      tpu.yield
    }) : () -> ()
    "tpu.region"() ({
      %run_scoped3A = tpu.sem_alloc : memref<!tpu.dma_semaphore, #tpu.memory_space<semaphore_mem>>
      %dma_start3A_227 = arith.constant 0 : i32
      %dma_start3A_228 = arith.constant 0 : i32
      %dma_start3A_229 = tpu.memref_slice %arg35[%dma_start3A_227, %dma_start3A_228] : memref<128x64xf32, #tpu.memory_space<vmem>> -> memref<128x64xf32, #tpu.memory_space<vmem>>
      %dma_start3A_230 = arith.constant 0 : i32
      %dma_start3A_231 = tpu.memref_slice %arg9[%arg0, %add3A_206, %dma_start3A_230] : memref<2x10112x64xf32, #tpu.memory_space<hbm>> -> memref<1x128x64xf32, #tpu.memory_space<hbm>>
      %dma_start3A_232 = tpu.memref_squeeze %dma_start3A_231 : memref<1x128x64xf32, #tpu.memory_space<hbm>> -> memref<128x64xf32, #tpu.memory_space<hbm>>
      %dma_start3A_233 = arith.constant 0 : i32
      %dma_start3A_234 = tpu.memref_slice %arg9[%arg0, %add3A_206, %dma_start3A_233] : memref<2x10112x64xf32, #tpu.memory_space<hbm>> -> memref<1x128x64xf32, #tpu.memory_space<hbm>>
      %dma_start3A_235 = tpu.memref_squeeze %dma_start3A_234 : memref<1x128x64xf32, #tpu.memory_space<hbm>> -> memref<128x64xf32, #tpu.memory_space<hbm>>
      %dma_start3A_236 = arith.constant 0 : i32
      %dma_start3A_237 = arith.constant 0 : i32
      %dma_start3A_238 = tpu.memref_slice %arg35[%dma_start3A_236, %dma_start3A_237] : memref<128x64xf32, #tpu.memory_space<vmem>> -> memref<128x64xf32, #tpu.memory_space<vmem>>
      tpu.enqueue_dma source(%dma_start3A_238 : memref<128x64xf32, #tpu.memory_space<vmem>>) target(%dma_start3A_235 : memref<128x64xf32, #tpu.memory_space<hbm>>) target_semaphore(%run_scoped3A : memref<!tpu.dma_semaphore, #tpu.memory_space<semaphore_mem>>)
      %dma_wait3A_239 = arith.constant 0 : i32
      %dma_wait3A_240 = arith.constant 0 : i32
      %dma_wait3A_241 = tpu.memref_slice %arg35[%dma_wait3A_239, %dma_wait3A_240] : memref<128x64xf32, #tpu.memory_space<vmem>> -> memref<128x64xf32, #tpu.memory_space<vmem>>
      %dma_wait3A_242 = arith.constant 0 : i32
      %dma_wait3A_243 = tpu.memref_slice %arg9[%arg0, %add3A_206, %dma_wait3A_242] : memref<2x10112x64xf32, #tpu.memory_space<hbm>> -> memref<1x128x64xf32, #tpu.memory_space<hbm>>
      %dma_wait3A_244 = tpu.memref_squeeze %dma_wait3A_243 : memref<1x128x64xf32, #tpu.memory_space<hbm>> -> memref<128x64xf32, #tpu.memory_space<hbm>>
      %dma_wait3A_245 = arith.constant 0 : i32
      %dma_wait3A_246 = tpu.memref_slice %arg9[%arg0, %add3A_206, %dma_wait3A_245] : memref<2x10112x64xf32, #tpu.memory_space<hbm>> -> memref<1x128x64xf32, #tpu.memory_space<hbm>>
      %dma_wait3A_247 = tpu.memref_squeeze %dma_wait3A_246 : memref<1x128x64xf32, #tpu.memory_space<hbm>> -> memref<128x64xf32, #tpu.memory_space<hbm>>
      %dma_wait3A_248 = arith.constant 0 : i32
      %dma_wait3A_249 = arith.constant 0 : i32
      %dma_wait3A_250 = tpu.memref_slice %arg35[%dma_wait3A_248, %dma_wait3A_249] : memref<128x64xf32, #tpu.memory_space<vmem>> -> memref<128x64xf32, #tpu.memory_space<vmem>>
      tpu.wait_dma2 semaphore(%run_scoped3A : memref<!tpu.dma_semaphore, #tpu.memory_space<semaphore_mem>>) src(%dma_wait3A_250 : memref<128x64xf32, #tpu.memory_space<vmem>>) dst(%dma_wait3A_247 : memref<128x64xf32, #tpu.memory_space<hbm>>)
      tpu.yield
    }) : () -> ()
    %mul3A_207 = arith.constant 632 : i32
    %mul3A_208 = arith.muli %arg1, %mul3A_207 : i32
    %add3A_209 = arith.constant 128 : i32
    %add3A_210 = arith.addi %mul3A_208, %add3A_209 : i32
    "tpu.region"() ({
      %run_scoped3A = tpu.sem_alloc : memref<!tpu.dma_semaphore, #tpu.memory_space<semaphore_mem>>
      %dma_start3A_227 = arith.constant 0 : i32
      %dma_start3A_228 = arith.constant 0 : i32
      %dma_start3A_229 = tpu.memref_slice %arg35[%dma_start3A_227, %dma_start3A_228] : memref<128x64xf32, #tpu.memory_space<vmem>> -> memref<128x64xf32, #tpu.memory_space<vmem>>
      %dma_start3A_230 = arith.constant 0 : i32
      %dma_start3A_231 = tpu.memref_slice %arg37[%add3A_210, %dma_start3A_230] : memref<10112x64xf32, #tpu.memory_space<vmem_shared>> -> memref<128x64xf32, #tpu.memory_space<vmem_shared>>
      %dma_start3A_232 = arith.constant 0 : i32
      %dma_start3A_233 = arith.constant 0 : i32
      %dma_start3A_234 = tpu.memref_slice %arg35[%dma_start3A_232, %dma_start3A_233] : memref<128x64xf32, #tpu.memory_space<vmem>> -> memref<128x64xf32, #tpu.memory_space<vmem>>
      %dma_start3A_235 = arith.constant 0 : i32
      %dma_start3A_236 = tpu.memref_slice %arg37[%add3A_210, %dma_start3A_235] : memref<10112x64xf32, #tpu.memory_space<vmem_shared>> -> memref<128x64xf32, #tpu.memory_space<vmem_shared>>
      tpu.enqueue_dma source(%dma_start3A_236 : memref<128x64xf32, #tpu.memory_space<vmem_shared>>) target(%dma_start3A_234 : memref<128x64xf32, #tpu.memory_space<vmem>>) target_semaphore(%run_scoped3A : memref<!tpu.dma_semaphore, #tpu.memory_space<semaphore_mem>>)
      %dma_wait3A_237 = arith.constant 0 : i32
      %dma_wait3A_238 = arith.constant 0 : i32
      %dma_wait3A_239 = tpu.memref_slice %arg35[%dma_wait3A_237, %dma_wait3A_238] : memref<128x64xf32, #tpu.memory_space<vmem>> -> memref<128x64xf32, #tpu.memory_space<vmem>>
      %dma_wait3A_240 = arith.constant 0 : i32
      %dma_wait3A_241 = tpu.memref_slice %arg37[%add3A_210, %dma_wait3A_240] : memref<10112x64xf32, #tpu.memory_space<vmem_shared>> -> memref<128x64xf32, #tpu.memory_space<vmem_shared>>
      %dma_wait3A_242 = arith.constant 0 : i32
      %dma_wait3A_243 = arith.constant 0 : i32
      %dma_wait3A_244 = tpu.memref_slice %arg35[%dma_wait3A_242, %dma_wait3A_243] : memref<128x64xf32, #tpu.memory_space<vmem>> -> memref<128x64xf32, #tpu.memory_space<vmem>>
      %dma_wait3A_245 = arith.constant 0 : i32
      %dma_wait3A_246 = tpu.memref_slice %arg37[%add3A_210, %dma_wait3A_245] : memref<10112x64xf32, #tpu.memory_space<vmem_shared>> -> memref<128x64xf32, #tpu.memory_space<vmem_shared>>
      tpu.wait_dma2 semaphore(%run_scoped3A : memref<!tpu.dma_semaphore, #tpu.memory_space<semaphore_mem>>) src(%dma_wait3A_246 : memref<128x64xf32, #tpu.memory_space<vmem_shared>>) dst(%dma_wait3A_244 : memref<128x64xf32, #tpu.memory_space<vmem>>)
      tpu.yield
    }) : () -> ()
    "tpu.region"() ({
      %run_scoped3A = tpu.sem_alloc : memref<!tpu.dma_semaphore, #tpu.memory_space<semaphore_mem>>
      %dma_start3A_227 = arith.constant 0 : i32
      %dma_start3A_228 = arith.constant 0 : i32
      %dma_start3A_229 = tpu.memref_slice %arg35[%dma_start3A_227, %dma_start3A_228] : memref<128x64xf32, #tpu.memory_space<vmem>> -> memref<128x64xf32, #tpu.memory_space<vmem>>
      %dma_start3A_230 = arith.constant 0 : i32
      %dma_start3A_231 = tpu.memref_slice %arg9[%arg0, %add3A_210, %dma_start3A_230] : memref<2x10112x64xf32, #tpu.memory_space<hbm>> -> memref<1x128x64xf32, #tpu.memory_space<hbm>>
      %dma_start3A_232 = tpu.memref_squeeze %dma_start3A_231 : memref<1x128x64xf32, #tpu.memory_space<hbm>> -> memref<128x64xf32, #tpu.memory_space<hbm>>
      %dma_start3A_233 = arith.constant 0 : i32
      %dma_start3A_234 = tpu.memref_slice %arg9[%arg0, %add3A_210, %dma_start3A_233] : memref<2x10112x64xf32, #tpu.memory_space<hbm>> -> memref<1x128x64xf32, #tpu.memory_space<hbm>>
      %dma_start3A_235 = tpu.memref_squeeze %dma_start3A_234 : memref<1x128x64xf32, #tpu.memory_space<hbm>> -> memref<128x64xf32, #tpu.memory_space<hbm>>
      %dma_start3A_236 = arith.constant 0 : i32
      %dma_start3A_237 = arith.constant 0 : i32
      %dma_start3A_238 = tpu.memref_slice %arg35[%dma_start3A_236, %dma_start3A_237] : memref<128x64xf32, #tpu.memory_space<vmem>> -> memref<128x64xf32, #tpu.memory_space<vmem>>
      tpu.enqueue_dma source(%dma_start3A_238 : memref<128x64xf32, #tpu.memory_space<vmem>>) target(%dma_start3A_235 : memref<128x64xf32, #tpu.memory_space<hbm>>) target_semaphore(%run_scoped3A : memref<!tpu.dma_semaphore, #tpu.memory_space<semaphore_mem>>)
      %dma_wait3A_239 = arith.constant 0 : i32
      %dma_wait3A_240 = arith.constant 0 : i32
      %dma_wait3A_241 = tpu.memref_slice %arg35[%dma_wait3A_239, %dma_wait3A_240] : memref<128x64xf32, #tpu.memory_space<vmem>> -> memref<128x64xf32, #tpu.memory_space<vmem>>
      %dma_wait3A_242 = arith.constant 0 : i32
      %dma_wait3A_243 = tpu.memref_slice %arg9[%arg0, %add3A_210, %dma_wait3A_242] : memref<2x10112x64xf32, #tpu.memory_space<hbm>> -> memref<1x128x64xf32, #tpu.memory_space<hbm>>
      %dma_wait3A_244 = tpu.memref_squeeze %dma_wait3A_243 : memref<1x128x64xf32, #tpu.memory_space<hbm>> -> memref<128x64xf32, #tpu.memory_space<hbm>>
      %dma_wait3A_245 = arith.constant 0 : i32
      %dma_wait3A_246 = tpu.memref_slice %arg9[%arg0, %add3A_210, %dma_wait3A_245] : memref<2x10112x64xf32, #tpu.memory_space<hbm>> -> memref<1x128x64xf32, #tpu.memory_space<hbm>>
      %dma_wait3A_247 = tpu.memref_squeeze %dma_wait3A_246 : memref<1x128x64xf32, #tpu.memory_space<hbm>> -> memref<128x64xf32, #tpu.memory_space<hbm>>
      %dma_wait3A_248 = arith.constant 0 : i32
      %dma_wait3A_249 = arith.constant 0 : i32
      %dma_wait3A_250 = tpu.memref_slice %arg35[%dma_wait3A_248, %dma_wait3A_249] : memref<128x64xf32, #tpu.memory_space<vmem>> -> memref<128x64xf32, #tpu.memory_space<vmem>>
      tpu.wait_dma2 semaphore(%run_scoped3A : memref<!tpu.dma_semaphore, #tpu.memory_space<semaphore_mem>>) src(%dma_wait3A_250 : memref<128x64xf32, #tpu.memory_space<vmem>>) dst(%dma_wait3A_247 : memref<128x64xf32, #tpu.memory_space<hbm>>)
      tpu.yield
    }) : () -> ()
    %mul3A_211 = arith.constant 632 : i32
    %mul3A_212 = arith.muli %arg1, %mul3A_211 : i32
    %add3A_213 = arith.constant 256 : i32
    %add3A_214 = arith.addi %mul3A_212, %add3A_213 : i32
    "tpu.region"() ({
      %run_scoped3A = tpu.sem_alloc : memref<!tpu.dma_semaphore, #tpu.memory_space<semaphore_mem>>
      %dma_start3A_227 = arith.constant 0 : i32
      %dma_start3A_228 = arith.constant 0 : i32
      %dma_start3A_229 = tpu.memref_slice %arg35[%dma_start3A_227, %dma_start3A_228] : memref<128x64xf32, #tpu.memory_space<vmem>> -> memref<128x64xf32, #tpu.memory_space<vmem>>
      %dma_start3A_230 = arith.constant 0 : i32
      %dma_start3A_231 = tpu.memref_slice %arg37[%add3A_214, %dma_start3A_230] : memref<10112x64xf32, #tpu.memory_space<vmem_shared>> -> memref<128x64xf32, #tpu.memory_space<vmem_shared>>
      %dma_start3A_232 = arith.constant 0 : i32
      %dma_start3A_233 = arith.constant 0 : i32
      %dma_start3A_234 = tpu.memref_slice %arg35[%dma_start3A_232, %dma_start3A_233] : memref<128x64xf32, #tpu.memory_space<vmem>> -> memref<128x64xf32, #tpu.memory_space<vmem>>
      %dma_start3A_235 = arith.constant 0 : i32
      %dma_start3A_236 = tpu.memref_slice %arg37[%add3A_214, %dma_start3A_235] : memref<10112x64xf32, #tpu.memory_space<vmem_shared>> -> memref<128x64xf32, #tpu.memory_space<vmem_shared>>
      tpu.enqueue_dma source(%dma_start3A_236 : memref<128x64xf32, #tpu.memory_space<vmem_shared>>) target(%dma_start3A_234 : memref<128x64xf32, #tpu.memory_space<vmem>>) target_semaphore(%run_scoped3A : memref<!tpu.dma_semaphore, #tpu.memory_space<semaphore_mem>>)
      %dma_wait3A_237 = arith.constant 0 : i32
      %dma_wait3A_238 = arith.constant 0 : i32
      %dma_wait3A_239 = tpu.memref_slice %arg35[%dma_wait3A_237, %dma_wait3A_238] : memref<128x64xf32, #tpu.memory_space<vmem>> -> memref<128x64xf32, #tpu.memory_space<vmem>>
      %dma_wait3A_240 = arith.constant 0 : i32
      %dma_wait3A_241 = tpu.memref_slice %arg37[%add3A_214, %dma_wait3A_240] : memref<10112x64xf32, #tpu.memory_space<vmem_shared>> -> memref<128x64xf32, #tpu.memory_space<vmem_shared>>
      %dma_wait3A_242 = arith.constant 0 : i32
      %dma_wait3A_243 = arith.constant 0 : i32
      %dma_wait3A_244 = tpu.memref_slice %arg35[%dma_wait3A_242, %dma_wait3A_243] : memref<128x64xf32, #tpu.memory_space<vmem>> -> memref<128x64xf32, #tpu.memory_space<vmem>>
      %dma_wait3A_245 = arith.constant 0 : i32
      %dma_wait3A_246 = tpu.memref_slice %arg37[%add3A_214, %dma_wait3A_245] : memref<10112x64xf32, #tpu.memory_space<vmem_shared>> -> memref<128x64xf32, #tpu.memory_space<vmem_shared>>
      tpu.wait_dma2 semaphore(%run_scoped3A : memref<!tpu.dma_semaphore, #tpu.memory_space<semaphore_mem>>) src(%dma_wait3A_246 : memref<128x64xf32, #tpu.memory_space<vmem_shared>>) dst(%dma_wait3A_244 : memref<128x64xf32, #tpu.memory_space<vmem>>)
      tpu.yield
    }) : () -> ()
    "tpu.region"() ({
      %run_scoped3A = tpu.sem_alloc : memref<!tpu.dma_semaphore, #tpu.memory_space<semaphore_mem>>
      %dma_start3A_227 = arith.constant 0 : i32
      %dma_start3A_228 = arith.constant 0 : i32
      %dma_start3A_229 = tpu.memref_slice %arg35[%dma_start3A_227, %dma_start3A_228] : memref<128x64xf32, #tpu.memory_space<vmem>> -> memref<128x64xf32, #tpu.memory_space<vmem>>
      %dma_start3A_230 = arith.constant 0 : i32
      %dma_start3A_231 = tpu.memref_slice %arg9[%arg0, %add3A_214, %dma_start3A_230] : memref<2x10112x64xf32, #tpu.memory_space<hbm>> -> memref<1x128x64xf32, #tpu.memory_space<hbm>>
      %dma_start3A_232 = tpu.memref_squeeze %dma_start3A_231 : memref<1x128x64xf32, #tpu.memory_space<hbm>> -> memref<128x64xf32, #tpu.memory_space<hbm>>
      %dma_start3A_233 = arith.constant 0 : i32
      %dma_start3A_234 = tpu.memref_slice %arg9[%arg0, %add3A_214, %dma_start3A_233] : memref<2x10112x64xf32, #tpu.memory_space<hbm>> -> memref<1x128x64xf32, #tpu.memory_space<hbm>>
      %dma_start3A_235 = tpu.memref_squeeze %dma_start3A_234 : memref<1x128x64xf32, #tpu.memory_space<hbm>> -> memref<128x64xf32, #tpu.memory_space<hbm>>
      %dma_start3A_236 = arith.constant 0 : i32
      %dma_start3A_237 = arith.constant 0 : i32
      %dma_start3A_238 = tpu.memref_slice %arg35[%dma_start3A_236, %dma_start3A_237] : memref<128x64xf32, #tpu.memory_space<vmem>> -> memref<128x64xf32, #tpu.memory_space<vmem>>
      tpu.enqueue_dma source(%dma_start3A_238 : memref<128x64xf32, #tpu.memory_space<vmem>>) target(%dma_start3A_235 : memref<128x64xf32, #tpu.memory_space<hbm>>) target_semaphore(%run_scoped3A : memref<!tpu.dma_semaphore, #tpu.memory_space<semaphore_mem>>)
      %dma_wait3A_239 = arith.constant 0 : i32
      %dma_wait3A_240 = arith.constant 0 : i32
      %dma_wait3A_241 = tpu.memref_slice %arg35[%dma_wait3A_239, %dma_wait3A_240] : memref<128x64xf32, #tpu.memory_space<vmem>> -> memref<128x64xf32, #tpu.memory_space<vmem>>
      %dma_wait3A_242 = arith.constant 0 : i32
      %dma_wait3A_243 = tpu.memref_slice %arg9[%arg0, %add3A_214, %dma_wait3A_242] : memref<2x10112x64xf32, #tpu.memory_space<hbm>> -> memref<1x128x64xf32, #tpu.memory_space<hbm>>
      %dma_wait3A_244 = tpu.memref_squeeze %dma_wait3A_243 : memref<1x128x64xf32, #tpu.memory_space<hbm>> -> memref<128x64xf32, #tpu.memory_space<hbm>>
      %dma_wait3A_245 = arith.constant 0 : i32
      %dma_wait3A_246 = tpu.memref_slice %arg9[%arg0, %add3A_214, %dma_wait3A_245] : memref<2x10112x64xf32, #tpu.memory_space<hbm>> -> memref<1x128x64xf32, #tpu.memory_space<hbm>>
      %dma_wait3A_247 = tpu.memref_squeeze %dma_wait3A_246 : memref<1x128x64xf32, #tpu.memory_space<hbm>> -> memref<128x64xf32, #tpu.memory_space<hbm>>
      %dma_wait3A_248 = arith.constant 0 : i32
      %dma_wait3A_249 = arith.constant 0 : i32
      %dma_wait3A_250 = tpu.memref_slice %arg35[%dma_wait3A_248, %dma_wait3A_249] : memref<128x64xf32, #tpu.memory_space<vmem>> -> memref<128x64xf32, #tpu.memory_space<vmem>>
      tpu.wait_dma2 semaphore(%run_scoped3A : memref<!tpu.dma_semaphore, #tpu.memory_space<semaphore_mem>>) src(%dma_wait3A_250 : memref<128x64xf32, #tpu.memory_space<vmem>>) dst(%dma_wait3A_247 : memref<128x64xf32, #tpu.memory_space<hbm>>)
      tpu.yield
    }) : () -> ()
    %mul3A_215 = arith.constant 632 : i32
    %mul3A_216 = arith.muli %arg1, %mul3A_215 : i32
    %add3A_217 = arith.constant 384 : i32
    %add3A_218 = arith.addi %mul3A_216, %add3A_217 : i32
    "tpu.region"() ({
      %run_scoped3A = tpu.sem_alloc : memref<!tpu.dma_semaphore, #tpu.memory_space<semaphore_mem>>
      %dma_start3A_227 = arith.constant 0 : i32
      %dma_start3A_228 = arith.constant 0 : i32
      %dma_start3A_229 = tpu.memref_slice %arg35[%dma_start3A_227, %dma_start3A_228] : memref<128x64xf32, #tpu.memory_space<vmem>> -> memref<128x64xf32, #tpu.memory_space<vmem>>
      %dma_start3A_230 = arith.constant 0 : i32
      %dma_start3A_231 = tpu.memref_slice %arg37[%add3A_218, %dma_start3A_230] : memref<10112x64xf32, #tpu.memory_space<vmem_shared>> -> memref<128x64xf32, #tpu.memory_space<vmem_shared>>
      %dma_start3A_232 = arith.constant 0 : i32
      %dma_start3A_233 = arith.constant 0 : i32
      %dma_start3A_234 = tpu.memref_slice %arg35[%dma_start3A_232, %dma_start3A_233] : memref<128x64xf32, #tpu.memory_space<vmem>> -> memref<128x64xf32, #tpu.memory_space<vmem>>
      %dma_start3A_235 = arith.constant 0 : i32
      %dma_start3A_236 = tpu.memref_slice %arg37[%add3A_218, %dma_start3A_235] : memref<10112x64xf32, #tpu.memory_space<vmem_shared>> -> memref<128x64xf32, #tpu.memory_space<vmem_shared>>
      tpu.enqueue_dma source(%dma_start3A_236 : memref<128x64xf32, #tpu.memory_space<vmem_shared>>) target(%dma_start3A_234 : memref<128x64xf32, #tpu.memory_space<vmem>>) target_semaphore(%run_scoped3A : memref<!tpu.dma_semaphore, #tpu.memory_space<semaphore_mem>>)
      %dma_wait3A_237 = arith.constant 0 : i32
      %dma_wait3A_238 = arith.constant 0 : i32
      %dma_wait3A_239 = tpu.memref_slice %arg35[%dma_wait3A_237, %dma_wait3A_238] : memref<128x64xf32, #tpu.memory_space<vmem>> -> memref<128x64xf32, #tpu.memory_space<vmem>>
      %dma_wait3A_240 = arith.constant 0 : i32
      %dma_wait3A_241 = tpu.memref_slice %arg37[%add3A_218, %dma_wait3A_240] : memref<10112x64xf32, #tpu.memory_space<vmem_shared>> -> memref<128x64xf32, #tpu.memory_space<vmem_shared>>
      %dma_wait3A_242 = arith.constant 0 : i32
      %dma_wait3A_243 = arith.constant 0 : i32
      %dma_wait3A_244 = tpu.memref_slice %arg35[%dma_wait3A_242, %dma_wait3A_243] : memref<128x64xf32, #tpu.memory_space<vmem>> -> memref<128x64xf32, #tpu.memory_space<vmem>>
      %dma_wait3A_245 = arith.constant 0 : i32
      %dma_wait3A_246 = tpu.memref_slice %arg37[%add3A_218, %dma_wait3A_245] : memref<10112x64xf32, #tpu.memory_space<vmem_shared>> -> memref<128x64xf32, #tpu.memory_space<vmem_shared>>
      tpu.wait_dma2 semaphore(%run_scoped3A : memref<!tpu.dma_semaphore, #tpu.memory_space<semaphore_mem>>) src(%dma_wait3A_246 : memref<128x64xf32, #tpu.memory_space<vmem_shared>>) dst(%dma_wait3A_244 : memref<128x64xf32, #tpu.memory_space<vmem>>)
      tpu.yield
    }) : () -> ()
    "tpu.region"() ({
      %run_scoped3A = tpu.sem_alloc : memref<!tpu.dma_semaphore, #tpu.memory_space<semaphore_mem>>
      %dma_start3A_227 = arith.constant 0 : i32
      %dma_start3A_228 = arith.constant 0 : i32
      %dma_start3A_229 = tpu.memref_slice %arg35[%dma_start3A_227, %dma_start3A_228] : memref<128x64xf32, #tpu.memory_space<vmem>> -> memref<128x64xf32, #tpu.memory_space<vmem>>
      %dma_start3A_230 = arith.constant 0 : i32
      %dma_start3A_231 = tpu.memref_slice %arg9[%arg0, %add3A_218, %dma_start3A_230] : memref<2x10112x64xf32, #tpu.memory_space<hbm>> -> memref<1x128x64xf32, #tpu.memory_space<hbm>>
      %dma_start3A_232 = tpu.memref_squeeze %dma_start3A_231 : memref<1x128x64xf32, #tpu.memory_space<hbm>> -> memref<128x64xf32, #tpu.memory_space<hbm>>
      %dma_start3A_233 = arith.constant 0 : i32
      %dma_start3A_234 = tpu.memref_slice %arg9[%arg0, %add3A_218, %dma_start3A_233] : memref<2x10112x64xf32, #tpu.memory_space<hbm>> -> memref<1x128x64xf32, #tpu.memory_space<hbm>>
      %dma_start3A_235 = tpu.memref_squeeze %dma_start3A_234 : memref<1x128x64xf32, #tpu.memory_space<hbm>> -> memref<128x64xf32, #tpu.memory_space<hbm>>
      %dma_start3A_236 = arith.constant 0 : i32
      %dma_start3A_237 = arith.constant 0 : i32
      %dma_start3A_238 = tpu.memref_slice %arg35[%dma_start3A_236, %dma_start3A_237] : memref<128x64xf32, #tpu.memory_space<vmem>> -> memref<128x64xf32, #tpu.memory_space<vmem>>
      tpu.enqueue_dma source(%dma_start3A_238 : memref<128x64xf32, #tpu.memory_space<vmem>>) target(%dma_start3A_235 : memref<128x64xf32, #tpu.memory_space<hbm>>) target_semaphore(%run_scoped3A : memref<!tpu.dma_semaphore, #tpu.memory_space<semaphore_mem>>)
      %dma_wait3A_239 = arith.constant 0 : i32
      %dma_wait3A_240 = arith.constant 0 : i32
      %dma_wait3A_241 = tpu.memref_slice %arg35[%dma_wait3A_239, %dma_wait3A_240] : memref<128x64xf32, #tpu.memory_space<vmem>> -> memref<128x64xf32, #tpu.memory_space<vmem>>
      %dma_wait3A_242 = arith.constant 0 : i32
      %dma_wait3A_243 = tpu.memref_slice %arg9[%arg0, %add3A_218, %dma_wait3A_242] : memref<2x10112x64xf32, #tpu.memory_space<hbm>> -> memref<1x128x64xf32, #tpu.memory_space<hbm>>
      %dma_wait3A_244 = tpu.memref_squeeze %dma_wait3A_243 : memref<1x128x64xf32, #tpu.memory_space<hbm>> -> memref<128x64xf32, #tpu.memory_space<hbm>>
      %dma_wait3A_245 = arith.constant 0 : i32
      %dma_wait3A_246 = tpu.memref_slice %arg9[%arg0, %add3A_218, %dma_wait3A_245] : memref<2x10112x64xf32, #tpu.memory_space<hbm>> -> memref<1x128x64xf32, #tpu.memory_space<hbm>>
      %dma_wait3A_247 = tpu.memref_squeeze %dma_wait3A_246 : memref<1x128x64xf32, #tpu.memory_space<hbm>> -> memref<128x64xf32, #tpu.memory_space<hbm>>
      %dma_wait3A_248 = arith.constant 0 : i32
      %dma_wait3A_249 = arith.constant 0 : i32
      %dma_wait3A_250 = tpu.memref_slice %arg35[%dma_wait3A_248, %dma_wait3A_249] : memref<128x64xf32, #tpu.memory_space<vmem>> -> memref<128x64xf32, #tpu.memory_space<vmem>>
      tpu.wait_dma2 semaphore(%run_scoped3A : memref<!tpu.dma_semaphore, #tpu.memory_space<semaphore_mem>>) src(%dma_wait3A_250 : memref<128x64xf32, #tpu.memory_space<vmem>>) dst(%dma_wait3A_247 : memref<128x64xf32, #tpu.memory_space<hbm>>)
      tpu.yield
    }) : () -> ()
    %mul3A_219 = arith.constant 632 : i32
    %mul3A_220 = arith.muli %arg1, %mul3A_219 : i32
    %add3A_221 = arith.constant 512 : i32
    %add3A_222 = arith.addi %mul3A_220, %add3A_221 : i32
    "tpu.region"() ({
      %run_scoped3A = tpu.sem_alloc : memref<!tpu.dma_semaphore, #tpu.memory_space<semaphore_mem>>
      %dma_start3A_227 = arith.constant 0 : i32
      %dma_start3A_228 = arith.constant 0 : i32
      %dma_start3A_229 = tpu.memref_slice %arg35[%dma_start3A_227, %dma_start3A_228] : memref<128x64xf32, #tpu.memory_space<vmem>> -> memref<120x64xf32, #tpu.memory_space<vmem>>
      %dma_start3A_230 = arith.constant 0 : i32
      %dma_start3A_231 = tpu.memref_slice %arg37[%add3A_222, %dma_start3A_230] : memref<10112x64xf32, #tpu.memory_space<vmem_shared>> -> memref<120x64xf32, #tpu.memory_space<vmem_shared>>
      %dma_start3A_232 = arith.constant 0 : i32
      %dma_start3A_233 = arith.constant 0 : i32
      %dma_start3A_234 = tpu.memref_slice %arg35[%dma_start3A_232, %dma_start3A_233] : memref<128x64xf32, #tpu.memory_space<vmem>> -> memref<120x64xf32, #tpu.memory_space<vmem>>
      %dma_start3A_235 = arith.constant 0 : i32
      %dma_start3A_236 = tpu.memref_slice %arg37[%add3A_222, %dma_start3A_235] : memref<10112x64xf32, #tpu.memory_space<vmem_shared>> -> memref<120x64xf32, #tpu.memory_space<vmem_shared>>
      tpu.enqueue_dma source(%dma_start3A_236 : memref<120x64xf32, #tpu.memory_space<vmem_shared>>) target(%dma_start3A_234 : memref<120x64xf32, #tpu.memory_space<vmem>>) target_semaphore(%run_scoped3A : memref<!tpu.dma_semaphore, #tpu.memory_space<semaphore_mem>>)
      %dma_wait3A_237 = arith.constant 0 : i32
      %dma_wait3A_238 = arith.constant 0 : i32
      %dma_wait3A_239 = tpu.memref_slice %arg35[%dma_wait3A_237, %dma_wait3A_238] : memref<128x64xf32, #tpu.memory_space<vmem>> -> memref<120x64xf32, #tpu.memory_space<vmem>>
      %dma_wait3A_240 = arith.constant 0 : i32
      %dma_wait3A_241 = tpu.memref_slice %arg37[%add3A_222, %dma_wait3A_240] : memref<10112x64xf32, #tpu.memory_space<vmem_shared>> -> memref<120x64xf32, #tpu.memory_space<vmem_shared>>
      %dma_wait3A_242 = arith.constant 0 : i32
      %dma_wait3A_243 = arith.constant 0 : i32
      %dma_wait3A_244 = tpu.memref_slice %arg35[%dma_wait3A_242, %dma_wait3A_243] : memref<128x64xf32, #tpu.memory_space<vmem>> -> memref<120x64xf32, #tpu.memory_space<vmem>>
      %dma_wait3A_245 = arith.constant 0 : i32
      %dma_wait3A_246 = tpu.memref_slice %arg37[%add3A_222, %dma_wait3A_245] : memref<10112x64xf32, #tpu.memory_space<vmem_shared>> -> memref<120x64xf32, #tpu.memory_space<vmem_shared>>
      tpu.wait_dma2 semaphore(%run_scoped3A : memref<!tpu.dma_semaphore, #tpu.memory_space<semaphore_mem>>) src(%dma_wait3A_246 : memref<120x64xf32, #tpu.memory_space<vmem_shared>>) dst(%dma_wait3A_244 : memref<120x64xf32, #tpu.memory_space<vmem>>)
      tpu.yield
    }) : () -> ()
    "tpu.region"() ({
      %run_scoped3A = tpu.sem_alloc : memref<!tpu.dma_semaphore, #tpu.memory_space<semaphore_mem>>
      %dma_start3A_227 = arith.constant 0 : i32
      %dma_start3A_228 = arith.constant 0 : i32
      %dma_start3A_229 = tpu.memref_slice %arg35[%dma_start3A_227, %dma_start3A_228] : memref<128x64xf32, #tpu.memory_space<vmem>> -> memref<120x64xf32, #tpu.memory_space<vmem>>
      %dma_start3A_230 = arith.constant 0 : i32
      %dma_start3A_231 = tpu.memref_slice %arg9[%arg0, %add3A_222, %dma_start3A_230] : memref<2x10112x64xf32, #tpu.memory_space<hbm>> -> memref<1x120x64xf32, #tpu.memory_space<hbm>>
      %dma_start3A_232 = tpu.memref_squeeze %dma_start3A_231 : memref<1x120x64xf32, #tpu.memory_space<hbm>> -> memref<120x64xf32, #tpu.memory_space<hbm>>
      %dma_start3A_233 = arith.constant 0 : i32
      %dma_start3A_234 = tpu.memref_slice %arg9[%arg0, %add3A_222, %dma_start3A_233] : memref<2x10112x64xf32, #tpu.memory_space<hbm>> -> memref<1x120x64xf32, #tpu.memory_space<hbm>>
      %dma_start3A_235 = tpu.memref_squeeze %dma_start3A_234 : memref<1x120x64xf32, #tpu.memory_space<hbm>> -> memref<120x64xf32, #tpu.memory_space<hbm>>
      %dma_start3A_236 = arith.constant 0 : i32
      %dma_start3A_237 = arith.constant 0 : i32
      %dma_start3A_238 = tpu.memref_slice %arg35[%dma_start3A_236, %dma_start3A_237] : memref<128x64xf32, #tpu.memory_space<vmem>> -> memref<120x64xf32, #tpu.memory_space<vmem>>
      tpu.enqueue_dma source(%dma_start3A_238 : memref<120x64xf32, #tpu.memory_space<vmem>>) target(%dma_start3A_235 : memref<120x64xf32, #tpu.memory_space<hbm>>) target_semaphore(%run_scoped3A : memref<!tpu.dma_semaphore, #tpu.memory_space<semaphore_mem>>)
      %dma_wait3A_239 = arith.constant 0 : i32
      %dma_wait3A_240 = arith.constant 0 : i32
      %dma_wait3A_241 = tpu.memref_slice %arg35[%dma_wait3A_239, %dma_wait3A_240] : memref<128x64xf32, #tpu.memory_space<vmem>> -> memref<120x64xf32, #tpu.memory_space<vmem>>
      %dma_wait3A_242 = arith.constant 0 : i32
      %dma_wait3A_243 = tpu.memref_slice %arg9[%arg0, %add3A_222, %dma_wait3A_242] : memref<2x10112x64xf32, #tpu.memory_space<hbm>> -> memref<1x120x64xf32, #tpu.memory_space<hbm>>
      %dma_wait3A_244 = tpu.memref_squeeze %dma_wait3A_243 : memref<1x120x64xf32, #tpu.memory_space<hbm>> -> memref<120x64xf32, #tpu.memory_space<hbm>>
      %dma_wait3A_245 = arith.constant 0 : i32
      %dma_wait3A_246 = tpu.memref_slice %arg9[%arg0, %add3A_222, %dma_wait3A_245] : memref<2x10112x64xf32, #tpu.memory_space<hbm>> -> memref<1x120x64xf32, #tpu.memory_space<hbm>>
      %dma_wait3A_247 = tpu.memref_squeeze %dma_wait3A_246 : memref<1x120x64xf32, #tpu.memory_space<hbm>> -> memref<120x64xf32, #tpu.memory_space<hbm>>
      %dma_wait3A_248 = arith.constant 0 : i32
      %dma_wait3A_249 = arith.constant 0 : i32
      %dma_wait3A_250 = tpu.memref_slice %arg35[%dma_wait3A_248, %dma_wait3A_249] : memref<128x64xf32, #tpu.memory_space<vmem>> -> memref<120x64xf32, #tpu.memory_space<vmem>>
      tpu.wait_dma2 semaphore(%run_scoped3A : memref<!tpu.dma_semaphore, #tpu.memory_space<semaphore_mem>>) src(%dma_wait3A_250 : memref<120x64xf32, #tpu.memory_space<vmem>>) dst(%dma_wait3A_247 : memref<120x64xf32, #tpu.memory_space<hbm>>)
      tpu.yield
    }) : () -> ()
    %mul3A_223 = arith.constant 632 : i32
    %mul3A_224 = arith.muli %arg1, %mul3A_223 : i32
    "tpu.region"() ({
      %run_scoped3A = tpu.sem_alloc : memref<!tpu.dma_semaphore, #tpu.memory_space<semaphore_mem>>
      %dma_start3A_227 = arith.constant 0 : i32
      %dma_start3A_228 = tpu.memref_slice %arg38[%mul3A_224, %dma_start3A_227] : memref<10112x8xf32, #tpu.memory_space<vmem_shared>> -> memref<632x8xf32, #tpu.memory_space<vmem_shared>>
      %dma_start3A_229 = arith.constant 0 : i32
      %dma_start3A_230 = tpu.memref_slice %arg38[%mul3A_224, %dma_start3A_229] : memref<10112x8xf32, #tpu.memory_space<vmem_shared>> -> memref<632x8xf32, #tpu.memory_space<vmem_shared>>
      tpu.enqueue_dma source(%dma_start3A_230 : memref<632x8xf32, #tpu.memory_space<vmem_shared>>) target(%arg36 : memref<632x8xf32, #tpu.memory_space<vmem>>) target_semaphore(%run_scoped3A : memref<!tpu.dma_semaphore, #tpu.memory_space<semaphore_mem>>)
      %dma_wait3A_231 = arith.constant 0 : i32
      %dma_wait3A_232 = tpu.memref_slice %arg38[%mul3A_224, %dma_wait3A_231] : memref<10112x8xf32, #tpu.memory_space<vmem_shared>> -> memref<632x8xf32, #tpu.memory_space<vmem_shared>>
      %dma_wait3A_233 = arith.constant 0 : i32
      %dma_wait3A_234 = tpu.memref_slice %arg38[%mul3A_224, %dma_wait3A_233] : memref<10112x8xf32, #tpu.memory_space<vmem_shared>> -> memref<632x8xf32, #tpu.memory_space<vmem_shared>>
      tpu.wait_dma2 semaphore(%run_scoped3A : memref<!tpu.dma_semaphore, #tpu.memory_space<semaphore_mem>>) src(%dma_wait3A_234 : memref<632x8xf32, #tpu.memory_space<vmem_shared>>) dst(%arg36 : memref<632x8xf32, #tpu.memory_space<vmem>>)
      tpu.yield
    }) : () -> ()
    %mul3A_225 = arith.constant 632 : i32
    %mul3A_226 = arith.muli %arg1, %mul3A_225 : i32
    "tpu.region"() ({
      %run_scoped3A = tpu.sem_alloc : memref<!tpu.dma_semaphore, #tpu.memory_space<semaphore_mem>>
      %dma_start3A_227 = arith.constant 0 : i32
      %dma_start3A_228 = tpu.memref_slice %arg10[%arg0, %mul3A_226, %dma_start3A_227] : memref<2x10112x8xf32, #tpu.memory_space<hbm>> -> memref<1x632x8xf32, #tpu.memory_space<hbm>>
      %dma_start3A_229 = tpu.memref_squeeze %dma_start3A_228 : memref<1x632x8xf32, #tpu.memory_space<hbm>> -> memref<632x8xf32, #tpu.memory_space<hbm>>
      %dma_start3A_230 = arith.constant 0 : i32
      %dma_start3A_231 = tpu.memref_slice %arg10[%arg0, %mul3A_226, %dma_start3A_230] : memref<2x10112x8xf32, #tpu.memory_space<hbm>> -> memref<1x632x8xf32, #tpu.memory_space<hbm>>
      %dma_start3A_232 = tpu.memref_squeeze %dma_start3A_231 : memref<1x632x8xf32, #tpu.memory_space<hbm>> -> memref<632x8xf32, #tpu.memory_space<hbm>>
      tpu.enqueue_dma source(%arg36 : memref<632x8xf32, #tpu.memory_space<vmem>>) target(%dma_start3A_232 : memref<632x8xf32, #tpu.memory_space<hbm>>) target_semaphore(%run_scoped3A : memref<!tpu.dma_semaphore, #tpu.memory_space<semaphore_mem>>)
      %dma_wait3A_233 = arith.constant 0 : i32
      %dma_wait3A_234 = tpu.memref_slice %arg10[%arg0, %mul3A_226, %dma_wait3A_233] : memref<2x10112x8xf32, #tpu.memory_space<hbm>> -> memref<1x632x8xf32, #tpu.memory_space<hbm>>
      %dma_wait3A_235 = tpu.memref_squeeze %dma_wait3A_234 : memref<1x632x8xf32, #tpu.memory_space<hbm>> -> memref<632x8xf32, #tpu.memory_space<hbm>>
      %dma_wait3A_236 = arith.constant 0 : i32
      %dma_wait3A_237 = tpu.memref_slice %arg10[%arg0, %mul3A_226, %dma_wait3A_236] : memref<2x10112x8xf32, #tpu.memory_space<hbm>> -> memref<1x632x8xf32, #tpu.memory_space<hbm>>
      %dma_wait3A_238 = tpu.memref_squeeze %dma_wait3A_237 : memref<1x632x8xf32, #tpu.memory_space<hbm>> -> memref<632x8xf32, #tpu.memory_space<hbm>>
      tpu.wait_dma2 semaphore(%run_scoped3A : memref<!tpu.dma_semaphore, #tpu.memory_space<semaphore_mem>>) src(%arg36 : memref<632x8xf32, #tpu.memory_space<vmem>>) dst(%dma_wait3A_238 : memref<632x8xf32, #tpu.memory_space<hbm>>)
      tpu.yield
    }) : () -> ()
    return
  }
}

module attributes {stable_mosaic.version = 14 : i64} {
  func.func @_qkv_body(%arg0: i32, %arg1: memref<2000x128xf32, #tpu.memory_space<vmem>>, %arg2: memref<128x384xf32, #tpu.memory_space<vmem>>, %arg3: memref<1x128xf32, #tpu.memory_space<vmem>>, %arg4: memref<1x128xf32, #tpu.memory_space<vmem>>, %arg5: memref<1x128xf32, #tpu.memory_space<vmem>>, %arg6: memref<2x2000x64xf32, #tpu.memory_space<vmem>>, %arg7: memref<2x2000x64xf32, #tpu.memory_space<vmem>>, %arg8: memref<2x2000x64xf32, #tpu.memory_space<vmem>>) attributes {dimension_semantics = [#tpu.dimension_semantics<arbitrary>], iteration_bounds = array<i64: 5>, scalar_prefetch = 0 : i64, scratch_operands = 0 : i64, tpu.core_type = #tpu.core_type<tc>, window_params = [{transform_indices = @transform_0, window_bounds = array<i64: 2000, 128>}, {pipeline_mode = #tpu.pipeline_mode<synchronous>, transform_indices = @transform_1, window_bounds = array<i64: 128, 384>}, {pipeline_mode = #tpu.pipeline_mode<synchronous>, transform_indices = @transform_2, window_bounds = array<i64: 1, 128>}, {pipeline_mode = #tpu.pipeline_mode<synchronous>, transform_indices = @transform_3, window_bounds = array<i64: 1, 128>}, {pipeline_mode = #tpu.pipeline_mode<synchronous>, transform_indices = @transform_4, window_bounds = array<i64: 1, 128>}, {transform_indices = @transform_5, window_bounds = array<i64: 2, 2000, 64>}, {transform_indices = @transform_6, window_bounds = array<i64: 2, 2000, 64>}, {transform_indices = @transform_7, window_bounds = array<i64: 2, 2000, 64>}]} {
    %get3A = arith.constant 0 : index
    %get3A_0 = arith.constant 0 : index
    %get3A_1 = vector.load %arg1[%get3A, %get3A_0] : memref<2000x128xf32, #tpu.memory_space<vmem>>, vector<2000x128xf32>
    %get3A_2 = arith.constant 0 : index
    %get3A_3 = arith.constant 0 : index
    %get3A_4 = vector.load %arg2[%get3A_2, %get3A_3] : memref<128x384xf32, #tpu.memory_space<vmem>>, vector<128x384xf32>
    %dot_general3A = arith.constant dense<0.000000e+00> : vector<2000x384xf32>
    %dot_general3A_5 = tpu.matmul %get3A_1, %get3A_4, %dot_general3A {dimension_numbers = #tpu.dot_dimension_numbers<[1], [0], [0], [1], [0, 0, 1, 1], [], []>, precision = #tpu.contract_precision<fp32>, transpose_lhs_hint = false} : vector<2000x128xf32>, vector<128x384xf32>, vector<2000x384xf32> -> vector<2000x384xf32>
    %slice3A = vector.extract_strided_slice %dot_general3A_5 {offsets = [0, 0], sizes = [2000, 128], strides = [1, 1]} : vector<2000x384xf32> to vector<2000x128xf32>
    %get3A_6 = arith.constant 0 : index
    %get3A_7 = arith.constant 0 : index
    %get3A_8 = vector.load %arg3[%get3A_6, %get3A_7] : memref<1x128xf32, #tpu.memory_space<vmem>>, vector<1x128xf32>
    %add3A = vector.broadcast %get3A_8 : vector<1x128xf32> to vector<2000x128xf32>
    %add3A_9 = arith.addf %slice3A, %add3A : vector<2000x128xf32>
    %slice3A_10 = vector.extract_strided_slice %dot_general3A_5 {offsets = [0, 128], sizes = [2000, 128], strides = [1, 1]} : vector<2000x384xf32> to vector<2000x128xf32>
    %get3A_11 = arith.constant 0 : index
    %get3A_12 = arith.constant 0 : index
    %get3A_13 = vector.load %arg4[%get3A_11, %get3A_12] : memref<1x128xf32, #tpu.memory_space<vmem>>, vector<1x128xf32>
    %add3A_14 = vector.broadcast %get3A_13 : vector<1x128xf32> to vector<2000x128xf32>
    %add3A_15 = arith.addf %slice3A_10, %add3A_14 : vector<2000x128xf32>
    %slice3A_16 = vector.extract_strided_slice %dot_general3A_5 {offsets = [0, 256], sizes = [2000, 128], strides = [1, 1]} : vector<2000x384xf32> to vector<2000x128xf32>
    %get3A_17 = arith.constant 0 : index
    %get3A_18 = arith.constant 0 : index
    %get3A_19 = vector.load %arg5[%get3A_17, %get3A_18] : memref<1x128xf32, #tpu.memory_space<vmem>>, vector<1x128xf32>
    %add3A_20 = vector.broadcast %get3A_19 : vector<1x128xf32> to vector<2000x128xf32>
    %add3A_21 = arith.addf %slice3A_16, %add3A_20 : vector<2000x128xf32>
    %slice3A_22 = vector.extract_strided_slice %add3A_9 {offsets = [0, 0], sizes = [2000, 64], strides = [1, 1]} : vector<2000x128xf32> to vector<2000x64xf32>
    %swap3A = arith.constant 0 : index
    %swap3A_23 = arith.constant 0 : index
    %swap3A_24 = arith.constant 0 : index
    %swap3A_25 = vector.load %arg6[%swap3A, %swap3A_23, %swap3A_24] : memref<2x2000x64xf32, #tpu.memory_space<vmem>>, vector<1x2000x64xf32>
    %swap3A_26 = vector.shape_cast %swap3A_25 : vector<1x2000x64xf32> to vector<2000x64xf32>
    %swap3A_27 = vector.shape_cast %slice3A_22 : vector<2000x64xf32> to vector<1x2000x64xf32>
    tpu.vector_store %arg6[%swap3A, %swap3A_23, %swap3A_24], %swap3A_27 {strides = array<i32>} : memref<2x2000x64xf32, #tpu.memory_space<vmem>>, vector<1x2000x64xf32>,
    %slice3A_28 = vector.extract_strided_slice %add3A_9 {offsets = [0, 64], sizes = [2000, 64], strides = [1, 1]} : vector<2000x128xf32> to vector<2000x64xf32>
    %swap3A_29 = arith.constant 1 : index
    %swap3A_30 = arith.constant 0 : index
    %swap3A_31 = arith.constant 0 : index
    %swap3A_32 = vector.load %arg6[%swap3A_29, %swap3A_30, %swap3A_31] : memref<2x2000x64xf32, #tpu.memory_space<vmem>>, vector<1x2000x64xf32>
    %swap3A_33 = vector.shape_cast %swap3A_32 : vector<1x2000x64xf32> to vector<2000x64xf32>
    %swap3A_34 = vector.shape_cast %slice3A_28 : vector<2000x64xf32> to vector<1x2000x64xf32>
    tpu.vector_store %arg6[%swap3A_29, %swap3A_30, %swap3A_31], %swap3A_34 {strides = array<i32>} : memref<2x2000x64xf32, #tpu.memory_space<vmem>>, vector<1x2000x64xf32>,
    %slice3A_35 = vector.extract_strided_slice %add3A_15 {offsets = [0, 0], sizes = [2000, 64], strides = [1, 1]} : vector<2000x128xf32> to vector<2000x64xf32>
    %swap3A_36 = arith.constant 0 : index
    %swap3A_37 = arith.constant 0 : index
    %swap3A_38 = arith.constant 0 : index
    %swap3A_39 = vector.load %arg7[%swap3A_36, %swap3A_37, %swap3A_38] : memref<2x2000x64xf32, #tpu.memory_space<vmem>>, vector<1x2000x64xf32>
    %swap3A_40 = vector.shape_cast %swap3A_39 : vector<1x2000x64xf32> to vector<2000x64xf32>
    %swap3A_41 = vector.shape_cast %slice3A_35 : vector<2000x64xf32> to vector<1x2000x64xf32>
    tpu.vector_store %arg7[%swap3A_36, %swap3A_37, %swap3A_38], %swap3A_41 {strides = array<i32>} : memref<2x2000x64xf32, #tpu.memory_space<vmem>>, vector<1x2000x64xf32>,
    %slice3A_42 = vector.extract_strided_slice %add3A_15 {offsets = [0, 64], sizes = [2000, 64], strides = [1, 1]} : vector<2000x128xf32> to vector<2000x64xf32>
    %swap3A_43 = arith.constant 1 : index
    %swap3A_44 = arith.constant 0 : index
    %swap3A_45 = arith.constant 0 : index
    %swap3A_46 = vector.load %arg7[%swap3A_43, %swap3A_44, %swap3A_45] : memref<2x2000x64xf32, #tpu.memory_space<vmem>>, vector<1x2000x64xf32>
    %swap3A_47 = vector.shape_cast %swap3A_46 : vector<1x2000x64xf32> to vector<2000x64xf32>
    %swap3A_48 = vector.shape_cast %slice3A_42 : vector<2000x64xf32> to vector<1x2000x64xf32>
    tpu.vector_store %arg7[%swap3A_43, %swap3A_44, %swap3A_45], %swap3A_48 {strides = array<i32>} : memref<2x2000x64xf32, #tpu.memory_space<vmem>>, vector<1x2000x64xf32>,
    %slice3A_49 = vector.extract_strided_slice %add3A_21 {offsets = [0, 0], sizes = [2000, 64], strides = [1, 1]} : vector<2000x128xf32> to vector<2000x64xf32>
    %swap3A_50 = arith.constant 0 : index
    %swap3A_51 = arith.constant 0 : index
    %swap3A_52 = arith.constant 0 : index
    %swap3A_53 = vector.load %arg8[%swap3A_50, %swap3A_51, %swap3A_52] : memref<2x2000x64xf32, #tpu.memory_space<vmem>>, vector<1x2000x64xf32>
    %swap3A_54 = vector.shape_cast %swap3A_53 : vector<1x2000x64xf32> to vector<2000x64xf32>
    %swap3A_55 = vector.shape_cast %slice3A_49 : vector<2000x64xf32> to vector<1x2000x64xf32>
    tpu.vector_store %arg8[%swap3A_50, %swap3A_51, %swap3A_52], %swap3A_55 {strides = array<i32>} : memref<2x2000x64xf32, #tpu.memory_space<vmem>>, vector<1x2000x64xf32>,
    %slice3A_56 = vector.extract_strided_slice %add3A_21 {offsets = [0, 64], sizes = [2000, 64], strides = [1, 1]} : vector<2000x128xf32> to vector<2000x64xf32>
    %swap3A_57 = arith.constant 1 : index
    %swap3A_58 = arith.constant 0 : index
    %swap3A_59 = arith.constant 0 : index
    %swap3A_60 = vector.load %arg8[%swap3A_57, %swap3A_58, %swap3A_59] : memref<2x2000x64xf32, #tpu.memory_space<vmem>>, vector<1x2000x64xf32>
    %swap3A_61 = vector.shape_cast %swap3A_60 : vector<1x2000x64xf32> to vector<2000x64xf32>
    %swap3A_62 = vector.shape_cast %slice3A_56 : vector<2000x64xf32> to vector<1x2000x64xf32>
    tpu.vector_store %arg8[%swap3A_57, %swap3A_58, %swap3A_59], %swap3A_62 {strides = array<i32>} : memref<2x2000x64xf32, #tpu.memory_space<vmem>>, vector<1x2000x64xf32>,
    return
  }
  func.func @transform_0(%arg0: i32) -> (i32, i32) {
    %c0_i32 = arith.constant 0 : i32
    %c0_i32_0 = arith.constant 0 : i32
    return %arg0, %c0_i32 : i32, i32
  }
  func.func @transform_1(%arg0: i32) -> (i32, i32) {
    %c0_i32 = arith.constant 0 : i32
    %c0_i32_0 = arith.constant 0 : i32
    %c0_i32_1 = arith.constant 0 : i32
    return %c0_i32, %c0_i32_0 : i32, i32
  }
  func.func @transform_2(%arg0: i32) -> (i32, i32) {
    %c0_i32 = arith.constant 0 : i32
    %c0_i32_0 = arith.constant 0 : i32
    %c0_i32_1 = arith.constant 0 : i32
    return %c0_i32, %c0_i32_0 : i32, i32
  }
  func.func @transform_3(%arg0: i32) -> (i32, i32) {
    %c0_i32 = arith.constant 0 : i32
    %c0_i32_0 = arith.constant 0 : i32
    %c0_i32_1 = arith.constant 0 : i32
    return %c0_i32, %c0_i32_0 : i32, i32
  }
  func.func @transform_4(%arg0: i32) -> (i32, i32) {
    %c0_i32 = arith.constant 0 : i32
    %c0_i32_0 = arith.constant 0 : i32
    %c0_i32_1 = arith.constant 0 : i32
    return %c0_i32, %c0_i32_0 : i32, i32
  }
  func.func @transform_5(%arg0: i32) -> (i32, i32, i32) {
    %c0_i32 = arith.constant 0 : i32
    %c0_i32_0 = arith.constant 0 : i32
    %c0_i32_1 = arith.constant 0 : i32
    return %c0_i32, %arg0, %c0_i32_0 : i32, i32, i32
  }
  func.func @transform_6(%arg0: i32) -> (i32, i32, i32) {
    %c0_i32 = arith.constant 0 : i32
    %c0_i32_0 = arith.constant 0 : i32
    %c0_i32_1 = arith.constant 0 : i32
    return %c0_i32, %arg0, %c0_i32_0 : i32, i32, i32
  }
  func.func @transform_7(%arg0: i32) -> (i32, i32, i32) {
    %c0_i32 = arith.constant 0 : i32
    %c0_i32_0 = arith.constant 0 : i32
    %c0_i32_1 = arith.constant 0 : i32
    return %c0_i32, %arg0, %c0_i32_0 : i32, i32, i32
  }
}

module attributes {stable_mosaic.version = 14 : i64} {
  func.func @_epi_body(%arg0: i32, %arg1: memref<2000x128xf32, #tpu.memory_space<vmem>>, %arg2: memref<2x2000x64xf32, #tpu.memory_space<vmem>>, %arg3: memref<2x2000x8xf32, #tpu.memory_space<vmem>>, %arg4: memref<128x128xf32, #tpu.memory_space<vmem>>, %arg5: memref<1x128xf32, #tpu.memory_space<vmem>>, %arg6: memref<128x128xf32, #tpu.memory_space<vmem>>, %arg7: memref<128x128xf32, #tpu.memory_space<vmem>>, %arg8: memref<1x128xf32, #tpu.memory_space<vmem>>, %arg9: memref<128x128xf32, #tpu.memory_space<vmem>>, %arg10: memref<1x128xf32, #tpu.memory_space<vmem>>, %arg11: memref<2000x128xf32, #tpu.memory_space<vmem>>) attributes {dimension_semantics = [#tpu.dimension_semantics<arbitrary>], iteration_bounds = array<i64: 5>, scalar_prefetch = 0 : i64, scratch_operands = 0 : i64, tpu.core_type = #tpu.core_type<tc>, window_params = [{transform_indices = @transform_0, window_bounds = array<i64: 2000, 128>}, {transform_indices = @transform_1, window_bounds = array<i64: 2, 2000, 64>}, {transform_indices = @transform_2, window_bounds = array<i64: 2, 2000, 8>}, {pipeline_mode = #tpu.pipeline_mode<synchronous>, transform_indices = @transform_3, window_bounds = array<i64: 128, 128>}, {pipeline_mode = #tpu.pipeline_mode<synchronous>, transform_indices = @transform_4, window_bounds = array<i64: 1, 128>}, {pipeline_mode = #tpu.pipeline_mode<synchronous>, transform_indices = @transform_5, window_bounds = array<i64: 128, 128>}, {pipeline_mode = #tpu.pipeline_mode<synchronous>, transform_indices = @transform_6, window_bounds = array<i64: 128, 128>}, {pipeline_mode = #tpu.pipeline_mode<synchronous>, transform_indices = @transform_7, window_bounds = array<i64: 1, 128>}, {pipeline_mode = #tpu.pipeline_mode<synchronous>, transform_indices = @transform_8, window_bounds = array<i64: 128, 128>}, {pipeline_mode = #tpu.pipeline_mode<synchronous>, transform_indices = @transform_9, window_bounds = array<i64: 1, 128>}, {transform_indices = @transform_10, window_bounds = array<i64: 2000, 128>}]} {
    %get3A = arith.constant 0 : index
    %get3A_0 = arith.constant 0 : index
    %get3A_1 = arith.constant 0 : index
    %get3A_2 = vector.load %arg3[%get3A, %get3A_0, %get3A_1] : memref<2x2000x8xf32, #tpu.memory_space<vmem>>, vector<1x2000x8xf32>
    %get3A_3 = vector.shape_cast %get3A_2 : vector<1x2000x8xf32> to vector<2000x8xf32>
    %get3A_4 = arith.constant 1 : index
    %get3A_5 = arith.constant 0 : index
    %get3A_6 = arith.constant 0 : index
    %get3A_7 = vector.load %arg3[%get3A_4, %get3A_5, %get3A_6] : memref<2x2000x8xf32, #tpu.memory_space<vmem>>, vector<1x2000x8xf32>
    %get3A_8 = vector.shape_cast %get3A_7 : vector<1x2000x8xf32> to vector<2000x8xf32>
    %concatenate3A = tpu.concatenate %get3A_3, %get3A_8 in 1 : vector<2000x8xf32>, vector<2000x8xf32> -> vector<2000x16xf32>
    %gt3A = arith.constant 0.000000e+00 : f32
    %gt3A_9 = vector.broadcast %gt3A : f32 to vector<2000x16xf32>
    %gt3A_10 = arith.cmpf ogt, %concatenate3A, %gt3A_9 : vector<2000x16xf32>
    %div3A = arith.constant 1.000000e+00 : f32
    %div3A_11 = vector.broadcast %div3A : f32 to vector<2000x16xf32>
    %div3A_12 = arith.divf %div3A_11, %concatenate3A : vector<2000x16xf32>
    %jit3A = arith.constant 0.000000e+00 : f32
    %broadcast_in_dim3A = vector.broadcast %jit3A : f32 to vector<2000x16xf32>
    %select_n3A = arith.select %gt3A_10, %div3A_12, %broadcast_in_dim3A : vector<2000x16xi1>, vector<2000x16xf32>
    %iota3A = tpu.iota {dimensions = array<i32: 0>} : vector<16x128xi32>
    %iota3A_13 = tpu.iota {dimensions = array<i32: 1>} : vector<16x128xi32>
    %jit3A_14 = arith.constant 8 : i32
    %div3A_15 = vector.broadcast %jit3A_14 : i32 to vector<16x128xi32>
    %div3A_16 = arith.divsi %iota3A, %div3A_15 : vector<16x128xi32>
    %sign3A = arith.constant 0 : i32
    %sign3A_17 = vector.broadcast %sign3A : i32 to vector<16x128xi32>
    %sign3A_18 = arith.cmpi sgt, %iota3A, %sign3A_17 : vector<16x128xi32>
    %sign3A_19 = arith.extui %sign3A_18 : vector<16x128xi1> to vector<16x128xi32>
    %sign3A_20 = arith.constant 0 : i32
    %sign3A_21 = vector.broadcast %sign3A_20 : i32 to vector<16x128xi32>
    %sign3A_22 = arith.cmpi slt, %iota3A, %sign3A_21 : vector<16x128xi32>
    %sign3A_23 = arith.extui %sign3A_22 : vector<16x128xi1> to vector<16x128xi32>
    %sign3A_24 = arith.subi %sign3A_19, %sign3A_23 : vector<16x128xi32>
    %sign3A_25 = arith.constant 0 : i32
    %sign3A_26 = arith.cmpi sgt, %jit3A_14, %sign3A_25 : i32
    %sign3A_27 = arith.extui %sign3A_26 : i1 to i32
    %sign3A_28 = arith.constant 0 : i32
    %sign3A_29 = arith.cmpi slt, %jit3A_14, %sign3A_28 : i32
    %sign3A_30 = arith.extui %sign3A_29 : i1 to i32
    %sign3A_31 = arith.subi %sign3A_27, %sign3A_30 : i32
    %ne3A = vector.broadcast %sign3A_31 : i32 to vector<16x128xi32>
    %ne3A_32 = arith.cmpi ne, %sign3A_24, %ne3A : vector<16x128xi32>
    %rem3A = vector.broadcast %jit3A_14 : i32 to vector<16x128xi32>
    %rem3A_33 = arith.remsi %iota3A, %rem3A : vector<16x128xi32>
    %ne3A_34 = arith.constant 0 : i32
    %ne3A_35 = vector.broadcast %ne3A_34 : i32 to vector<16x128xi32>
    %ne3A_36 = arith.cmpi ne, %rem3A_33, %ne3A_35 : vector<16x128xi32>
    %and3A = arith.andi %ne3A_32, %ne3A_36 : vector<16x128xi1>
    %sub3A = arith.constant 1 : i32
    %sub3A_37 = vector.broadcast %sub3A : i32 to vector<16x128xi32>
    %sub3A_38 = arith.subi %div3A_16, %sub3A_37 : vector<16x128xi32>
    %select_n3A_39 = arith.select %and3A, %sub3A_38, %div3A_16 : vector<16x128xi1>, vector<16x128xi32>
    %jit3A_40 = arith.constant 64 : i32
    %div3A_41 = vector.broadcast %jit3A_40 : i32 to vector<16x128xi32>
    %div3A_42 = arith.divsi %iota3A_13, %div3A_41 : vector<16x128xi32>
    %sign3A_43 = arith.constant 0 : i32
    %sign3A_44 = vector.broadcast %sign3A_43 : i32 to vector<16x128xi32>
    %sign3A_45 = arith.cmpi sgt, %iota3A_13, %sign3A_44 : vector<16x128xi32>
    %sign3A_46 = arith.extui %sign3A_45 : vector<16x128xi1> to vector<16x128xi32>
    %sign3A_47 = arith.constant 0 : i32
    %sign3A_48 = vector.broadcast %sign3A_47 : i32 to vector<16x128xi32>
    %sign3A_49 = arith.cmpi slt, %iota3A_13, %sign3A_48 : vector<16x128xi32>
    %sign3A_50 = arith.extui %sign3A_49 : vector<16x128xi1> to vector<16x128xi32>
    %sign3A_51 = arith.subi %sign3A_46, %sign3A_50 : vector<16x128xi32>
    %sign3A_52 = arith.constant 0 : i32
    %sign3A_53 = arith.cmpi sgt, %jit3A_40, %sign3A_52 : i32
    %sign3A_54 = arith.extui %sign3A_53 : i1 to i32
    %sign3A_55 = arith.constant 0 : i32
    %sign3A_56 = arith.cmpi slt, %jit3A_40, %sign3A_55 : i32
    %sign3A_57 = arith.extui %sign3A_56 : i1 to i32
    %sign3A_58 = arith.subi %sign3A_54, %sign3A_57 : i32
    %ne3A_59 = vector.broadcast %sign3A_58 : i32 to vector<16x128xi32>
    %ne3A_60 = arith.cmpi ne, %sign3A_51, %ne3A_59 : vector<16x128xi32>
    %rem3A_61 = vector.broadcast %jit3A_40 : i32 to vector<16x128xi32>
    %rem3A_62 = arith.remsi %iota3A_13, %rem3A_61 : vector<16x128xi32>
    %ne3A_63 = arith.constant 0 : i32
    %ne3A_64 = vector.broadcast %ne3A_63 : i32 to vector<16x128xi32>
    %ne3A_65 = arith.cmpi ne, %rem3A_62, %ne3A_64 : vector<16x128xi32>
    %and3A_66 = arith.andi %ne3A_60, %ne3A_65 : vector<16x128xi1>
    %sub3A_67 = arith.constant 1 : i32
    %sub3A_68 = vector.broadcast %sub3A_67 : i32 to vector<16x128xi32>
    %sub3A_69 = arith.subi %div3A_42, %sub3A_68 : vector<16x128xi32>
    %select_n3A_70 = arith.select %and3A_66, %sub3A_69, %div3A_42 : vector<16x128xi1>, vector<16x128xi32>
    %eq3A = arith.cmpi eq, %select_n3A_39, %select_n3A_70 : vector<16x128xi32>
    %jit3A_71 = arith.constant 8 : i32
    %eq3A_72 = arith.constant 0 : i32
    %eq3A_73 = arith.cmpi eq, %jit3A_71, %eq3A_72 : i32
    %jit3A_74 = arith.constant 1 : i32
    %select_n3A_75 = arith.select %eq3A_73, %jit3A_74, %jit3A_71 : i32
    %rem3A_76 = vector.broadcast %select_n3A_75 : i32 to vector<16x128xi32>
    %rem3A_77 = arith.remsi %iota3A, %rem3A_76 : vector<16x128xi32>
    %ne3A_78 = arith.constant 0 : i32
    %ne3A_79 = vector.broadcast %ne3A_78 : i32 to vector<16x128xi32>
    %ne3A_80 = arith.cmpi ne, %rem3A_77, %ne3A_79 : vector<16x128xi32>
    %lt3A = arith.constant 0 : i32
    %lt3A_81 = vector.broadcast %lt3A : i32 to vector<16x128xi32>
    %lt3A_82 = arith.cmpi slt, %rem3A_77, %lt3A_81 : vector<16x128xi32>
    %lt3A_83 = arith.constant 0 : i32
    %lt3A_84 = arith.cmpi slt, %select_n3A_75, %lt3A_83 : i32
    %ne3A_85 = vector.broadcast %lt3A_84 : i1 to vector<16x128xi1>
    %ne3A_86 = vector.broadcast %ne3A_85 : vector<16x128xi1> to vector<16x128xi1>
    %ne3A_87 = arith.xori %lt3A_82, %ne3A_86 : vector<16x128xi1>
    %and3A_88 = arith.andi %ne3A_87, %ne3A_80 : vector<16x128xi1>
    %add3A = vector.broadcast %select_n3A_75 : i32 to vector<16x128xi32>
    %add3A_89 = arith.addi %rem3A_77, %add3A : vector<16x128xi32>
    %select_n3A_90 = arith.select %and3A_88, %add3A_89, %rem3A_77 : vector<16x128xi1>, vector<16x128xi32>
    %jit3A_91 = arith.constant 64 : i32
    %eq3A_92 = arith.constant 0 : i32
    %eq3A_93 = arith.cmpi eq, %jit3A_91, %eq3A_92 : i32
    %jit3A_94 = arith.constant 1 : i32
    %select_n3A_95 = arith.select %eq3A_93, %jit3A_94, %jit3A_91 : i32
    %rem3A_96 = vector.broadcast %select_n3A_95 : i32 to vector<16x128xi32>
    %rem3A_97 = arith.remsi %iota3A_13, %rem3A_96 : vector<16x128xi32>
    %ne3A_98 = arith.constant 0 : i32
    %ne3A_99 = vector.broadcast %ne3A_98 : i32 to vector<16x128xi32>
    %ne3A_100 = arith.cmpi ne, %rem3A_97, %ne3A_99 : vector<16x128xi32>
    %lt3A_101 = arith.constant 0 : i32
    %lt3A_102 = vector.broadcast %lt3A_101 : i32 to vector<16x128xi32>
    %lt3A_103 = arith.cmpi slt, %rem3A_97, %lt3A_102 : vector<16x128xi32>
    %lt3A_104 = arith.constant 0 : i32
    %lt3A_105 = arith.cmpi slt, %select_n3A_95, %lt3A_104 : i32
    %ne3A_106 = vector.broadcast %lt3A_105 : i1 to vector<16x128xi1>
    %ne3A_107 = vector.broadcast %ne3A_106 : vector<16x128xi1> to vector<16x128xi1>
    %ne3A_108 = arith.xori %lt3A_103, %ne3A_107 : vector<16x128xi1>
    %and3A_109 = arith.andi %ne3A_108, %ne3A_100 : vector<16x128xi1>
    %add3A_110 = vector.broadcast %select_n3A_95 : i32 to vector<16x128xi32>
    %add3A_111 = arith.addi %rem3A_97, %add3A_110 : vector<16x128xi32>
    %select_n3A_112 = arith.select %and3A_109, %add3A_111, %rem3A_97 : vector<16x128xi1>, vector<16x128xi32>
    %jit3A_113 = arith.constant 16 : i32
    %div3A_114 = vector.broadcast %jit3A_113 : i32 to vector<16x128xi32>
    %div3A_115 = arith.divsi %select_n3A_112, %div3A_114 : vector<16x128xi32>
    %sign3A_116 = arith.constant 0 : i32
    %sign3A_117 = vector.broadcast %sign3A_116 : i32 to vector<16x128xi32>
    %sign3A_118 = arith.cmpi sgt, %select_n3A_112, %sign3A_117 : vector<16x128xi32>
    %sign3A_119 = arith.extui %sign3A_118 : vector<16x128xi1> to vector<16x128xi32>
    %sign3A_120 = arith.constant 0 : i32
    %sign3A_121 = vector.broadcast %sign3A_120 : i32 to vector<16x128xi32>
    %sign3A_122 = arith.cmpi slt, %select_n3A_112, %sign3A_121 : vector<16x128xi32>
    %sign3A_123 = arith.extui %sign3A_122 : vector<16x128xi1> to vector<16x128xi32>
    %sign3A_124 = arith.subi %sign3A_119, %sign3A_123 : vector<16x128xi32>
    %sign3A_125 = arith.constant 0 : i32
    %sign3A_126 = arith.cmpi sgt, %jit3A_113, %sign3A_125 : i32
    %sign3A_127 = arith.extui %sign3A_126 : i1 to i32
    %sign3A_128 = arith.constant 0 : i32
    %sign3A_129 = arith.cmpi slt, %jit3A_113, %sign3A_128 : i32
    %sign3A_130 = arith.extui %sign3A_129 : i1 to i32
    %sign3A_131 = arith.subi %sign3A_127, %sign3A_130 : i32
    %ne3A_132 = vector.broadcast %sign3A_131 : i32 to vector<16x128xi32>
    %ne3A_133 = arith.cmpi ne, %sign3A_124, %ne3A_132 : vector<16x128xi32>
    %rem3A_134 = vector.broadcast %jit3A_113 : i32 to vector<16x128xi32>
    %rem3A_135 = arith.remsi %select_n3A_112, %rem3A_134 : vector<16x128xi32>
    %ne3A_136 = arith.constant 0 : i32
    %ne3A_137 = vector.broadcast %ne3A_136 : i32 to vector<16x128xi32>
    %ne3A_138 = arith.cmpi ne, %rem3A_135, %ne3A_137 : vector<16x128xi32>
    %and3A_139 = arith.andi %ne3A_133, %ne3A_138 : vector<16x128xi1>
    %sub3A_140 = arith.constant 1 : i32
    %sub3A_141 = vector.broadcast %sub3A_140 : i32 to vector<16x128xi32>
    %sub3A_142 = arith.subi %div3A_115, %sub3A_141 : vector<16x128xi32>
    %select_n3A_143 = arith.select %and3A_139, %sub3A_142, %div3A_115 : vector<16x128xi1>, vector<16x128xi32>
    %eq3A_144 = arith.cmpi eq, %select_n3A_90, %select_n3A_143 : vector<16x128xi32>
    %and3A_145 = arith.andi %eq3A, %eq3A_144 : vector<16x128xi1>
    %jit3A_146 = arith.constant 1.000000e+00 : f32
    %jit3A_147 = arith.constant 0.000000e+00 : f32
    %broadcast_in_dim3A_148 = vector.broadcast %jit3A_146 : f32 to vector<16x128xf32>
    %broadcast_in_dim3A_149 = vector.broadcast %jit3A_147 : f32 to vector<16x128xf32>
    %select_n3A_150 = arith.select %and3A_145, %broadcast_in_dim3A_148, %broadcast_in_dim3A_149 : vector<16x128xi1>, vector<16x128xf32>
    %dot_general3A = arith.constant dense<0.000000e+00> : vector<2000x128xf32>
    %dot_general3A_151 = tpu.matmul %select_n3A, %select_n3A_150, %dot_general3A {dimension_numbers = #tpu.dot_dimension_numbers<[1], [0], [0], [1], [0, 0, 1, 1], [], []>, precision = #tpu.contract_precision<fp32>, transpose_lhs_hint = false} : vector<2000x16xf32>, vector<16x128xf32>, vector<2000x128xf32> -> vector<2000x128xf32>
    %get3A_152 = arith.constant 0 : index
    %get3A_153 = arith.constant 0 : index
    %get3A_154 = arith.constant 0 : index
    %get3A_155 = vector.load %arg2[%get3A_152, %get3A_153, %get3A_154] : memref<2x2000x64xf32, #tpu.memory_space<vmem>>, vector<1x2000x64xf32>
    %get3A_156 = vector.shape_cast %get3A_155 : vector<1x2000x64xf32> to vector<2000x64xf32>
    %get3A_157 = arith.constant 1 : index
    %get3A_158 = arith.constant 0 : index
    %get3A_159 = arith.constant 0 : index
    %get3A_160 = vector.load %arg2[%get3A_157, %get3A_158, %get3A_159] : memref<2x2000x64xf32, #tpu.memory_space<vmem>>, vector<1x2000x64xf32>
    %get3A_161 = vector.shape_cast %get3A_160 : vector<1x2000x64xf32> to vector<2000x64xf32>
    %concatenate3A_162 = tpu.concatenate %get3A_156, %get3A_161 in 1 : vector<2000x64xf32>, vector<2000x64xf32> -> vector<2000x128xf32>
    %mul3A = arith.mulf %concatenate3A_162, %dot_general3A_151 : vector<2000x128xf32>
    %get3A_163 = arith.constant 0 : index
    %get3A_164 = arith.constant 0 : index
    %get3A_165 = vector.load %arg4[%get3A_163, %get3A_164] : memref<128x128xf32, #tpu.memory_space<vmem>>, vector<128x128xf32>
    %dot_general3A_166 = arith.constant dense<0.000000e+00> : vector<2000x128xf32>
    %dot_general3A_167 = tpu.matmul %mul3A, %get3A_165, %dot_general3A_166 {dimension_numbers = #tpu.dot_dimension_numbers<[1], [0], [0], [1], [0, 0, 1, 1], [], []>, precision = #tpu.contract_precision<fp32>, transpose_lhs_hint = false} : vector<2000x128xf32>, vector<128x128xf32>, vector<2000x128xf32> -> vector<2000x128xf32>
    %get3A_168 = arith.constant 0 : index
    %get3A_169 = arith.constant 0 : index
    %get3A_170 = vector.load %arg5[%get3A_168, %get3A_169] : memref<1x128xf32, #tpu.memory_space<vmem>>, vector<1x128xf32>
    %add3A_171 = vector.broadcast %get3A_170 : vector<1x128xf32> to vector<2000x128xf32>
    %add3A_172 = arith.addf %dot_general3A_167, %add3A_171 : vector<2000x128xf32>
    %get3A_173 = arith.constant 0 : index
    %get3A_174 = arith.constant 0 : index
    %get3A_175 = vector.load %arg1[%get3A_173, %get3A_174] : memref<2000x128xf32, #tpu.memory_space<vmem>>, vector<2000x128xf32>
    %get3A_176 = arith.constant 0 : index
    %get3A_177 = arith.constant 0 : index
    %get3A_178 = vector.load %arg6[%get3A_176, %get3A_177] : memref<128x128xf32, #tpu.memory_space<vmem>>, vector<128x128xf32>
    %dot_general3A_179 = arith.constant dense<0.000000e+00> : vector<2000x128xf32>
    %dot_general3A_180 = tpu.matmul %get3A_175, %get3A_178, %dot_general3A_179 {dimension_numbers = #tpu.dot_dimension_numbers<[1], [0], [0], [1], [0, 0, 1, 1], [], []>, precision = #tpu.contract_precision<fp32>, transpose_lhs_hint = false} : vector<2000x128xf32>, vector<128x128xf32>, vector<2000x128xf32> -> vector<2000x128xf32>
    %get3A_181 = arith.constant 0 : index
    %get3A_182 = arith.constant 0 : index
    %get3A_183 = vector.load %arg7[%get3A_181, %get3A_182] : memref<128x128xf32, #tpu.memory_space<vmem>>, vector<128x128xf32>
    %dot_general3A_184 = arith.constant dense<0.000000e+00> : vector<2000x128xf32>
    %dot_general3A_185 = tpu.matmul %add3A_172, %get3A_183, %dot_general3A_184 {dimension_numbers = #tpu.dot_dimension_numbers<[1], [0], [0], [1], [0, 0, 1, 1], [], []>, precision = #tpu.contract_precision<fp32>, transpose_lhs_hint = false} : vector<2000x128xf32>, vector<128x128xf32>, vector<2000x128xf32> -> vector<2000x128xf32>
    %add3A_186 = arith.addf %dot_general3A_180, %dot_general3A_185 : vector<2000x128xf32>
    %get3A_187 = arith.constant 0 : index
    %get3A_188 = arith.constant 0 : index
    %get3A_189 = vector.load %arg8[%get3A_187, %get3A_188] : memref<1x128xf32, #tpu.memory_space<vmem>>, vector<1x128xf32>
    %add3A_190 = vector.broadcast %get3A_189 : vector<1x128xf32> to vector<2000x128xf32>
    %add3A_191 = arith.addf %add3A_186, %add3A_190 : vector<2000x128xf32>
    %mul3A_192 = arith.constant 5.000000e-01 : f32
    %mul3A_193 = vector.broadcast %mul3A_192 : f32 to vector<2000x128xf32>
    %mul3A_194 = arith.mulf %mul3A_193, %add3A_191 : vector<2000x128xf32>
    %mul3A_195 = arith.constant 0.707106769 : f32
    %mul3A_196 = vector.broadcast %mul3A_195 : f32 to vector<2000x128xf32>
    %mul3A_197 = arith.mulf %add3A_191, %mul3A_196 : vector<2000x128xf32>
    %erf3A = math.erf %mul3A_197 : vector<2000x128xf32>
    %add3A_198 = arith.constant 1.000000e+00 : f32
    %add3A_199 = vector.broadcast %add3A_198 : f32 to vector<2000x128xf32>
    %add3A_200 = arith.addf %add3A_199, %erf3A : vector<2000x128xf32>
    %mul3A_201 = arith.mulf %mul3A_194, %add3A_200 : vector<2000x128xf32>
    %get3A_202 = arith.constant 0 : index
    %get3A_203 = arith.constant 0 : index
    %get3A_204 = vector.load %arg9[%get3A_202, %get3A_203] : memref<128x128xf32, #tpu.memory_space<vmem>>, vector<128x128xf32>
    %dot_general3A_205 = arith.constant dense<0.000000e+00> : vector<2000x128xf32>
    %dot_general3A_206 = tpu.matmul %mul3A_201, %get3A_204, %dot_general3A_205 {dimension_numbers = #tpu.dot_dimension_numbers<[1], [0], [0], [1], [0, 0, 1, 1], [], []>, precision = #tpu.contract_precision<fp32>, transpose_lhs_hint = false} : vector<2000x128xf32>, vector<128x128xf32>, vector<2000x128xf32> -> vector<2000x128xf32>
    %get3A_207 = arith.constant 0 : index
    %get3A_208 = arith.constant 0 : index
    %get3A_209 = vector.load %arg10[%get3A_207, %get3A_208] : memref<1x128xf32, #tpu.memory_space<vmem>>, vector<1x128xf32>
    %add3A_210 = vector.broadcast %get3A_209 : vector<1x128xf32> to vector<2000x128xf32>
    %add3A_211 = arith.addf %dot_general3A_206, %add3A_210 : vector<2000x128xf32>
    %swap3A = arith.constant 0 : index
    %swap3A_212 = arith.constant 0 : index
    %swap3A_213 = vector.load %arg11[%swap3A, %swap3A_212] : memref<2000x128xf32, #tpu.memory_space<vmem>>, vector<2000x128xf32>
    tpu.vector_store %arg11[%swap3A, %swap3A_212], %add3A_211 {strides = array<i32>} : memref<2000x128xf32, #tpu.memory_space<vmem>>, vector<2000x128xf32>,
    return
  }
  func.func @transform_0(%arg0: i32) -> (i32, i32) {
    %c0_i32 = arith.constant 0 : i32
    %c0_i32_0 = arith.constant 0 : i32
    return %arg0, %c0_i32 : i32, i32
  }
  func.func @transform_1(%arg0: i32) -> (i32, i32, i32) {
    %c0_i32 = arith.constant 0 : i32
    %c0_i32_0 = arith.constant 0 : i32
    %c0_i32_1 = arith.constant 0 : i32
    return %c0_i32, %arg0, %c0_i32_0 : i32, i32, i32
  }
  func.func @transform_2(%arg0: i32) -> (i32, i32, i32) {
    %c0_i32 = arith.constant 0 : i32
    %c0_i32_0 = arith.constant 0 : i32
    %c0_i32_1 = arith.constant 0 : i32
    return %c0_i32, %arg0, %c0_i32_0 : i32, i32, i32
  }
  func.func @transform_3(%arg0: i32) -> (i32, i32) {
    %c0_i32 = arith.constant 0 : i32
    %c0_i32_0 = arith.constant 0 : i32
    %c0_i32_1 = arith.constant 0 : i32
    return %c0_i32, %c0_i32_0 : i32, i32
  }
  func.func @transform_4(%arg0: i32) -> (i32, i32) {
    %c0_i32 = arith.constant 0 : i32
    %c0_i32_0 = arith.constant 0 : i32
    %c0_i32_1 = arith.constant 0 : i32
    return %c0_i32, %c0_i32_0 : i32, i32
  }
  func.func @transform_5(%arg0: i32) -> (i32, i32) {
    %c0_i32 = arith.constant 0 : i32
    %c0_i32_0 = arith.constant 0 : i32
    %c0_i32_1 = arith.constant 0 : i32
    return %c0_i32, %c0_i32_0 : i32, i32
  }
  func.func @transform_6(%arg0: i32) -> (i32, i32) {
    %c0_i32 = arith.constant 0 : i32
    %c0_i32_0 = arith.constant 0 : i32
    %c0_i32_1 = arith.constant 0 : i32
    return %c0_i32, %c0_i32_0 : i32, i32
  }
  func.func @transform_7(%arg0: i32) -> (i32, i32) {
    %c0_i32 = arith.constant 0 : i32
    %c0_i32_0 = arith.constant 0 : i32
    %c0_i32_1 = arith.constant 0 : i32
    return %c0_i32, %c0_i32_0 : i32, i32
  }
  func.func @transform_8(%arg0: i32) -> (i32, i32) {
    %c0_i32 = arith.constant 0 : i32
    %c0_i32_0 = arith.constant 0 : i32
    %c0_i32_1 = arith.constant 0 : i32
    return %c0_i32, %c0_i32_0 : i32, i32
  }
  func.func @transform_9(%arg0: i32) -> (i32, i32) {
    %c0_i32 = arith.constant 0 : i32
    %c0_i32_0 = arith.constant 0 : i32
    %c0_i32_1 = arith.constant 0 : i32
    return %c0_i32, %c0_i32_0 : i32, i32
  }
  func.func @transform_10(%arg0: i32) -> (i32, i32) {
    %c0_i32 = arith.constant 0 : i32
    %c0_i32_0 = arith.constant 0 : i32
    return %arg0, %c0_i32 : i32, i32
  }
}

</mosaic_0001>

<sc_bundles>
// kernel: kernel.5.cloned.1.call-start
scs
__scs_entry_jumppad:
0x0: {  	(pc) =	sbr.rel $0x88, $3  }
0x1: {  	(tag) =	ssettag $0x0;
	lr =	simm.s32 $0x1  }
0x2: {  	[smem:$0x3F97] =	sst lr;
	_ =	strace $0xD0000000  }
0x3: {  	_ = 	snop  }
0x4: {  	_ = 	snop  }
0x5: {  	_ = 	snop  }
0x6: {  	_ = 	snop  }
0x7: {  	_ = 	snop  }
__scs_overlays_trampoline_lowered:
0x8: {  	[smem:$0x3FA6] =	sst s0  }
0x9: {  	[smem:$0x3FA7] =	sst s1  }
0xa: {  	[smem:$0x3FA8] =	sst s2  }
0xb: {  	[smem:$0x3FA9] =	sst s3  }
0xc: {  	[smem:$0x3FAA] =	sst s4  }
0xd: {  	[smem:$0x3FAB] =	sst s5  }
0xe: {  	[smem:$0x3FAC] =	sst s6  }
0xf: {  	[smem:$0x3FAD] =	sst s7  }
0x10: {  	[smem:$0x3FAE] =	sst s8  }
0x11: {  	[smem:$0x3FAF] =	sst s9;
	s0 =	simm.s32 @!p0 $0x0  }
0x12: {  	s1 =	sld [smem:$0x3F95];
	s0 =	simm.s32 @p0 $0x1  }
0x13: {  	[smem:$0x3FB0] =	sst s0;
	s0 =	simm.s32 @!p1 $0x0  }
0x14: {  	s2 =	sld [smem:$0x3F94];
	s0 =	simm.s32 @p1 $0x1  }
0x15: {  	[smem:$0x3FB1] =	sst s0;
	s0 =	simm.s32 @!p2 $0x0  }
0x16: {  	s3 =	sld [smem:$0x3FDB];
	s0 =	simm.s32 @p2 $0x1  }
0x17: {  	s4 =	simm.s32 $0x1BF5;
	[smem:$0x3FB3] =	sst s0  }
0x18: {  	s0 =	sld [smem:$0x3F96];
	_ =	swait.ge [sflag:s4], $0x0  }
0x19: {  	s7 =	sld [smem:$0x3F97]  }
0x1a: {  	s8 =	sadd.s32 $0xFFFFE003, lr  }
0x1b: {  	s9 =	sadd.s32 $0xFFFFFEF7, lr;
	s5 =	simm.s32 $0xFFFFFFFF;
	p2 =	slt.u32 s8, $0xFFFFF086  }
0x1c: {  	p1 =	slt.u32 s9, $0xF7A;
	s5 =	simm.s32 @!p2 $0x0  }
0x1d: {  	s5 =	simm.s32 @p1 $0x1;
	p0 =	seq.s32 s7, s2  }
0x1e: {  	s7 =	smul.u32 @!p0 $0xF7A, s2;
	p2 =	seq.s32 @!p0 s5, $0x0  }
0x1f: {  	s9 =	smul.u32 $0xF7A, s1;
	s8 =	simm.s32 @!p0 $0x1BF5;
	p2 =	por !p2, p0  }
0x20: {  	[sflag:s8] =	ssyncset.s32 @!p0 $0xFFFFF086;
	s6 =	sadd.s32 @!p0 s3, s7;
	s7 =	simm.s32 @!p0 $0x108  }
0x21: {  	s3 =	sadd.s32 s3, s9;
	s6 =	sadd.s32 @!p0 $0x88, s6;
	s7 =	simm.s32 @p2 $0x1082  }
0x22: {  	[simem:s7], [sflag:s8] =	dma.local @!p0 [hbm:s6], $0xF7A  }
0x23: {  	s9 =	sor.u32 $0xD0000000, s2;
	s6 =	simm.s32 $0x108;
	_ =	swait.ge @!p0 [sflag:s8], $0x0  }
0x24: {  	s3 =	sadd.s32 $0x88, s3;
	s6 =	simm.s32 @!p1 $0x1082;
	[sflag:s4] =	ssyncset.s32 $0xFFFFF086  }
0x25: {  	[simem:s6], [sflag:s4] =	dma.local [hbm:s3], $0xF7A  }
0x26: {  	[smem:$0x3F97] =	sst s1;
	(tag) =	ssettag s2;
	_ =	strace s9  }
0x27: {  	s1 =	sld [smem:$0x3FA7]  }
0x28: {  	s2 =	sld [smem:$0x3FA8]  }
0x29: {  	s4 =	sld [smem:$0x3FAA]  }
0x2a: {  	p0 =	seq.s32 s5, $0x0;
	s5 =	sld [smem:$0x3FAB]  }
0x2b: {  	s6 =	sld [smem:$0x3FAC]  }
0x2c: {  	s7 =	sld [smem:$0x3FAD]  }
0x2d: {  	s3 =	simm.s32 $0x108;
	s8 =	sld [smem:$0x3FAE]  }
0x2e: {  	s3 =	simm.s32 @!p0 $0x1082;
	s9 =	sld [smem:$0x3FAF]  }
0x2f: {  	lr =	sadd.s32 s0, s3;
	s0 =	sld [smem:$0x3FA6]  }
0x30: {  	s3 =	sld [smem:$0x3FA9]  }
0x31: {  	[smem:$0x3FB2] =	sst s10  }
0x32: {  	s10 =	sld [smem:$0x3FB0];
	_ =	sdelay $0x3  }
0x33: {  	p0 =	seq.s32 s10, $0x1;
	s10 =	sld [smem:$0x3FB2];
	_ =	sdelay $0x3  }
0x34: {  	[smem:$0x3FB2] =	sst s10  }
0x35: {  	s10 =	sld [smem:$0x3FB1];
	_ =	sdelay $0x3  }
0x36: {  	p1 =	seq.s32 s10, $0x1;
	s10 =	sld [smem:$0x3FB2];
	_ =	sdelay $0x3  }
0x37: {  	[smem:$0x3FB2] =	sst s10  }
0x38: {  	s10 =	sld [smem:$0x3FB3]  }
0x39: {  	_ = 	snop;
	(pc) =	sbr.ind lr, $3  }
0x3a: {  	_ = 	snop  }
0x3b: {  	_ = 	snop  }
0x3c: {  	p2 =	seq.s32 s10, $0x1;
	s10 =	sld [smem:$0x3FB2]  }
0x3d: {  	_ =	shalt  }
0x3e: {  	_ =	shalt  }
0x3f: {  	_ =	shalt  }
0x40: {  	_ =	shalt  }
0x41: {  	_ =	shalt  }
0x42: {  	_ =	shalt  }
0x43: {  	_ =	shalt  }
0x44: {  	_ =	shalt  }
0x45: {  	_ =	shalt  }
0x46: {  	_ =	shalt  }
0x47: {  	_ =	shalt  }
0x48: {  	_ =	shalt  }
0x49: {  	_ =	shalt  }
0x4a: {  	_ =	shalt  }
0x4b: {  	_ =	shalt  }
0x4c: {  	_ =	shalt  }
0x4d: {  	_ =	shalt  }
0x4e: {  	_ =	shalt  }
0x4f: {  	_ =	shalt  }
0x50: {  	_ =	shalt  }
0x51: {  	_ =	shalt  }
0x52: {  	_ =	shalt  }
0x53: {  	_ =	shalt  }
0x54: {  	_ =	shalt  }
0x55: {  	_ =	shalt  }
0x56: {  	_ =	shalt  }
0x57: {  	_ =	shalt  }
0x58: {  	_ =	shalt  }
0x59: {  	_ =	shalt  }
0x5a: {  	_ =	shalt  }
0x5b: {  	_ =	shalt  }
0x5c: {  	_ =	shalt  }
0x5d: {  	_ =	shalt  }
0x5e: {  	_ =	shalt  }
0x5f: {  	_ =	shalt  }
0x60: {  	_ =	shalt  }
0x61: {  	_ =	shalt  }
0x62: {  	_ =	shalt  }
0x63: {  	_ =	shalt  }
0x64: {  	_ =	shalt  }
0x65: {  	_ =	shalt  }
0x66: {  	_ =	shalt  }
0x67: {  	_ =	shalt  }
0x68: {  	_ =	shalt  }
0x69: {  	_ =	shalt  }
0x6a: {  	_ =	shalt  }
0x6b: {  	_ =	shalt  }
0x6c: {  	_ =	shalt  }
0x6d: {  	_ =	shalt  }
0x6e: {  	_ =	shalt  }
0x6f: {  	_ =	shalt  }
0x70: {  	_ =	shalt  }
0x71: {  	_ =	shalt  }
0x72: {  	_ =	shalt  }
0x73: {  	_ =	shalt  }
0x74: {  	_ =	shalt  }
0x75: {  	_ =	shalt  }
0x76: {  	_ =	shalt  }
0x77: {  	_ =	shalt  }
0x78: {  	_ =	shalt  }
0x79: {  	_ =	shalt  }
0x7a: {  	_ =	shalt  }
0x7b: {  	_ =	shalt  }
0x7c: {  	_ =	shalt  }
0x7d: {  	_ =	shalt  }
0x7e: {  	_ =	shalt  }
0x7f: {  	_ =	shalt  }
0x80: {  	_ =	shalt  }
0x81: {  	_ =	shalt  }
0x82: {  	_ =	shalt  }
0x83: {  	_ =	shalt  }
0x84: {  	_ =	shalt  }
0x85: {  	_ =	shalt  }
0x86: {  	_ =	shalt  }
0x87: {  	_ =	shalt  }
.Lfunc_end0:
.L_simem_size_0:
called_computation_lowered:
.L_overlay_start_0:
0x88: {  	s2 =	sld [smem:$0x3FD9]  }
0x89: {  	s3 =	sld [smem:$0x3FFE];
	_ =	sdelay $0x1  }
0x8a: {  	s1 =	srdreg.scid  }
0x8b: {  	s0 =	sand.u32 $0x1, s1  }
0x8c: {  	s17 =	sshll.u32 s0, $0xA;
	s2 =	sadd.s32 s3, s2  }
0x8d: {  	s2 =	sadd.s32 s2, s17  }
0x8e: {  	[smem:$0x3FBE] =	sst s2  }
0x8f: {  	_ = 	snop  }
0x90: {  	s2 =	sld [smem:$0x3FD0];
	(tm) =	ssettm $0x1  }
0x91: {  	s18 =	sld [smem:$0x3FFB];
	_ =	sdelay $0x3  }
0x92: {  	_ =	strace s18  }
0x93: {  	s3 =	sld [smem:$0x3FFC];
	_ =	sdelay $0x3  }
0x94: {  	_ =	strace s3  }
0x95: {  	s3 =	sld [smem:$0x3FFD];
	_ =	sdelay $0x3  }
0x96: {  	_ =	strace s3  }
0x97: {  	_ =	strace $0x8FFFFFFF  }
0x98: {  	s19 =	sld [smem:$0x3FDB];
	_ =	sdelay $0x1  }
0x99: {  	s4 =	simm.s32 $_scs_section_size  }
0x9a: {  	s5 =	simm.s32 $_size__tile_overlayer_lowered;
	s6 =	simm.s32 $_tile_overlayer_lowered  }
0x9b: {  	s22 =	simm.s32 $0x1BFF;
	s21 =	sshll.u32 s6, $0x1;
	s3 =	sadd.s32 s4, s19  }
0x9c: {  	s7 =	simm.s32 $0x0;
	s20 =	sshll.u32 s5, $0x1;
	s5 =	sadd.s32 s21, s3  }
0x9d: {  	[timem:s7], [sflag:s22] =	dma.local [hbm:s5], s20  }
0x9e: {  	_ =	swait.ge [sflag:s22], s20  }
0x9f: {  	s4 =	ssub.s32 $0x0, s20;
	[sflag:s22] =	ssyncset.done $0x0  }
0xa0: {  	[sflag:s22] =	ssyncadd.s32 s4;
	_ =	sdelay $0x1  }
0xa1: {  	s23 =	simm.s32 $0x1B8B  }
0xa2: {  	_ =	swait.ge [sflag:s23], $0x1  }
0xa3: {  	[sflag:s23] =	ssyncset.done $0x0  }
0xa4: {  	s25 =	simm.s32 $0x1B8E;
	s24 =	sld [smem:$0x3FFE];
	[sflag:s23] =	ssyncadd.s32 $0xFFFFFFFF  }
0xa5: {  	s26 =	simm.s32 $execute0_lowered;
	[smem:$0x3FD2] =	sst s25  }
0xa6: {  	s5 =	sshll.u32 s26, $0x1;
	_ =	strace $0x80000046;
	[dreg:$0x1] =	wrdreg $0xFFFFFFFF  }
0xa7: {  	s28 =	simm.s32 $_size_execute0_lowered;
	s3 =	sadd.s32 s3, s5;
	[dreg:$0x0] =	wrdreg $0x0  }
0xa8: {  	s5 =	sshll.u32 s28, $0x1;
	[dreg:$0x2] =	wrdreg s3  }
0xa9: {  	[dreg:$0x3] =	wrdreg s5  }
0xaa: {  	[dreg:$0x4] =	wrdreg $0xC0  }
0xab: {  	_ =	task [dreg:s7], $0x5FFFF  }
0xac: {  	[dreg:$0x1] =	wrdreg $0xFFFFFFFF  }
0xad: {  	[dreg:$0x0] =	wrdreg $0x60  }
0xae: {  	[dreg:$0x2] =	wrdreg s2  }
0xaf: {  	[dreg:$0x3] =	wrdreg s24  }
0xb0: {  	[dreg:$0x4] =	wrdreg $0x14E400  }
0xb1: {  	[dreg:$0x5] =	wrdreg $0x1EC400  }
0xb2: {  	[dreg:$0x6] =	wrdreg $0x9  }
0xb3: {  	_ =	task.clear_ibuf [dreg:s7], $0x7FFFF;
	_ =	strace $0x90000046  }
0xb4: {  	s29 =	simm.s32 $0x9;
	_ =	strace $0x80000048  }
0xb5: {  	_ =	swait.ge [sflag:s29], $0x1  }
0xb6: {  	[sflag:s29] =	ssyncadd.s32 $0xFFFFFFFF  }
0xb7: {  	_ =	strace $0x90000048  }
0xb8: {  	_ =	sfence  }
0xb9: {  	s30 =	sld [smem:$0x0];
	_ =	sdelay $0x2  }
0xba: {  	s31 =	sshll.u32 s1, $0xD;
	s1 =	sshrl.u32 s1, $0x2  }
0xbb: {  	s3 =	sand.u32 $0x4000, s31;
	s1 =	sadd.s32 s1, s30  }
0xbc: {  	s0 =	sor.u32 s3, s0;
	s1 =	sshll.u32 s1, $0x11  }
0xbd: {  	s0 =	sor.u32 s1, s0  }
0xbe: {  	s0 =	sadd.s32 $0x8F2B, s0  }
0xbf: {  	[sflag:s0] =	ssyncadd.remote.s32 $0x1  }
0xc0: {  	_ =	sfence.sel $0xFFFF  }
0xc1: {  	[dreg:$0x0] =	wrdreg $0xFFFFFFFF;
	(pc) =	sbr.abs _section_cstart, $3  }
0xc2: {  	[dreg:$0x1] =	wrdreg $0xFFFFFFFF  }
0xc3: {  	_ =	task.clear_ibuf [dreg:s7], $0x2FFFF;
	_ =	strace $0x9FFFFFFF  }
0xc4: {  	(tm) =	ssettm $0x7FFFFFFF  }
0xc5: {  	_ =	shalt  }
tec
execute0_lowered:
.L_overlay_start_1:
0x0: {  	(tag) =	ssettag $0x1  }
0x1: {  	s0 =	rddreg [dreg:$0x1]  }
0x2: {  	s1 =	rddreg [dreg:$0x2]  }
0x3: {  	s3 =	rddreg [dreg:$0x3]  }
0x4: {  	s23 =	simm.s32 $0x0;
	s12 =	stileid.u32;
	s5 =	srdreg.scid  }
0x5: {  	s31 =	simm.s32 $0xB;
	s28 =	simm.s32 $0x13A80;
	s29 =	simm.s32 $0x4  }
0x6: {  	[smem:$0x7FF] =	sst s23;
	s6 =	sadd.s32 $0x1E00, s0;
	s4 =	smul.u32 $0x9C4, s12  }
0x7: {  	s7 =	sadd.s32 $0x9E200, s0;
	s5 =	sand.u32 $0x1, s5;
	s8 =	smul.u32 $0x13C0, s12  }
0x8: {  	s9 =	sadd.s32 $0x3CC00, s0;
	s10 =	sadd.s32 $0x43400, s0;
	s12 =	smul.u32 $0x9E00, s12  }
0x9: {  	_ =	strace $0x80000047;
	[dreg:$0x5] =	wrdreg s9;
	s21 =	smul.u32 $0x13C00, s5  }
0xa: {  	s11 =	ssub.s32 $0x2, s5;
	s14 =	smul.u32 $0x9E000, s5;
	s4 =	sadd.s32 s4, s0  }
0xb: {  	s13 =	sshrl.u32 s11, $0x1;
	s22 =	sadd.s32 $0x2000, s12;
	s15 =	sadd.s32 $0x4000, s12  }
0xc: {  	s18 =	sadd.s32 $0x6000, s12;
	s19 =	sadd.s32 $0x8000, s12;
	s24 =	sadd.s32 s12, s1  }
0xd: {  	s3 =	sadd.s32 s8, s3;
	s9 =	sadd.s32 s8, s21;
	s20 =	ssub.s32 s11, s13  }
0xe: {  	s16 =	sadd.s32 s12, s14;
	s17 =	sadd.s32 s14, s22;
	s26 =	sadd.s32 s14, s15  }
0xf: {  	s2 =	sadd.s32 s14, s18;
	s14 =	sadd.s32 s14, s19;
	s30 =	sadd.s32 s22, s1  }
0x10: {  	s22 =	sadd.s32 s18, s1;
	s18 =	sadd.s32 $0x3D800, s0;
	[dreg:$0xc] =	wrdreg s24  }
0x11: {  	s21 =	sadd.s32 $0x32E00, s4;
	s4 =	sadd.s32 $0x29000, s4;
	[dreg:$0x13] =	wrdreg s3  }
0x12: {  	s8 =	simm.s32 $0x11800;
	s12 =	simm.s32 $0xC580;
	[dreg:$0x11] =	wrdreg s18  }
0x13: {  	s13 =	simm.s32 $0xED80;
	s9 =	sshrl.u32 s9, $0x3;
	[dreg:$0x14] =	wrdreg s21  }
0x14: {  	s16 =	sshrl.u32 s16, $0x3;
	s17 =	sshrl.u32 s17, $0x3;
	[dreg:$0x15] =	wrdreg s4  }
0x15: {  	s14 =	sshrl.u32 s14, $0x3;
	s4 =	simm.s32 $0x11580;
	[dreg:$0xd] =	wrdreg s30  }
0x16: {  	s21 =	simm.s32 $0xB180;
	s18 =	simm.s32 $0x8;
	[dreg:$0xe] =	wrdreg s22  }
0x17: {  	s16 =	sadd.s32 s10, s16;
	s25 =	sadd.s32 s10, s17;
	s17 =	sshrl.u32 s2, $0x3  }
0x18: {  	s9 =	sadd.s32 s9, s0;
	s2 =	simm.s32 $0x11A80;
	[dreg:$0x6] =	wrdreg s16  }
0x19: {  	[dreg:$0x7] =	wrdreg s25;
	s16 =	sshrl.u32 s26, $0x3;
	s11 =	sadd.s32 s10, s17  }
0x1a: {  	s17 =	sadd.s32 $0x3D400, s0;
	s25 =	sadd.s32 $0x3E400, s9;
	s26 =	smax.u32 s20, $0x1  }
0x1b: {  	v0 =	vlaneseq.u32;
	s9 =	simm.s32 $0x50;
	s20 =	simm.s32 $0x3;
	[dreg:$0x9] =	wrdreg s11  }
0x1c: {  	v22 =	vmul.u32 $0x8, v0;
	s16 =	sadd.s32 s10, s16;
	s10 =	sadd.s32 s10, s14;
	[dreg:$0x10] =	wrdreg s17  }
0x1d: {  	v3 =	vimm.f32 $0.0e+00;
	s14 =	sadd.s32 $0x3E000, s0;
	s11 =	sadd.s32 s15, s1;
	[dreg:$0x16] =	wrdreg s25  }
0x1e: {  	v2 =	vor.u32 $0x4, v22;
	v4 =	vor.u32 $0x5, v22;
	v5 =	vor.u32 $0x6, v22;
	s1 =	sadd.s32 s19, s1;
	s19 =	smul.u32 $0x2710, s5;
	[dreg:$0x17] =	wrdreg s26  }
0x1f: {  	v6 =	vor.u32 $0x7, v22;
	v7 =	vor.u32 $0x84, v22;
	v8 =	vor.u32 $0x85, v22;
	s25 =	simm.s32 $0xD980;
	s26 =	simm.s32 $0x10180;
	[dreg:$0x8] =	wrdreg s16  }
.Ltmp0:
0x20: {  	v9 =	vor.u32 $0x86, v22;
	v10 =	vor.u32 $0x87, v22;
	v11 =	vor.u32 $0x104, v22;
	s15 =	simm.s32 $0x5;
	[dreg:$0xa] =	wrdreg s10;
	(pc) =	sbr.rel .LBB2_1-.Ltmp0, $4  }
0x21: {  	v12 =	vor.u32 $0x105, v22;
	v13 =	vor.u32 $0x106, v22;
	v14 =	vor.u32 $0x107, v22;
	s17 =	simm.s32 $0x7;
	[dreg:$0xb] =	wrdreg s14;
	s16 =	sadd.s32 $0x3D000, s0  }
0x22: {  	v15 =	vor.u32 $0x184, v22;
	v16 =	vor.u32 $0x185, v22;
	v17 =	vor.u32 $0x186, v22;
	s0 =	sadd.s32 $0x3DC00, s0;
	s10 =	simm.s32 $0x9D80;
	[dreg:$0xf] =	wrdreg s16  }
0x23: {  	v18 =	vor.u32 $0x187, v22;
	v19 =	vor.u32 $0x204, v22;
	v20 =	vor.u32 $0x205, v22;
	s14 =	simm.s32 $0x1;
	[dreg:$0x12] =	wrdreg s0;
	s0 =	simm.s32 $0x0  }
0x24: {  	v21 =	vor.u32 $0x206, v22;
	v22 =	vor.u32 $0x207, v22;
	v1 =	vmov s19;
	s19 =	simm.s32 $0x2;
	s16 =	simm.s32 $0x6;
	[dreg:$0x18] =	wrdreg s0  }
.LBB2_10:
0x25: {  	[spmem:s3] =	stream.indirect.scatter.add.f32 [tilespmem:s8], [sflag:$0x9], $0x8, s0, s9, $0xb8;
	v63 =	vld [tilespmem:$0x0]  }
0x26: {  	s1 =	simm.s32 $0x9  }
0x27: {  	[spmem:s2] =	stream.indirect.scatter.add.f32 [tilespmem:s26], [sflag:$0xA], $0x40, s0, s9, $0xb8;
	v63 =	vld [tilespmem:$0x0]  }
0x28: {  	_ =	swait.ge [sflag:s1], $0x280  }
0x29: {  	[sflag:s1] =	ssyncset.done $0x0  }
0x2a: {  	s5 =	simm.s32 $0xA;
	[sflag:s1] =	ssyncadd.s32 $0xFFFFFD80  }
0x2b: {  	_ =	swait.ge [sflag:s5], $0x1400  }
0x2c: {  	[sflag:s5] =	ssyncset.done $0x0  }
0x2d: {  	[sflag:s5] =	ssyncadd.s32 $0xFFFFEC00  }
0x2e: {  	[bflag:$0x0] =	sbarrier.arrive $0xFFFF  }
0x2f: {  	s11 =	simm.s32 $0x11A80;
	s24 =	rddreg [dreg:$0xc]  }
0x30: {  	[tilespmem:s11], [sflag:$0xB] =	stream.linear.gather [spmem:s24], $0x2000, $0x38;
	v63 =	vld [tilespmem:$0x0]  }
0x31: {  	_ =	swait.ge [sflag:s31], $0x2000  }
0x32: {  	[sflag:s31] =	ssyncset.done $0x0  }
0x33: {  	s23 =	simm.s32 $0x0;
	s5 =	rddreg [dreg:$0x6];
	[sflag:s31] =	ssyncadd.s32 $0xFFFFE000  }
0x34: {  	[hbm4b:s5+s23] =	stream.linear.scatter [tilespmem:s11], [sflag:$0xB], $0x2000, $0x38;
	v63 =	vld [tilespmem:$0x0]  }
0x35: {  	_ =	swait.ge [sflag:s31], $0x2000  }
0x36: {  	s2 =	simm.s32 $0x11A80;
	[sflag:s31] =	ssyncset.done $0x0  }
0x37: {  	s11 =	smov.u32 s30;
	s30 =	rddreg [dreg:$0xd];
	[sflag:s31] =	ssyncadd.s32 $0xFFFFE000  }
0x38: {  	[tilespmem:s2], [sflag:$0xB] =	stream.linear.gather [spmem:s30], $0x2000, $0x38;
	v63 =	vld [tilespmem:$0x0]  }
0x39: {  	_ =	swait.ge [sflag:s31], $0x2000  }
0x3a: {  	[sflag:s31] =	ssyncset.done $0x0  }
0x3b: {  	s1 =	rddreg [dreg:$0x7];
	[sflag:s31] =	ssyncadd.s32 $0xFFFFE000  }
0x3c: {  	[hbm4b:s1+s23] =	stream.linear.scatter [tilespmem:s2], [sflag:$0xB], $0x2000, $0x38;
	v63 =	vld [tilespmem:$0x0]  }
0x3d: {  	_ =	swait.ge [sflag:s31], $0x2000  }
0x3e: {  	[sflag:s31] =	ssyncset.done $0x0  }
0x3f: {  	[sflag:s31] =	ssyncadd.s32 $0xFFFFE000  }
0x40: {  	[tilespmem:s2], [sflag:$0xB] =	stream.linear.gather [spmem:s11], $0x2000, $0x38;
	v63 =	vld [tilespmem:$0x0]  }
0x41: {  	_ =	swait.ge [sflag:s31], $0x2000  }
0x42: {  	[sflag:s31] =	ssyncset.done $0x0  }
0x43: {  	s3 =	rddreg [dreg:$0x8];
	[sflag:s31] =	ssyncadd.s32 $0xFFFFE000  }
0x44: {  	[hbm4b:s3+s23] =	stream.linear.scatter [tilespmem:s2], [sflag:$0xB], $0x2000, $0x38;
	v63 =	vld [tilespmem:$0x0]  }
0x45: {  	_ =	swait.ge [sflag:s31], $0x2000  }
0x46: {  	[sflag:s31] =	ssyncset.done $0x0  }
0x47: {  	s1 =	smov.u32 s22;
	s22 =	rddreg [dreg:$0xe];
	[sflag:s31] =	ssyncadd.s32 $0xFFFFE000  }
0x48: {  	[tilespmem:s2], [sflag:$0xB] =	stream.linear.gather [spmem:s22], $0x2000, $0x38;
	v63 =	vld [tilespmem:$0x0]  }
0x49: {  	_ =	swait.ge [sflag:s31], $0x2000  }
0x4a: {  	[sflag:s31] =	ssyncset.done $0x0  }
0x4b: {  	s0 =	rddreg [dreg:$0x9];
	[sflag:s31] =	ssyncadd.s32 $0xFFFFE000  }
0x4c: {  	[hbm4b:s0+s23] =	stream.linear.scatter [tilespmem:s2], [sflag:$0xB], $0x2000, $0x38;
	v63 =	vld [tilespmem:$0x0]  }
0x4d: {  	_ =	swait.ge [sflag:s31], $0x2000  }
0x4e: {  	[sflag:s31] =	ssyncset.done $0x0  }
0x4f: {  	[sflag:s31] =	ssyncadd.s32 $0xFFFFE000  }
0x50: {  	[tilespmem:s2], [sflag:$0xB] =	stream.linear.gather [spmem:s1], $0x1E00, $0x38;
	v63 =	vld [tilespmem:$0x0]  }
0x51: {  	_ =	swait.ge [sflag:s31], $0x1E00  }
0x52: {  	[sflag:s31] =	ssyncset.done $0x0  }
0x53: {  	s3 =	rddreg [dreg:$0xa];
	[sflag:s31] =	ssyncadd.s32 $0xFFFFE200  }
0x54: {  	[hbm4b:s3+s23] =	stream.linear.scatter [tilespmem:s2], [sflag:$0xB], $0x1E00, $0x38;
	v63 =	vld [tilespmem:$0x0]  }
0x55: {  	_ =	swait.ge [sflag:s31], $0x1E00  }
0x56: {  	[sflag:s31] =	ssyncset.done $0x0  }
0x57: {  	s28 =	simm.s32 $0x13A80;
	s3 =	rddreg [dreg:$0x13];
	[sflag:s31] =	ssyncadd.s32 $0xFFFFE200  }
0x58: {  	[tilespmem:s28], [sflag:$0xB] =	stream.linear.gather [spmem:s3], $0x13C0, $0x38;
	v63 =	vld [tilespmem:$0x0]  }
0x59: {  	_ =	swait.ge [sflag:s31], $0x13C0  }
0x5a: {  	[sflag:s31] =	ssyncset.done $0x0  }
0x5b: {  	s0 =	rddreg [dreg:$0x16];
	[sflag:s31] =	ssyncadd.s32 $0xFFFFEC40  }
0x5c: {  	[hbm4b:s0+s23] =	stream.linear.scatter [tilespmem:s28], [sflag:$0xB], $0x13C0, $0x38;
	v63 =	vld [tilespmem:$0x0]  }
0x5d: {  	_ =	swait.ge [sflag:s31], $0x13C0  }
0x5e: {  	s5 =	rddreg [dreg:$0x18]  }
0x5f: {  	s0 =	sadd.s32 $0x1, s5;
	s5 =	rddreg [dreg:$0x17]  }
0x60: {  	p0 =	sne.s32 s0, s5  }
.Ltmp1:
0x61: {  	_ = 	snop;
	(pc) =	sbr.rel @!p0 .LBB2_11-.Ltmp1, $3  }
0x62: {  	_ =	sdelay $0x1  }
0x63: {  	[sflag:s31] =	ssyncset.done $0x0  }
0x64: {  	[sflag:s31] =	ssyncadd.s32 $0xFFFFEC40;
	[dreg:$0x18] =	wrdreg s0  }
.LBB2_1:
0x65: {  	s5 =	rddreg [dreg:$0x5]  }
0x66: {  	[tilespmem:s2], [sflag:$0xB] =	stream.linear.gather [hbm4b:s5+s23], $0x2000, $0x38;
	v63 =	vld [tilespmem:$0x0]  }
0x67: {  	_ =	swait.ge [sflag:s31], $0x2000  }
0x68: {  	[sflag:s31] =	ssyncset.done $0x0  }
0x69: {  	[sflag:s31] =	ssyncadd.s32 $0xFFFFE000  }
0x6a: {  	[spmem:s24] =	stream.linear.scatter [tilespmem:s2], [sflag:$0xB], $0x2000, $0x38;
	v63 =	vld [tilespmem:$0x0]  }
0x6b: {  	_ =	swait.ge [sflag:s31], $0x2000  }
0x6c: {  	[sflag:s31] =	ssyncset.done $0x0  }
0x6d: {  	s24 =	rddreg [dreg:$0xf];
	[sflag:s31] =	ssyncadd.s32 $0xFFFFE000  }
0x6e: {  	[tilespmem:s2], [sflag:$0xB] =	stream.linear.gather [hbm4b:s24+s23], $0x2000, $0x38;
	v63 =	vld [tilespmem:$0x0]  }
0x6f: {  	_ =	swait.ge [sflag:s31], $0x2000  }
0x70: {  	[sflag:s31] =	ssyncset.done $0x0  }
0x71: {  	[sflag:s31] =	ssyncadd.s32 $0xFFFFE000  }
0x72: {  	[spmem:s30] =	stream.linear.scatter [tilespmem:s2], [sflag:$0xB], $0x2000, $0x38;
	v63 =	vld [tilespmem:$0x0]  }
0x73: {  	_ =	swait.ge [sflag:s31], $0x2000  }
0x74: {  	[sflag:s31] =	ssyncset.done $0x0  }
0x75: {  	s0 =	rddreg [dreg:$0x10];
	[sflag:s31] =	ssyncadd.s32 $0xFFFFE000  }
0x76: {  	[tilespmem:s2], [sflag:$0xB] =	stream.linear.gather [hbm4b:s0+s23], $0x2000, $0x38;
	v63 =	vld [tilespmem:$0x0]  }
0x77: {  	_ =	swait.ge [sflag:s31], $0x2000  }
0x78: {  	[sflag:s31] =	ssyncset.done $0x0  }
0x79: {  	[sflag:s31] =	ssyncadd.s32 $0xFFFFE000  }
0x7a: {  	[spmem:s11] =	stream.linear.scatter [tilespmem:s2], [sflag:$0xB], $0x2000, $0x38;
	v63 =	vld [tilespmem:$0x0]  }
0x7b: {  	_ =	swait.ge [sflag:s31], $0x2000  }
0x7c: {  	[sflag:s31] =	ssyncset.done $0x0  }
0x7d: {  	s24 =	rddreg [dreg:$0x11];
	[sflag:s31] =	ssyncadd.s32 $0xFFFFE000  }
0x7e: {  	[tilespmem:s2], [sflag:$0xB] =	stream.linear.gather [hbm4b:s24+s23], $0x2000, $0x38;
	v63 =	vld [tilespmem:$0x0]  }
0x7f: {  	_ =	swait.ge [sflag:s31], $0x2000  }
0x80: {  	[sflag:s31] =	ssyncset.done $0x0  }
0x81: {  	[sflag:s31] =	ssyncadd.s32 $0xFFFFE000  }
0x82: {  	[spmem:s22] =	stream.linear.scatter [tilespmem:s2], [sflag:$0xB], $0x2000, $0x38;
	v63 =	vld [tilespmem:$0x0]  }
0x83: {  	_ =	swait.ge [sflag:s31], $0x2000  }
0x84: {  	[sflag:s31] =	ssyncset.done $0x0  }
0x85: {  	s0 =	rddreg [dreg:$0x12];
	[sflag:s31] =	ssyncadd.s32 $0xFFFFE000  }
0x86: {  	[tilespmem:s2], [sflag:$0xB] =	stream.linear.gather [hbm4b:s0+s23], $0x1E00, $0x38;
	v63 =	vld [tilespmem:$0x0]  }
0x87: {  	_ =	swait.ge [sflag:s31], $0x1E00  }
0x88: {  	[sflag:s31] =	ssyncset.done $0x0  }
0x89: {  	[sflag:s31] =	ssyncadd.s32 $0xFFFFE200  }
0x8a: {  	[spmem:s1] =	stream.linear.scatter [tilespmem:s2], [sflag:$0xB], $0x1E00, $0x38;
	v63 =	vld [tilespmem:$0x0]  }
0x8b: {  	_ =	swait.ge [sflag:s31], $0x1E00  }
0x8c: {  	[sflag:s31] =	ssyncset.done $0x0  }
0x8d: {  	s2 =	rddreg [dreg:$0xb];
	[sflag:s31] =	ssyncadd.s32 $0xFFFFE200  }
0x8e: {  	[tilespmem:s28], [sflag:$0xB] =	stream.linear.gather [hbm4b:s2+s23], $0x13C0, $0x38;
	v63 =	vld [tilespmem:$0x0]  }
0x8f: {  	_ =	swait.ge [sflag:s31], $0x13C0  }
0x90: {  	[sflag:s31] =	ssyncset.done $0x0  }
0x91: {  	[sflag:s31] =	ssyncadd.s32 $0xFFFFEC40  }
0x92: {  	[spmem:s3] =	stream.linear.scatter [tilespmem:s28], [sflag:$0xB], $0x13C0, $0x38;
	v63 =	vld [tilespmem:$0x0]  }
0x93: {  	_ =	swait.ge [sflag:s31], $0x13C0  }
0x94: {  	[sflag:s31] =	ssyncset.done $0x0  }
0x95: {  	[sflag:s31] =	ssyncadd.s32 $0xFFFFEC40  }
0x96: {  	[bflag:$0x0] =	sbarrier.arrive $0xFFFF  }
0x97: {  	s22 =	rddreg [dreg:$0x14]  }
0x98: {  	[tilespmem:s23], [sflag:$0xB] =	stream.linear.gather [hbm4b:s22+s23], $0x4E20, $0x38;
	v63 =	vld [tilespmem:$0x0]  }
0x99: {  	_ =	swait.ge [sflag:s31], $0x4E20  }
0x9a: {  	[sflag:s31] =	ssyncset.done $0x0  }
0x9b: {  	s28 =	simm.s32 $0x4E20;
	s24 =	rddreg [dreg:$0x15];
	[sflag:s31] =	ssyncadd.s32 $0xFFFFB1E0  }
0x9c: {  	[tilespmem:s28], [sflag:$0xB] =	stream.linear.gather [hbm4b:s24+s23], $0x4E20, $0x38;
	v63 =	vld [tilespmem:$0x0]  }
0x9d: {  	_ =	swait.ge [sflag:s31], $0x4E20  }
0x9e: {  	s5 =	simm.s32 $0x0;
	s30 =	smov.u32 s11;
	[sflag:s31] =	ssyncset.done $0x0  }
0x9f: {  	s22 =	smov.u32 s1;
	s23 =	simm.s32 $0x40;
	[sflag:s31] =	ssyncadd.s32 $0xFFFFB1E0  }
.LBB2_2:
0xa0: {  	p0 =	sne.s32 s23, $0x13840;
	v23 =	vld [tilespmem:s5+$0x0];
	_ =	sdelay $0x1  }
.Ltmp2:
0xa1: {  	(pc) =	sbr.rel @p0 .LBB2_2-.Ltmp2, $3  }
0xa2: {  	_ =	sdelay $0x1  }
0xa3: {  	v23 =	vadd.s32 v1, v23  }
0xa4: {  	[tilespmem:s5+$0x0] =	vst v23;
	s5 =	sshra.s32 s23, $0x2;
	s23 =	sadd.s32 $0x40, s23  }
0xa5: {  	v23 =	vld [tilespmem:s5+$0x0];
	_ =	sdelay $0x4  }
0xa6: {  	v23 =	vadd.s32 v1, v23  }
0xa7: {  	[tilespmem:s5+$0x0] =	vst v23  }
0xa8: {  	[tilespmem:v2+s4+$0x0] =	vst.idx.msk $0xffff, v3  }
0xa9: {  	[tilespmem:v4+s4+$0x0] =	vst.idx.msk $0xffff, v3  }
0xaa: {  	[tilespmem:v5+s4+$0x0] =	vst.idx.msk $0xffff, v3  }
0xab: {  	[tilespmem:v6+s4+$0x0] =	vst.idx.msk $0xffff, v3  }
0xac: {  	[tilespmem:v7+s4+$0x0] =	vst.idx.msk $0xffff, v3  }
0xad: {  	[tilespmem:v8+s4+$0x0] =	vst.idx.msk $0xffff, v3  }
0xae: {  	[tilespmem:v9+s4+$0x0] =	vst.idx.msk $0xffff, v3  }
0xaf: {  	[tilespmem:v10+s4+$0x0] =	vst.idx.msk $0xffff, v3  }
0xb0: {  	[tilespmem:v11+s4+$0x0] =	vst.idx.msk $0xffff, v3  }
0xb1: {  	[tilespmem:v12+s4+$0x0] =	vst.idx.msk $0xffff, v3  }
0xb2: {  	[tilespmem:v13+s4+$0x0] =	vst.idx.msk $0xffff, v3  }
0xb3: {  	[tilespmem:v14+s4+$0x0] =	vst.idx.msk $0xffff, v3  }
0xb4: {  	[tilespmem:v15+s4+$0x0] =	vst.idx.msk $0xffff, v3  }
0xb5: {  	[tilespmem:v16+s4+$0x0] =	vst.idx.msk $0xffff, v3  }
0xb6: {  	[tilespmem:v17+s4+$0x0] =	vst.idx.msk $0xffff, v3  }
0xb7: {  	[tilespmem:v18+s4+$0x0] =	vst.idx.msk $0xffff, v3  }
0xb8: {  	[tilespmem:v19+s4+$0x0] =	vst.idx.msk $0xffff, v3  }
0xb9: {  	[tilespmem:v20+s4+$0x0] =	vst.idx.msk $0xffff, v3  }
0xba: {  	[tilespmem:v21+s4+$0x0] =	vst.idx.msk $0xffff, v3  }
0xbb: {  	[tilespmem:v22+s4+$0x0] =	vst.idx.msk $0xffff, v3  }
0xbc: {  	[tilespmem:v2+s8+$0x0] =	vst.idx.msk $0xffff, v3  }
0xbd: {  	[tilespmem:v4+s8+$0x0] =	vst.idx.msk $0xffff, v3  }
0xbe: {  	[tilespmem:v5+s8+$0x0] =	vst.idx.msk $0xffff, v3  }
0xbf: {  	[tilespmem:v6+s8+$0x0] =	vst.idx.msk $0xffff, v3  }
0xc0: {  	[tilespmem:v7+s8+$0x0] =	vst.idx.msk $0xffff, v3  }
0xc1: {  	[tilespmem:v8+s8+$0x0] =	vst.idx.msk $0xffff, v3  }
0xc2: {  	[tilespmem:v9+s8+$0x0] =	vst.idx.msk $0xffff, v3  }
0xc3: {  	[tilespmem:v10+s8+$0x0] =	vst.idx.msk $0xffff, v3  }
0xc4: {  	[tilespmem:v11+s8+$0x0] =	vst.idx.msk $0xffff, v3  }
0xc5: {  	[tilespmem:v12+s8+$0x0] =	vst.idx.msk $0xffff, v3  }
0xc6: {  	[tilespmem:v13+s8+$0x0] =	vst.idx.msk $0xffff, v3  }
0xc7: {  	[tilespmem:v14+s8+$0x0] =	vst.idx.msk $0xffff, v3  }
0xc8: {  	[tilespmem:v15+s8+$0x0] =	vst.idx.msk $0xffff, v3  }
0xc9: {  	[tilespmem:v16+s8+$0x0] =	vst.idx.msk $0xffff, v3  }
0xca: {  	[tilespmem:v17+s8+$0x0] =	vst.idx.msk $0xffff, v3  }
0xcb: {  	[tilespmem:v18+s8+$0x0] =	vst.idx.msk $0xffff, v3  }
0xcc: {  	[tilespmem:v19+s8+$0x0] =	vst.idx.msk $0xffff, v3  }
0xcd: {  	[tilespmem:v20+s8+$0x0] =	vst.idx.msk $0xffff, v3  }
0xce: {  	[tilespmem:v21+s8+$0x0] =	vst.idx.msk $0xffff, v3  }
0xcf: {  	[tilespmem:v22+s8+$0x0] =	vst.idx.msk $0xffff, v3  }
0xd0: {  	v23 =	vld [tilespmem:$0x4E20]  }
0xd1: {  	v24 =	vld [tilespmem:$0x4E30];
	_ =	sdelay $0x1  }
0xd2: {  	v25 =	vld [tilespmem:$0x4E40]  }
0xd3: {  	v62 =	vld [tilespmem:$0x4E60]  }
0xd4: {  	[tilespmem:$0x9C40] =	vst v23  }
0xd5: {  	v23 =	vadd.s32 v1, v23;
	[tilespmem:$0x9C50] =	vst v24  }
0xd6: {  	[tilespmem:$0x9CE0] =	vst v23;
	v23 =	vld [tilespmem:$0x4E50]  }
0xd7: {  	[tilespmem:$0x9C60] =	vst v25  }
0xd8: {  	v24 =	vadd.s32 v1, v24;
	[tilespmem:$0x9C80] =	vst v62  }
0xd9: {  	v25 =	vadd.s32 v1, v25;
	[tilespmem:$0x9CF0] =	vst v24  }
0xda: {  	[tilespmem:$0x9D00] =	vst v25  }
0xdb: {  	[tilespmem:$0x9C70] =	vst v23;
	v23 =	vadd.s32 v1, v23  }
0xdc: {  	[tilespmem:$0x9D10] =	vst v23;
	v23 =	vadd.s32 v1, v62  }
0xdd: {  	s24 =	simm.s32 $0x0;
	s1 =	rddreg [dreg:$0x0];
	[tilespmem:$0x9D20] =	vst v23  }
0xde: {  	[tilespmem:s10], [sflag:$0x1] =	stream.indirect.gather [hbm4b:s6+s9], $0x40, s24, s9, $0xb8;
	v63 =	vld [tilespmem:$0x0]  }
0xdf: {  	s28 =	simm.s32 $0x9CE0;
	s3 =	rddreg [dreg:$0x3]  }
0xe0: {  	[tilespmem:s12], [sflag:$0x2] =	stream.indirect.gather [hbm4b:s1+s9], $0x40, s28, s9, $0xb8;
	v63 =	vld [tilespmem:$0x0]  }
0xe1: {  	s2 =	rddreg [dreg:$0x2];
	s0 =	simm.s32 $0x9C90  }
0xe2: {  	[tilespmem:s13], [sflag:$0x3] =	stream.indirect.gather [hbm4b:s7+s9], $0x40, s24, s9, $0xb8;
	v63 =	vld [tilespmem:$0x0]  }
.LBB2_4:
0xe3: {  	_ =	swait.ge [sflag:s14], $0x1400  }
0xe4: {  	[sflag:s14] =	ssyncset.done $0x0  }
0xe5: {  	[sflag:s14] =	ssyncadd.s32 $0xFFFFEC00  }
0xe6: {  	_ =	swait.ge [sflag:s19], $0x1400  }
0xe7: {  	[sflag:s19] =	ssyncset.done $0x0  }
0xe8: {  	[sflag:s19] =	ssyncadd.s32 $0xFFFFEC00  }
0xe9: {  	_ =	swait.ge [sflag:s20], $0x1400  }
0xea: {  	[sflag:s20] =	ssyncset.done $0x0  }
0xeb: {  	s5 =	simm.s32 $0x0;
	[sflag:s20] =	ssyncadd.s32 $0xFFFFEC00  }
.LBB2_5:
0xec: {  	v24 =	vor.u32 s5, v0  }
0xed: {  	v23 =	vshll.u32 v24, $0x6;
	_ =	sdelay $0x1  }
0xee: {  	v25 =	vor.u32 $0x1, v23;
	_ =	sdelay $0x1  }
0xef: {  	v26 =	vor.u32 $0x2, v23  }
0xf0: {  	v27 =	vld.idx.msk [tilespmem:v23+s10+$0x0], $0xffff  }
0xf1: {  	v29 =	vor.u32 $0x3, v23;
	v28 =	vld.idx.msk [tilespmem:v23+s12+$0x0], $0xffff  }
0xf2: {  	v30 =	vld.idx.msk [tilespmem:v25+s10+$0x0], $0xffff  }
0xf3: {  	v32 =	vor.u32 $0x4, v23;
	v31 =	vld.idx.msk [tilespmem:v25+s12+$0x0], $0xffff  }
0xf4: {  	v33 =	vld.idx.msk [tilespmem:v26+s10+$0x0], $0xffff  }
0xf5: {  	v35 =	vor.u32 $0x5, v23;
	v34 =	vld.idx.msk [tilespmem:v26+s12+$0x0], $0xffff  }
0xf6: {  	v46 =	vld.idx.msk [tilespmem:v29+s10+$0x0], $0xffff;
	v27 =	vmul.f32 v28, v27  }
0xf7: {  	v37 =	vor.u32 $0x6, v23;
	v36 =	vld.idx.msk [tilespmem:v29+s12+$0x0], $0xffff  }
0xf8: {  	v47 =	vld.idx.msk [tilespmem:v32+s10+$0x0], $0xffff;
	v30 =	vmul.f32 v31, v30;
	v27 =	vadd.f32 $0.0e+00, v27  }
0xf9: {  	v39 =	vor.u32 $0x7, v23;
	v38 =	vld.idx.msk [tilespmem:v32+s12+$0x0], $0xffff  }
0xfa: {  	v49 =	vld.idx.msk [tilespmem:v35+s10+$0x0], $0xffff;
	v48 =	vmul.f32 v34, v33;
	v27 =	vadd.f32 v30, v27  }
0xfb: {  	v40 =	vor.u32 $0x8, v23;
	v50 =	vld.idx.msk [tilespmem:v35+s12+$0x0], $0xffff  }
0xfc: {  	v51 =	vld.idx.msk [tilespmem:v37+s10+$0x0], $0xffff;
	v28 =	vmul.f32 v36, v46;
	v27 =	vadd.f32 v48, v27  }
0xfd: {  	v41 =	vor.u32 $0x9, v23;
	v52 =	vld.idx.msk [tilespmem:v37+s12+$0x0], $0xffff  }
0xfe: {  	v54 =	vld.idx.msk [tilespmem:v39+s10+$0x0], $0xffff;
	v53 =	vmul.f32 v38, v47;
	v27 =	vadd.f32 v28, v27  }
0xff: {  	v42 =	vor.u32 $0xA, v23;
	v55 =	vld.idx.msk [tilespmem:v39+s12+$0x0], $0xffff  }
0x100: {  	v57 =	vld.idx.msk [tilespmem:v40+s10+$0x0], $0xffff;
	v56 =	vmul.f32 v50, v49;
	v27 =	vadd.f32 v53, v27  }
0x101: {  	v43 =	vor.u32 $0xB, v23;
	v58 =	vld.idx.msk [tilespmem:v40+s12+$0x0], $0xffff  }
0x102: {  	v60 =	vld.idx.msk [tilespmem:v41+s10+$0x0], $0xffff;
	v59 =	vmul.f32 v52, v51;
	v27 =	vadd.f32 v56, v27  }
0x103: {  	v44 =	vor.u32 $0xC, v23;
	v61 =	vld.idx.msk [tilespmem:v41+s12+$0x0], $0xffff  }
0x104: {  	v62 =	vmul.f32 v55, v54;
	v49 =	vld.idx.msk [tilespmem:v42+s12+$0x0], $0xffff;
	v27 =	vadd.f32 v59, v27  }
0x105: {  	v45 =	vor.u32 $0xD, v23;
	v48 =	vld.idx.msk [tilespmem:v42+s10+$0x0], $0xffff  }
0x106: {  	v50 =	vmul.f32 v58, v57;
	v51 =	vld.idx.msk [tilespmem:v43+s10+$0x0], $0xffff;
	v27 =	vadd.f32 v62, v27  }
0x107: {  	v52 =	vld.idx.msk [tilespmem:v43+s12+$0x0], $0xffff;
	v46 =	vor.u32 $0xE, v23  }
0x108: {  	v54 =	vld.idx.msk [tilespmem:v44+s10+$0x0], $0xffff;
	v53 =	vmul.f32 v61, v60;
	v27 =	vadd.f32 v50, v27  }
0x109: {  	v55 =	vld.idx.msk [tilespmem:v44+s12+$0x0], $0xffff;
	v47 =	vor.u32 $0xF, v23  }
0x10a: {  	v57 =	vld.idx.msk [tilespmem:v45+s10+$0x0], $0xffff;
	v56 =	vmul.f32 v49, v48;
	v27 =	vadd.f32 v53, v27  }
0x10b: {  	v58 =	vld.idx.msk [tilespmem:v45+s12+$0x0], $0xffff  }
0x10c: {  	v60 =	vld.idx.msk [tilespmem:v46+s10+$0x0], $0xffff;
	v59 =	vmul.f32 v52, v51;
	v27 =	vadd.f32 v56, v27  }
0x10d: {  	v61 =	vld.idx.msk [tilespmem:v46+s12+$0x0], $0xffff  }
0x10e: {  	v48 =	vld.idx.msk [tilespmem:v47+s10+$0x0], $0xffff;
	v62 =	vmul.f32 v55, v54;
	v27 =	vadd.f32 v59, v27  }
0x10f: {  	v49 =	vld.idx.msk [tilespmem:v47+s12+$0x0], $0xffff  }
0x110: {  	v50 =	vmul.f32 v58, v57;
	v27 =	vadd.f32 v62, v27;
	_ =	sdelay $0x1  }
0x111: {  	v51 =	vmul.f32 v61, v60;
	v27 =	vadd.f32 v50, v27;
	_ =	sdelay $0x1  }
0x112: {  	v52 =	vmul.f32 v49, v48;
	v27 =	vadd.f32 v51, v27;
	_ =	sdelay $0x1  }
0x113: {  	v27 =	vadd.f32 v52, v27;
	_ =	sdelay $0x1  }
0x114: {  	v27 =	vmul.f32 $2.500000000e-01, v27;
	_ =	sdelay $0x1  }
0x115: {  	v27 =	vmul.f32 $1.442695020e+00, v27;
	_ =	sdelay $0x1  }
0x116: {  	(erf) = vpow2.f32 v27;
	_ =	sdelay $0x4  }
0x117: {  	v24 =	vshll.u32 v24, $0x3;
	_ =	sdelay $0x3  }
0x118: {  	v27 =	vpop (erf)  }
0x119: {  	[tilespmem:v24+s4+$0x0] =	vst.idx.msk $0xffff, v27  }
0x11a: {  	v53 =	vld.idx.msk [tilespmem:v23+s13+$0x0], $0xffff;
	_ =	sdelay $0x4  }
0x11b: {  	v28 =	vmul.f32 v27, v53;
	_ =	sdelay $0x1  }
0x11c: {  	[tilespmem:v23+s13+$0x0] =	vst.idx.msk $0xffff, v28  }
0x11d: {  	v28 =	vld.idx.msk [tilespmem:v25+s13+$0x0], $0xffff;
	_ =	sdelay $0x4  }
0x11e: {  	v28 =	vmul.f32 v27, v28;
	_ =	sdelay $0x1  }
0x11f: {  	[tilespmem:v25+s13+$0x0] =	vst.idx.msk $0xffff, v28  }
0x120: {  	v25 =	vld.idx.msk [tilespmem:v26+s13+$0x0], $0xffff;
	_ =	sdelay $0x4  }
0x121: {  	v25 =	vmul.f32 v25, v27;
	_ =	sdelay $0x1  }
0x122: {  	[tilespmem:v26+s13+$0x0] =	vst.idx.msk $0xffff, v25  }
0x123: {  	v25 =	vld.idx.msk [tilespmem:v29+s13+$0x0], $0xffff;
	_ =	sdelay $0x4  }
0x124: {  	v25 =	vmul.f32 v25, v27;
	_ =	sdelay $0x1  }
0x125: {  	[tilespmem:v29+s13+$0x0] =	vst.idx.msk $0xffff, v25  }
0x126: {  	v25 =	vld.idx.msk [tilespmem:v32+s13+$0x0], $0xffff;
	_ =	sdelay $0x4  }
0x127: {  	v25 =	vmul.f32 v25, v27;
	_ =	sdelay $0x1  }
0x128: {  	[tilespmem:v32+s13+$0x0] =	vst.idx.msk $0xffff, v25  }
0x129: {  	v25 =	vld.idx.msk [tilespmem:v35+s13+$0x0], $0xffff;
	_ =	sdelay $0x4  }
0x12a: {  	v25 =	vmul.f32 v25, v27;
	_ =	sdelay $0x1  }
0x12b: {  	[tilespmem:v35+s13+$0x0] =	vst.idx.msk $0xffff, v25  }
0x12c: {  	v25 =	vld.idx.msk [tilespmem:v37+s13+$0x0], $0xffff;
	_ =	sdelay $0x4  }
0x12d: {  	v25 =	vmul.f32 v25, v27;
	_ =	sdelay $0x1  }
0x12e: {  	[tilespmem:v37+s13+$0x0] =	vst.idx.msk $0xffff, v25  }
0x12f: {  	v25 =	vld.idx.msk [tilespmem:v39+s13+$0x0], $0xffff;
	_ =	sdelay $0x4  }
0x130: {  	v25 =	vmul.f32 v25, v27;
	_ =	sdelay $0x1  }
0x131: {  	[tilespmem:v39+s13+$0x0] =	vst.idx.msk $0xffff, v25  }
0x132: {  	v25 =	vld.idx.msk [tilespmem:v40+s13+$0x0], $0xffff;
	_ =	sdelay $0x4  }
0x133: {  	v25 =	vmul.f32 v25, v27;
	_ =	sdelay $0x1  }
0x134: {  	[tilespmem:v40+s13+$0x0] =	vst.idx.msk $0xffff, v25  }
0x135: {  	v25 =	vld.idx.msk [tilespmem:v41+s13+$0x0], $0xffff;
	_ =	sdelay $0x4  }
0x136: {  	v25 =	vmul.f32 v25, v27;
	_ =	sdelay $0x1  }
0x137: {  	[tilespmem:v41+s13+$0x0] =	vst.idx.msk $0xffff, v25  }
0x138: {  	v25 =	vld.idx.msk [tilespmem:v42+s13+$0x0], $0xffff;
	_ =	sdelay $0x4  }
0x139: {  	v25 =	vmul.f32 v25, v27;
	_ =	sdelay $0x1  }
0x13a: {  	[tilespmem:v42+s13+$0x0] =	vst.idx.msk $0xffff, v25  }
0x13b: {  	v25 =	vld.idx.msk [tilespmem:v43+s13+$0x0], $0xffff;
	_ =	sdelay $0x4  }
0x13c: {  	v25 =	vmul.f32 v25, v27;
	_ =	sdelay $0x1  }
0x13d: {  	[tilespmem:v43+s13+$0x0] =	vst.idx.msk $0xffff, v25  }
0x13e: {  	v25 =	vld.idx.msk [tilespmem:v44+s13+$0x0], $0xffff;
	_ =	sdelay $0x4  }
0x13f: {  	v25 =	vmul.f32 v25, v27;
	_ =	sdelay $0x1  }
0x140: {  	[tilespmem:v44+s13+$0x0] =	vst.idx.msk $0xffff, v25  }
0x141: {  	v25 =	vld.idx.msk [tilespmem:v45+s13+$0x0], $0xffff;
	_ =	sdelay $0x4  }
0x142: {  	v25 =	vmul.f32 v25, v27;
	_ =	sdelay $0x1  }
0x143: {  	[tilespmem:v45+s13+$0x0] =	vst.idx.msk $0xffff, v25  }
0x144: {  	v25 =	vld.idx.msk [tilespmem:v46+s13+$0x0], $0xffff;
	_ =	sdelay $0x4  }
0x145: {  	v25 =	vmul.f32 v25, v27;
	_ =	sdelay $0x1  }
0x146: {  	[tilespmem:v46+s13+$0x0] =	vst.idx.msk $0xffff, v25  }
0x147: {  	v25 =	vld.idx.msk [tilespmem:v47+s13+$0x0], $0xffff;
	_ =	sdelay $0x2  }
0x148: {  	v26 =	vor.u32 $0x10, v23;
	_ =	sdelay $0x1  }
0x149: {  	v25 =	vmul.f32 v25, v27;
	v27 =	vor.u32 $0x11, v23;
	_ =	sdelay $0x1  }
0x14a: {  	[tilespmem:v47+s13+$0x0] =	vst.idx.msk $0xffff, v25;
	v25 =	vor.u32 $0x12, v23  }
0x14b: {  	v28 =	vld.idx.msk [tilespmem:v26+s10+$0x0], $0xffff  }
0x14c: {  	v30 =	vor.u32 $0x13, v23;
	v29 =	vld.idx.msk [tilespmem:v26+s12+$0x0], $0xffff  }
0x14d: {  	v54 =	vld.idx.msk [tilespmem:v27+s10+$0x0], $0xffff  }
0x14e: {  	v33 =	vor.u32 $0x14, v23;
	v32 =	vld.idx.msk [tilespmem:v27+s12+$0x0], $0xffff  }
0x14f: {  	v55 =	vld.idx.msk [tilespmem:v25+s10+$0x0], $0xffff  }
0x150: {  	v36 =	vor.u32 $0x15, v23;
	v35 =	vld.idx.msk [tilespmem:v25+s12+$0x0], $0xffff  }
0x151: {  	v56 =	vld.idx.msk [tilespmem:v30+s10+$0x0], $0xffff;
	v28 =	vmul.f32 v29, v28  }
0x152: {  	v38 =	vor.u32 $0x16, v23;
	v37 =	vld.idx.msk [tilespmem:v30+s12+$0x0], $0xffff  }
0x153: {  	v57 =	vld.idx.msk [tilespmem:v33+s10+$0x0], $0xffff;
	v28 =	vadd.f32 $0.0e+00, v28;
	v31 =	vmul.f32 v32, v54  }
0x154: {  	v40 =	vor.u32 $0x17, v23;
	v39 =	vld.idx.msk [tilespmem:v33+s12+$0x0], $0xffff  }
0x155: {  	v59 =	vld.idx.msk [tilespmem:v36+s10+$0x0], $0xffff;
	v28 =	vadd.f32 v31, v28;
	v58 =	vmul.f32 v35, v55  }
0x156: {  	v41 =	vor.u32 $0x18, v23;
	v60 =	vld.idx.msk [tilespmem:v36+s12+$0x0], $0xffff  }
0x157: {  	v61 =	vld.idx.msk [tilespmem:v38+s10+$0x0], $0xffff;
	v29 =	vmul.f32 v37, v56;
	v28 =	vadd.f32 v58, v28  }
0x158: {  	v42 =	vor.u32 $0x19, v23;
	v62 =	vld.idx.msk [tilespmem:v38+s12+$0x0], $0xffff  }
0x159: {  	v48 =	vld.idx.msk [tilespmem:v40+s10+$0x0], $0xffff;
	v47 =	vmul.f32 v39, v57;
	v28 =	vadd.f32 v29, v28  }
0x15a: {  	v43 =	vor.u32 $0x1A, v23;
	v49 =	vld.idx.msk [tilespmem:v40+s12+$0x0], $0xffff  }
0x15b: {  	v51 =	vld.idx.msk [tilespmem:v41+s10+$0x0], $0xffff;
	v50 =	vmul.f32 v60, v59;
	v28 =	vadd.f32 v47, v28  }
0x15c: {  	v44 =	vor.u32 $0x1B, v23;
	v52 =	vld.idx.msk [tilespmem:v41+s12+$0x0], $0xffff  }
0x15d: {  	v53 =	vmul.f32 v62, v61;
	v54 =	vld.idx.msk [tilespmem:v42+s10+$0x0], $0xffff;
	v28 =	vadd.f32 v50, v28  }
0x15e: {  	v45 =	vor.u32 $0x1C, v23;
	v55 =	vld.idx.msk [tilespmem:v42+s12+$0x0], $0xffff  }
0x15f: {  	v56 =	vmul.f32 v49, v48;
	v57 =	vld.idx.msk [tilespmem:v43+s10+$0x0], $0xffff;
	v28 =	vadd.f32 v53, v28  }
0x160: {  	v46 =	vor.u32 $0x1D, v23;
	v58 =	vld.idx.msk [tilespmem:v43+s12+$0x0], $0xffff  }
0x161: {  	v59 =	vmul.f32 v52, v51;
	v60 =	vld.idx.msk [tilespmem:v44+s10+$0x0], $0xffff;
	v28 =	vadd.f32 v56, v28  }
0x162: {  	v61 =	vld.idx.msk [tilespmem:v44+s12+$0x0], $0xffff;
	v47 =	vor.u32 $0x1E, v23  }
0x163: {  	v52 =	vld.idx.msk [tilespmem:v45+s10+$0x0], $0xffff;
	v62 =	vmul.f32 v55, v54;
	v28 =	vadd.f32 v59, v28  }
0x164: {  	v48 =	vor.u32 $0x1F, v23;
	v53 =	vld.idx.msk [tilespmem:v45+s12+$0x0], $0xffff  }
0x165: {  	v55 =	vld.idx.msk [tilespmem:v46+s10+$0x0], $0xffff;
	v54 =	vmul.f32 v58, v57;
	v28 =	vadd.f32 v62, v28  }
0x166: {  	v56 =	vld.idx.msk [tilespmem:v46+s12+$0x0], $0xffff  }
0x167: {  	v57 =	vmul.f32 v61, v60;
	v58 =	vld.idx.msk [tilespmem:v47+s10+$0x0], $0xffff;
	v28 =	vadd.f32 v54, v28  }
0x168: {  	v59 =	vld.idx.msk [tilespmem:v47+s12+$0x0], $0xffff  }
0x169: {  	v61 =	vld.idx.msk [tilespmem:v48+s10+$0x0], $0xffff;
	v60 =	vmul.f32 v53, v52;
	v28 =	vadd.f32 v57, v28  }
0x16a: {  	v62 =	vld.idx.msk [tilespmem:v48+s12+$0x0], $0xffff  }
0x16b: {  	v32 =	vmul.f32 v56, v55;
	v28 =	vadd.f32 v60, v28;
	_ =	sdelay $0x1  }
0x16c: {  	v34 =	vmul.f32 v59, v58;
	v28 =	vadd.f32 v32, v28;
	_ =	sdelay $0x1  }
0x16d: {  	v35 =	vmul.f32 v62, v61;
	v28 =	vadd.f32 v34, v28;
	_ =	sdelay $0x1  }
0x16e: {  	v28 =	vadd.f32 v35, v28;
	_ =	sdelay $0x1  }
0x16f: {  	v28 =	vmul.f32 $2.500000000e-01, v28;
	_ =	sdelay $0x1  }
0x170: {  	v28 =	vmul.f32 $1.442695020e+00, v28;
	_ =	sdelay $0x1  }
0x171: {  	(erf) = vpow2.f32 v28;
	_ =	sdelay $0x4  }
0x172: {  	v37 =	vor.u32 $0x1, v24;
	_ =	sdelay $0x3  }
0x173: {  	v39 =	vpop (erf)  }
0x174: {  	[tilespmem:v37+s4+$0x0] =	vst.idx.msk $0xffff, v39  }
0x175: {  	v28 =	vld.idx.msk [tilespmem:v26+s13+$0x0], $0xffff;
	_ =	sdelay $0x4  }
0x176: {  	v28 =	vmul.f32 v39, v28;
	_ =	sdelay $0x1  }
0x177: {  	[tilespmem:v26+s13+$0x0] =	vst.idx.msk $0xffff, v28  }
0x178: {  	v26 =	vld.idx.msk [tilespmem:v27+s13+$0x0], $0xffff;
	_ =	sdelay $0x4  }
0x179: {  	v26 =	vmul.f32 v39, v26;
	_ =	sdelay $0x1  }
0x17a: {  	[tilespmem:v27+s13+$0x0] =	vst.idx.msk $0xffff, v26  }
0x17b: {  	v26 =	vld.idx.msk [tilespmem:v25+s13+$0x0], $0xffff;
	_ =	sdelay $0x4  }
0x17c: {  	v26 =	vmul.f32 v26, v39;
	_ =	sdelay $0x1  }
0x17d: {  	[tilespmem:v25+s13+$0x0] =	vst.idx.msk $0xffff, v26  }
0x17e: {  	v25 =	vld.idx.msk [tilespmem:v30+s13+$0x0], $0xffff;
	_ =	sdelay $0x4  }
0x17f: {  	v25 =	vmul.f32 v25, v39;
	_ =	sdelay $0x1  }
0x180: {  	[tilespmem:v30+s13+$0x0] =	vst.idx.msk $0xffff, v25  }
0x181: {  	v25 =	vld.idx.msk [tilespmem:v33+s13+$0x0], $0xffff;
	_ =	sdelay $0x4  }
0x182: {  	v25 =	vmul.f32 v25, v39;
	_ =	sdelay $0x1  }
0x183: {  	[tilespmem:v33+s13+$0x0] =	vst.idx.msk $0xffff, v25  }
0x184: {  	v25 =	vld.idx.msk [tilespmem:v36+s13+$0x0], $0xffff;
	_ =	sdelay $0x4  }
0x185: {  	v25 =	vmul.f32 v25, v39;
	_ =	sdelay $0x1  }
0x186: {  	[tilespmem:v36+s13+$0x0] =	vst.idx.msk $0xffff, v25  }
0x187: {  	v25 =	vld.idx.msk [tilespmem:v38+s13+$0x0], $0xffff;
	_ =	sdelay $0x4  }
0x188: {  	v25 =	vmul.f32 v25, v39;
	_ =	sdelay $0x1  }
0x189: {  	[tilespmem:v38+s13+$0x0] =	vst.idx.msk $0xffff, v25  }
0x18a: {  	v25 =	vld.idx.msk [tilespmem:v40+s13+$0x0], $0xffff;
	_ =	sdelay $0x4  }
0x18b: {  	v25 =	vmul.f32 v25, v39;
	_ =	sdelay $0x1  }
0x18c: {  	[tilespmem:v40+s13+$0x0] =	vst.idx.msk $0xffff, v25  }
0x18d: {  	v25 =	vld.idx.msk [tilespmem:v41+s13+$0x0], $0xffff;
	_ =	sdelay $0x4  }
0x18e: {  	v25 =	vmul.f32 v25, v39;
	_ =	sdelay $0x1  }
0x18f: {  	[tilespmem:v41+s13+$0x0] =	vst.idx.msk $0xffff, v25  }
0x190: {  	v25 =	vld.idx.msk [tilespmem:v42+s13+$0x0], $0xffff;
	_ =	sdelay $0x4  }
0x191: {  	v25 =	vmul.f32 v25, v39;
	_ =	sdelay $0x1  }
0x192: {  	[tilespmem:v42+s13+$0x0] =	vst.idx.msk $0xffff, v25  }
0x193: {  	v25 =	vld.idx.msk [tilespmem:v43+s13+$0x0], $0xffff;
	_ =	sdelay $0x4  }
0x194: {  	v25 =	vmul.f32 v25, v39;
	_ =	sdelay $0x1  }
0x195: {  	[tilespmem:v43+s13+$0x0] =	vst.idx.msk $0xffff, v25  }
0x196: {  	v25 =	vld.idx.msk [tilespmem:v44+s13+$0x0], $0xffff;
	_ =	sdelay $0x4  }
0x197: {  	v25 =	vmul.f32 v25, v39;
	_ =	sdelay $0x1  }
0x198: {  	[tilespmem:v44+s13+$0x0] =	vst.idx.msk $0xffff, v25  }
0x199: {  	v25 =	vld.idx.msk [tilespmem:v45+s13+$0x0], $0xffff;
	_ =	sdelay $0x4  }
0x19a: {  	v25 =	vmul.f32 v25, v39;
	_ =	sdelay $0x1  }
0x19b: {  	[tilespmem:v45+s13+$0x0] =	vst.idx.msk $0xffff, v25  }
0x19c: {  	v25 =	vld.idx.msk [tilespmem:v46+s13+$0x0], $0xffff;
	_ =	sdelay $0x4  }
0x19d: {  	v25 =	vmul.f32 v25, v39;
	_ =	sdelay $0x1  }
0x19e: {  	[tilespmem:v46+s13+$0x0] =	vst.idx.msk $0xffff, v25  }
0x19f: {  	v25 =	vld.idx.msk [tilespmem:v47+s13+$0x0], $0xffff;
	_ =	sdelay $0x4  }
0x1a0: {  	v25 =	vmul.f32 v25, v39;
	_ =	sdelay $0x1  }
0x1a1: {  	[tilespmem:v47+s13+$0x0] =	vst.idx.msk $0xffff, v25  }
0x1a2: {  	v25 =	vld.idx.msk [tilespmem:v48+s13+$0x0], $0xffff;
	_ =	sdelay $0x2  }
0x1a3: {  	v26 =	vor.u32 $0x20, v23;
	_ =	sdelay $0x1  }
0x1a4: {  	v27 =	vor.u32 $0x21, v23;
	v25 =	vmul.f32 v25, v39;
	_ =	sdelay $0x1  }
0x1a5: {  	[tilespmem:v48+s13+$0x0] =	vst.idx.msk $0xffff, v25;
	v25 =	vor.u32 $0x22, v23  }
0x1a6: {  	v28 =	vld.idx.msk [tilespmem:v26+s10+$0x0], $0xffff  }
0x1a7: {  	v30 =	vor.u32 $0x23, v23;
	v47 =	vld.idx.msk [tilespmem:v26+s12+$0x0], $0xffff  }
0x1a8: {  	v48 =	vld.idx.msk [tilespmem:v27+s10+$0x0], $0xffff  }
0x1a9: {  	v33 =	vor.u32 $0x24, v23;
	v49 =	vld.idx.msk [tilespmem:v27+s12+$0x0], $0xffff  }
0x1aa: {  	v50 =	vld.idx.msk [tilespmem:v25+s10+$0x0], $0xffff  }
0x1ab: {  	v36 =	vor.u32 $0x25, v23;
	v51 =	vld.idx.msk [tilespmem:v25+s12+$0x0], $0xffff  }
0x1ac: {  	v52 =	vld.idx.msk [tilespmem:v30+s10+$0x0], $0xffff;
	v28 =	vmul.f32 v47, v28  }
0x1ad: {  	v38 =	vor.u32 $0x26, v23;
	v53 =	vld.idx.msk [tilespmem:v30+s12+$0x0], $0xffff  }
0x1ae: {  	v54 =	vld.idx.msk [tilespmem:v33+s10+$0x0], $0xffff;
	v31 =	vmul.f32 v49, v48;
	v28 =	vadd.f32 $0.0e+00, v28  }
0x1af: {  	v40 =	vor.u32 $0x27, v23;
	v55 =	vld.idx.msk [tilespmem:v33+s12+$0x0], $0xffff  }
0x1b0: {  	v57 =	vld.idx.msk [tilespmem:v36+s10+$0x0], $0xffff;
	v28 =	vadd.f32 v31, v28;
	v56 =	vmul.f32 v51, v50  }
0x1b1: {  	v41 =	vor.u32 $0x28, v23;
	v58 =	vld.idx.msk [tilespmem:v36+s12+$0x0], $0xffff  }
0x1b2: {  	v59 =	vld.idx.msk [tilespmem:v38+s10+$0x0], $0xffff;
	v29 =	vmul.f32 v53, v52;
	v28 =	vadd.f32 v56, v28  }
0x1b3: {  	v42 =	vor.u32 $0x29, v23;
	v60 =	vld.idx.msk [tilespmem:v38+s12+$0x0], $0xffff  }
0x1b4: {  	v62 =	vld.idx.msk [tilespmem:v40+s10+$0x0], $0xffff;
	v61 =	vmul.f32 v55, v54;
	v28 =	vadd.f32 v29, v28  }
0x1b5: {  	v43 =	vor.u32 $0x2A, v23;
	v48 =	vld.idx.msk [tilespmem:v40+s12+$0x0], $0xffff  }
0x1b6: {  	v49 =	vmul.f32 v58, v57;
	v50 =	vld.idx.msk [tilespmem:v41+s10+$0x0], $0xffff;
	v28 =	vadd.f32 v61, v28  }
0x1b7: {  	v44 =	vor.u32 $0x2B, v23;
	v51 =	vld.idx.msk [tilespmem:v41+s12+$0x0], $0xffff  }
0x1b8: {  	v52 =	vmul.f32 v60, v59;
	v53 =	vld.idx.msk [tilespmem:v42+s10+$0x0], $0xffff;
	v28 =	vadd.f32 v49, v28  }
0x1b9: {  	v45 =	vor.u32 $0x2C, v23;
	v54 =	vld.idx.msk [tilespmem:v42+s12+$0x0], $0xffff  }
0x1ba: {  	v57 =	vld.idx.msk [tilespmem:v43+s12+$0x0], $0xffff;
	v55 =	vmul.f32 v48, v62;
	v28 =	vadd.f32 v52, v28  }
0x1bb: {  	v46 =	vor.u32 $0x2D, v23;
	v56 =	vld.idx.msk [tilespmem:v43+s10+$0x0], $0xffff  }
0x1bc: {  	v59 =	vld.idx.msk [tilespmem:v44+s10+$0x0], $0xffff;
	v58 =	vmul.f32 v51, v50;
	v28 =	vadd.f32 v55, v28  }
0x1bd: {  	v60 =	vld.idx.msk [tilespmem:v44+s12+$0x0], $0xffff;
	v47 =	vor.u32 $0x2E, v23  }
0x1be: {  	v62 =	vld.idx.msk [tilespmem:v45+s10+$0x0], $0xffff;
	v61 =	vmul.f32 v54, v53;
	v28 =	vadd.f32 v58, v28  }
0x1bf: {  	v53 =	vor.u32 $0x2F, v23;
	v52 =	vld.idx.msk [tilespmem:v45+s12+$0x0], $0xffff  }
0x1c0: {  	v54 =	vmul.f32 v57, v56;
	v56 =	vld.idx.msk [tilespmem:v46+s12+$0x0], $0xffff;
	v28 =	vadd.f32 v61, v28  }
0x1c1: {  	v55 =	vld.idx.msk [tilespmem:v46+s10+$0x0], $0xffff  }
0x1c2: {  	v57 =	vmul.f32 v60, v59;
	v59 =	vld.idx.msk [tilespmem:v47+s12+$0x0], $0xffff;
	v28 =	vadd.f32 v54, v28  }
0x1c3: {  	v58 =	vld.idx.msk [tilespmem:v47+s10+$0x0], $0xffff  }
0x1c4: {  	v60 =	vmul.f32 v52, v62;
	v62 =	vld.idx.msk [tilespmem:v53+s12+$0x0], $0xffff;
	v28 =	vadd.f32 v57, v28  }
0x1c5: {  	v61 =	vld.idx.msk [tilespmem:v53+s10+$0x0], $0xffff  }
0x1c6: {  	v32 =	vmul.f32 v56, v55;
	v28 =	vadd.f32 v60, v28;
	_ =	sdelay $0x1  }
0x1c7: {  	v34 =	vmul.f32 v59, v58;
	v28 =	vadd.f32 v32, v28;
	_ =	sdelay $0x1  }
0x1c8: {  	v35 =	vmul.f32 v62, v61;
	v28 =	vadd.f32 v34, v28;
	_ =	sdelay $0x1  }
0x1c9: {  	v28 =	vadd.f32 v35, v28;
	_ =	sdelay $0x1  }
0x1ca: {  	v28 =	vmul.f32 $2.500000000e-01, v28;
	_ =	sdelay $0x1  }
0x1cb: {  	v28 =	vmul.f32 $1.442695020e+00, v28;
	_ =	sdelay $0x1  }
0x1cc: {  	(erf) = vpow2.f32 v28;
	_ =	sdelay $0x4  }
0x1cd: {  	v37 =	vor.u32 $0x2, v24;
	_ =	sdelay $0x3  }
0x1ce: {  	v39 =	vpop (erf)  }
0x1cf: {  	[tilespmem:v37+s4+$0x0] =	vst.idx.msk $0xffff, v39  }
0x1d0: {  	v28 =	vld.idx.msk [tilespmem:v26+s13+$0x0], $0xffff;
	_ =	sdelay $0x4  }
0x1d1: {  	v28 =	vmul.f32 v39, v28;
	_ =	sdelay $0x1  }
0x1d2: {  	[tilespmem:v26+s13+$0x0] =	vst.idx.msk $0xffff, v28  }
0x1d3: {  	v26 =	vld.idx.msk [tilespmem:v27+s13+$0x0], $0xffff;
	_ =	sdelay $0x4  }
0x1d4: {  	v26 =	vmul.f32 v39, v26;
	_ =	sdelay $0x1  }
0x1d5: {  	[tilespmem:v27+s13+$0x0] =	vst.idx.msk $0xffff, v26  }
0x1d6: {  	v26 =	vld.idx.msk [tilespmem:v25+s13+$0x0], $0xffff;
	_ =	sdelay $0x4  }
0x1d7: {  	v26 =	vmul.f32 v26, v39;
	_ =	sdelay $0x1  }
0x1d8: {  	[tilespmem:v25+s13+$0x0] =	vst.idx.msk $0xffff, v26  }
0x1d9: {  	v25 =	vld.idx.msk [tilespmem:v30+s13+$0x0], $0xffff;
	_ =	sdelay $0x4  }
0x1da: {  	v25 =	vmul.f32 v25, v39;
	_ =	sdelay $0x1  }
0x1db: {  	[tilespmem:v30+s13+$0x0] =	vst.idx.msk $0xffff, v25  }
0x1dc: {  	v25 =	vld.idx.msk [tilespmem:v33+s13+$0x0], $0xffff;
	_ =	sdelay $0x4  }
0x1dd: {  	v25 =	vmul.f32 v25, v39;
	_ =	sdelay $0x1  }
0x1de: {  	[tilespmem:v33+s13+$0x0] =	vst.idx.msk $0xffff, v25  }
0x1df: {  	v25 =	vld.idx.msk [tilespmem:v36+s13+$0x0], $0xffff;
	_ =	sdelay $0x4  }
0x1e0: {  	v25 =	vmul.f32 v25, v39;
	_ =	sdelay $0x1  }
0x1e1: {  	[tilespmem:v36+s13+$0x0] =	vst.idx.msk $0xffff, v25  }
0x1e2: {  	v25 =	vld.idx.msk [tilespmem:v38+s13+$0x0], $0xffff;
	_ =	sdelay $0x4  }
0x1e3: {  	v25 =	vmul.f32 v25, v39;
	_ =	sdelay $0x1  }
0x1e4: {  	[tilespmem:v38+s13+$0x0] =	vst.idx.msk $0xffff, v25  }
0x1e5: {  	v25 =	vld.idx.msk [tilespmem:v40+s13+$0x0], $0xffff;
	_ =	sdelay $0x4  }
0x1e6: {  	v25 =	vmul.f32 v25, v39;
	_ =	sdelay $0x1  }
0x1e7: {  	[tilespmem:v40+s13+$0x0] =	vst.idx.msk $0xffff, v25  }
0x1e8: {  	v25 =	vld.idx.msk [tilespmem:v41+s13+$0x0], $0xffff;
	_ =	sdelay $0x4  }
0x1e9: {  	v25 =	vmul.f32 v25, v39;
	_ =	sdelay $0x1  }
0x1ea: {  	[tilespmem:v41+s13+$0x0] =	vst.idx.msk $0xffff, v25  }
0x1eb: {  	v25 =	vld.idx.msk [tilespmem:v42+s13+$0x0], $0xffff;
	_ =	sdelay $0x4  }
0x1ec: {  	v25 =	vmul.f32 v25, v39;
	_ =	sdelay $0x1  }
0x1ed: {  	[tilespmem:v42+s13+$0x0] =	vst.idx.msk $0xffff, v25  }
0x1ee: {  	v25 =	vld.idx.msk [tilespmem:v43+s13+$0x0], $0xffff;
	_ =	sdelay $0x4  }
0x1ef: {  	v25 =	vmul.f32 v25, v39;
	_ =	sdelay $0x1  }
0x1f0: {  	[tilespmem:v43+s13+$0x0] =	vst.idx.msk $0xffff, v25  }
0x1f1: {  	v25 =	vld.idx.msk [tilespmem:v44+s13+$0x0], $0xffff;
	_ =	sdelay $0x4  }
0x1f2: {  	v25 =	vmul.f32 v25, v39;
	_ =	sdelay $0x1  }
0x1f3: {  	[tilespmem:v44+s13+$0x0] =	vst.idx.msk $0xffff, v25  }
0x1f4: {  	v25 =	vld.idx.msk [tilespmem:v45+s13+$0x0], $0xffff;
	_ =	sdelay $0x4  }
0x1f5: {  	v25 =	vmul.f32 v25, v39;
	_ =	sdelay $0x1  }
0x1f6: {  	[tilespmem:v45+s13+$0x0] =	vst.idx.msk $0xffff, v25  }
0x1f7: {  	v25 =	vld.idx.msk [tilespmem:v46+s13+$0x0], $0xffff;
	_ =	sdelay $0x4  }
0x1f8: {  	v25 =	vmul.f32 v25, v39;
	_ =	sdelay $0x1  }
0x1f9: {  	[tilespmem:v46+s13+$0x0] =	vst.idx.msk $0xffff, v25  }
0x1fa: {  	v25 =	vld.idx.msk [tilespmem:v47+s13+$0x0], $0xffff;
	_ =	sdelay $0x4  }
0x1fb: {  	v25 =	vmul.f32 v25, v39;
	_ =	sdelay $0x1  }
0x1fc: {  	[tilespmem:v47+s13+$0x0] =	vst.idx.msk $0xffff, v25  }
0x1fd: {  	v25 =	vld.idx.msk [tilespmem:v53+s13+$0x0], $0xffff;
	_ =	sdelay $0x2  }
0x1fe: {  	v26 =	vor.u32 $0x30, v23;
	_ =	sdelay $0x1  }
0x1ff: {  	v27 =	vor.u32 $0x31, v23;
	v25 =	vmul.f32 v25, v39;
	_ =	sdelay $0x1  }
0x200: {  	[tilespmem:v53+s13+$0x0] =	vst.idx.msk $0xffff, v25;
	v25 =	vor.u32 $0x32, v23  }
0x201: {  	v28 =	vld.idx.msk [tilespmem:v26+s10+$0x0], $0xffff  }
0x202: {  	v30 =	vor.u32 $0x33, v23;
	v49 =	vld.idx.msk [tilespmem:v26+s12+$0x0], $0xffff  }
0x203: {  	v50 =	vld.idx.msk [tilespmem:v27+s10+$0x0], $0xffff  }
0x204: {  	v33 =	vor.u32 $0x34, v23;
	v51 =	vld.idx.msk [tilespmem:v27+s12+$0x0], $0xffff  }
0x205: {  	v52 =	vld.idx.msk [tilespmem:v25+s10+$0x0], $0xffff  }
0x206: {  	v36 =	vor.u32 $0x35, v23;
	v53 =	vld.idx.msk [tilespmem:v25+s12+$0x0], $0xffff  }
0x207: {  	v54 =	vld.idx.msk [tilespmem:v30+s10+$0x0], $0xffff;
	v28 =	vmul.f32 v49, v28  }
0x208: {  	v38 =	vor.u32 $0x36, v23;
	v55 =	vld.idx.msk [tilespmem:v30+s12+$0x0], $0xffff  }
0x209: {  	v56 =	vld.idx.msk [tilespmem:v33+s10+$0x0], $0xffff;
	v31 =	vmul.f32 v51, v50;
	v28 =	vadd.f32 $0.0e+00, v28  }
0x20a: {  	v40 =	vor.u32 $0x37, v23;
	v57 =	vld.idx.msk [tilespmem:v33+s12+$0x0], $0xffff  }
0x20b: {  	v59 =	vld.idx.msk [tilespmem:v36+s10+$0x0], $0xffff;
	v28 =	vadd.f32 v31, v28;
	v58 =	vmul.f32 v53, v52  }
0x20c: {  	v41 =	vor.u32 $0x38, v23;
	v60 =	vld.idx.msk [tilespmem:v36+s12+$0x0], $0xffff  }
0x20d: {  	v61 =	vld.idx.msk [tilespmem:v38+s10+$0x0], $0xffff;
	v29 =	vmul.f32 v55, v54;
	v28 =	vadd.f32 v58, v28  }
0x20e: {  	v42 =	vor.u32 $0x39, v23;
	v62 =	vld.idx.msk [tilespmem:v38+s12+$0x0], $0xffff  }
0x20f: {  	v48 =	vmul.f32 v57, v56;
	v49 =	vld.idx.msk [tilespmem:v40+s10+$0x0], $0xffff;
	v28 =	vadd.f32 v29, v28  }
0x210: {  	v43 =	vor.u32 $0x3A, v23;
	v50 =	vld.idx.msk [tilespmem:v40+s12+$0x0], $0xffff  }
0x211: {  	v51 =	vmul.f32 v60, v59;
	v52 =	vld.idx.msk [tilespmem:v41+s10+$0x0], $0xffff;
	v28 =	vadd.f32 v48, v28  }
0x212: {  	v44 =	vor.u32 $0x3B, v23;
	v53 =	vld.idx.msk [tilespmem:v41+s12+$0x0], $0xffff  }
0x213: {  	v54 =	vmul.f32 v62, v61;
	v55 =	vld.idx.msk [tilespmem:v42+s10+$0x0], $0xffff;
	v28 =	vadd.f32 v51, v28  }
0x214: {  	v45 =	vor.u32 $0x3C, v23;
	v56 =	vld.idx.msk [tilespmem:v42+s12+$0x0], $0xffff  }
0x215: {  	v59 =	vld.idx.msk [tilespmem:v43+s12+$0x0], $0xffff;
	v57 =	vmul.f32 v50, v49;
	v28 =	vadd.f32 v54, v28  }
0x216: {  	v46 =	vor.u32 $0x3D, v23;
	v58 =	vld.idx.msk [tilespmem:v43+s10+$0x0], $0xffff  }
0x217: {  	v61 =	vld.idx.msk [tilespmem:v44+s10+$0x0], $0xffff;
	v60 =	vmul.f32 v53, v52;
	v28 =	vadd.f32 v57, v28  }
0x218: {  	v47 =	vor.u32 $0x3E, v23;
	v62 =	vld.idx.msk [tilespmem:v44+s12+$0x0], $0xffff  }
0x219: {  	v49 =	vld.idx.msk [tilespmem:v45+s10+$0x0], $0xffff;
	v48 =	vmul.f32 v56, v55;
	v28 =	vadd.f32 v60, v28  }
0x21a: {  	v23 =	vor.u32 $0x3F, v23;
	v50 =	vld.idx.msk [tilespmem:v45+s12+$0x0], $0xffff  }
0x21b: {  	v52 =	vld.idx.msk [tilespmem:v46+s10+$0x0], $0xffff;
	v51 =	vmul.f32 v59, v58;
	v28 =	vadd.f32 v48, v28  }
0x21c: {  	v53 =	vld.idx.msk [tilespmem:v46+s12+$0x0], $0xffff  }
0x21d: {  	v55 =	vld.idx.msk [tilespmem:v47+s10+$0x0], $0xffff;
	v54 =	vmul.f32 v62, v61;
	v28 =	vadd.f32 v51, v28  }
0x21e: {  	v56 =	vld.idx.msk [tilespmem:v47+s12+$0x0], $0xffff  }
0x21f: {  	v58 =	vld.idx.msk [tilespmem:v23+s10+$0x0], $0xffff;
	v57 =	vmul.f32 v50, v49;
	v28 =	vadd.f32 v54, v28  }
0x220: {  	v59 =	vld.idx.msk [tilespmem:v23+s12+$0x0], $0xffff  }
0x221: {  	v60 =	vmul.f32 v53, v52;
	v28 =	vadd.f32 v57, v28;
	_ =	sdelay $0x1  }
0x222: {  	v61 =	vmul.f32 v56, v55;
	v28 =	vadd.f32 v60, v28;
	_ =	sdelay $0x1  }
0x223: {  	v62 =	vmul.f32 v59, v58;
	v28 =	vadd.f32 v61, v28;
	_ =	sdelay $0x1  }
0x224: {  	v28 =	vadd.f32 v62, v28;
	_ =	sdelay $0x1  }
0x225: {  	v28 =	vmul.f32 $2.500000000e-01, v28;
	_ =	sdelay $0x1  }
0x226: {  	v28 =	vmul.f32 $1.442695020e+00, v28;
	_ =	sdelay $0x1  }
0x227: {  	(erf) = vpow2.f32 v28;
	_ =	sdelay $0x4  }
0x228: {  	v24 =	vor.u32 $0x3, v24;
	_ =	sdelay $0x3  }
0x229: {  	v28 =	vpop (erf)  }
0x22a: {  	[tilespmem:v24+s4+$0x0] =	vst.idx.msk $0xffff, v28  }
0x22b: {  	v24 =	vld.idx.msk [tilespmem:v26+s13+$0x0], $0xffff;
	_ =	sdelay $0x4  }
0x22c: {  	v24 =	vmul.f32 v28, v24;
	_ =	sdelay $0x1  }
0x22d: {  	[tilespmem:v26+s13+$0x0] =	vst.idx.msk $0xffff, v24  }
0x22e: {  	v24 =	vld.idx.msk [tilespmem:v27+s13+$0x0], $0xffff;
	_ =	sdelay $0x4  }
0x22f: {  	v24 =	vmul.f32 v28, v24;
	_ =	sdelay $0x1  }
0x230: {  	[tilespmem:v27+s13+$0x0] =	vst.idx.msk $0xffff, v24  }
0x231: {  	v24 =	vld.idx.msk [tilespmem:v25+s13+$0x0], $0xffff;
	_ =	sdelay $0x4  }
0x232: {  	v24 =	vmul.f32 v24, v28;
	_ =	sdelay $0x1  }
0x233: {  	[tilespmem:v25+s13+$0x0] =	vst.idx.msk $0xffff, v24  }
0x234: {  	v24 =	vld.idx.msk [tilespmem:v30+s13+$0x0], $0xffff;
	_ =	sdelay $0x4  }
0x235: {  	v24 =	vmul.f32 v24, v28;
	_ =	sdelay $0x1  }
0x236: {  	[tilespmem:v30+s13+$0x0] =	vst.idx.msk $0xffff, v24  }
0x237: {  	v24 =	vld.idx.msk [tilespmem:v33+s13+$0x0], $0xffff;
	_ =	sdelay $0x4  }
0x238: {  	v24 =	vmul.f32 v24, v28;
	_ =	sdelay $0x1  }
0x239: {  	[tilespmem:v33+s13+$0x0] =	vst.idx.msk $0xffff, v24  }
0x23a: {  	v24 =	vld.idx.msk [tilespmem:v36+s13+$0x0], $0xffff;
	_ =	sdelay $0x4  }
0x23b: {  	v24 =	vmul.f32 v24, v28;
	_ =	sdelay $0x1  }
0x23c: {  	[tilespmem:v36+s13+$0x0] =	vst.idx.msk $0xffff, v24  }
0x23d: {  	v24 =	vld.idx.msk [tilespmem:v38+s13+$0x0], $0xffff;
	_ =	sdelay $0x4  }
0x23e: {  	v24 =	vmul.f32 v24, v28;
	_ =	sdelay $0x1  }
0x23f: {  	[tilespmem:v38+s13+$0x0] =	vst.idx.msk $0xffff, v24  }
0x240: {  	v24 =	vld.idx.msk [tilespmem:v40+s13+$0x0], $0xffff;
	_ =	sdelay $0x4  }
0x241: {  	v24 =	vmul.f32 v24, v28;
	_ =	sdelay $0x1  }
0x242: {  	[tilespmem:v40+s13+$0x0] =	vst.idx.msk $0xffff, v24  }
0x243: {  	v24 =	vld.idx.msk [tilespmem:v41+s13+$0x0], $0xffff;
	_ =	sdelay $0x4  }
0x244: {  	v24 =	vmul.f32 v24, v28;
	_ =	sdelay $0x1  }
0x245: {  	[tilespmem:v41+s13+$0x0] =	vst.idx.msk $0xffff, v24  }
0x246: {  	v24 =	vld.idx.msk [tilespmem:v42+s13+$0x0], $0xffff;
	_ =	sdelay $0x4  }
0x247: {  	v24 =	vmul.f32 v24, v28;
	_ =	sdelay $0x1  }
0x248: {  	[tilespmem:v42+s13+$0x0] =	vst.idx.msk $0xffff, v24  }
0x249: {  	v24 =	vld.idx.msk [tilespmem:v43+s13+$0x0], $0xffff;
	_ =	sdelay $0x4  }
0x24a: {  	v24 =	vmul.f32 v24, v28;
	_ =	sdelay $0x1  }
0x24b: {  	[tilespmem:v43+s13+$0x0] =	vst.idx.msk $0xffff, v24  }
0x24c: {  	v24 =	vld.idx.msk [tilespmem:v44+s13+$0x0], $0xffff;
	_ =	sdelay $0x4  }
0x24d: {  	v24 =	vmul.f32 v24, v28;
	_ =	sdelay $0x1  }
0x24e: {  	[tilespmem:v44+s13+$0x0] =	vst.idx.msk $0xffff, v24  }
0x24f: {  	v24 =	vld.idx.msk [tilespmem:v45+s13+$0x0], $0xffff;
	_ =	sdelay $0x4  }
0x250: {  	v24 =	vmul.f32 v24, v28;
	_ =	sdelay $0x1  }
0x251: {  	[tilespmem:v45+s13+$0x0] =	vst.idx.msk $0xffff, v24  }
0x252: {  	v24 =	vld.idx.msk [tilespmem:v46+s13+$0x0], $0xffff;
	_ =	sdelay $0x4  }
0x253: {  	v24 =	vmul.f32 v24, v28;
	_ =	sdelay $0x1  }
0x254: {  	[tilespmem:v46+s13+$0x0] =	vst.idx.msk $0xffff, v24  }
0x255: {  	v24 =	vld.idx.msk [tilespmem:v47+s13+$0x0], $0xffff;
	_ =	sdelay $0x4  }
0x256: {  	v24 =	vmul.f32 v24, v28;
	_ =	sdelay $0x1  }
0x257: {  	[tilespmem:v47+s13+$0x0] =	vst.idx.msk $0xffff, v24  }
0x258: {  	v24 =	vld.idx.msk [tilespmem:v23+s13+$0x0], $0xffff;
	_ =	sdelay $0x1  }
0x259: {  	p0 =	sne.s32 s5, $0x40  }
.Ltmp3:
0x25a: {  	_ = 	snop;
	(pc) =	sbr.rel @p0 .LBB2_5-.Ltmp3, $3  }
0x25b: {  	_ = 	snop  }
0x25c: {  	v24 =	vmul.f32 v24, v28;
	_ =	sdelay $0x1  }
0x25d: {  	s5 =	sadd.s32 $0x10, s5;
	[tilespmem:v23+s13+$0x0] =	vst.idx.msk $0xffff, v24  }
0x25e: {  	p0 =	seq.s32 s24, $0x0  }
0x25f: {  	s5 =	simm.s32 @!p0 $0x9  }
0x260: {  	_ =	swait.ge @!p0 [sflag:s5], $0x280  }
0x261: {  	[sflag:s5] =	ssyncset.done @!p0 $0x0  }
0x262: {  	s23 =	simm.s32 @!p0 $0xA;
	[sflag:s5] =	ssyncadd.s32 @!p0 $0xFFFFFD80  }
0x263: {  	_ =	swait.ge @!p0 [sflag:s23], $0x1400  }
0x264: {  	s5 =	smul.u32 $0xA0, s24;
	[sflag:s23] =	ssyncset.done @!p0 $0x0  }
0x265: {  	[sflag:s23] =	ssyncadd.s32 @!p0 $0xFFFFEC00  }
0x266: {  	v23 =	vld [tilespmem:s5+$0x4E70];
	_ =	sdelay $0x4  }
0x267: {  	[tilespmem:$0x9C90] =	vst v23;
	v23 =	vadd.s32 v1, v23  }
0x268: {  	[tilespmem:$0x9D30] =	vst v23  }
0x269: {  	v23 =	vld [tilespmem:s5+$0x4E80];
	_ =	sdelay $0x4  }
0x26a: {  	[tilespmem:$0x9CA0] =	vst v23;
	v23 =	vadd.s32 v1, v23  }
0x26b: {  	[tilespmem:$0x9D40] =	vst v23  }
0x26c: {  	v23 =	vld [tilespmem:s5+$0x4E90];
	_ =	sdelay $0x4  }
0x26d: {  	[tilespmem:$0x9CB0] =	vst v23;
	v23 =	vadd.s32 v1, v23  }
0x26e: {  	[tilespmem:$0x9D50] =	vst v23  }
0x26f: {  	v23 =	vld [tilespmem:s5+$0x4EA0];
	_ =	sdelay $0x4  }
0x270: {  	[tilespmem:$0x9CC0] =	vst v23;
	v23 =	vadd.s32 v1, v23  }
0x271: {  	[tilespmem:$0x9D60] =	vst v23  }
0x272: {  	v23 =	vld [tilespmem:s5+$0x4EB0];
	_ =	sdelay $0x4  }
0x273: {  	[tilespmem:$0x9CD0] =	vst v23;
	v23 =	vadd.s32 v1, v23  }
0x274: {  	s23 =	sadd.s32 $0x50, s5;
	[tilespmem:$0x9D70] =	vst v23  }
0x275: {  	[tilespmem:s21], [sflag:$0x4] =	stream.indirect.gather [hbm4b:s6+s9], $0x40, s23, s9, $0xb8;
	v63 =	vld [tilespmem:$0x0]  }
0x276: {  	s11 =	simm.s32 $0x9D30  }
0x277: {  	[tilespmem:s25], [sflag:$0x5] =	stream.indirect.gather [hbm4b:s1+s9], $0x40, s11, s9, $0xb8;
	v63 =	vld [tilespmem:$0x0]  }
0x278: {  	_ = 	snop  }
0x279: {  	[tilespmem:s26], [sflag:$0x6] =	stream.indirect.gather [hbm4b:s7+s9], $0x40, s23, s9, $0xb8;
	v63 =	vld [tilespmem:$0x0]  }
0x27a: {  	s23 =	simm.s32 $0x9C40  }
0x27b: {  	[spmem:s3] =	stream.indirect.scatter.add.f32 [tilespmem:s4], [sflag:$0x7], $0x8, s23, s9, $0xb8;
	v63 =	vld [tilespmem:$0x0]  }
0x27c: {  	_ = 	snop  }
0x27d: {  	[spmem:s2] =	stream.indirect.scatter.add.f32 [tilespmem:s13], [sflag:$0x8], $0x40, s23, s9, $0xb8;
	v63 =	vld [tilespmem:$0x0]  }
0x27e: {  	_ =	swait.ge [sflag:s29], $0x1400  }
0x27f: {  	[sflag:s29] =	ssyncset.done $0x0  }
0x280: {  	[sflag:s29] =	ssyncadd.s32 $0xFFFFEC00  }
0x281: {  	_ =	swait.ge [sflag:s15], $0x1400  }
0x282: {  	[sflag:s15] =	ssyncset.done $0x0  }
0x283: {  	[sflag:s15] =	ssyncadd.s32 $0xFFFFEC00  }
0x284: {  	_ =	swait.ge [sflag:s16], $0x1400  }
0x285: {  	[sflag:s16] =	ssyncset.done $0x0  }
0x286: {  	s23 =	simm.s32 $0x0;
	[sflag:s16] =	ssyncadd.s32 $0xFFFFEC00  }
.LBB2_7:
0x287: {  	v24 =	vor.u32 s23, v0  }
0x288: {  	v23 =	vshll.u32 v24, $0x6;
	_ =	sdelay $0x1  }
0x289: {  	v25 =	vor.u32 $0x1, v23;
	_ =	sdelay $0x1  }
0x28a: {  	v26 =	vor.u32 $0x2, v23  }
0x28b: {  	v27 =	vld.idx.msk [tilespmem:v23+s21+$0x0], $0xffff  }
0x28c: {  	v29 =	vor.u32 $0x3, v23;
	v28 =	vld.idx.msk [tilespmem:v23+s25+$0x0], $0xffff  }
0x28d: {  	v30 =	vld.idx.msk [tilespmem:v25+s21+$0x0], $0xffff  }
0x28e: {  	v32 =	vor.u32 $0x4, v23;
	v31 =	vld.idx.msk [tilespmem:v25+s25+$0x0], $0xffff  }
0x28f: {  	v33 =	vld.idx.msk [tilespmem:v26+s21+$0x0], $0xffff  }
0x290: {  	v35 =	vor.u32 $0x5, v23;
	v34 =	vld.idx.msk [tilespmem:v26+s25+$0x0], $0xffff  }
0x291: {  	v46 =	vld.idx.msk [tilespmem:v29+s21+$0x0], $0xffff;
	v27 =	vmul.f32 v28, v27  }
0x292: {  	v37 =	vor.u32 $0x6, v23;
	v36 =	vld.idx.msk [tilespmem:v29+s25+$0x0], $0xffff  }
0x293: {  	v47 =	vld.idx.msk [tilespmem:v32+s21+$0x0], $0xffff;
	v30 =	vmul.f32 v31, v30;
	v27 =	vadd.f32 $0.0e+00, v27  }
0x294: {  	v39 =	vor.u32 $0x7, v23;
	v38 =	vld.idx.msk [tilespmem:v32+s25+$0x0], $0xffff  }
0x295: {  	v49 =	vld.idx.msk [tilespmem:v35+s21+$0x0], $0xffff;
	v48 =	vmul.f32 v34, v33;
	v27 =	vadd.f32 v30, v27  }
0x296: {  	v40 =	vor.u32 $0x8, v23;
	v50 =	vld.idx.msk [tilespmem:v35+s25+$0x0], $0xffff  }
0x297: {  	v51 =	vld.idx.msk [tilespmem:v37+s21+$0x0], $0xffff;
	v28 =	vmul.f32 v36, v46;
	v27 =	vadd.f32 v48, v27  }
0x298: {  	v41 =	vor.u32 $0x9, v23;
	v52 =	vld.idx.msk [tilespmem:v37+s25+$0x0], $0xffff  }
0x299: {  	v54 =	vld.idx.msk [tilespmem:v39+s21+$0x0], $0xffff;
	v53 =	vmul.f32 v38, v47;
	v27 =	vadd.f32 v28, v27  }
0x29a: {  	v42 =	vor.u32 $0xA, v23;
	v55 =	vld.idx.msk [tilespmem:v39+s25+$0x0], $0xffff  }
0x29b: {  	v57 =	vld.idx.msk [tilespmem:v40+s21+$0x0], $0xffff;
	v56 =	vmul.f32 v50, v49;
	v27 =	vadd.f32 v53, v27  }
0x29c: {  	v43 =	vor.u32 $0xB, v23;
	v58 =	vld.idx.msk [tilespmem:v40+s25+$0x0], $0xffff  }
0x29d: {  	v60 =	vld.idx.msk [tilespmem:v41+s21+$0x0], $0xffff;
	v59 =	vmul.f32 v52, v51;
	v27 =	vadd.f32 v56, v27  }
0x29e: {  	v44 =	vor.u32 $0xC, v23;
	v61 =	vld.idx.msk [tilespmem:v41+s25+$0x0], $0xffff  }
0x29f: {  	v62 =	vmul.f32 v55, v54;
	v49 =	vld.idx.msk [tilespmem:v42+s25+$0x0], $0xffff;
	v27 =	vadd.f32 v59, v27  }
0x2a0: {  	v45 =	vor.u32 $0xD, v23;
	v48 =	vld.idx.msk [tilespmem:v42+s21+$0x0], $0xffff  }
0x2a1: {  	v50 =	vmul.f32 v58, v57;
	v51 =	vld.idx.msk [tilespmem:v43+s21+$0x0], $0xffff;
	v27 =	vadd.f32 v62, v27  }
0x2a2: {  	v52 =	vld.idx.msk [tilespmem:v43+s25+$0x0], $0xffff;
	v46 =	vor.u32 $0xE, v23  }
0x2a3: {  	v54 =	vld.idx.msk [tilespmem:v44+s21+$0x0], $0xffff;
	v53 =	vmul.f32 v61, v60;
	v27 =	vadd.f32 v50, v27  }
0x2a4: {  	v55 =	vld.idx.msk [tilespmem:v44+s25+$0x0], $0xffff;
	v47 =	vor.u32 $0xF, v23  }
0x2a5: {  	v57 =	vld.idx.msk [tilespmem:v45+s21+$0x0], $0xffff;
	v56 =	vmul.f32 v49, v48;
	v27 =	vadd.f32 v53, v27  }
0x2a6: {  	v58 =	vld.idx.msk [tilespmem:v45+s25+$0x0], $0xffff  }
0x2a7: {  	v60 =	vld.idx.msk [tilespmem:v46+s21+$0x0], $0xffff;
	v59 =	vmul.f32 v52, v51;
	v27 =	vadd.f32 v56, v27  }
0x2a8: {  	v61 =	vld.idx.msk [tilespmem:v46+s25+$0x0], $0xffff  }
0x2a9: {  	v48 =	vld.idx.msk [tilespmem:v47+s21+$0x0], $0xffff;
	v62 =	vmul.f32 v55, v54;
	v27 =	vadd.f32 v59, v27  }
0x2aa: {  	v49 =	vld.idx.msk [tilespmem:v47+s25+$0x0], $0xffff  }
0x2ab: {  	v50 =	vmul.f32 v58, v57;
	v27 =	vadd.f32 v62, v27;
	_ =	sdelay $0x1  }
0x2ac: {  	v51 =	vmul.f32 v61, v60;
	v27 =	vadd.f32 v50, v27;
	_ =	sdelay $0x1  }
0x2ad: {  	v52 =	vmul.f32 v49, v48;
	v27 =	vadd.f32 v51, v27;
	_ =	sdelay $0x1  }
0x2ae: {  	v27 =	vadd.f32 v52, v27;
	_ =	sdelay $0x1  }
0x2af: {  	v27 =	vmul.f32 $2.500000000e-01, v27;
	_ =	sdelay $0x1  }
0x2b0: {  	v27 =	vmul.f32 $1.442695020e+00, v27;
	_ =	sdelay $0x1  }
0x2b1: {  	(erf) = vpow2.f32 v27;
	_ =	sdelay $0x4  }
0x2b2: {  	v24 =	vshll.u32 v24, $0x3;
	_ =	sdelay $0x3  }
0x2b3: {  	v27 =	vpop (erf)  }
0x2b4: {  	[tilespmem:v24+s8+$0x0] =	vst.idx.msk $0xffff, v27  }
0x2b5: {  	v53 =	vld.idx.msk [tilespmem:v23+s26+$0x0], $0xffff;
	_ =	sdelay $0x4  }
0x2b6: {  	v28 =	vmul.f32 v27, v53;
	_ =	sdelay $0x1  }
0x2b7: {  	[tilespmem:v23+s26+$0x0] =	vst.idx.msk $0xffff, v28  }
0x2b8: {  	v28 =	vld.idx.msk [tilespmem:v25+s26+$0x0], $0xffff;
	_ =	sdelay $0x4  }
0x2b9: {  	v28 =	vmul.f32 v27, v28;
	_ =	sdelay $0x1  }
0x2ba: {  	[tilespmem:v25+s26+$0x0] =	vst.idx.msk $0xffff, v28  }
0x2bb: {  	v25 =	vld.idx.msk [tilespmem:v26+s26+$0x0], $0xffff;
	_ =	sdelay $0x4  }
0x2bc: {  	v25 =	vmul.f32 v25, v27;
	_ =	sdelay $0x1  }
0x2bd: {  	[tilespmem:v26+s26+$0x0] =	vst.idx.msk $0xffff, v25  }
0x2be: {  	v25 =	vld.idx.msk [tilespmem:v29+s26+$0x0], $0xffff;
	_ =	sdelay $0x4  }
0x2bf: {  	v25 =	vmul.f32 v25, v27;
	_ =	sdelay $0x1  }
0x2c0: {  	[tilespmem:v29+s26+$0x0] =	vst.idx.msk $0xffff, v25  }
0x2c1: {  	v25 =	vld.idx.msk [tilespmem:v32+s26+$0x0], $0xffff;
	_ =	sdelay $0x4  }
0x2c2: {  	v25 =	vmul.f32 v25, v27;
	_ =	sdelay $0x1  }
0x2c3: {  	[tilespmem:v32+s26+$0x0] =	vst.idx.msk $0xffff, v25  }
0x2c4: {  	v25 =	vld.idx.msk [tilespmem:v35+s26+$0x0], $0xffff;
	_ =	sdelay $0x4  }
0x2c5: {  	v25 =	vmul.f32 v25, v27;
	_ =	sdelay $0x1  }
0x2c6: {  	[tilespmem:v35+s26+$0x0] =	vst.idx.msk $0xffff, v25  }
0x2c7: {  	v25 =	vld.idx.msk [tilespmem:v37+s26+$0x0], $0xffff;
	_ =	sdelay $0x4  }
0x2c8: {  	v25 =	vmul.f32 v25, v27;
	_ =	sdelay $0x1  }
0x2c9: {  	[tilespmem:v37+s26+$0x0] =	vst.idx.msk $0xffff, v25  }
0x2ca: {  	v25 =	vld.idx.msk [tilespmem:v39+s26+$0x0], $0xffff;
	_ =	sdelay $0x4  }
0x2cb: {  	v25 =	vmul.f32 v25, v27;
	_ =	sdelay $0x1  }
0x2cc: {  	[tilespmem:v39+s26+$0x0] =	vst.idx.msk $0xffff, v25  }
0x2cd: {  	v25 =	vld.idx.msk [tilespmem:v40+s26+$0x0], $0xffff;
	_ =	sdelay $0x4  }
0x2ce: {  	v25 =	vmul.f32 v25, v27;
	_ =	sdelay $0x1  }
0x2cf: {  	[tilespmem:v40+s26+$0x0] =	vst.idx.msk $0xffff, v25  }
0x2d0: {  	v25 =	vld.idx.msk [tilespmem:v41+s26+$0x0], $0xffff;
	_ =	sdelay $0x4  }
0x2d1: {  	v25 =	vmul.f32 v25, v27;
	_ =	sdelay $0x1  }
0x2d2: {  	[tilespmem:v41+s26+$0x0] =	vst.idx.msk $0xffff, v25  }
0x2d3: {  	v25 =	vld.idx.msk [tilespmem:v42+s26+$0x0], $0xffff;
	_ =	sdelay $0x4  }
0x2d4: {  	v25 =	vmul.f32 v25, v27;
	_ =	sdelay $0x1  }
0x2d5: {  	[tilespmem:v42+s26+$0x0] =	vst.idx.msk $0xffff, v25  }
0x2d6: {  	v25 =	vld.idx.msk [tilespmem:v43+s26+$0x0], $0xffff;
	_ =	sdelay $0x4  }
0x2d7: {  	v25 =	vmul.f32 v25, v27;
	_ =	sdelay $0x1  }
0x2d8: {  	[tilespmem:v43+s26+$0x0] =	vst.idx.msk $0xffff, v25  }
0x2d9: {  	v25 =	vld.idx.msk [tilespmem:v44+s26+$0x0], $0xffff;
	_ =	sdelay $0x4  }
0x2da: {  	v25 =	vmul.f32 v25, v27;
	_ =	sdelay $0x1  }
0x2db: {  	[tilespmem:v44+s26+$0x0] =	vst.idx.msk $0xffff, v25  }
0x2dc: {  	v25 =	vld.idx.msk [tilespmem:v45+s26+$0x0], $0xffff;
	_ =	sdelay $0x4  }
0x2dd: {  	v25 =	vmul.f32 v25, v27;
	_ =	sdelay $0x1  }
0x2de: {  	[tilespmem:v45+s26+$0x0] =	vst.idx.msk $0xffff, v25  }
0x2df: {  	v25 =	vld.idx.msk [tilespmem:v46+s26+$0x0], $0xffff;
	_ =	sdelay $0x4  }
0x2e0: {  	v25 =	vmul.f32 v25, v27;
	_ =	sdelay $0x1  }
0x2e1: {  	[tilespmem:v46+s26+$0x0] =	vst.idx.msk $0xffff, v25  }
0x2e2: {  	v25 =	vld.idx.msk [tilespmem:v47+s26+$0x0], $0xffff;
	_ =	sdelay $0x2  }
0x2e3: {  	v26 =	vor.u32 $0x10, v23;
	_ =	sdelay $0x1  }
0x2e4: {  	v25 =	vmul.f32 v25, v27;
	v27 =	vor.u32 $0x11, v23;
	_ =	sdelay $0x1  }
0x2e5: {  	[tilespmem:v47+s26+$0x0] =	vst.idx.msk $0xffff, v25;
	v25 =	vor.u32 $0x12, v23  }
0x2e6: {  	v28 =	vld.idx.msk [tilespmem:v26+s21+$0x0], $0xffff  }
0x2e7: {  	v30 =	vor.u32 $0x13, v23;
	v29 =	vld.idx.msk [tilespmem:v26+s25+$0x0], $0xffff  }
0x2e8: {  	v54 =	vld.idx.msk [tilespmem:v27+s21+$0x0], $0xffff  }
0x2e9: {  	v33 =	vor.u32 $0x14, v23;
	v32 =	vld.idx.msk [tilespmem:v27+s25+$0x0], $0xffff  }
0x2ea: {  	v55 =	vld.idx.msk [tilespmem:v25+s21+$0x0], $0xffff  }
0x2eb: {  	v36 =	vor.u32 $0x15, v23;
	v35 =	vld.idx.msk [tilespmem:v25+s25+$0x0], $0xffff  }
0x2ec: {  	v56 =	vld.idx.msk [tilespmem:v30+s21+$0x0], $0xffff;
	v28 =	vmul.f32 v29, v28  }
0x2ed: {  	v38 =	vor.u32 $0x16, v23;
	v37 =	vld.idx.msk [tilespmem:v30+s25+$0x0], $0xffff  }
0x2ee: {  	v57 =	vld.idx.msk [tilespmem:v33+s21+$0x0], $0xffff;
	v28 =	vadd.f32 $0.0e+00, v28;
	v31 =	vmul.f32 v32, v54  }
0x2ef: {  	v40 =	vor.u32 $0x17, v23;
	v39 =	vld.idx.msk [tilespmem:v33+s25+$0x0], $0xffff  }
0x2f0: {  	v59 =	vld.idx.msk [tilespmem:v36+s21+$0x0], $0xffff;
	v28 =	vadd.f32 v31, v28;
	v58 =	vmul.f32 v35, v55  }
0x2f1: {  	v41 =	vor.u32 $0x18, v23;
	v60 =	vld.idx.msk [tilespmem:v36+s25+$0x0], $0xffff  }
0x2f2: {  	v61 =	vld.idx.msk [tilespmem:v38+s21+$0x0], $0xffff;
	v29 =	vmul.f32 v37, v56;
	v28 =	vadd.f32 v58, v28  }
0x2f3: {  	v42 =	vor.u32 $0x19, v23;
	v62 =	vld.idx.msk [tilespmem:v38+s25+$0x0], $0xffff  }
0x2f4: {  	v48 =	vld.idx.msk [tilespmem:v40+s21+$0x0], $0xffff;
	v47 =	vmul.f32 v39, v57;
	v28 =	vadd.f32 v29, v28  }
0x2f5: {  	v43 =	vor.u32 $0x1A, v23;
	v49 =	vld.idx.msk [tilespmem:v40+s25+$0x0], $0xffff  }
0x2f6: {  	v51 =	vld.idx.msk [tilespmem:v41+s21+$0x0], $0xffff;
	v50 =	vmul.f32 v60, v59;
	v28 =	vadd.f32 v47, v28  }
0x2f7: {  	v44 =	vor.u32 $0x1B, v23;
	v52 =	vld.idx.msk [tilespmem:v41+s25+$0x0], $0xffff  }
0x2f8: {  	v53 =	vmul.f32 v62, v61;
	v54 =	vld.idx.msk [tilespmem:v42+s21+$0x0], $0xffff;
	v28 =	vadd.f32 v50, v28  }
0x2f9: {  	v45 =	vor.u32 $0x1C, v23;
	v55 =	vld.idx.msk [tilespmem:v42+s25+$0x0], $0xffff  }
0x2fa: {  	v56 =	vmul.f32 v49, v48;
	v57 =	vld.idx.msk [tilespmem:v43+s21+$0x0], $0xffff;
	v28 =	vadd.f32 v53, v28  }
0x2fb: {  	v46 =	vor.u32 $0x1D, v23;
	v58 =	vld.idx.msk [tilespmem:v43+s25+$0x0], $0xffff  }
0x2fc: {  	v59 =	vmul.f32 v52, v51;
	v60 =	vld.idx.msk [tilespmem:v44+s21+$0x0], $0xffff;
	v28 =	vadd.f32 v56, v28  }
0x2fd: {  	v61 =	vld.idx.msk [tilespmem:v44+s25+$0x0], $0xffff;
	v47 =	vor.u32 $0x1E, v23  }
0x2fe: {  	v52 =	vld.idx.msk [tilespmem:v45+s21+$0x0], $0xffff;
	v62 =	vmul.f32 v55, v54;
	v28 =	vadd.f32 v59, v28  }
0x2ff: {  	v48 =	vor.u32 $0x1F, v23;
	v53 =	vld.idx.msk [tilespmem:v45+s25+$0x0], $0xffff  }
0x300: {  	v55 =	vld.idx.msk [tilespmem:v46+s21+$0x0], $0xffff;
	v54 =	vmul.f32 v58, v57;
	v28 =	vadd.f32 v62, v28  }
0x301: {  	v56 =	vld.idx.msk [tilespmem:v46+s25+$0x0], $0xffff  }
0x302: {  	v57 =	vmul.f32 v61, v60;
	v58 =	vld.idx.msk [tilespmem:v47+s21+$0x0], $0xffff;
	v28 =	vadd.f32 v54, v28  }
0x303: {  	v59 =	vld.idx.msk [tilespmem:v47+s25+$0x0], $0xffff  }
0x304: {  	v61 =	vld.idx.msk [tilespmem:v48+s21+$0x0], $0xffff;
	v60 =	vmul.f32 v53, v52;
	v28 =	vadd.f32 v57, v28  }
0x305: {  	v62 =	vld.idx.msk [tilespmem:v48+s25+$0x0], $0xffff  }
0x306: {  	v32 =	vmul.f32 v56, v55;
	v28 =	vadd.f32 v60, v28;
	_ =	sdelay $0x1  }
0x307: {  	v34 =	vmul.f32 v59, v58;
	v28 =	vadd.f32 v32, v28;
	_ =	sdelay $0x1  }
0x308: {  	v35 =	vmul.f32 v62, v61;
	v28 =	vadd.f32 v34, v28;
	_ =	sdelay $0x1  }
0x309: {  	v28 =	vadd.f32 v35, v28;
	_ =	sdelay $0x1  }
0x30a: {  	v28 =	vmul.f32 $2.500000000e-01, v28;
	_ =	sdelay $0x1  }
0x30b: {  	v28 =	vmul.f32 $1.442695020e+00, v28;
	_ =	sdelay $0x1  }
0x30c: {  	(erf) = vpow2.f32 v28;
	_ =	sdelay $0x4  }
0x30d: {  	v37 =	vor.u32 $0x1, v24;
	_ =	sdelay $0x3  }
0x30e: {  	v39 =	vpop (erf)  }
0x30f: {  	[tilespmem:v37+s8+$0x0] =	vst.idx.msk $0xffff, v39  }
0x310: {  	v28 =	vld.idx.msk [tilespmem:v26+s26+$0x0], $0xffff;
	_ =	sdelay $0x4  }
0x311: {  	v28 =	vmul.f32 v39, v28;
	_ =	sdelay $0x1  }
0x312: {  	[tilespmem:v26+s26+$0x0] =	vst.idx.msk $0xffff, v28  }
0x313: {  	v26 =	vld.idx.msk [tilespmem:v27+s26+$0x0], $0xffff;
	_ =	sdelay $0x4  }
0x314: {  	v26 =	vmul.f32 v39, v26;
	_ =	sdelay $0x1  }
0x315: {  	[tilespmem:v27+s26+$0x0] =	vst.idx.msk $0xffff, v26  }
0x316: {  	v26 =	vld.idx.msk [tilespmem:v25+s26+$0x0], $0xffff;
	_ =	sdelay $0x4  }
0x317: {  	v26 =	vmul.f32 v26, v39;
	_ =	sdelay $0x1  }
0x318: {  	[tilespmem:v25+s26+$0x0] =	vst.idx.msk $0xffff, v26  }
0x319: {  	v25 =	vld.idx.msk [tilespmem:v30+s26+$0x0], $0xffff;
	_ =	sdelay $0x4  }
0x31a: {  	v25 =	vmul.f32 v25, v39;
	_ =	sdelay $0x1  }
0x31b: {  	[tilespmem:v30+s26+$0x0] =	vst.idx.msk $0xffff, v25  }
0x31c: {  	v25 =	vld.idx.msk [tilespmem:v33+s26+$0x0], $0xffff;
	_ =	sdelay $0x4  }
0x31d: {  	v25 =	vmul.f32 v25, v39;
	_ =	sdelay $0x1  }
0x31e: {  	[tilespmem:v33+s26+$0x0] =	vst.idx.msk $0xffff, v25  }
0x31f: {  	v25 =	vld.idx.msk [tilespmem:v36+s26+$0x0], $0xffff;
	_ =	sdelay $0x4  }
0x320: {  	v25 =	vmul.f32 v25, v39;
	_ =	sdelay $0x1  }
0x321: {  	[tilespmem:v36+s26+$0x0] =	vst.idx.msk $0xffff, v25  }
0x322: {  	v25 =	vld.idx.msk [tilespmem:v38+s26+$0x0], $0xffff;
	_ =	sdelay $0x4  }
0x323: {  	v25 =	vmul.f32 v25, v39;
	_ =	sdelay $0x1  }
0x324: {  	[tilespmem:v38+s26+$0x0] =	vst.idx.msk $0xffff, v25  }
0x325: {  	v25 =	vld.idx.msk [tilespmem:v40+s26+$0x0], $0xffff;
	_ =	sdelay $0x4  }
0x326: {  	v25 =	vmul.f32 v25, v39;
	_ =	sdelay $0x1  }
0x327: {  	[tilespmem:v40+s26+$0x0] =	vst.idx.msk $0xffff, v25  }
0x328: {  	v25 =	vld.idx.msk [tilespmem:v41+s26+$0x0], $0xffff;
	_ =	sdelay $0x4  }
0x329: {  	v25 =	vmul.f32 v25, v39;
	_ =	sdelay $0x1  }
0x32a: {  	[tilespmem:v41+s26+$0x0] =	vst.idx.msk $0xffff, v25  }
0x32b: {  	v25 =	vld.idx.msk [tilespmem:v42+s26+$0x0], $0xffff;
	_ =	sdelay $0x4  }
0x32c: {  	v25 =	vmul.f32 v25, v39;
	_ =	sdelay $0x1  }
0x32d: {  	[tilespmem:v42+s26+$0x0] =	vst.idx.msk $0xffff, v25  }
0x32e: {  	v25 =	vld.idx.msk [tilespmem:v43+s26+$0x0], $0xffff;
	_ =	sdelay $0x4  }
0x32f: {  	v25 =	vmul.f32 v25, v39;
	_ =	sdelay $0x1  }
0x330: {  	[tilespmem:v43+s26+$0x0] =	vst.idx.msk $0xffff, v25  }
0x331: {  	v25 =	vld.idx.msk [tilespmem:v44+s26+$0x0], $0xffff;
	_ =	sdelay $0x4  }
0x332: {  	v25 =	vmul.f32 v25, v39;
	_ =	sdelay $0x1  }
0x333: {  	[tilespmem:v44+s26+$0x0] =	vst.idx.msk $0xffff, v25  }
0x334: {  	v25 =	vld.idx.msk [tilespmem:v45+s26+$0x0], $0xffff;
	_ =	sdelay $0x4  }
0x335: {  	v25 =	vmul.f32 v25, v39;
	_ =	sdelay $0x1  }
0x336: {  	[tilespmem:v45+s26+$0x0] =	vst.idx.msk $0xffff, v25  }
0x337: {  	v25 =	vld.idx.msk [tilespmem:v46+s26+$0x0], $0xffff;
	_ =	sdelay $0x4  }
0x338: {  	v25 =	vmul.f32 v25, v39;
	_ =	sdelay $0x1  }
0x339: {  	[tilespmem:v46+s26+$0x0] =	vst.idx.msk $0xffff, v25  }
0x33a: {  	v25 =	vld.idx.msk [tilespmem:v47+s26+$0x0], $0xffff;
	_ =	sdelay $0x4  }
0x33b: {  	v25 =	vmul.f32 v25, v39;
	_ =	sdelay $0x1  }
0x33c: {  	[tilespmem:v47+s26+$0x0] =	vst.idx.msk $0xffff, v25  }
0x33d: {  	v25 =	vld.idx.msk [tilespmem:v48+s26+$0x0], $0xffff;
	_ =	sdelay $0x2  }
0x33e: {  	v26 =	vor.u32 $0x20, v23;
	_ =	sdelay $0x1  }
0x33f: {  	v27 =	vor.u32 $0x21, v23;
	v25 =	vmul.f32 v25, v39;
	_ =	sdelay $0x1  }
0x340: {  	[tilespmem:v48+s26+$0x0] =	vst.idx.msk $0xffff, v25;
	v25 =	vor.u32 $0x22, v23  }
0x341: {  	v28 =	vld.idx.msk [tilespmem:v26+s21+$0x0], $0xffff  }
0x342: {  	v30 =	vor.u32 $0x23, v23;
	v47 =	vld.idx.msk [tilespmem:v26+s25+$0x0], $0xffff  }
0x343: {  	v48 =	vld.idx.msk [tilespmem:v27+s21+$0x0], $0xffff  }
0x344: {  	v33 =	vor.u32 $0x24, v23;
	v49 =	vld.idx.msk [tilespmem:v27+s25+$0x0], $0xffff  }
0x345: {  	v50 =	vld.idx.msk [tilespmem:v25+s21+$0x0], $0xffff  }
0x346: {  	v36 =	vor.u32 $0x25, v23;
	v51 =	vld.idx.msk [tilespmem:v25+s25+$0x0], $0xffff  }
0x347: {  	v52 =	vld.idx.msk [tilespmem:v30+s21+$0x0], $0xffff;
	v28 =	vmul.f32 v47, v28  }
0x348: {  	v38 =	vor.u32 $0x26, v23;
	v53 =	vld.idx.msk [tilespmem:v30+s25+$0x0], $0xffff  }
0x349: {  	v54 =	vld.idx.msk [tilespmem:v33+s21+$0x0], $0xffff;
	v31 =	vmul.f32 v49, v48;
	v28 =	vadd.f32 $0.0e+00, v28  }
0x34a: {  	v40 =	vor.u32 $0x27, v23;
	v55 =	vld.idx.msk [tilespmem:v33+s25+$0x0], $0xffff  }
0x34b: {  	v57 =	vld.idx.msk [tilespmem:v36+s21+$0x0], $0xffff;
	v28 =	vadd.f32 v31, v28;
	v56 =	vmul.f32 v51, v50  }
0x34c: {  	v41 =	vor.u32 $0x28, v23;
	v58 =	vld.idx.msk [tilespmem:v36+s25+$0x0], $0xffff  }
0x34d: {  	v59 =	vld.idx.msk [tilespmem:v38+s21+$0x0], $0xffff;
	v29 =	vmul.f32 v53, v52;
	v28 =	vadd.f32 v56, v28  }
0x34e: {  	v42 =	vor.u32 $0x29, v23;
	v60 =	vld.idx.msk [tilespmem:v38+s25+$0x0], $0xffff  }
0x34f: {  	v62 =	vld.idx.msk [tilespmem:v40+s21+$0x0], $0xffff;
	v61 =	vmul.f32 v55, v54;
	v28 =	vadd.f32 v29, v28  }
0x350: {  	v43 =	vor.u32 $0x2A, v23;
	v48 =	vld.idx.msk [tilespmem:v40+s25+$0x0], $0xffff  }
0x351: {  	v49 =	vmul.f32 v58, v57;
	v50 =	vld.idx.msk [tilespmem:v41+s21+$0x0], $0xffff;
	v28 =	vadd.f32 v61, v28  }
0x352: {  	v44 =	vor.u32 $0x2B, v23;
	v51 =	vld.idx.msk [tilespmem:v41+s25+$0x0], $0xffff  }
0x353: {  	v52 =	vmul.f32 v60, v59;
	v53 =	vld.idx.msk [tilespmem:v42+s21+$0x0], $0xffff;
	v28 =	vadd.f32 v49, v28  }
0x354: {  	v45 =	vor.u32 $0x2C, v23;
	v54 =	vld.idx.msk [tilespmem:v42+s25+$0x0], $0xffff  }
0x355: {  	v57 =	vld.idx.msk [tilespmem:v43+s25+$0x0], $0xffff;
	v55 =	vmul.f32 v48, v62;
	v28 =	vadd.f32 v52, v28  }
0x356: {  	v46 =	vor.u32 $0x2D, v23;
	v56 =	vld.idx.msk [tilespmem:v43+s21+$0x0], $0xffff  }
0x357: {  	v59 =	vld.idx.msk [tilespmem:v44+s21+$0x0], $0xffff;
	v58 =	vmul.f32 v51, v50;
	v28 =	vadd.f32 v55, v28  }
0x358: {  	v60 =	vld.idx.msk [tilespmem:v44+s25+$0x0], $0xffff;
	v47 =	vor.u32 $0x2E, v23  }
0x359: {  	v62 =	vld.idx.msk [tilespmem:v45+s21+$0x0], $0xffff;
	v61 =	vmul.f32 v54, v53;
	v28 =	vadd.f32 v58, v28  }
0x35a: {  	v53 =	vor.u32 $0x2F, v23;
	v52 =	vld.idx.msk [tilespmem:v45+s25+$0x0], $0xffff  }
0x35b: {  	v54 =	vmul.f32 v57, v56;
	v56 =	vld.idx.msk [tilespmem:v46+s25+$0x0], $0xffff;
	v28 =	vadd.f32 v61, v28  }
0x35c: {  	v55 =	vld.idx.msk [tilespmem:v46+s21+$0x0], $0xffff  }
0x35d: {  	v57 =	vmul.f32 v60, v59;
	v59 =	vld.idx.msk [tilespmem:v47+s25+$0x0], $0xffff;
	v28 =	vadd.f32 v54, v28  }
0x35e: {  	v58 =	vld.idx.msk [tilespmem:v47+s21+$0x0], $0xffff  }
0x35f: {  	v60 =	vmul.f32 v52, v62;
	v62 =	vld.idx.msk [tilespmem:v53+s25+$0x0], $0xffff;
	v28 =	vadd.f32 v57, v28  }
0x360: {  	v61 =	vld.idx.msk [tilespmem:v53+s21+$0x0], $0xffff  }
0x361: {  	v32 =	vmul.f32 v56, v55;
	v28 =	vadd.f32 v60, v28;
	_ =	sdelay $0x1  }
0x362: {  	v34 =	vmul.f32 v59, v58;
	v28 =	vadd.f32 v32, v28;
	_ =	sdelay $0x1  }
0x363: {  	v35 =	vmul.f32 v62, v61;
	v28 =	vadd.f32 v34, v28;
	_ =	sdelay $0x1  }
0x364: {  	v28 =	vadd.f32 v35, v28;
	_ =	sdelay $0x1  }
0x365: {  	v28 =	vmul.f32 $2.500000000e-01, v28;
	_ =	sdelay $0x1  }
0x366: {  	v28 =	vmul.f32 $1.442695020e+00, v28;
	_ =	sdelay $0x1  }
0x367: {  	(erf) = vpow2.f32 v28;
	_ =	sdelay $0x4  }
0x368: {  	v37 =	vor.u32 $0x2, v24;
	_ =	sdelay $0x3  }
0x369: {  	v39 =	vpop (erf)  }
0x36a: {  	[tilespmem:v37+s8+$0x0] =	vst.idx.msk $0xffff, v39  }
0x36b: {  	v28 =	vld.idx.msk [tilespmem:v26+s26+$0x0], $0xffff;
	_ =	sdelay $0x4  }
0x36c: {  	v28 =	vmul.f32 v39, v28;
	_ =	sdelay $0x1  }
0x36d: {  	[tilespmem:v26+s26+$0x0] =	vst.idx.msk $0xffff, v28  }
0x36e: {  	v26 =	vld.idx.msk [tilespmem:v27+s26+$0x0], $0xffff;
	_ =	sdelay $0x4  }
0x36f: {  	v26 =	vmul.f32 v39, v26;
	_ =	sdelay $0x1  }
0x370: {  	[tilespmem:v27+s26+$0x0] =	vst.idx.msk $0xffff, v26  }
0x371: {  	v26 =	vld.idx.msk [tilespmem:v25+s26+$0x0], $0xffff;
	_ =	sdelay $0x4  }
0x372: {  	v26 =	vmul.f32 v26, v39;
	_ =	sdelay $0x1  }
0x373: {  	[tilespmem:v25+s26+$0x0] =	vst.idx.msk $0xffff, v26  }
0x374: {  	v25 =	vld.idx.msk [tilespmem:v30+s26+$0x0], $0xffff;
	_ =	sdelay $0x4  }
0x375: {  	v25 =	vmul.f32 v25, v39;
	_ =	sdelay $0x1  }
0x376: {  	[tilespmem:v30+s26+$0x0] =	vst.idx.msk $0xffff, v25  }
0x377: {  	v25 =	vld.idx.msk [tilespmem:v33+s26+$0x0], $0xffff;
	_ =	sdelay $0x4  }
0x378: {  	v25 =	vmul.f32 v25, v39;
	_ =	sdelay $0x1  }
0x379: {  	[tilespmem:v33+s26+$0x0] =	vst.idx.msk $0xffff, v25  }
0x37a: {  	v25 =	vld.idx.msk [tilespmem:v36+s26+$0x0], $0xffff;
	_ =	sdelay $0x4  }
0x37b: {  	v25 =	vmul.f32 v25, v39;
	_ =	sdelay $0x1  }
0x37c: {  	[tilespmem:v36+s26+$0x0] =	vst.idx.msk $0xffff, v25  }
0x37d: {  	v25 =	vld.idx.msk [tilespmem:v38+s26+$0x0], $0xffff;
	_ =	sdelay $0x4  }
0x37e: {  	v25 =	vmul.f32 v25, v39;
	_ =	sdelay $0x1  }
0x37f: {  	[tilespmem:v38+s26+$0x0] =	vst.idx.msk $0xffff, v25  }
0x380: {  	v25 =	vld.idx.msk [tilespmem:v40+s26+$0x0], $0xffff;
	_ =	sdelay $0x4  }
0x381: {  	v25 =	vmul.f32 v25, v39;
	_ =	sdelay $0x1  }
0x382: {  	[tilespmem:v40+s26+$0x0] =	vst.idx.msk $0xffff, v25  }
0x383: {  	v25 =	vld.idx.msk [tilespmem:v41+s26+$0x0], $0xffff;
	_ =	sdelay $0x4  }
0x384: {  	v25 =	vmul.f32 v25, v39;
	_ =	sdelay $0x1  }
0x385: {  	[tilespmem:v41+s26+$0x0] =	vst.idx.msk $0xffff, v25  }
0x386: {  	v25 =	vld.idx.msk [tilespmem:v42+s26+$0x0], $0xffff;
	_ =	sdelay $0x4  }
0x387: {  	v25 =	vmul.f32 v25, v39;
	_ =	sdelay $0x1  }
0x388: {  	[tilespmem:v42+s26+$0x0] =	vst.idx.msk $0xffff, v25  }
0x389: {  	v25 =	vld.idx.msk [tilespmem:v43+s26+$0x0], $0xffff;
	_ =	sdelay $0x4  }
0x38a: {  	v25 =	vmul.f32 v25, v39;
	_ =	sdelay $0x1  }
0x38b: {  	[tilespmem:v43+s26+$0x0] =	vst.idx.msk $0xffff, v25  }
0x38c: {  	v25 =	vld.idx.msk [tilespmem:v44+s26+$0x0], $0xffff;
	_ =	sdelay $0x4  }
0x38d: {  	v25 =	vmul.f32 v25, v39;
	_ =	sdelay $0x1  }
0x38e: {  	[tilespmem:v44+s26+$0x0] =	vst.idx.msk $0xffff, v25  }
0x38f: {  	v25 =	vld.idx.msk [tilespmem:v45+s26+$0x0], $0xffff;
	_ =	sdelay $0x4  }
0x390: {  	v25 =	vmul.f32 v25, v39;
	_ =	sdelay $0x1  }
0x391: {  	[tilespmem:v45+s26+$0x0] =	vst.idx.msk $0xffff, v25  }
0x392: {  	v25 =	vld.idx.msk [tilespmem:v46+s26+$0x0], $0xffff;
	_ =	sdelay $0x4  }
0x393: {  	v25 =	vmul.f32 v25, v39;
	_ =	sdelay $0x1  }
0x394: {  	[tilespmem:v46+s26+$0x0] =	vst.idx.msk $0xffff, v25  }
0x395: {  	v25 =	vld.idx.msk [tilespmem:v47+s26+$0x0], $0xffff;
	_ =	sdelay $0x4  }
0x396: {  	v25 =	vmul.f32 v25, v39;
	_ =	sdelay $0x1  }
0x397: {  	[tilespmem:v47+s26+$0x0] =	vst.idx.msk $0xffff, v25  }
0x398: {  	v25 =	vld.idx.msk [tilespmem:v53+s26+$0x0], $0xffff;
	_ =	sdelay $0x2  }
0x399: {  	v26 =	vor.u32 $0x30, v23;
	_ =	sdelay $0x1  }
0x39a: {  	v27 =	vor.u32 $0x31, v23;
	v25 =	vmul.f32 v25, v39;
	_ =	sdelay $0x1  }
0x39b: {  	[tilespmem:v53+s26+$0x0] =	vst.idx.msk $0xffff, v25;
	v25 =	vor.u32 $0x32, v23  }
0x39c: {  	v28 =	vld.idx.msk [tilespmem:v26+s21+$0x0], $0xffff  }
0x39d: {  	v30 =	vor.u32 $0x33, v23;
	v49 =	vld.idx.msk [tilespmem:v26+s25+$0x0], $0xffff  }
0x39e: {  	v50 =	vld.idx.msk [tilespmem:v27+s21+$0x0], $0xffff  }
0x39f: {  	v33 =	vor.u32 $0x34, v23;
	v51 =	vld.idx.msk [tilespmem:v27+s25+$0x0], $0xffff  }
0x3a0: {  	v52 =	vld.idx.msk [tilespmem:v25+s21+$0x0], $0xffff  }
0x3a1: {  	v36 =	vor.u32 $0x35, v23;
	v53 =	vld.idx.msk [tilespmem:v25+s25+$0x0], $0xffff  }
0x3a2: {  	v54 =	vld.idx.msk [tilespmem:v30+s21+$0x0], $0xffff;
	v28 =	vmul.f32 v49, v28  }
0x3a3: {  	v38 =	vor.u32 $0x36, v23;
	v55 =	vld.idx.msk [tilespmem:v30+s25+$0x0], $0xffff  }
0x3a4: {  	v56 =	vld.idx.msk [tilespmem:v33+s21+$0x0], $0xffff;
	v31 =	vmul.f32 v51, v50;
	v28 =	vadd.f32 $0.0e+00, v28  }
0x3a5: {  	v40 =	vor.u32 $0x37, v23;
	v57 =	vld.idx.msk [tilespmem:v33+s25+$0x0], $0xffff  }
0x3a6: {  	v59 =	vld.idx.msk [tilespmem:v36+s21+$0x0], $0xffff;
	v28 =	vadd.f32 v31, v28;
	v58 =	vmul.f32 v53, v52  }
0x3a7: {  	v41 =	vor.u32 $0x38, v23;
	v60 =	vld.idx.msk [tilespmem:v36+s25+$0x0], $0xffff  }
0x3a8: {  	v61 =	vld.idx.msk [tilespmem:v38+s21+$0x0], $0xffff;
	v29 =	vmul.f32 v55, v54;
	v28 =	vadd.f32 v58, v28  }
0x3a9: {  	v42 =	vor.u32 $0x39, v23;
	v62 =	vld.idx.msk [tilespmem:v38+s25+$0x0], $0xffff  }
0x3aa: {  	v48 =	vmul.f32 v57, v56;
	v49 =	vld.idx.msk [tilespmem:v40+s21+$0x0], $0xffff;
	v28 =	vadd.f32 v29, v28  }
0x3ab: {  	v43 =	vor.u32 $0x3A, v23;
	v50 =	vld.idx.msk [tilespmem:v40+s25+$0x0], $0xffff  }
0x3ac: {  	v51 =	vmul.f32 v60, v59;
	v52 =	vld.idx.msk [tilespmem:v41+s21+$0x0], $0xffff;
	v28 =	vadd.f32 v48, v28  }
0x3ad: {  	v44 =	vor.u32 $0x3B, v23;
	v53 =	vld.idx.msk [tilespmem:v41+s25+$0x0], $0xffff  }
0x3ae: {  	v54 =	vmul.f32 v62, v61;
	v55 =	vld.idx.msk [tilespmem:v42+s21+$0x0], $0xffff;
	v28 =	vadd.f32 v51, v28  }
0x3af: {  	v45 =	vor.u32 $0x3C, v23;
	v56 =	vld.idx.msk [tilespmem:v42+s25+$0x0], $0xffff  }
0x3b0: {  	v59 =	vld.idx.msk [tilespmem:v43+s25+$0x0], $0xffff;
	v57 =	vmul.f32 v50, v49;
	v28 =	vadd.f32 v54, v28  }
0x3b1: {  	v46 =	vor.u32 $0x3D, v23;
	v58 =	vld.idx.msk [tilespmem:v43+s21+$0x0], $0xffff  }
0x3b2: {  	v61 =	vld.idx.msk [tilespmem:v44+s21+$0x0], $0xffff;
	v60 =	vmul.f32 v53, v52;
	v28 =	vadd.f32 v57, v28  }
0x3b3: {  	v47 =	vor.u32 $0x3E, v23;
	v62 =	vld.idx.msk [tilespmem:v44+s25+$0x0], $0xffff  }
0x3b4: {  	v49 =	vld.idx.msk [tilespmem:v45+s21+$0x0], $0xffff;
	v48 =	vmul.f32 v56, v55;
	v28 =	vadd.f32 v60, v28  }
0x3b5: {  	v23 =	vor.u32 $0x3F, v23;
	v50 =	vld.idx.msk [tilespmem:v45+s25+$0x0], $0xffff  }
0x3b6: {  	v52 =	vld.idx.msk [tilespmem:v46+s21+$0x0], $0xffff;
	v51 =	vmul.f32 v59, v58;
	v28 =	vadd.f32 v48, v28  }
0x3b7: {  	v53 =	vld.idx.msk [tilespmem:v46+s25+$0x0], $0xffff  }
0x3b8: {  	v55 =	vld.idx.msk [tilespmem:v47+s21+$0x0], $0xffff;
	v54 =	vmul.f32 v62, v61;
	v28 =	vadd.f32 v51, v28  }
0x3b9: {  	v56 =	vld.idx.msk [tilespmem:v47+s25+$0x0], $0xffff  }
0x3ba: {  	v58 =	vld.idx.msk [tilespmem:v23+s21+$0x0], $0xffff;
	v57 =	vmul.f32 v50, v49;
	v28 =	vadd.f32 v54, v28  }
0x3bb: {  	v59 =	vld.idx.msk [tilespmem:v23+s25+$0x0], $0xffff  }
0x3bc: {  	v60 =	vmul.f32 v53, v52;
	v28 =	vadd.f32 v57, v28;
	_ =	sdelay $0x1  }
0x3bd: {  	v61 =	vmul.f32 v56, v55;
	v28 =	vadd.f32 v60, v28;
	_ =	sdelay $0x1  }
0x3be: {  	v62 =	vmul.f32 v59, v58;
	v28 =	vadd.f32 v61, v28;
	_ =	sdelay $0x1  }
0x3bf: {  	v28 =	vadd.f32 v62, v28;
	_ =	sdelay $0x1  }
0x3c0: {  	v28 =	vmul.f32 $2.500000000e-01, v28;
	_ =	sdelay $0x1  }
0x3c1: {  	v28 =	vmul.f32 $1.442695020e+00, v28;
	_ =	sdelay $0x1  }
0x3c2: {  	(erf) = vpow2.f32 v28;
	_ =	sdelay $0x4  }
0x3c3: {  	v24 =	vor.u32 $0x3, v24;
	_ =	sdelay $0x3  }
0x3c4: {  	v28 =	vpop (erf)  }
0x3c5: {  	[tilespmem:v24+s8+$0x0] =	vst.idx.msk $0xffff, v28  }
0x3c6: {  	v24 =	vld.idx.msk [tilespmem:v26+s26+$0x0], $0xffff;
	_ =	sdelay $0x4  }
0x3c7: {  	v24 =	vmul.f32 v28, v24;
	_ =	sdelay $0x1  }
0x3c8: {  	[tilespmem:v26+s26+$0x0] =	vst.idx.msk $0xffff, v24  }
0x3c9: {  	v24 =	vld.idx.msk [tilespmem:v27+s26+$0x0], $0xffff;
	_ =	sdelay $0x4  }
0x3ca: {  	v24 =	vmul.f32 v28, v24;
	_ =	sdelay $0x1  }
0x3cb: {  	[tilespmem:v27+s26+$0x0] =	vst.idx.msk $0xffff, v24  }
0x3cc: {  	v24 =	vld.idx.msk [tilespmem:v25+s26+$0x0], $0xffff;
	_ =	sdelay $0x4  }
0x3cd: {  	v24 =	vmul.f32 v24, v28;
	_ =	sdelay $0x1  }
0x3ce: {  	[tilespmem:v25+s26+$0x0] =	vst.idx.msk $0xffff, v24  }
0x3cf: {  	v24 =	vld.idx.msk [tilespmem:v30+s26+$0x0], $0xffff;
	_ =	sdelay $0x4  }
0x3d0: {  	v24 =	vmul.f32 v24, v28;
	_ =	sdelay $0x1  }
0x3d1: {  	[tilespmem:v30+s26+$0x0] =	vst.idx.msk $0xffff, v24  }
0x3d2: {  	v24 =	vld.idx.msk [tilespmem:v33+s26+$0x0], $0xffff;
	_ =	sdelay $0x4  }
0x3d3: {  	v24 =	vmul.f32 v24, v28;
	_ =	sdelay $0x1  }
0x3d4: {  	[tilespmem:v33+s26+$0x0] =	vst.idx.msk $0xffff, v24  }
0x3d5: {  	v24 =	vld.idx.msk [tilespmem:v36+s26+$0x0], $0xffff;
	_ =	sdelay $0x4  }
0x3d6: {  	v24 =	vmul.f32 v24, v28;
	_ =	sdelay $0x1  }
0x3d7: {  	[tilespmem:v36+s26+$0x0] =	vst.idx.msk $0xffff, v24  }
0x3d8: {  	v24 =	vld.idx.msk [tilespmem:v38+s26+$0x0], $0xffff;
	_ =	sdelay $0x4  }
0x3d9: {  	v24 =	vmul.f32 v24, v28;
	_ =	sdelay $0x1  }
0x3da: {  	[tilespmem:v38+s26+$0x0] =	vst.idx.msk $0xffff, v24  }
0x3db: {  	v24 =	vld.idx.msk [tilespmem:v40+s26+$0x0], $0xffff;
	_ =	sdelay $0x4  }
0x3dc: {  	v24 =	vmul.f32 v24, v28;
	_ =	sdelay $0x1  }
0x3dd: {  	[tilespmem:v40+s26+$0x0] =	vst.idx.msk $0xffff, v24  }
0x3de: {  	v24 =	vld.idx.msk [tilespmem:v41+s26+$0x0], $0xffff;
	_ =	sdelay $0x4  }
0x3df: {  	v24 =	vmul.f32 v24, v28;
	_ =	sdelay $0x1  }
0x3e0: {  	[tilespmem:v41+s26+$0x0] =	vst.idx.msk $0xffff, v24  }
0x3e1: {  	v24 =	vld.idx.msk [tilespmem:v42+s26+$0x0], $0xffff;
	_ =	sdelay $0x4  }
0x3e2: {  	v24 =	vmul.f32 v24, v28;
	_ =	sdelay $0x1  }
0x3e3: {  	[tilespmem:v42+s26+$0x0] =	vst.idx.msk $0xffff, v24  }
0x3e4: {  	v24 =	vld.idx.msk [tilespmem:v43+s26+$0x0], $0xffff;
	_ =	sdelay $0x4  }
0x3e5: {  	v24 =	vmul.f32 v24, v28;
	_ =	sdelay $0x1  }
0x3e6: {  	[tilespmem:v43+s26+$0x0] =	vst.idx.msk $0xffff, v24  }
0x3e7: {  	v24 =	vld.idx.msk [tilespmem:v44+s26+$0x0], $0xffff;
	_ =	sdelay $0x4  }
0x3e8: {  	v24 =	vmul.f32 v24, v28;
	_ =	sdelay $0x1  }
0x3e9: {  	[tilespmem:v44+s26+$0x0] =	vst.idx.msk $0xffff, v24  }
0x3ea: {  	v24 =	vld.idx.msk [tilespmem:v45+s26+$0x0], $0xffff;
	_ =	sdelay $0x4  }
0x3eb: {  	v24 =	vmul.f32 v24, v28;
	_ =	sdelay $0x1  }
0x3ec: {  	[tilespmem:v45+s26+$0x0] =	vst.idx.msk $0xffff, v24  }
0x3ed: {  	v24 =	vld.idx.msk [tilespmem:v46+s26+$0x0], $0xffff;
	_ =	sdelay $0x4  }
0x3ee: {  	v24 =	vmul.f32 v24, v28;
	_ =	sdelay $0x1  }
0x3ef: {  	[tilespmem:v46+s26+$0x0] =	vst.idx.msk $0xffff, v24  }
0x3f0: {  	v24 =	vld.idx.msk [tilespmem:v47+s26+$0x0], $0xffff;
	_ =	sdelay $0x4  }
0x3f1: {  	v24 =	vmul.f32 v24, v28;
	_ =	sdelay $0x1  }
0x3f2: {  	[tilespmem:v47+s26+$0x0] =	vst.idx.msk $0xffff, v24  }
0x3f3: {  	v24 =	vld.idx.msk [tilespmem:v23+s26+$0x0], $0xffff;
	_ =	sdelay $0x1  }
0x3f4: {  	p0 =	sne.s32 s23, $0x40  }
.Ltmp4:
0x3f5: {  	_ = 	snop;
	(pc) =	sbr.rel @p0 .LBB2_7-.Ltmp4, $3  }
0x3f6: {  	_ = 	snop  }
0x3f7: {  	v24 =	vmul.f32 v24, v28;
	_ =	sdelay $0x1  }
0x3f8: {  	s23 =	sadd.s32 $0x10, s23;
	[tilespmem:v23+s26+$0x0] =	vst.idx.msk $0xffff, v24  }
0x3f9: {  	_ =	swait.ge [sflag:s17], $0x280;
	p0 =	seq.s32 s24, $0x7C  }
.Ltmp5:
0x3fa: {  	[sflag:s17] =	ssyncset.done $0x0;
	(pc) =	sbr.rel @p0 .LBB2_10-.Ltmp5, $4  }
0x3fb: {  	[sflag:s17] =	ssyncadd.s32 $0xFFFFFD80  }
0x3fc: {  	_ =	swait.ge [sflag:s18], $0x1400  }
0x3fd: {  	[sflag:s18] =	ssyncset.done $0x0  }
0x3fe: {  	[sflag:s18] =	ssyncadd.s32 $0xFFFFEC00  }
0x3ff: {  	v23 =	vld [tilespmem:s5+$0x4EC0];
	_ =	sdelay $0x4  }
0x400: {  	[tilespmem:$0x9C40] =	vst v23;
	v23 =	vadd.s32 v1, v23  }
0x401: {  	[tilespmem:$0x9CE0] =	vst v23  }
0x402: {  	v23 =	vld [tilespmem:s5+$0x4ED0];
	_ =	sdelay $0x4  }
0x403: {  	[tilespmem:$0x9C50] =	vst v23;
	v23 =	vadd.s32 v1, v23  }
0x404: {  	[tilespmem:$0x9CF0] =	vst v23  }
0x405: {  	v23 =	vld [tilespmem:s5+$0x4EE0];
	_ =	sdelay $0x4  }
0x406: {  	[tilespmem:$0x9C60] =	vst v23;
	v23 =	vadd.s32 v1, v23  }
0x407: {  	[tilespmem:$0x9D00] =	vst v23  }
0x408: {  	v23 =	vld [tilespmem:s5+$0x4EF0];
	_ =	sdelay $0x4  }
0x409: {  	[tilespmem:$0x9C70] =	vst v23;
	v23 =	vadd.s32 v1, v23  }
0x40a: {  	[tilespmem:$0x9D10] =	vst v23  }
0x40b: {  	v23 =	vld [tilespmem:s5+$0x4F00];
	_ =	sdelay $0x4  }
0x40c: {  	[tilespmem:$0x9C80] =	vst v23;
	v23 =	vadd.s32 v1, v23  }
0x40d: {  	s23 =	sadd.s32 $0xA0, s5;
	[tilespmem:$0x9D20] =	vst v23  }
0x40e: {  	[tilespmem:s10], [sflag:$0x1] =	stream.indirect.gather [hbm4b:s6+s9], $0x40, s23, s9, $0xb8;
	v63 =	vld [tilespmem:$0x0]  }
0x40f: {  	_ = 	snop  }
0x410: {  	[tilespmem:s12], [sflag:$0x2] =	stream.indirect.gather [hbm4b:s1+s9], $0x40, s28, s9, $0xb8;
	v63 =	vld [tilespmem:$0x0]  }
0x411: {  	_ = 	snop  }
0x412: {  	[tilespmem:s13], [sflag:$0x3] =	stream.indirect.gather [hbm4b:s7+s9], $0x40, s23, s9, $0xb8;
	v63 =	vld [tilespmem:$0x0]  }
.Ltmp6:
0x413: {  	_ = 	snop;
	(pc) =	sbr.rel .LBB2_4-.Ltmp6, $4  }
0x414: {  	_ = 	snop  }
0x415: {  	[spmem:s3] =	stream.indirect.scatter.add.f32 [tilespmem:s8], [sflag:$0x9], $0x8, s0, s9, $0xb8;
	v63 =	vld [tilespmem:$0x0]  }
0x416: {  	s24 =	sadd.s32 $0x1, s24  }
0x417: {  	[spmem:s2] =	stream.indirect.scatter.add.f32 [tilespmem:s26], [sflag:$0xA], $0x40, s0, s9, $0xb8;
	v63 =	vld [tilespmem:$0x0]  }
.LBB2_11:
0x418: {  	_ =	sfence.sel $0x180000  }
0x419: {  	[bflag:$0x0] =	sbarrier.arrive $0xFFFF  }
0x41a: {  	_ =	strace $0x90000047  }
0x41b: {  	s0 =	stileid.u32;
	[bflag:$0x2] =	sbarrier.arrive $0xFFFF  }
0x41c: {  	p0 =	sne.s32 s0, $0x0;
	s0 =	rddreg [dreg:$0x4]  }
0x41d: {  	s0 =	sadd.s32 @!p0 $0x100000, s0  }
0x41e: {  	[sflag:s0] =	ssyncadd.tile.s32 @!p0 $0x1;
	_ =	shalt  }
.Lfunc_end2:
_tile_overlayer_lowered:
.L_overlay_start_2:
0x41f: {  	(tag) =	ssettag $0x2  }
0x420: {  	s0 =	rddreg [dreg:$0x0];
	s2 =	stileid.u32  }
0x421: {  	s1 =	rddreg [dreg:$0x1];
	p0 =	sne.s32 s2, $0x0  }
0x422: {  	s3 =	rddreg [dreg:$0x2];
	[bflag:$0x3] =	sbarrier.arrive $0xFFFF;
	s2 =	simm.s32 @!p0 $0x1C0B  }
0x423: {  	[timem:s3], [sflag:s2] =	dma.local @!p0 [hbm:s0], s1  }
0x424: {  	s0 =	simm.s32 @!p0 $0xB  }
0x425: {  	_ =	swait.ge @!p0 [sflag:s0], s1  }
0x426: {  	s1 =	ssub.s32 @!p0 $0x0, s1;
	[sflag:s0] =	ssyncset.done @!p0 $0x0  }
0x427: {  	[sflag:s0] =	ssyncadd.s32 @!p0 s1  }
0x428: {  	[bflag:$0x3] =	sbarrier.arrive $0xFFFF  }
0x429: {  	_ =	shalt  }

</sc_bundles>
